<compile_context>
chip_gen: v7x
topology: tpu7x:2x2x1
jax: 0.10.2.dev20260603
libtpu: 0.0.44.dev20260713+nightly
codegen_flags: <defaults>
</compile_context>

<pallas_src>
import functools

import jax
import jax.numpy as jnp
from jax import lax
from jax.experimental import pallas as pl
from jax.experimental.pallas import tpu as pltpu
from jax.experimental.pallas import tpu_sc as plsc

_B, _S, _D = 4, 2048, 1024
_NC, _NS, _L = 2, 16, 16
_NW = _NC * _NS
_S_SC = 512
_S_PER_W = _S_SC // _NW
_R = 8
_CH = _S_PER_W // _R
_G = _CH * _B

_BS = 256
_OFFB = _S_SC // _BS

_mesh = plsc.VectorSubcoreMesh(core_axis_name="c", subcore_axis_name="s")


@functools.partial(
    pl.kernel,
    out_type=jax.ShapeDtypeStruct((_B, _S, _D), jnp.float32),
    mesh=_mesh,
    scratch_types=[
        pltpu.VMEM((2, _R, _D), jnp.float32),
        pltpu.VMEM((2, _R, _D), jnp.float32),
        pltpu.VMEM((2, _R, _D), jnp.float32),
        pltpu.SemaphoreType.DMA((2,)),
        pltpu.SemaphoreType.DMA((2,)),
        pltpu.SemaphoreType.DMA((2,)),
    ],
    compiler_params=pltpu.CompilerParams(use_tc_tiling_on_sc=True),
)
def _sc_add(seq_hbm, pos_hbm, out_hbm, in_v, out_v, pos_v,
            sem_in, sem_out, sem_pos):
    wid = lax.axis_index("s") * _NC + lax.axis_index("c")
    s_base = wid * _S_PER_W

    in_descs, out_descs, pos_descs = {}, {}, {}

    def start_in(g):
        c, b = divmod(g, _B)
        in_descs[g] = pltpu.async_copy(
            seq_hbm.at[b, pl.ds(s_base + c * _R, _R)],
            in_v.at[g % 2], sem_in.at[g % 2])

    def start_pos(c):
        pos_descs[c] = pltpu.async_copy(
            pos_hbm.at[pl.ds(s_base + c * _R, _R)],
            pos_v.at[c % 2], sem_pos.at[c % 2])

    def start_out(g):
        c, b = divmod(g, _B)
        out_descs[g] = pltpu.async_copy(
            out_v.at[g % 2],
            out_hbm.at[b, pl.ds(s_base + c * _R, _R)], sem_out.at[g % 2])

    start_pos(0)
    start_in(0)
    for g in range(_G):
        c, b = divmod(g, _B)
        if g + 1 < _G:
            start_in(g + 1)
        if b == 0 and c + 1 < _CH:
            start_pos(c + 1)
        in_descs[g].wait()
        if b == 0:
            pos_descs[c].wait()
        if g >= 2:
            out_descs[g - 2].wait()
        src, dst, pv = in_v.at[g % 2], out_v.at[g % 2], pos_v.at[c % 2]

        @plsc.parallel_loop(0, _D, step=_L, unroll=2)
        def _add(i):
            sl = pl.ds(i, _L)
            for r in range(_R):
                dst[r, sl] = src[r, sl] + pv[r, sl]

        start_out(g)
    out_descs[_G - 2].wait()
    out_descs[_G - 1].wait()


def _tc_add_kernel(seq_ref, pos_ref, init_ref, out_ref):
    del init_ref
    out_ref[...] = seq_ref[...] + pos_ref[...][None, :, :]


def _tc_call(seq_emb, pos_table, init):
    n_blocks = (_S - _S_SC) // _BS
    return pl.pallas_call(
        _tc_add_kernel,
        grid=(n_blocks,),
        in_specs=[
            pl.BlockSpec((_B, _BS, _D), lambda i: (0, i + _OFFB, 0)),
            pl.BlockSpec((_BS, _D), lambda i: (i + _OFFB, 0)),
            pl.BlockSpec(memory_space=pl.ANY),
        ],
        out_specs=pl.BlockSpec((_B, _BS, _D), lambda i: (0, i + _OFFB, 0)),
        out_shape=jax.ShapeDtypeStruct((_B, _S, _D), seq_emb.dtype),
        input_output_aliases={2: 0},
    )(seq_emb, pos_table, init)


def kernel(seq_emb, pos_table):
    sc_out = _sc_add(seq_emb, pos_table)
    return _tc_call(seq_emb, pos_table, sc_out)

# --- scband reference (transcript-rebuilt; emitter-appended) ---
"""Pipeline reference for scband-position-encoding-36567351558886 (READ-ONLY COPY).

The authoritative reference and input builder live on the scoring server;
editing this copy changes nothing except your own understanding.
"""

import jax, jax.numpy as jnp
import numpy as np

MAX_LEN = 5000
EMBED_DIM = 1024
BATCH = 4
SEQ_LEN = 2048

def setup_inputs(seed: int = 0) -> dict:
    key = jax.random.key(seed)
    k1, k2 = jax.random.split(key)
    seq_emb = jax.random.normal(k1, (BATCH, SEQ_LEN, EMBED_DIM), dtype=jnp.float32)
    # learned position embedding table, nn.Embedding default init ~ N(0,1)
    pos_table = jax.random.normal(k2, (MAX_LEN, EMBED_DIM), dtype=jnp.float32)
    return {"seq_emb": seq_emb, "pos_table": pos_table}

def reference(seq_emb, pos_table):
    batch_size, seq_len, _ = seq_emb.shape
    positions = jnp.tile(jnp.arange(seq_len), (batch_size, 1))  # [B, S]
    pos_emb = jnp.take(pos_table, positions, axis=0)            # gather -> [B, S, D]
    # dropout rate is 0.0 -> identity
    return seq_emb + pos_emb

if __name__ == "__main__":
    import jax
    _d = setup_inputs()
    print(jax.jit(kernel)(*tuple(_d.values())))

</pallas_src>

<mosaic_0001>
#map = affine_map<(d0, d1) -> (0, 0, 0)>
#map1 = affine_map<(d0, d1) -> (0, 0)>
module attributes {stable_mosaic.version = 14 : i64} {
  func.func @_sc_add(%arg0: i32, %arg1: i32, %arg2: memref<4x2048x1024xf32, #tpu.memory_space<hbm>>, %arg3: memref<5000x1024xf32, #tpu.memory_space<hbm>>, %arg4: memref<4x2048x1024xf32, #tpu.memory_space<hbm>>, %arg5: memref<2x8x1024xf32, #tpu.memory_space<vmem>>, %arg6: memref<2x8x1024xf32, #tpu.memory_space<vmem>>, %arg7: memref<2x8x1024xf32, #tpu.memory_space<vmem>>, %arg8: memref<2x!tpu.dma_semaphore, #tpu.memory_space<semaphore_mem>>, %arg9: memref<2x!tpu.dma_semaphore, #tpu.memory_space<semaphore_mem>>, %arg10: memref<2x!tpu.dma_semaphore, #tpu.memory_space<semaphore_mem>>) attributes {dimension_semantics = [#tpu.dimension_semantics<core_parallel>, #tpu.dimension_semantics<subcore_parallel>], iteration_bounds = array<i64: 2, 16>, scalar_prefetch = 0 : i64, scratch_operands = 6 : i64, tpu.core_type = #tpu.core_type<sc_vector_subcore>, window_params = [{transform_indices = #map}, {transform_indices = #map1}, {transform_indices = #map}]} {
    %mul3A = arith.constant 2 : i32
    %mul3A_0 = arith.muli %arg1, %mul3A : i32
    %add3A = arith.addi %mul3A_0, %arg0 : i32
    %mul3A_1 = arith.constant 16 : i32
    %mul3A_2 = arith.muli %add3A, %mul3A_1 : i32
    %add3A_3 = arith.constant 0 : i32
    %add3A_4 = arith.addi %mul3A_2, %add3A_3 : i32
    %dma_start3A = arith.constant 0 : i32
    %dma_start3A_5 = arith.constant 0 : i32
    %dma_start3A_6 = arith.constant 0 : i32
    %dma_start3A_7 = arith.constant 0 : i32
    %dma_start3A_8 = tpu.memref_slice %arg7[%dma_start3A, %dma_start3A_6, %dma_start3A_7] : memref<2x8x1024xf32, #tpu.memory_space<vmem>> -> memref<1x8x1024xf32, #tpu.memory_space<vmem>>
    %dma_start3A_9 = tpu.memref_squeeze %dma_start3A_8 : memref<1x8x1024xf32, #tpu.memory_space<vmem>> -> memref<8x1024xf32, #tpu.memory_space<vmem>>
    %dma_start3A_10 = arith.constant 0 : i32
    %dma_start3A_11 = tpu.memref_slice %arg3[%add3A_4, %dma_start3A_10] : memref<5000x1024xf32, #tpu.memory_space<hbm>> -> memref<8x1024xf32, #tpu.memory_space<hbm>>
    %dma_start3A_12 = tpu.memref_slice %arg10[%dma_start3A_5] : memref<2x!tpu.dma_semaphore, #tpu.memory_space<semaphore_mem>> -> memref<1x!tpu.dma_semaphore, #tpu.memory_space<semaphore_mem>>
    %dma_start3A_13 = tpu.memref_squeeze %dma_start3A_12 : memref<1x!tpu.dma_semaphore, #tpu.memory_space<semaphore_mem>> -> memref<!tpu.dma_semaphore, #tpu.memory_space<semaphore_mem>>
    %dma_start3A_14 = arith.constant 0 : i32
    %dma_start3A_15 = arith.constant 0 : i32
    %dma_start3A_16 = tpu.memref_slice %arg7[%dma_start3A, %dma_start3A_14, %dma_start3A_15] : memref<2x8x1024xf32, #tpu.memory_space<vmem>> -> memref<1x8x1024xf32, #tpu.memory_space<vmem>>
    %dma_start3A_17 = tpu.memref_squeeze %dma_start3A_16 : memref<1x8x1024xf32, #tpu.memory_space<vmem>> -> memref<8x1024xf32, #tpu.memory_space<vmem>>
    %dma_start3A_18 = arith.constant 0 : i32
    %dma_start3A_19 = tpu.memref_slice %arg3[%add3A_4, %dma_start3A_18] : memref<5000x1024xf32, #tpu.memory_space<hbm>> -> memref<8x1024xf32, #tpu.memory_space<hbm>>
    tpu.enqueue_dma source(%dma_start3A_19 : memref<8x1024xf32, #tpu.memory_space<hbm>>) target(%dma_start3A_17 : memref<8x1024xf32, #tpu.memory_space<vmem>>) target_semaphore(%dma_start3A_13 : memref<!tpu.dma_semaphore, #tpu.memory_space<semaphore_mem>>)
    %add3A_20 = arith.constant 0 : i32
    %add3A_21 = arith.addi %mul3A_2, %add3A_20 : i32
    %dma_start3A_22 = arith.constant 0 : i32
    %dma_start3A_23 = arith.constant 0 : i32
    %dma_start3A_24 = arith.constant 0 : i32
    %dma_start3A_25 = arith.constant 0 : i32
    %dma_start3A_26 = arith.constant 0 : i32
    %dma_start3A_27 = tpu.memref_slice %arg5[%dma_start3A_23, %dma_start3A_25, %dma_start3A_26] : memref<2x8x1024xf32, #tpu.memory_space<vmem>> -> memref<1x8x1024xf32, #tpu.memory_space<vmem>>
    %dma_start3A_28 = tpu.memref_squeeze %dma_start3A_27 : memref<1x8x1024xf32, #tpu.memory_space<vmem>> -> memref<8x1024xf32, #tpu.memory_space<vmem>>
    %dma_start3A_29 = arith.constant 0 : i32
    %dma_start3A_30 = tpu.memref_slice %arg2[%dma_start3A_22, %add3A_21, %dma_start3A_29] : memref<4x2048x1024xf32, #tpu.memory_space<hbm>> -> memref<1x8x1024xf32, #tpu.memory_space<hbm>>
    %dma_start3A_31 = tpu.memref_squeeze %dma_start3A_30 : memref<1x8x1024xf32, #tpu.memory_space<hbm>> -> memref<8x1024xf32, #tpu.memory_space<hbm>>
    %dma_start3A_32 = tpu.memref_slice %arg8[%dma_start3A_24] : memref<2x!tpu.dma_semaphore, #tpu.memory_space<semaphore_mem>> -> memref<1x!tpu.dma_semaphore, #tpu.memory_space<semaphore_mem>>
    %dma_start3A_33 = tpu.memref_squeeze %dma_start3A_32 : memref<1x!tpu.dma_semaphore, #tpu.memory_space<semaphore_mem>> -> memref<!tpu.dma_semaphore, #tpu.memory_space<semaphore_mem>>
    %dma_start3A_34 = arith.constant 0 : i32
    %dma_start3A_35 = arith.constant 0 : i32
    %dma_start3A_36 = tpu.memref_slice %arg5[%dma_start3A_23, %dma_start3A_34, %dma_start3A_35] : memref<2x8x1024xf32, #tpu.memory_space<vmem>> -> memref<1x8x1024xf32, #tpu.memory_space<vmem>>
    %dma_start3A_37 = tpu.memref_squeeze %dma_start3A_36 : memref<1x8x1024xf32, #tpu.memory_space<vmem>> -> memref<8x1024xf32, #tpu.memory_space<vmem>>
    %dma_start3A_38 = arith.constant 0 : i32
    %dma_start3A_39 = tpu.memref_slice %arg2[%dma_start3A_22, %add3A_21, %dma_start3A_38] : memref<4x2048x1024xf32, #tpu.memory_space<hbm>> -> memref<1x8x1024xf32, #tpu.memory_space<hbm>>
    %dma_start3A_40 = tpu.memref_squeeze %dma_start3A_39 : memref<1x8x1024xf32, #tpu.memory_space<hbm>> -> memref<8x1024xf32, #tpu.memory_space<hbm>>
    tpu.enqueue_dma source(%dma_start3A_40 : memref<8x1024xf32, #tpu.memory_space<hbm>>) target(%dma_start3A_37 : memref<8x1024xf32, #tpu.memory_space<vmem>>) target_semaphore(%dma_start3A_33 : memref<!tpu.dma_semaphore, #tpu.memory_space<semaphore_mem>>)
    %add3A_41 = arith.constant 0 : i32
    %add3A_42 = arith.addi %mul3A_2, %add3A_41 : i32
    %dma_start3A_43 = arith.constant 1 : i32
    %dma_start3A_44 = arith.constant 1 : i32
    %dma_start3A_45 = arith.constant 1 : i32
    %dma_start3A_46 = arith.constant 0 : i32
    %dma_start3A_47 = arith.constant 0 : i32
    %dma_start3A_48 = tpu.memref_slice %arg5[%dma_start3A_44, %dma_start3A_46, %dma_start3A_47] : memref<2x8x1024xf32, #tpu.memory_space<vmem>> -> memref<1x8x1024xf32, #tpu.memory_space<vmem>>
    %dma_start3A_49 = tpu.memref_squeeze %dma_start3A_48 : memref<1x8x1024xf32, #tpu.memory_space<vmem>> -> memref<8x1024xf32, #tpu.memory_space<vmem>>
    %dma_start3A_50 = arith.constant 0 : i32
    %dma_start3A_51 = tpu.memref_slice %arg2[%dma_start3A_43, %add3A_42, %dma_start3A_50] : memref<4x2048x1024xf32, #tpu.memory_space<hbm>> -> memref<1x8x1024xf32, #tpu.memory_space<hbm>>
    %dma_start3A_52 = tpu.memref_squeeze %dma_start3A_51 : memref<1x8x1024xf32, #tpu.memory_space<hbm>> -> memref<8x1024xf32, #tpu.memory_space<hbm>>
    %dma_start3A_53 = tpu.memref_slice %arg8[%dma_start3A_45] : memref<2x!tpu.dma_semaphore, #tpu.memory_space<semaphore_mem>> -> memref<1x!tpu.dma_semaphore, #tpu.memory_space<semaphore_mem>>
    %dma_start3A_54 = tpu.memref_squeeze %dma_start3A_53 : memref<1x!tpu.dma_semaphore, #tpu.memory_space<semaphore_mem>> -> memref<!tpu.dma_semaphore, #tpu.memory_space<semaphore_mem>>
    %dma_start3A_55 = arith.constant 0 : i32
    %dma_start3A_56 = arith.constant 0 : i32
    %dma_start3A_57 = tpu.memref_slice %arg5[%dma_start3A_44, %dma_start3A_55, %dma_start3A_56] : memref<2x8x1024xf32, #tpu.memory_space<vmem>> -> memref<1x8x1024xf32, #tpu.memory_space<vmem>>
    %dma_start3A_58 = tpu.memref_squeeze %dma_start3A_57 : memref<1x8x1024xf32, #tpu.memory_space<vmem>> -> memref<8x1024xf32, #tpu.memory_space<vmem>>
    %dma_start3A_59 = arith.constant 0 : i32
    %dma_start3A_60 = tpu.memref_slice %arg2[%dma_start3A_43, %add3A_42, %dma_start3A_59] : memref<4x2048x1024xf32, #tpu.memory_space<hbm>> -> memref<1x8x1024xf32, #tpu.memory_space<hbm>>
    %dma_start3A_61 = tpu.memref_squeeze %dma_start3A_60 : memref<1x8x1024xf32, #tpu.memory_space<hbm>> -> memref<8x1024xf32, #tpu.memory_space<hbm>>
    tpu.enqueue_dma source(%dma_start3A_61 : memref<8x1024xf32, #tpu.memory_space<hbm>>) target(%dma_start3A_58 : memref<8x1024xf32, #tpu.memory_space<vmem>>) target_semaphore(%dma_start3A_54 : memref<!tpu.dma_semaphore, #tpu.memory_space<semaphore_mem>>)
    %add3A_62 = arith.constant 8 : i32
    %add3A_63 = arith.addi %mul3A_2, %add3A_62 : i32
    %dma_start3A_64 = arith.constant 1 : i32
    %dma_start3A_65 = arith.constant 1 : i32
    %dma_start3A_66 = arith.constant 0 : i32
    %dma_start3A_67 = arith.constant 0 : i32
    %dma_start3A_68 = tpu.memref_slice %arg7[%dma_start3A_64, %dma_start3A_66, %dma_start3A_67] : memref<2x8x1024xf32, #tpu.memory_space<vmem>> -> memref<1x8x1024xf32, #tpu.memory_space<vmem>>
    %dma_start3A_69 = tpu.memref_squeeze %dma_start3A_68 : memref<1x8x1024xf32, #tpu.memory_space<vmem>> -> memref<8x1024xf32, #tpu.memory_space<vmem>>
    %dma_start3A_70 = arith.constant 0 : i32
    %dma_start3A_71 = tpu.memref_slice %arg3[%add3A_63, %dma_start3A_70] : memref<5000x1024xf32, #tpu.memory_space<hbm>> -> memref<8x1024xf32, #tpu.memory_space<hbm>>
    %dma_start3A_72 = tpu.memref_slice %arg10[%dma_start3A_65] : memref<2x!tpu.dma_semaphore, #tpu.memory_space<semaphore_mem>> -> memref<1x!tpu.dma_semaphore, #tpu.memory_space<semaphore_mem>>
    %dma_start3A_73 = tpu.memref_squeeze %dma_start3A_72 : memref<1x!tpu.dma_semaphore, #tpu.memory_space<semaphore_mem>> -> memref<!tpu.dma_semaphore, #tpu.memory_space<semaphore_mem>>
    %dma_start3A_74 = arith.constant 0 : i32
    %dma_start3A_75 = arith.constant 0 : i32
    %dma_start3A_76 = tpu.memref_slice %arg7[%dma_start3A_64, %dma_start3A_74, %dma_start3A_75] : memref<2x8x1024xf32, #tpu.memory_space<vmem>> -> memref<1x8x1024xf32, #tpu.memory_space<vmem>>
    %dma_start3A_77 = tpu.memref_squeeze %dma_start3A_76 : memref<1x8x1024xf32, #tpu.memory_space<vmem>> -> memref<8x1024xf32, #tpu.memory_space<vmem>>
    %dma_start3A_78 = arith.constant 0 : i32
    %dma_start3A_79 = tpu.memref_slice %arg3[%add3A_63, %dma_start3A_78] : memref<5000x1024xf32, #tpu.memory_space<hbm>> -> memref<8x1024xf32, #tpu.memory_space<hbm>>
    tpu.enqueue_dma source(%dma_start3A_79 : memref<8x1024xf32, #tpu.memory_space<hbm>>) target(%dma_start3A_77 : memref<8x1024xf32, #tpu.memory_space<vmem>>) target_semaphore(%dma_start3A_73 : memref<!tpu.dma_semaphore, #tpu.memory_space<semaphore_mem>>)
    %dma_wait3A = arith.constant 0 : i32
    %dma_wait3A_80 = arith.constant 0 : i32
    %dma_wait3A_81 = arith.constant 0 : i32
    %dma_wait3A_82 = arith.constant 0 : i32
    %dma_wait3A_83 = arith.constant 0 : i32
    %dma_wait3A_84 = tpu.memref_slice %arg5[%dma_wait3A_80, %dma_wait3A_82, %dma_wait3A_83] : memref<2x8x1024xf32, #tpu.memory_space<vmem>> -> memref<1x8x1024xf32, #tpu.memory_space<vmem>>
    %dma_wait3A_85 = tpu.memref_squeeze %dma_wait3A_84 : memref<1x8x1024xf32, #tpu.memory_space<vmem>> -> memref<8x1024xf32, #tpu.memory_space<vmem>>
    %dma_wait3A_86 = arith.constant 0 : i32
    %dma_wait3A_87 = tpu.memref_slice %arg2[%dma_wait3A, %add3A_21, %dma_wait3A_86] : memref<4x2048x1024xf32, #tpu.memory_space<hbm>> -> memref<1x8x1024xf32, #tpu.memory_space<hbm>>
    %dma_wait3A_88 = tpu.memref_squeeze %dma_wait3A_87 : memref<1x8x1024xf32, #tpu.memory_space<hbm>> -> memref<8x1024xf32, #tpu.memory_space<hbm>>
    %dma_wait3A_89 = tpu.memref_slice %arg8[%dma_wait3A_81] : memref<2x!tpu.dma_semaphore, #tpu.memory_space<semaphore_mem>> -> memref<1x!tpu.dma_semaphore, #tpu.memory_space<semaphore_mem>>
    %dma_wait3A_90 = tpu.memref_squeeze %dma_wait3A_89 : memref<1x!tpu.dma_semaphore, #tpu.memory_space<semaphore_mem>> -> memref<!tpu.dma_semaphore, #tpu.memory_space<semaphore_mem>>
    %dma_wait3A_91 = arith.constant 0 : i32
    %dma_wait3A_92 = arith.constant 0 : i32
    %dma_wait3A_93 = tpu.memref_slice %arg5[%dma_wait3A_80, %dma_wait3A_91, %dma_wait3A_92] : memref<2x8x1024xf32, #tpu.memory_space<vmem>> -> memref<1x8x1024xf32, #tpu.memory_space<vmem>>
    %dma_wait3A_94 = tpu.memref_squeeze %dma_wait3A_93 : memref<1x8x1024xf32, #tpu.memory_space<vmem>> -> memref<8x1024xf32, #tpu.memory_space<vmem>>
    %dma_wait3A_95 = arith.constant 0 : i32
    %dma_wait3A_96 = tpu.memref_slice %arg2[%dma_wait3A, %add3A_21, %dma_wait3A_95] : memref<4x2048x1024xf32, #tpu.memory_space<hbm>> -> memref<1x8x1024xf32, #tpu.memory_space<hbm>>
    %dma_wait3A_97 = tpu.memref_squeeze %dma_wait3A_96 : memref<1x8x1024xf32, #tpu.memory_space<hbm>> -> memref<8x1024xf32, #tpu.memory_space<hbm>>
    tpu.wait_dma2 semaphore(%dma_wait3A_90 : memref<!tpu.dma_semaphore, #tpu.memory_space<semaphore_mem>>) src(%dma_wait3A_97 : memref<8x1024xf32, #tpu.memory_space<hbm>>) dst(%dma_wait3A_94 : memref<8x1024xf32, #tpu.memory_space<vmem>>)
    %dma_wait3A_98 = arith.constant 0 : i32
    %dma_wait3A_99 = arith.constant 0 : i32
    %dma_wait3A_100 = arith.constant 0 : i32
    %dma_wait3A_101 = arith.constant 0 : i32
    %dma_wait3A_102 = tpu.memref_slice %arg7[%dma_wait3A_98, %dma_wait3A_100, %dma_wait3A_101] : memref<2x8x1024xf32, #tpu.memory_space<vmem>> -> memref<1x8x1024xf32, #tpu.memory_space<vmem>>
    %dma_wait3A_103 = tpu.memref_squeeze %dma_wait3A_102 : memref<1x8x1024xf32, #tpu.memory_space<vmem>> -> memref<8x1024xf32, #tpu.memory_space<vmem>>
    %dma_wait3A_104 = arith.constant 0 : i32
    %dma_wait3A_105 = tpu.memref_slice %arg3[%add3A_4, %dma_wait3A_104] : memref<5000x1024xf32, #tpu.memory_space<hbm>> -> memref<8x1024xf32, #tpu.memory_space<hbm>>
    %dma_wait3A_106 = tpu.memref_slice %arg10[%dma_wait3A_99] : memref<2x!tpu.dma_semaphore, #tpu.memory_space<semaphore_mem>> -> memref<1x!tpu.dma_semaphore, #tpu.memory_space<semaphore_mem>>
    %dma_wait3A_107 = tpu.memref_squeeze %dma_wait3A_106 : memref<1x!tpu.dma_semaphore, #tpu.memory_space<semaphore_mem>> -> memref<!tpu.dma_semaphore, #tpu.memory_space<semaphore_mem>>
    %dma_wait3A_108 = arith.constant 0 : i32
    %dma_wait3A_109 = arith.constant 0 : i32
    %dma_wait3A_110 = tpu.memref_slice %arg7[%dma_wait3A_98, %dma_wait3A_108, %dma_wait3A_109] : memref<2x8x1024xf32, #tpu.memory_space<vmem>> -> memref<1x8x1024xf32, #tpu.memory_space<vmem>>
    %dma_wait3A_111 = tpu.memref_squeeze %dma_wait3A_110 : memref<1x8x1024xf32, #tpu.memory_space<vmem>> -> memref<8x1024xf32, #tpu.memory_space<vmem>>
    %dma_wait3A_112 = arith.constant 0 : i32
    %dma_wait3A_113 = tpu.memref_slice %arg3[%add3A_4, %dma_wait3A_112] : memref<5000x1024xf32, #tpu.memory_space<hbm>> -> memref<8x1024xf32, #tpu.memory_space<hbm>>
    tpu.wait_dma2 semaphore(%dma_wait3A_107 : memref<!tpu.dma_semaphore, #tpu.memory_space<semaphore_mem>>) src(%dma_wait3A_113 : memref<8x1024xf32, #tpu.memory_space<hbm>>) dst(%dma_wait3A_111 : memref<8x1024xf32, #tpu.memory_space<vmem>>)
    %parallel_loop3A = arith.constant 0 : i32
    %parallel_loop3A_114 = arith.constant 1024 : i32
    %parallel_loop3A_115 = arith.constant 16 : i32
    %parallel_loop3A_116 = arith.constant 0 : i32
    %parallel_loop3A_117 = arith.constant 0 : i32
    %parallel_loop3A_118 = arith.constant 0 : i32
    scf.for %parallel_loop3A_756 = %parallel_loop3A to %parallel_loop3A_114 step %parallel_loop3A_115  : i32 {
      %parallel_loop3A_757 = arith.constant 0 : i32
      %parallel_loop3A_758 = arith.constant 0 : i32
      %parallel_loop3A_759 = arith.constant 0 : i32
      %parallel_loop3A_760 = tpu.memref_slice %arg5[%parallel_loop3A_116, %parallel_loop3A_758, %parallel_loop3A_759] : memref<2x8x1024xf32, #tpu.memory_space<vmem>> -> memref<1x8x1024xf32, #tpu.memory_space<vmem>>
      %parallel_loop3A_761 = tpu.memref_squeeze %parallel_loop3A_760 : memref<1x8x1024xf32, #tpu.memory_space<vmem>> -> memref<8x1024xf32, #tpu.memory_space<vmem>>
      %parallel_loop3A_762 = arith.index_cast %parallel_loop3A_757 : i32 to index
      %parallel_loop3A_763 = arith.index_cast %parallel_loop3A_756 : i32 to index
      %parallel_loop3A_764 = tpu.vector_load %parallel_loop3A_761[%parallel_loop3A_762, %parallel_loop3A_763] {strides = array<i32>} : memref<8x1024xf32, #tpu.memory_space<vmem>>, vector<1x16xf32>,
      %parallel_loop3A_765 = vector.shape_cast %parallel_loop3A_764 : vector<1x16xf32> to vector<16xf32>
      %parallel_loop3A_766 = arith.constant 0 : i32
      %parallel_loop3A_767 = arith.constant 0 : i32
      %parallel_loop3A_768 = arith.constant 0 : i32
      %parallel_loop3A_769 = tpu.memref_slice %arg7[%parallel_loop3A_117, %parallel_loop3A_767, %parallel_loop3A_768] : memref<2x8x1024xf32, #tpu.memory_space<vmem>> -> memref<1x8x1024xf32, #tpu.memory_space<vmem>>
      %parallel_loop3A_770 = tpu.memref_squeeze %parallel_loop3A_769 : memref<1x8x1024xf32, #tpu.memory_space<vmem>> -> memref<8x1024xf32, #tpu.memory_space<vmem>>
      %parallel_loop3A_771 = arith.index_cast %parallel_loop3A_766 : i32 to index
      %parallel_loop3A_772 = arith.index_cast %parallel_loop3A_756 : i32 to index
      %parallel_loop3A_773 = tpu.vector_load %parallel_loop3A_770[%parallel_loop3A_771, %parallel_loop3A_772] {strides = array<i32>} : memref<8x1024xf32, #tpu.memory_space<vmem>>, vector<1x16xf32>,
      %parallel_loop3A_774 = vector.shape_cast %parallel_loop3A_773 : vector<1x16xf32> to vector<16xf32>
      %parallel_loop3A_775 = arith.addf %parallel_loop3A_765, %parallel_loop3A_774 : vector<16xf32>
      %parallel_loop3A_776 = arith.constant 0 : i32
      %parallel_loop3A_777 = arith.constant 0 : i32
      %parallel_loop3A_778 = arith.constant 0 : i32
      %parallel_loop3A_779 = tpu.memref_slice %arg6[%parallel_loop3A_118, %parallel_loop3A_777, %parallel_loop3A_778] : memref<2x8x1024xf32, #tpu.memory_space<vmem>> -> memref<1x8x1024xf32, #tpu.memory_space<vmem>>
      %parallel_loop3A_780 = tpu.memref_squeeze %parallel_loop3A_779 : memref<1x8x1024xf32, #tpu.memory_space<vmem>> -> memref<8x1024xf32, #tpu.memory_space<vmem>>
      %parallel_loop3A_781 = arith.index_cast %parallel_loop3A_776 : i32 to index
      %parallel_loop3A_782 = arith.index_cast %parallel_loop3A_756 : i32 to index
      %parallel_loop3A_783 = tpu.vector_load %parallel_loop3A_780[%parallel_loop3A_781, %parallel_loop3A_782] {strides = array<i32>} : memref<8x1024xf32, #tpu.memory_space<vmem>>, vector<1x16xf32>,
      %parallel_loop3A_784 = vector.shape_cast %parallel_loop3A_783 : vector<1x16xf32> to vector<16xf32>
      %parallel_loop3A_785 = vector.shape_cast %parallel_loop3A_775 : vector<16xf32> to vector<1x16xf32>
      tpu.vector_store %parallel_loop3A_780[%parallel_loop3A_781, %parallel_loop3A_782], %parallel_loop3A_785 {strides = array<i32>} : memref<8x1024xf32, #tpu.memory_space<vmem>>, vector<1x16xf32>,
      %parallel_loop3A_786 = arith.constant 1 : i32
      %parallel_loop3A_787 = arith.constant 0 : i32
      %parallel_loop3A_788 = arith.constant 0 : i32
      %parallel_loop3A_789 = tpu.memref_slice %arg5[%parallel_loop3A_116, %parallel_loop3A_787, %parallel_loop3A_788] : memref<2x8x1024xf32, #tpu.memory_space<vmem>> -> memref<1x8x1024xf32, #tpu.memory_space<vmem>>
      %parallel_loop3A_790 = tpu.memref_squeeze %parallel_loop3A_789 : memref<1x8x1024xf32, #tpu.memory_space<vmem>> -> memref<8x1024xf32, #tpu.memory_space<vmem>>
      %parallel_loop3A_791 = arith.index_cast %parallel_loop3A_786 : i32 to index
      %parallel_loop3A_792 = arith.index_cast %parallel_loop3A_756 : i32 to index
      %parallel_loop3A_793 = tpu.vector_load %parallel_loop3A_790[%parallel_loop3A_791, %parallel_loop3A_792] {strides = array<i32>} : memref<8x1024xf32, #tpu.memory_space<vmem>>, vector<1x16xf32>,
      %parallel_loop3A_794 = vector.shape_cast %parallel_loop3A_793 : vector<1x16xf32> to vector<16xf32>
      %parallel_loop3A_795 = arith.constant 1 : i32
      %parallel_loop3A_796 = arith.constant 0 : i32
      %parallel_loop3A_797 = arith.constant 0 : i32
      %parallel_loop3A_798 = tpu.memref_slice %arg7[%parallel_loop3A_117, %parallel_loop3A_796, %parallel_loop3A_797] : memref<2x8x1024xf32, #tpu.memory_space<vmem>> -> memref<1x8x1024xf32, #tpu.memory_space<vmem>>
      %parallel_loop3A_799 = tpu.memref_squeeze %parallel_loop3A_798 : memref<1x8x1024xf32, #tpu.memory_space<vmem>> -> memref<8x1024xf32, #tpu.memory_space<vmem>>
      %parallel_loop3A_800 = arith.index_cast %parallel_loop3A_795 : i32 to index
      %parallel_loop3A_801 = arith.index_cast %parallel_loop3A_756 : i32 to index
      %parallel_loop3A_802 = tpu.vector_load %parallel_loop3A_799[%parallel_loop3A_800, %parallel_loop3A_801] {strides = array<i32>} : memref<8x1024xf32, #tpu.memory_space<vmem>>, vector<1x16xf32>,
      %parallel_loop3A_803 = vector.shape_cast %parallel_loop3A_802 : vector<1x16xf32> to vector<16xf32>
      %parallel_loop3A_804 = arith.addf %parallel_loop3A_794, %parallel_loop3A_803 : vector<16xf32>
      %parallel_loop3A_805 = arith.constant 1 : i32
      %parallel_loop3A_806 = arith.constant 0 : i32
      %parallel_loop3A_807 = arith.constant 0 : i32
      %parallel_loop3A_808 = tpu.memref_slice %arg6[%parallel_loop3A_118, %parallel_loop3A_806, %parallel_loop3A_807] : memref<2x8x1024xf32, #tpu.memory_space<vmem>> -> memref<1x8x1024xf32, #tpu.memory_space<vmem>>
      %parallel_loop3A_809 = tpu.memref_squeeze %parallel_loop3A_808 : memref<1x8x1024xf32, #tpu.memory_space<vmem>> -> memref<8x1024xf32, #tpu.memory_space<vmem>>
      %parallel_loop3A_810 = arith.index_cast %parallel_loop3A_805 : i32 to index
      %parallel_loop3A_811 = arith.index_cast %parallel_loop3A_756 : i32 to index
      %parallel_loop3A_812 = tpu.vector_load %parallel_loop3A_809[%parallel_loop3A_810, %parallel_loop3A_811] {strides = array<i32>} : memref<8x1024xf32, #tpu.memory_space<vmem>>, vector<1x16xf32>,
      %parallel_loop3A_813 = vector.shape_cast %parallel_loop3A_812 : vector<1x16xf32> to vector<16xf32>
      %parallel_loop3A_814 = vector.shape_cast %parallel_loop3A_804 : vector<16xf32> to vector<1x16xf32>
      tpu.vector_store %parallel_loop3A_809[%parallel_loop3A_810, %parallel_loop3A_811], %parallel_loop3A_814 {strides = array<i32>} : memref<8x1024xf32, #tpu.memory_space<vmem>>, vector<1x16xf32>,
      %parallel_loop3A_815 = arith.constant 2 : i32
      %parallel_loop3A_816 = arith.constant 0 : i32
      %parallel_loop3A_817 = arith.constant 0 : i32
      %parallel_loop3A_818 = tpu.memref_slice %arg5[%parallel_loop3A_116, %parallel_loop3A_816, %parallel_loop3A_817] : memref<2x8x1024xf32, #tpu.memory_space<vmem>> -> memref<1x8x1024xf32, #tpu.memory_space<vmem>>
      %parallel_loop3A_819 = tpu.memref_squeeze %parallel_loop3A_818 : memref<1x8x1024xf32, #tpu.memory_space<vmem>> -> memref<8x1024xf32, #tpu.memory_space<vmem>>
      %parallel_loop3A_820 = arith.index_cast %parallel_loop3A_815 : i32 to index
      %parallel_loop3A_821 = arith.index_cast %parallel_loop3A_756 : i32 to index
      %parallel_loop3A_822 = tpu.vector_load %parallel_loop3A_819[%parallel_loop3A_820, %parallel_loop3A_821] {strides = array<i32>} : memref<8x1024xf32, #tpu.memory_space<vmem>>, vector<1x16xf32>,
      %parallel_loop3A_823 = vector.shape_cast %parallel_loop3A_822 : vector<1x16xf32> to vector<16xf32>
      %parallel_loop3A_824 = arith.constant 2 : i32
      %parallel_loop3A_825 = arith.constant 0 : i32
      %parallel_loop3A_826 = arith.constant 0 : i32
      %parallel_loop3A_827 = tpu.memref_slice %arg7[%parallel_loop3A_117, %parallel_loop3A_825, %parallel_loop3A_826] : memref<2x8x1024xf32, #tpu.memory_space<vmem>> -> memref<1x8x1024xf32, #tpu.memory_space<vmem>>
      %parallel_loop3A_828 = tpu.memref_squeeze %parallel_loop3A_827 : memref<1x8x1024xf32, #tpu.memory_space<vmem>> -> memref<8x1024xf32, #tpu.memory_space<vmem>>
      %parallel_loop3A_829 = arith.index_cast %parallel_loop3A_824 : i32 to index
      %parallel_loop3A_830 = arith.index_cast %parallel_loop3A_756 : i32 to index
      %parallel_loop3A_831 = tpu.vector_load %parallel_loop3A_828[%parallel_loop3A_829, %parallel_loop3A_830] {strides = array<i32>} : memref<8x1024xf32, #tpu.memory_space<vmem>>, vector<1x16xf32>,
      %parallel_loop3A_832 = vector.shape_cast %parallel_loop3A_831 : vector<1x16xf32> to vector<16xf32>
      %parallel_loop3A_833 = arith.addf %parallel_loop3A_823, %parallel_loop3A_832 : vector<16xf32>
      %parallel_loop3A_834 = arith.constant 2 : i32
      %parallel_loop3A_835 = arith.constant 0 : i32
      %parallel_loop3A_836 = arith.constant 0 : i32
      %parallel_loop3A_837 = tpu.memref_slice %arg6[%parallel_loop3A_118, %parallel_loop3A_835, %parallel_loop3A_836] : memref<2x8x1024xf32, #tpu.memory_space<vmem>> -> memref<1x8x1024xf32, #tpu.memory_space<vmem>>
      %parallel_loop3A_838 = tpu.memref_squeeze %parallel_loop3A_837 : memref<1x8x1024xf32, #tpu.memory_space<vmem>> -> memref<8x1024xf32, #tpu.memory_space<vmem>>
      %parallel_loop3A_839 = arith.index_cast %parallel_loop3A_834 : i32 to index
      %parallel_loop3A_840 = arith.index_cast %parallel_loop3A_756 : i32 to index
      %parallel_loop3A_841 = tpu.vector_load %parallel_loop3A_838[%parallel_loop3A_839, %parallel_loop3A_840] {strides = array<i32>} : memref<8x1024xf32, #tpu.memory_space<vmem>>, vector<1x16xf32>,
      %parallel_loop3A_842 = vector.shape_cast %parallel_loop3A_841 : vector<1x16xf32> to vector<16xf32>
      %parallel_loop3A_843 = vector.shape_cast %parallel_loop3A_833 : vector<16xf32> to vector<1x16xf32>
      tpu.vector_store %parallel_loop3A_838[%parallel_loop3A_839, %parallel_loop3A_840], %parallel_loop3A_843 {strides = array<i32>} : memref<8x1024xf32, #tpu.memory_space<vmem>>, vector<1x16xf32>,
      %parallel_loop3A_844 = arith.constant 3 : i32
      %parallel_loop3A_845 = arith.constant 0 : i32
      %parallel_loop3A_846 = arith.constant 0 : i32
      %parallel_loop3A_847 = tpu.memref_slice %arg5[%parallel_loop3A_116, %parallel_loop3A_845, %parallel_loop3A_846] : memref<2x8x1024xf32, #tpu.memory_space<vmem>> -> memref<1x8x1024xf32, #tpu.memory_space<vmem>>
      %parallel_loop3A_848 = tpu.memref_squeeze %parallel_loop3A_847 : memref<1x8x1024xf32, #tpu.memory_space<vmem>> -> memref<8x1024xf32, #tpu.memory_space<vmem>>
      %parallel_loop3A_849 = arith.index_cast %parallel_loop3A_844 : i32 to index
      %parallel_loop3A_850 = arith.index_cast %parallel_loop3A_756 : i32 to index
      %parallel_loop3A_851 = tpu.vector_load %parallel_loop3A_848[%parallel_loop3A_849, %parallel_loop3A_850] {strides = array<i32>} : memref<8x1024xf32, #tpu.memory_space<vmem>>, vector<1x16xf32>,
      %parallel_loop3A_852 = vector.shape_cast %parallel_loop3A_851 : vector<1x16xf32> to vector<16xf32>
      %parallel_loop3A_853 = arith.constant 3 : i32
      %parallel_loop3A_854 = arith.constant 0 : i32
      %parallel_loop3A_855 = arith.constant 0 : i32
      %parallel_loop3A_856 = tpu.memref_slice %arg7[%parallel_loop3A_117, %parallel_loop3A_854, %parallel_loop3A_855] : memref<2x8x1024xf32, #tpu.memory_space<vmem>> -> memref<1x8x1024xf32, #tpu.memory_space<vmem>>
      %parallel_loop3A_857 = tpu.memref_squeeze %parallel_loop3A_856 : memref<1x8x1024xf32, #tpu.memory_space<vmem>> -> memref<8x1024xf32, #tpu.memory_space<vmem>>
      %parallel_loop3A_858 = arith.index_cast %parallel_loop3A_853 : i32 to index
      %parallel_loop3A_859 = arith.index_cast %parallel_loop3A_756 : i32 to index
      %parallel_loop3A_860 = tpu.vector_load %parallel_loop3A_857[%parallel_loop3A_858, %parallel_loop3A_859] {strides = array<i32>} : memref<8x1024xf32, #tpu.memory_space<vmem>>, vector<1x16xf32>,
      %parallel_loop3A_861 = vector.shape_cast %parallel_loop3A_860 : vector<1x16xf32> to vector<16xf32>
      %parallel_loop3A_862 = arith.addf %parallel_loop3A_852, %parallel_loop3A_861 : vector<16xf32>
      %parallel_loop3A_863 = arith.constant 3 : i32
      %parallel_loop3A_864 = arith.constant 0 : i32
      %parallel_loop3A_865 = arith.constant 0 : i32
      %parallel_loop3A_866 = tpu.memref_slice %arg6[%parallel_loop3A_118, %parallel_loop3A_864, %parallel_loop3A_865] : memref<2x8x1024xf32, #tpu.memory_space<vmem>> -> memref<1x8x1024xf32, #tpu.memory_space<vmem>>
      %parallel_loop3A_867 = tpu.memref_squeeze %parallel_loop3A_866 : memref<1x8x1024xf32, #tpu.memory_space<vmem>> -> memref<8x1024xf32, #tpu.memory_space<vmem>>
      %parallel_loop3A_868 = arith.index_cast %parallel_loop3A_863 : i32 to index
      %parallel_loop3A_869 = arith.index_cast %parallel_loop3A_756 : i32 to index
      %parallel_loop3A_870 = tpu.vector_load %parallel_loop3A_867[%parallel_loop3A_868, %parallel_loop3A_869] {strides = array<i32>} : memref<8x1024xf32, #tpu.memory_space<vmem>>, vector<1x16xf32>,
      %parallel_loop3A_871 = vector.shape_cast %parallel_loop3A_870 : vector<1x16xf32> to vector<16xf32>
      %parallel_loop3A_872 = vector.shape_cast %parallel_loop3A_862 : vector<16xf32> to vector<1x16xf32>
      tpu.vector_store %parallel_loop3A_867[%parallel_loop3A_868, %parallel_loop3A_869], %parallel_loop3A_872 {strides = array<i32>} : memref<8x1024xf32, #tpu.memory_space<vmem>>, vector<1x16xf32>,
      %parallel_loop3A_873 = arith.constant 4 : i32
      %parallel_loop3A_874 = arith.constant 0 : i32
      %parallel_loop3A_875 = arith.constant 0 : i32
      %parallel_loop3A_876 = tpu.memref_slice %arg5[%parallel_loop3A_116, %parallel_loop3A_874, %parallel_loop3A_875] : memref<2x8x1024xf32, #tpu.memory_space<vmem>> -> memref<1x8x1024xf32, #tpu.memory_space<vmem>>
      %parallel_loop3A_877 = tpu.memref_squeeze %parallel_loop3A_876 : memref<1x8x1024xf32, #tpu.memory_space<vmem>> -> memref<8x1024xf32, #tpu.memory_space<vmem>>
      %parallel_loop3A_878 = arith.index_cast %parallel_loop3A_873 : i32 to index
      %parallel_loop3A_879 = arith.index_cast %parallel_loop3A_756 : i32 to index
      %parallel_loop3A_880 = tpu.vector_load %parallel_loop3A_877[%parallel_loop3A_878, %parallel_loop3A_879] {strides = array<i32>} : memref<8x1024xf32, #tpu.memory_space<vmem>>, vector<1x16xf32>,
      %parallel_loop3A_881 = vector.shape_cast %parallel_loop3A_880 : vector<1x16xf32> to vector<16xf32>
      %parallel_loop3A_882 = arith.constant 4 : i32
      %parallel_loop3A_883 = arith.constant 0 : i32
      %parallel_loop3A_884 = arith.constant 0 : i32
      %parallel_loop3A_885 = tpu.memref_slice %arg7[%parallel_loop3A_117, %parallel_loop3A_883, %parallel_loop3A_884] : memref<2x8x1024xf32, #tpu.memory_space<vmem>> -> memref<1x8x1024xf32, #tpu.memory_space<vmem>>
      %parallel_loop3A_886 = tpu.memref_squeeze %parallel_loop3A_885 : memref<1x8x1024xf32, #tpu.memory_space<vmem>> -> memref<8x1024xf32, #tpu.memory_space<vmem>>
      %parallel_loop3A_887 = arith.index_cast %parallel_loop3A_882 : i32 to index
      %parallel_loop3A_888 = arith.index_cast %parallel_loop3A_756 : i32 to index
      %parallel_loop3A_889 = tpu.vector_load %parallel_loop3A_886[%parallel_loop3A_887, %parallel_loop3A_888] {strides = array<i32>} : memref<8x1024xf32, #tpu.memory_space<vmem>>, vector<1x16xf32>,
      %parallel_loop3A_890 = vector.shape_cast %parallel_loop3A_889 : vector<1x16xf32> to vector<16xf32>
      %parallel_loop3A_891 = arith.addf %parallel_loop3A_881, %parallel_loop3A_890 : vector<16xf32>
      %parallel_loop3A_892 = arith.constant 4 : i32
      %parallel_loop3A_893 = arith.constant 0 : i32
      %parallel_loop3A_894 = arith.constant 0 : i32
      %parallel_loop3A_895 = tpu.memref_slice %arg6[%parallel_loop3A_118, %parallel_loop3A_893, %parallel_loop3A_894] : memref<2x8x1024xf32, #tpu.memory_space<vmem>> -> memref<1x8x1024xf32, #tpu.memory_space<vmem>>
      %parallel_loop3A_896 = tpu.memref_squeeze %parallel_loop3A_895 : memref<1x8x1024xf32, #tpu.memory_space<vmem>> -> memref<8x1024xf32, #tpu.memory_space<vmem>>
      %parallel_loop3A_897 = arith.index_cast %parallel_loop3A_892 : i32 to index
      %parallel_loop3A_898 = arith.index_cast %parallel_loop3A_756 : i32 to index
      %parallel_loop3A_899 = tpu.vector_load %parallel_loop3A_896[%parallel_loop3A_897, %parallel_loop3A_898] {strides = array<i32>} : memref<8x1024xf32, #tpu.memory_space<vmem>>, vector<1x16xf32>,
      %parallel_loop3A_900 = vector.shape_cast %parallel_loop3A_899 : vector<1x16xf32> to vector<16xf32>
      %parallel_loop3A_901 = vector.shape_cast %parallel_loop3A_891 : vector<16xf32> to vector<1x16xf32>
      tpu.vector_store %parallel_loop3A_896[%parallel_loop3A_897, %parallel_loop3A_898], %parallel_loop3A_901 {strides = array<i32>} : memref<8x1024xf32, #tpu.memory_space<vmem>>, vector<1x16xf32>,
      %parallel_loop3A_902 = arith.constant 5 : i32
      %parallel_loop3A_903 = arith.constant 0 : i32
      %parallel_loop3A_904 = arith.constant 0 : i32
      %parallel_loop3A_905 = tpu.memref_slice %arg5[%parallel_loop3A_116, %parallel_loop3A_903, %parallel_loop3A_904] : memref<2x8x1024xf32, #tpu.memory_space<vmem>> -> memref<1x8x1024xf32, #tpu.memory_space<vmem>>
      %parallel_loop3A_906 = tpu.memref_squeeze %parallel_loop3A_905 : memref<1x8x1024xf32, #tpu.memory_space<vmem>> -> memref<8x1024xf32, #tpu.memory_space<vmem>>
      %parallel_loop3A_907 = arith.index_cast %parallel_loop3A_902 : i32 to index
      %parallel_loop3A_908 = arith.index_cast %parallel_loop3A_756 : i32 to index
      %parallel_loop3A_909 = tpu.vector_load %parallel_loop3A_906[%parallel_loop3A_907, %parallel_loop3A_908] {strides = array<i32>} : memref<8x1024xf32, #tpu.memory_space<vmem>>, vector<1x16xf32>,
      %parallel_loop3A_910 = vector.shape_cast %parallel_loop3A_909 : vector<1x16xf32> to vector<16xf32>
      %parallel_loop3A_911 = arith.constant 5 : i32
      %parallel_loop3A_912 = arith.constant 0 : i32
      %parallel_loop3A_913 = arith.constant 0 : i32
      %parallel_loop3A_914 = tpu.memref_slice %arg7[%parallel_loop3A_117, %parallel_loop3A_912, %parallel_loop3A_913] : memref<2x8x1024xf32, #tpu.memory_space<vmem>> -> memref<1x8x1024xf32, #tpu.memory_space<vmem>>
      %parallel_loop3A_915 = tpu.memref_squeeze %parallel_loop3A_914 : memref<1x8x1024xf32, #tpu.memory_space<vmem>> -> memref<8x1024xf32, #tpu.memory_space<vmem>>
      %parallel_loop3A_916 = arith.index_cast %parallel_loop3A_911 : i32 to index
      %parallel_loop3A_917 = arith.index_cast %parallel_loop3A_756 : i32 to index
      %parallel_loop3A_918 = tpu.vector_load %parallel_loop3A_915[%parallel_loop3A_916, %parallel_loop3A_917] {strides = array<i32>} : memref<8x1024xf32, #tpu.memory_space<vmem>>, vector<1x16xf32>,
      %parallel_loop3A_919 = vector.shape_cast %parallel_loop3A_918 : vector<1x16xf32> to vector<16xf32>
      %parallel_loop3A_920 = arith.addf %parallel_loop3A_910, %parallel_loop3A_919 : vector<16xf32>
      %parallel_loop3A_921 = arith.constant 5 : i32
      %parallel_loop3A_922 = arith.constant 0 : i32
      %parallel_loop3A_923 = arith.constant 0 : i32
      %parallel_loop3A_924 = tpu.memref_slice %arg6[%parallel_loop3A_118, %parallel_loop3A_922, %parallel_loop3A_923] : memref<2x8x1024xf32, #tpu.memory_space<vmem>> -> memref<1x8x1024xf32, #tpu.memory_space<vmem>>
      %parallel_loop3A_925 = tpu.memref_squeeze %parallel_loop3A_924 : memref<1x8x1024xf32, #tpu.memory_space<vmem>> -> memref<8x1024xf32, #tpu.memory_space<vmem>>
      %parallel_loop3A_926 = arith.index_cast %parallel_loop3A_921 : i32 to index
      %parallel_loop3A_927 = arith.index_cast %parallel_loop3A_756 : i32 to index
      %parallel_loop3A_928 = tpu.vector_load %parallel_loop3A_925[%parallel_loop3A_926, %parallel_loop3A_927] {strides = array<i32>} : memref<8x1024xf32, #tpu.memory_space<vmem>>, vector<1x16xf32>,
      %parallel_loop3A_929 = vector.shape_cast %parallel_loop3A_928 : vector<1x16xf32> to vector<16xf32>
      %parallel_loop3A_930 = vector.shape_cast %parallel_loop3A_920 : vector<16xf32> to vector<1x16xf32>
      tpu.vector_store %parallel_loop3A_925[%parallel_loop3A_926, %parallel_loop3A_927], %parallel_loop3A_930 {strides = array<i32>} : memref<8x1024xf32, #tpu.memory_space<vmem>>, vector<1x16xf32>,
      %parallel_loop3A_931 = arith.constant 6 : i32
      %parallel_loop3A_932 = arith.constant 0 : i32
      %parallel_loop3A_933 = arith.constant 0 : i32
      %parallel_loop3A_934 = tpu.memref_slice %arg5[%parallel_loop3A_116, %parallel_loop3A_932, %parallel_loop3A_933] : memref<2x8x1024xf32, #tpu.memory_space<vmem>> -> memref<1x8x1024xf32, #tpu.memory_space<vmem>>
      %parallel_loop3A_935 = tpu.memref_squeeze %parallel_loop3A_934 : memref<1x8x1024xf32, #tpu.memory_space<vmem>> -> memref<8x1024xf32, #tpu.memory_space<vmem>>
      %parallel_loop3A_936 = arith.index_cast %parallel_loop3A_931 : i32 to index
      %parallel_loop3A_937 = arith.index_cast %parallel_loop3A_756 : i32 to index
      %parallel_loop3A_938 = tpu.vector_load %parallel_loop3A_935[%parallel_loop3A_936, %parallel_loop3A_937] {strides = array<i32>} : memref<8x1024xf32, #tpu.memory_space<vmem>>, vector<1x16xf32>,
      %parallel_loop3A_939 = vector.shape_cast %parallel_loop3A_938 : vector<1x16xf32> to vector<16xf32>
      %parallel_loop3A_940 = arith.constant 6 : i32
      %parallel_loop3A_941 = arith.constant 0 : i32
      %parallel_loop3A_942 = arith.constant 0 : i32
      %parallel_loop3A_943 = tpu.memref_slice %arg7[%parallel_loop3A_117, %parallel_loop3A_941, %parallel_loop3A_942] : memref<2x8x1024xf32, #tpu.memory_space<vmem>> -> memref<1x8x1024xf32, #tpu.memory_space<vmem>>
      %parallel_loop3A_944 = tpu.memref_squeeze %parallel_loop3A_943 : memref<1x8x1024xf32, #tpu.memory_space<vmem>> -> memref<8x1024xf32, #tpu.memory_space<vmem>>
      %parallel_loop3A_945 = arith.index_cast %parallel_loop3A_940 : i32 to index
      %parallel_loop3A_946 = arith.index_cast %parallel_loop3A_756 : i32 to index
      %parallel_loop3A_947 = tpu.vector_load %parallel_loop3A_944[%parallel_loop3A_945, %parallel_loop3A_946] {strides = array<i32>} : memref<8x1024xf32, #tpu.memory_space<vmem>>, vector<1x16xf32>,
      %parallel_loop3A_948 = vector.shape_cast %parallel_loop3A_947 : vector<1x16xf32> to vector<16xf32>
      %parallel_loop3A_949 = arith.addf %parallel_loop3A_939, %parallel_loop3A_948 : vector<16xf32>
      %parallel_loop3A_950 = arith.constant 6 : i32
      %parallel_loop3A_951 = arith.constant 0 : i32
      %parallel_loop3A_952 = arith.constant 0 : i32
      %parallel_loop3A_953 = tpu.memref_slice %arg6[%parallel_loop3A_118, %parallel_loop3A_951, %parallel_loop3A_952] : memref<2x8x1024xf32, #tpu.memory_space<vmem>> -> memref<1x8x1024xf32, #tpu.memory_space<vmem>>
      %parallel_loop3A_954 = tpu.memref_squeeze %parallel_loop3A_953 : memref<1x8x1024xf32, #tpu.memory_space<vmem>> -> memref<8x1024xf32, #tpu.memory_space<vmem>>
      %parallel_loop3A_955 = arith.index_cast %parallel_loop3A_950 : i32 to index
      %parallel_loop3A_956 = arith.index_cast %parallel_loop3A_756 : i32 to index
      %parallel_loop3A_957 = tpu.vector_load %parallel_loop3A_954[%parallel_loop3A_955, %parallel_loop3A_956] {strides = array<i32>} : memref<8x1024xf32, #tpu.memory_space<vmem>>, vector<1x16xf32>,
      %parallel_loop3A_958 = vector.shape_cast %parallel_loop3A_957 : vector<1x16xf32> to vector<16xf32>
      %parallel_loop3A_959 = vector.shape_cast %parallel_loop3A_949 : vector<16xf32> to vector<1x16xf32>
      tpu.vector_store %parallel_loop3A_954[%parallel_loop3A_955, %parallel_loop3A_956], %parallel_loop3A_959 {strides = array<i32>} : memref<8x1024xf32, #tpu.memory_space<vmem>>, vector<1x16xf32>,
      %parallel_loop3A_960 = arith.constant 7 : i32
      %parallel_loop3A_961 = arith.constant 0 : i32
      %parallel_loop3A_962 = arith.constant 0 : i32
      %parallel_loop3A_963 = tpu.memref_slice %arg5[%parallel_loop3A_116, %parallel_loop3A_961, %parallel_loop3A_962] : memref<2x8x1024xf32, #tpu.memory_space<vmem>> -> memref<1x8x1024xf32, #tpu.memory_space<vmem>>
      %parallel_loop3A_964 = tpu.memref_squeeze %parallel_loop3A_963 : memref<1x8x1024xf32, #tpu.memory_space<vmem>> -> memref<8x1024xf32, #tpu.memory_space<vmem>>
      %parallel_loop3A_965 = arith.index_cast %parallel_loop3A_960 : i32 to index
      %parallel_loop3A_966 = arith.index_cast %parallel_loop3A_756 : i32 to index
      %parallel_loop3A_967 = tpu.vector_load %parallel_loop3A_964[%parallel_loop3A_965, %parallel_loop3A_966] {strides = array<i32>} : memref<8x1024xf32, #tpu.memory_space<vmem>>, vector<1x16xf32>,
      %parallel_loop3A_968 = vector.shape_cast %parallel_loop3A_967 : vector<1x16xf32> to vector<16xf32>
      %parallel_loop3A_969 = arith.constant 7 : i32
      %parallel_loop3A_970 = arith.constant 0 : i32
      %parallel_loop3A_971 = arith.constant 0 : i32
      %parallel_loop3A_972 = tpu.memref_slice %arg7[%parallel_loop3A_117, %parallel_loop3A_970, %parallel_loop3A_971] : memref<2x8x1024xf32, #tpu.memory_space<vmem>> -> memref<1x8x1024xf32, #tpu.memory_space<vmem>>
      %parallel_loop3A_973 = tpu.memref_squeeze %parallel_loop3A_972 : memref<1x8x1024xf32, #tpu.memory_space<vmem>> -> memref<8x1024xf32, #tpu.memory_space<vmem>>
      %parallel_loop3A_974 = arith.index_cast %parallel_loop3A_969 : i32 to index
      %parallel_loop3A_975 = arith.index_cast %parallel_loop3A_756 : i32 to index
      %parallel_loop3A_976 = tpu.vector_load %parallel_loop3A_973[%parallel_loop3A_974, %parallel_loop3A_975] {strides = array<i32>} : memref<8x1024xf32, #tpu.memory_space<vmem>>, vector<1x16xf32>,
      %parallel_loop3A_977 = vector.shape_cast %parallel_loop3A_976 : vector<1x16xf32> to vector<16xf32>
      %parallel_loop3A_978 = arith.addf %parallel_loop3A_968, %parallel_loop3A_977 : vector<16xf32>
      %parallel_loop3A_979 = arith.constant 7 : i32
      %parallel_loop3A_980 = arith.constant 0 : i32
      %parallel_loop3A_981 = arith.constant 0 : i32
      %parallel_loop3A_982 = tpu.memref_slice %arg6[%parallel_loop3A_118, %parallel_loop3A_980, %parallel_loop3A_981] : memref<2x8x1024xf32, #tpu.memory_space<vmem>> -> memref<1x8x1024xf32, #tpu.memory_space<vmem>>
      %parallel_loop3A_983 = tpu.memref_squeeze %parallel_loop3A_982 : memref<1x8x1024xf32, #tpu.memory_space<vmem>> -> memref<8x1024xf32, #tpu.memory_space<vmem>>
      %parallel_loop3A_984 = arith.index_cast %parallel_loop3A_979 : i32 to index
      %parallel_loop3A_985 = arith.index_cast %parallel_loop3A_756 : i32 to index
      %parallel_loop3A_986 = tpu.vector_load %parallel_loop3A_983[%parallel_loop3A_984, %parallel_loop3A_985] {strides = array<i32>} : memref<8x1024xf32, #tpu.memory_space<vmem>>, vector<1x16xf32>,
      %parallel_loop3A_987 = vector.shape_cast %parallel_loop3A_986 : vector<1x16xf32> to vector<16xf32>
      %parallel_loop3A_988 = vector.shape_cast %parallel_loop3A_978 : vector<16xf32> to vector<1x16xf32>
      tpu.vector_store %parallel_loop3A_983[%parallel_loop3A_984, %parallel_loop3A_985], %parallel_loop3A_988 {strides = array<i32>} : memref<8x1024xf32, #tpu.memory_space<vmem>>, vector<1x16xf32>,
    } {sc.loop_unroll_factor = 2 : i64, sc.parallel_access}
    %add3A_119 = arith.constant 0 : i32
    %add3A_120 = arith.addi %mul3A_2, %add3A_119 : i32
    %dma_start3A_121 = arith.constant 0 : i32
    %dma_start3A_122 = arith.constant 0 : i32
    %dma_start3A_123 = arith.constant 0 : i32
    %dma_start3A_124 = arith.constant 0 : i32
    %dma_start3A_125 = arith.constant 0 : i32
    %dma_start3A_126 = tpu.memref_slice %arg6[%dma_start3A_121, %dma_start3A_124, %dma_start3A_125] : memref<2x8x1024xf32, #tpu.memory_space<vmem>> -> memref<1x8x1024xf32, #tpu.memory_space<vmem>>
    %dma_start3A_127 = tpu.memref_squeeze %dma_start3A_126 : memref<1x8x1024xf32, #tpu.memory_space<vmem>> -> memref<8x1024xf32, #tpu.memory_space<vmem>>
    %dma_start3A_128 = arith.constant 0 : i32
    %dma_start3A_129 = tpu.memref_slice %arg4[%dma_start3A_122, %add3A_120, %dma_start3A_128] : memref<4x2048x1024xf32, #tpu.memory_space<hbm>> -> memref<1x8x1024xf32, #tpu.memory_space<hbm>>
    %dma_start3A_130 = tpu.memref_squeeze %dma_start3A_129 : memref<1x8x1024xf32, #tpu.memory_space<hbm>> -> memref<8x1024xf32, #tpu.memory_space<hbm>>
    %dma_start3A_131 = tpu.memref_slice %arg9[%dma_start3A_123] : memref<2x!tpu.dma_semaphore, #tpu.memory_space<semaphore_mem>> -> memref<1x!tpu.dma_semaphore, #tpu.memory_space<semaphore_mem>>
    %dma_start3A_132 = tpu.memref_squeeze %dma_start3A_131 : memref<1x!tpu.dma_semaphore, #tpu.memory_space<semaphore_mem>> -> memref<!tpu.dma_semaphore, #tpu.memory_space<semaphore_mem>>
    %dma_start3A_133 = arith.constant 0 : i32
    %dma_start3A_134 = tpu.memref_slice %arg4[%dma_start3A_122, %add3A_120, %dma_start3A_133] : memref<4x2048x1024xf32, #tpu.memory_space<hbm>> -> memref<1x8x1024xf32, #tpu.memory_space<hbm>>
    %dma_start3A_135 = tpu.memref_squeeze %dma_start3A_134 : memref<1x8x1024xf32, #tpu.memory_space<hbm>> -> memref<8x1024xf32, #tpu.memory_space<hbm>>
    %dma_start3A_136 = arith.constant 0 : i32
    %dma_start3A_137 = arith.constant 0 : i32
    %dma_start3A_138 = tpu.memref_slice %arg6[%dma_start3A_121, %dma_start3A_136, %dma_start3A_137] : memref<2x8x1024xf32, #tpu.memory_space<vmem>> -> memref<1x8x1024xf32, #tpu.memory_space<vmem>>
    %dma_start3A_139 = tpu.memref_squeeze %dma_start3A_138 : memref<1x8x1024xf32, #tpu.memory_space<vmem>> -> memref<8x1024xf32, #tpu.memory_space<vmem>>
    tpu.enqueue_dma source(%dma_start3A_139 : memref<8x1024xf32, #tpu.memory_space<vmem>>) target(%dma_start3A_135 : memref<8x1024xf32, #tpu.memory_space<hbm>>) target_semaphore(%dma_start3A_132 : memref<!tpu.dma_semaphore, #tpu.memory_space<semaphore_mem>>)
    %add3A_140 = arith.constant 0 : i32
    %add3A_141 = arith.addi %mul3A_2, %add3A_140 : i32
    %dma_start3A_142 = arith.constant 2 : i32
    %dma_start3A_143 = arith.constant 0 : i32
    %dma_start3A_144 = arith.constant 0 : i32
    %dma_start3A_145 = arith.constant 0 : i32
    %dma_start3A_146 = arith.constant 0 : i32
    %dma_start3A_147 = tpu.memref_slice %arg5[%dma_start3A_143, %dma_start3A_145, %dma_start3A_146] : memref<2x8x1024xf32, #tpu.memory_space<vmem>> -> memref<1x8x1024xf32, #tpu.memory_space<vmem>>
    %dma_start3A_148 = tpu.memref_squeeze %dma_start3A_147 : memref<1x8x1024xf32, #tpu.memory_space<vmem>> -> memref<8x1024xf32, #tpu.memory_space<vmem>>
    %dma_start3A_149 = arith.constant 0 : i32
    %dma_start3A_150 = tpu.memref_slice %arg2[%dma_start3A_142, %add3A_141, %dma_start3A_149] : memref<4x2048x1024xf32, #tpu.memory_space<hbm>> -> memref<1x8x1024xf32, #tpu.memory_space<hbm>>
    %dma_start3A_151 = tpu.memref_squeeze %dma_start3A_150 : memref<1x8x1024xf32, #tpu.memory_space<hbm>> -> memref<8x1024xf32, #tpu.memory_space<hbm>>
    %dma_start3A_152 = tpu.memref_slice %arg8[%dma_start3A_144] : memref<2x!tpu.dma_semaphore, #tpu.memory_space<semaphore_mem>> -> memref<1x!tpu.dma_semaphore, #tpu.memory_space<semaphore_mem>>
    %dma_start3A_153 = tpu.memref_squeeze %dma_start3A_152 : memref<1x!tpu.dma_semaphore, #tpu.memory_space<semaphore_mem>> -> memref<!tpu.dma_semaphore, #tpu.memory_space<semaphore_mem>>
    %dma_start3A_154 = arith.constant 0 : i32
    %dma_start3A_155 = arith.constant 0 : i32
    %dma_start3A_156 = tpu.memref_slice %arg5[%dma_start3A_143, %dma_start3A_154, %dma_start3A_155] : memref<2x8x1024xf32, #tpu.memory_space<vmem>> -> memref<1x8x1024xf32, #tpu.memory_space<vmem>>
    %dma_start3A_157 = tpu.memref_squeeze %dma_start3A_156 : memref<1x8x1024xf32, #tpu.memory_space<vmem>> -> memref<8x1024xf32, #tpu.memory_space<vmem>>
    %dma_start3A_158 = arith.constant 0 : i32
    %dma_start3A_159 = tpu.memref_slice %arg2[%dma_start3A_142, %add3A_141, %dma_start3A_158] : memref<4x2048x1024xf32, #tpu.memory_space<hbm>> -> memref<1x8x1024xf32, #tpu.memory_space<hbm>>
    %dma_start3A_160 = tpu.memref_squeeze %dma_start3A_159 : memref<1x8x1024xf32, #tpu.memory_space<hbm>> -> memref<8x1024xf32, #tpu.memory_space<hbm>>
    tpu.enqueue_dma source(%dma_start3A_160 : memref<8x1024xf32, #tpu.memory_space<hbm>>) target(%dma_start3A_157 : memref<8x1024xf32, #tpu.memory_space<vmem>>) target_semaphore(%dma_start3A_153 : memref<!tpu.dma_semaphore, #tpu.memory_space<semaphore_mem>>)
    %dma_wait3A_161 = arith.constant 1 : i32
    %dma_wait3A_162 = arith.constant 1 : i32
    %dma_wait3A_163 = arith.constant 1 : i32
    %dma_wait3A_164 = arith.constant 0 : i32
    %dma_wait3A_165 = arith.constant 0 : i32
    %dma_wait3A_166 = tpu.memref_slice %arg5[%dma_wait3A_162, %dma_wait3A_164, %dma_wait3A_165] : memref<2x8x1024xf32, #tpu.memory_space<vmem>> -> memref<1x8x1024xf32, #tpu.memory_space<vmem>>
    %dma_wait3A_167 = tpu.memref_squeeze %dma_wait3A_166 : memref<1x8x1024xf32, #tpu.memory_space<vmem>> -> memref<8x1024xf32, #tpu.memory_space<vmem>>
    %dma_wait3A_168 = arith.constant 0 : i32
    %dma_wait3A_169 = tpu.memref_slice %arg2[%dma_wait3A_161, %add3A_42, %dma_wait3A_168] : memref<4x2048x1024xf32, #tpu.memory_space<hbm>> -> memref<1x8x1024xf32, #tpu.memory_space<hbm>>
    %dma_wait3A_170 = tpu.memref_squeeze %dma_wait3A_169 : memref<1x8x1024xf32, #tpu.memory_space<hbm>> -> memref<8x1024xf32, #tpu.memory_space<hbm>>
    %dma_wait3A_171 = tpu.memref_slice %arg8[%dma_wait3A_163] : memref<2x!tpu.dma_semaphore, #tpu.memory_space<semaphore_mem>> -> memref<1x!tpu.dma_semaphore, #tpu.memory_space<semaphore_mem>>
    %dma_wait3A_172 = tpu.memref_squeeze %dma_wait3A_171 : memref<1x!tpu.dma_semaphore, #tpu.memory_space<semaphore_mem>> -> memref<!tpu.dma_semaphore, #tpu.memory_space<semaphore_mem>>
    %dma_wait3A_173 = arith.constant 0 : i32
    %dma_wait3A_174 = arith.constant 0 : i32
    %dma_wait3A_175 = tpu.memref_slice %arg5[%dma_wait3A_162, %dma_wait3A_173, %dma_wait3A_174] : memref<2x8x1024xf32, #tpu.memory_space<vmem>> -> memref<1x8x1024xf32, #tpu.memory_space<vmem>>
    %dma_wait3A_176 = tpu.memref_squeeze %dma_wait3A_175 : memref<1x8x1024xf32, #tpu.memory_space<vmem>> -> memref<8x1024xf32, #tpu.memory_space<vmem>>
    %dma_wait3A_177 = arith.constant 0 : i32
    %dma_wait3A_178 = tpu.memref_slice %arg2[%dma_wait3A_161, %add3A_42, %dma_wait3A_177] : memref<4x2048x1024xf32, #tpu.memory_space<hbm>> -> memref<1x8x1024xf32, #tpu.memory_space<hbm>>
    %dma_wait3A_179 = tpu.memref_squeeze %dma_wait3A_178 : memref<1x8x1024xf32, #tpu.memory_space<hbm>> -> memref<8x1024xf32, #tpu.memory_space<hbm>>
    tpu.wait_dma2 semaphore(%dma_wait3A_172 : memref<!tpu.dma_semaphore, #tpu.memory_space<semaphore_mem>>) src(%dma_wait3A_179 : memref<8x1024xf32, #tpu.memory_space<hbm>>) dst(%dma_wait3A_176 : memref<8x1024xf32, #tpu.memory_space<vmem>>)
    %parallel_loop3A_180 = arith.constant 0 : i32
    %parallel_loop3A_181 = arith.constant 1024 : i32
    %parallel_loop3A_182 = arith.constant 16 : i32
    %parallel_loop3A_183 = arith.constant 1 : i32
    %parallel_loop3A_184 = arith.constant 0 : i32
    %parallel_loop3A_185 = arith.constant 1 : i32
    scf.for %parallel_loop3A_756 = %parallel_loop3A_180 to %parallel_loop3A_181 step %parallel_loop3A_182  : i32 {
      %parallel_loop3A_757 = arith.constant 0 : i32
      %parallel_loop3A_758 = arith.constant 0 : i32
      %parallel_loop3A_759 = arith.constant 0 : i32
      %parallel_loop3A_760 = tpu.memref_slice %arg5[%parallel_loop3A_183, %parallel_loop3A_758, %parallel_loop3A_759] : memref<2x8x1024xf32, #tpu.memory_space<vmem>> -> memref<1x8x1024xf32, #tpu.memory_space<vmem>>
      %parallel_loop3A_761 = tpu.memref_squeeze %parallel_loop3A_760 : memref<1x8x1024xf32, #tpu.memory_space<vmem>> -> memref<8x1024xf32, #tpu.memory_space<vmem>>
      %parallel_loop3A_762 = arith.index_cast %parallel_loop3A_757 : i32 to index
      %parallel_loop3A_763 = arith.index_cast %parallel_loop3A_756 : i32 to index
      %parallel_loop3A_764 = tpu.vector_load %parallel_loop3A_761[%parallel_loop3A_762, %parallel_loop3A_763] {strides = array<i32>} : memref<8x1024xf32, #tpu.memory_space<vmem>>, vector<1x16xf32>,
      %parallel_loop3A_765 = vector.shape_cast %parallel_loop3A_764 : vector<1x16xf32> to vector<16xf32>
      %parallel_loop3A_766 = arith.constant 0 : i32
      %parallel_loop3A_767 = arith.constant 0 : i32
      %parallel_loop3A_768 = arith.constant 0 : i32
      %parallel_loop3A_769 = tpu.memref_slice %arg7[%parallel_loop3A_184, %parallel_loop3A_767, %parallel_loop3A_768] : memref<2x8x1024xf32, #tpu.memory_space<vmem>> -> memref<1x8x1024xf32, #tpu.memory_space<vmem>>
      %parallel_loop3A_770 = tpu.memref_squeeze %parallel_loop3A_769 : memref<1x8x1024xf32, #tpu.memory_space<vmem>> -> memref<8x1024xf32, #tpu.memory_space<vmem>>
      %parallel_loop3A_771 = arith.index_cast %parallel_loop3A_766 : i32 to index
      %parallel_loop3A_772 = arith.index_cast %parallel_loop3A_756 : i32 to index
      %parallel_loop3A_773 = tpu.vector_load %parallel_loop3A_770[%parallel_loop3A_771, %parallel_loop3A_772] {strides = array<i32>} : memref<8x1024xf32, #tpu.memory_space<vmem>>, vector<1x16xf32>,
      %parallel_loop3A_774 = vector.shape_cast %parallel_loop3A_773 : vector<1x16xf32> to vector<16xf32>
      %parallel_loop3A_775 = arith.addf %parallel_loop3A_765, %parallel_loop3A_774 : vector<16xf32>
      %parallel_loop3A_776 = arith.constant 0 : i32
      %parallel_loop3A_777 = arith.constant 0 : i32
      %parallel_loop3A_778 = arith.constant 0 : i32
      %parallel_loop3A_779 = tpu.memref_slice %arg6[%parallel_loop3A_185, %parallel_loop3A_777, %parallel_loop3A_778] : memref<2x8x1024xf32, #tpu.memory_space<vmem>> -> memref<1x8x1024xf32, #tpu.memory_space<vmem>>
      %parallel_loop3A_780 = tpu.memref_squeeze %parallel_loop3A_779 : memref<1x8x1024xf32, #tpu.memory_space<vmem>> -> memref<8x1024xf32, #tpu.memory_space<vmem>>
      %parallel_loop3A_781 = arith.index_cast %parallel_loop3A_776 : i32 to index
      %parallel_loop3A_782 = arith.index_cast %parallel_loop3A_756 : i32 to index
      %parallel_loop3A_783 = tpu.vector_load %parallel_loop3A_780[%parallel_loop3A_781, %parallel_loop3A_782] {strides = array<i32>} : memref<8x1024xf32, #tpu.memory_space<vmem>>, vector<1x16xf32>,
      %parallel_loop3A_784 = vector.shape_cast %parallel_loop3A_783 : vector<1x16xf32> to vector<16xf32>
      %parallel_loop3A_785 = vector.shape_cast %parallel_loop3A_775 : vector<16xf32> to vector<1x16xf32>
      tpu.vector_store %parallel_loop3A_780[%parallel_loop3A_781, %parallel_loop3A_782], %parallel_loop3A_785 {strides = array<i32>} : memref<8x1024xf32, #tpu.memory_space<vmem>>, vector<1x16xf32>,
      %parallel_loop3A_786 = arith.constant 1 : i32
      %parallel_loop3A_787 = arith.constant 0 : i32
      %parallel_loop3A_788 = arith.constant 0 : i32
      %parallel_loop3A_789 = tpu.memref_slice %arg5[%parallel_loop3A_183, %parallel_loop3A_787, %parallel_loop3A_788] : memref<2x8x1024xf32, #tpu.memory_space<vmem>> -> memref<1x8x1024xf32, #tpu.memory_space<vmem>>
      %parallel_loop3A_790 = tpu.memref_squeeze %parallel_loop3A_789 : memref<1x8x1024xf32, #tpu.memory_space<vmem>> -> memref<8x1024xf32, #tpu.memory_space<vmem>>
      %parallel_loop3A_791 = arith.index_cast %parallel_loop3A_786 : i32 to index
      %parallel_loop3A_792 = arith.index_cast %parallel_loop3A_756 : i32 to index
      %parallel_loop3A_793 = tpu.vector_load %parallel_loop3A_790[%parallel_loop3A_791, %parallel_loop3A_792] {strides = array<i32>} : memref<8x1024xf32, #tpu.memory_space<vmem>>, vector<1x16xf32>,
      %parallel_loop3A_794 = vector.shape_cast %parallel_loop3A_793 : vector<1x16xf32> to vector<16xf32>
      %parallel_loop3A_795 = arith.constant 1 : i32
      %parallel_loop3A_796 = arith.constant 0 : i32
      %parallel_loop3A_797 = arith.constant 0 : i32
      %parallel_loop3A_798 = tpu.memref_slice %arg7[%parallel_loop3A_184, %parallel_loop3A_796, %parallel_loop3A_797] : memref<2x8x1024xf32, #tpu.memory_space<vmem>> -> memref<1x8x1024xf32, #tpu.memory_space<vmem>>
      %parallel_loop3A_799 = tpu.memref_squeeze %parallel_loop3A_798 : memref<1x8x1024xf32, #tpu.memory_space<vmem>> -> memref<8x1024xf32, #tpu.memory_space<vmem>>
      %parallel_loop3A_800 = arith.index_cast %parallel_loop3A_795 : i32 to index
      %parallel_loop3A_801 = arith.index_cast %parallel_loop3A_756 : i32 to index
      %parallel_loop3A_802 = tpu.vector_load %parallel_loop3A_799[%parallel_loop3A_800, %parallel_loop3A_801] {strides = array<i32>} : memref<8x1024xf32, #tpu.memory_space<vmem>>, vector<1x16xf32>,
      %parallel_loop3A_803 = vector.shape_cast %parallel_loop3A_802 : vector<1x16xf32> to vector<16xf32>
      %parallel_loop3A_804 = arith.addf %parallel_loop3A_794, %parallel_loop3A_803 : vector<16xf32>
      %parallel_loop3A_805 = arith.constant 1 : i32
      %parallel_loop3A_806 = arith.constant 0 : i32
      %parallel_loop3A_807 = arith.constant 0 : i32
      %parallel_loop3A_808 = tpu.memref_slice %arg6[%parallel_loop3A_185, %parallel_loop3A_806, %parallel_loop3A_807] : memref<2x8x1024xf32, #tpu.memory_space<vmem>> -> memref<1x8x1024xf32, #tpu.memory_space<vmem>>
      %parallel_loop3A_809 = tpu.memref_squeeze %parallel_loop3A_808 : memref<1x8x1024xf32, #tpu.memory_space<vmem>> -> memref<8x1024xf32, #tpu.memory_space<vmem>>
      %parallel_loop3A_810 = arith.index_cast %parallel_loop3A_805 : i32 to index
      %parallel_loop3A_811 = arith.index_cast %parallel_loop3A_756 : i32 to index
      %parallel_loop3A_812 = tpu.vector_load %parallel_loop3A_809[%parallel_loop3A_810, %parallel_loop3A_811] {strides = array<i32>} : memref<8x1024xf32, #tpu.memory_space<vmem>>, vector<1x16xf32>,
      %parallel_loop3A_813 = vector.shape_cast %parallel_loop3A_812 : vector<1x16xf32> to vector<16xf32>
      %parallel_loop3A_814 = vector.shape_cast %parallel_loop3A_804 : vector<16xf32> to vector<1x16xf32>
      tpu.vector_store %parallel_loop3A_809[%parallel_loop3A_810, %parallel_loop3A_811], %parallel_loop3A_814 {strides = array<i32>} : memref<8x1024xf32, #tpu.memory_space<vmem>>, vector<1x16xf32>,
      %parallel_loop3A_815 = arith.constant 2 : i32
      %parallel_loop3A_816 = arith.constant 0 : i32
      %parallel_loop3A_817 = arith.constant 0 : i32
      %parallel_loop3A_818 = tpu.memref_slice %arg5[%parallel_loop3A_183, %parallel_loop3A_816, %parallel_loop3A_817] : memref<2x8x1024xf32, #tpu.memory_space<vmem>> -> memref<1x8x1024xf32, #tpu.memory_space<vmem>>
      %parallel_loop3A_819 = tpu.memref_squeeze %parallel_loop3A_818 : memref<1x8x1024xf32, #tpu.memory_space<vmem>> -> memref<8x1024xf32, #tpu.memory_space<vmem>>
      %parallel_loop3A_820 = arith.index_cast %parallel_loop3A_815 : i32 to index
      %parallel_loop3A_821 = arith.index_cast %parallel_loop3A_756 : i32 to index
      %parallel_loop3A_822 = tpu.vector_load %parallel_loop3A_819[%parallel_loop3A_820, %parallel_loop3A_821] {strides = array<i32>} : memref<8x1024xf32, #tpu.memory_space<vmem>>, vector<1x16xf32>,
      %parallel_loop3A_823 = vector.shape_cast %parallel_loop3A_822 : vector<1x16xf32> to vector<16xf32>
      %parallel_loop3A_824 = arith.constant 2 : i32
      %parallel_loop3A_825 = arith.constant 0 : i32
      %parallel_loop3A_826 = arith.constant 0 : i32
      %parallel_loop3A_827 = tpu.memref_slice %arg7[%parallel_loop3A_184, %parallel_loop3A_825, %parallel_loop3A_826] : memref<2x8x1024xf32, #tpu.memory_space<vmem>> -> memref<1x8x1024xf32, #tpu.memory_space<vmem>>
      %parallel_loop3A_828 = tpu.memref_squeeze %parallel_loop3A_827 : memref<1x8x1024xf32, #tpu.memory_space<vmem>> -> memref<8x1024xf32, #tpu.memory_space<vmem>>
      %parallel_loop3A_829 = arith.index_cast %parallel_loop3A_824 : i32 to index
      %parallel_loop3A_830 = arith.index_cast %parallel_loop3A_756 : i32 to index
      %parallel_loop3A_831 = tpu.vector_load %parallel_loop3A_828[%parallel_loop3A_829, %parallel_loop3A_830] {strides = array<i32>} : memref<8x1024xf32, #tpu.memory_space<vmem>>, vector<1x16xf32>,
      %parallel_loop3A_832 = vector.shape_cast %parallel_loop3A_831 : vector<1x16xf32> to vector<16xf32>
      %parallel_loop3A_833 = arith.addf %parallel_loop3A_823, %parallel_loop3A_832 : vector<16xf32>
      %parallel_loop3A_834 = arith.constant 2 : i32
      %parallel_loop3A_835 = arith.constant 0 : i32
      %parallel_loop3A_836 = arith.constant 0 : i32
      %parallel_loop3A_837 = tpu.memref_slice %arg6[%parallel_loop3A_185, %parallel_loop3A_835, %parallel_loop3A_836] : memref<2x8x1024xf32, #tpu.memory_space<vmem>> -> memref<1x8x1024xf32, #tpu.memory_space<vmem>>
      %parallel_loop3A_838 = tpu.memref_squeeze %parallel_loop3A_837 : memref<1x8x1024xf32, #tpu.memory_space<vmem>> -> memref<8x1024xf32, #tpu.memory_space<vmem>>
      %parallel_loop3A_839 = arith.index_cast %parallel_loop3A_834 : i32 to index
      %parallel_loop3A_840 = arith.index_cast %parallel_loop3A_756 : i32 to index
      %parallel_loop3A_841 = tpu.vector_load %parallel_loop3A_838[%parallel_loop3A_839, %parallel_loop3A_840] {strides = array<i32>} : memref<8x1024xf32, #tpu.memory_space<vmem>>, vector<1x16xf32>,
      %parallel_loop3A_842 = vector.shape_cast %parallel_loop3A_841 : vector<1x16xf32> to vector<16xf32>
      %parallel_loop3A_843 = vector.shape_cast %parallel_loop3A_833 : vector<16xf32> to vector<1x16xf32>
      tpu.vector_store %parallel_loop3A_838[%parallel_loop3A_839, %parallel_loop3A_840], %parallel_loop3A_843 {strides = array<i32>} : memref<8x1024xf32, #tpu.memory_space<vmem>>, vector<1x16xf32>,
      %parallel_loop3A_844 = arith.constant 3 : i32
      %parallel_loop3A_845 = arith.constant 0 : i32
      %parallel_loop3A_846 = arith.constant 0 : i32
      %parallel_loop3A_847 = tpu.memref_slice %arg5[%parallel_loop3A_183, %parallel_loop3A_845, %parallel_loop3A_846] : memref<2x8x1024xf32, #tpu.memory_space<vmem>> -> memref<1x8x1024xf32, #tpu.memory_space<vmem>>
      %parallel_loop3A_848 = tpu.memref_squeeze %parallel_loop3A_847 : memref<1x8x1024xf32, #tpu.memory_space<vmem>> -> memref<8x1024xf32, #tpu.memory_space<vmem>>
      %parallel_loop3A_849 = arith.index_cast %parallel_loop3A_844 : i32 to index
      %parallel_loop3A_850 = arith.index_cast %parallel_loop3A_756 : i32 to index
      %parallel_loop3A_851 = tpu.vector_load %parallel_loop3A_848[%parallel_loop3A_849, %parallel_loop3A_850] {strides = array<i32>} : memref<8x1024xf32, #tpu.memory_space<vmem>>, vector<1x16xf32>,
      %parallel_loop3A_852 = vector.shape_cast %parallel_loop3A_851 : vector<1x16xf32> to vector<16xf32>
      %parallel_loop3A_853 = arith.constant 3 : i32
      %parallel_loop3A_854 = arith.constant 0 : i32
      %parallel_loop3A_855 = arith.constant 0 : i32
      %parallel_loop3A_856 = tpu.memref_slice %arg7[%parallel_loop3A_184, %parallel_loop3A_854, %parallel_loop3A_855] : memref<2x8x1024xf32, #tpu.memory_space<vmem>> -> memref<1x8x1024xf32, #tpu.memory_space<vmem>>
      %parallel_loop3A_857 = tpu.memref_squeeze %parallel_loop3A_856 : memref<1x8x1024xf32, #tpu.memory_space<vmem>> -> memref<8x1024xf32, #tpu.memory_space<vmem>>
      %parallel_loop3A_858 = arith.index_cast %parallel_loop3A_853 : i32 to index
      %parallel_loop3A_859 = arith.index_cast %parallel_loop3A_756 : i32 to index
      %parallel_loop3A_860 = tpu.vector_load %parallel_loop3A_857[%parallel_loop3A_858, %parallel_loop3A_859] {strides = array<i32>} : memref<8x1024xf32, #tpu.memory_space<vmem>>, vector<1x16xf32>,
      %parallel_loop3A_861 = vector.shape_cast %parallel_loop3A_860 : vector<1x16xf32> to vector<16xf32>
      %parallel_loop3A_862 = arith.addf %parallel_loop3A_852, %parallel_loop3A_861 : vector<16xf32>
      %parallel_loop3A_863 = arith.constant 3 : i32
      %parallel_loop3A_864 = arith.constant 0 : i32
      %parallel_loop3A_865 = arith.constant 0 : i32
      %parallel_loop3A_866 = tpu.memref_slice %arg6[%parallel_loop3A_185, %parallel_loop3A_864, %parallel_loop3A_865] : memref<2x8x1024xf32, #tpu.memory_space<vmem>> -> memref<1x8x1024xf32, #tpu.memory_space<vmem>>
      %parallel_loop3A_867 = tpu.memref_squeeze %parallel_loop3A_866 : memref<1x8x1024xf32, #tpu.memory_space<vmem>> -> memref<8x1024xf32, #tpu.memory_space<vmem>>
      %parallel_loop3A_868 = arith.index_cast %parallel_loop3A_863 : i32 to index
      %parallel_loop3A_869 = arith.index_cast %parallel_loop3A_756 : i32 to index
      %parallel_loop3A_870 = tpu.vector_load %parallel_loop3A_867[%parallel_loop3A_868, %parallel_loop3A_869] {strides = array<i32>} : memref<8x1024xf32, #tpu.memory_space<vmem>>, vector<1x16xf32>,
      %parallel_loop3A_871 = vector.shape_cast %parallel_loop3A_870 : vector<1x16xf32> to vector<16xf32>
      %parallel_loop3A_872 = vector.shape_cast %parallel_loop3A_862 : vector<16xf32> to vector<1x16xf32>
      tpu.vector_store %parallel_loop3A_867[%parallel_loop3A_868, %parallel_loop3A_869], %parallel_loop3A_872 {strides = array<i32>} : memref<8x1024xf32, #tpu.memory_space<vmem>>, vector<1x16xf32>,
      %parallel_loop3A_873 = arith.constant 4 : i32
      %parallel_loop3A_874 = arith.constant 0 : i32
      %parallel_loop3A_875 = arith.constant 0 : i32
      %parallel_loop3A_876 = tpu.memref_slice %arg5[%parallel_loop3A_183, %parallel_loop3A_874, %parallel_loop3A_875] : memref<2x8x1024xf32, #tpu.memory_space<vmem>> -> memref<1x8x1024xf32, #tpu.memory_space<vmem>>
      %parallel_loop3A_877 = tpu.memref_squeeze %parallel_loop3A_876 : memref<1x8x1024xf32, #tpu.memory_space<vmem>> -> memref<8x1024xf32, #tpu.memory_space<vmem>>
      %parallel_loop3A_878 = arith.index_cast %parallel_loop3A_873 : i32 to index
      %parallel_loop3A_879 = arith.index_cast %parallel_loop3A_756 : i32 to index
      %parallel_loop3A_880 = tpu.vector_load %parallel_loop3A_877[%parallel_loop3A_878, %parallel_loop3A_879] {strides = array<i32>} : memref<8x1024xf32, #tpu.memory_space<vmem>>, vector<1x16xf32>,
      %parallel_loop3A_881 = vector.shape_cast %parallel_loop3A_880 : vector<1x16xf32> to vector<16xf32>
      %parallel_loop3A_882 = arith.constant 4 : i32
      %parallel_loop3A_883 = arith.constant 0 : i32
      %parallel_loop3A_884 = arith.constant 0 : i32
      %parallel_loop3A_885 = tpu.memref_slice %arg7[%parallel_loop3A_184, %parallel_loop3A_883, %parallel_loop3A_884] : memref<2x8x1024xf32, #tpu.memory_space<vmem>> -> memref<1x8x1024xf32, #tpu.memory_space<vmem>>
      %parallel_loop3A_886 = tpu.memref_squeeze %parallel_loop3A_885 : memref<1x8x1024xf32, #tpu.memory_space<vmem>> -> memref<8x1024xf32, #tpu.memory_space<vmem>>
      %parallel_loop3A_887 = arith.index_cast %parallel_loop3A_882 : i32 to index
      %parallel_loop3A_888 = arith.index_cast %parallel_loop3A_756 : i32 to index
      %parallel_loop3A_889 = tpu.vector_load %parallel_loop3A_886[%parallel_loop3A_887, %parallel_loop3A_888] {strides = array<i32>} : memref<8x1024xf32, #tpu.memory_space<vmem>>, vector<1x16xf32>,
      %parallel_loop3A_890 = vector.shape_cast %parallel_loop3A_889 : vector<1x16xf32> to vector<16xf32>
      %parallel_loop3A_891 = arith.addf %parallel_loop3A_881, %parallel_loop3A_890 : vector<16xf32>
      %parallel_loop3A_892 = arith.constant 4 : i32
      %parallel_loop3A_893 = arith.constant 0 : i32
      %parallel_loop3A_894 = arith.constant 0 : i32
      %parallel_loop3A_895 = tpu.memref_slice %arg6[%parallel_loop3A_185, %parallel_loop3A_893, %parallel_loop3A_894] : memref<2x8x1024xf32, #tpu.memory_space<vmem>> -> memref<1x8x1024xf32, #tpu.memory_space<vmem>>
      %parallel_loop3A_896 = tpu.memref_squeeze %parallel_loop3A_895 : memref<1x8x1024xf32, #tpu.memory_space<vmem>> -> memref<8x1024xf32, #tpu.memory_space<vmem>>
      %parallel_loop3A_897 = arith.index_cast %parallel_loop3A_892 : i32 to index
      %parallel_loop3A_898 = arith.index_cast %parallel_loop3A_756 : i32 to index
      %parallel_loop3A_899 = tpu.vector_load %parallel_loop3A_896[%parallel_loop3A_897, %parallel_loop3A_898] {strides = array<i32>} : memref<8x1024xf32, #tpu.memory_space<vmem>>, vector<1x16xf32>,
      %parallel_loop3A_900 = vector.shape_cast %parallel_loop3A_899 : vector<1x16xf32> to vector<16xf32>
      %parallel_loop3A_901 = vector.shape_cast %parallel_loop3A_891 : vector<16xf32> to vector<1x16xf32>
      tpu.vector_store %parallel_loop3A_896[%parallel_loop3A_897, %parallel_loop3A_898], %parallel_loop3A_901 {strides = array<i32>} : memref<8x1024xf32, #tpu.memory_space<vmem>>, vector<1x16xf32>,
      %parallel_loop3A_902 = arith.constant 5 : i32
      %parallel_loop3A_903 = arith.constant 0 : i32
      %parallel_loop3A_904 = arith.constant 0 : i32
      %parallel_loop3A_905 = tpu.memref_slice %arg5[%parallel_loop3A_183, %parallel_loop3A_903, %parallel_loop3A_904] : memref<2x8x1024xf32, #tpu.memory_space<vmem>> -> memref<1x8x1024xf32, #tpu.memory_space<vmem>>
      %parallel_loop3A_906 = tpu.memref_squeeze %parallel_loop3A_905 : memref<1x8x1024xf32, #tpu.memory_space<vmem>> -> memref<8x1024xf32, #tpu.memory_space<vmem>>
      %parallel_loop3A_907 = arith.index_cast %parallel_loop3A_902 : i32 to index
      %parallel_loop3A_908 = arith.index_cast %parallel_loop3A_756 : i32 to index
      %parallel_loop3A_909 = tpu.vector_load %parallel_loop3A_906[%parallel_loop3A_907, %parallel_loop3A_908] {strides = array<i32>} : memref<8x1024xf32, #tpu.memory_space<vmem>>, vector<1x16xf32>,
      %parallel_loop3A_910 = vector.shape_cast %parallel_loop3A_909 : vector<1x16xf32> to vector<16xf32>
      %parallel_loop3A_911 = arith.constant 5 : i32
      %parallel_loop3A_912 = arith.constant 0 : i32
      %parallel_loop3A_913 = arith.constant 0 : i32
      %parallel_loop3A_914 = tpu.memref_slice %arg7[%parallel_loop3A_184, %parallel_loop3A_912, %parallel_loop3A_913] : memref<2x8x1024xf32, #tpu.memory_space<vmem>> -> memref<1x8x1024xf32, #tpu.memory_space<vmem>>
      %parallel_loop3A_915 = tpu.memref_squeeze %parallel_loop3A_914 : memref<1x8x1024xf32, #tpu.memory_space<vmem>> -> memref<8x1024xf32, #tpu.memory_space<vmem>>
      %parallel_loop3A_916 = arith.index_cast %parallel_loop3A_911 : i32 to index
      %parallel_loop3A_917 = arith.index_cast %parallel_loop3A_756 : i32 to index
      %parallel_loop3A_918 = tpu.vector_load %parallel_loop3A_915[%parallel_loop3A_916, %parallel_loop3A_917] {strides = array<i32>} : memref<8x1024xf32, #tpu.memory_space<vmem>>, vector<1x16xf32>,
      %parallel_loop3A_919 = vector.shape_cast %parallel_loop3A_918 : vector<1x16xf32> to vector<16xf32>
      %parallel_loop3A_920 = arith.addf %parallel_loop3A_910, %parallel_loop3A_919 : vector<16xf32>
      %parallel_loop3A_921 = arith.constant 5 : i32
      %parallel_loop3A_922 = arith.constant 0 : i32
      %parallel_loop3A_923 = arith.constant 0 : i32
      %parallel_loop3A_924 = tpu.memref_slice %arg6[%parallel_loop3A_185, %parallel_loop3A_922, %parallel_loop3A_923] : memref<2x8x1024xf32, #tpu.memory_space<vmem>> -> memref<1x8x1024xf32, #tpu.memory_space<vmem>>
      %parallel_loop3A_925 = tpu.memref_squeeze %parallel_loop3A_924 : memref<1x8x1024xf32, #tpu.memory_space<vmem>> -> memref<8x1024xf32, #tpu.memory_space<vmem>>
      %parallel_loop3A_926 = arith.index_cast %parallel_loop3A_921 : i32 to index
      %parallel_loop3A_927 = arith.index_cast %parallel_loop3A_756 : i32 to index
      %parallel_loop3A_928 = tpu.vector_load %parallel_loop3A_925[%parallel_loop3A_926, %parallel_loop3A_927] {strides = array<i32>} : memref<8x1024xf32, #tpu.memory_space<vmem>>, vector<1x16xf32>,
      %parallel_loop3A_929 = vector.shape_cast %parallel_loop3A_928 : vector<1x16xf32> to vector<16xf32>
      %parallel_loop3A_930 = vector.shape_cast %parallel_loop3A_920 : vector<16xf32> to vector<1x16xf32>
      tpu.vector_store %parallel_loop3A_925[%parallel_loop3A_926, %parallel_loop3A_927], %parallel_loop3A_930 {strides = array<i32>} : memref<8x1024xf32, #tpu.memory_space<vmem>>, vector<1x16xf32>,
      %parallel_loop3A_931 = arith.constant 6 : i32
      %parallel_loop3A_932 = arith.constant 0 : i32
      %parallel_loop3A_933 = arith.constant 0 : i32
      %parallel_loop3A_934 = tpu.memref_slice %arg5[%parallel_loop3A_183, %parallel_loop3A_932, %parallel_loop3A_933] : memref<2x8x1024xf32, #tpu.memory_space<vmem>> -> memref<1x8x1024xf32, #tpu.memory_space<vmem>>
      %parallel_loop3A_935 = tpu.memref_squeeze %parallel_loop3A_934 : memref<1x8x1024xf32, #tpu.memory_space<vmem>> -> memref<8x1024xf32, #tpu.memory_space<vmem>>
      %parallel_loop3A_936 = arith.index_cast %parallel_loop3A_931 : i32 to index
      %parallel_loop3A_937 = arith.index_cast %parallel_loop3A_756 : i32 to index
      %parallel_loop3A_938 = tpu.vector_load %parallel_loop3A_935[%parallel_loop3A_936, %parallel_loop3A_937] {strides = array<i32>} : memref<8x1024xf32, #tpu.memory_space<vmem>>, vector<1x16xf32>,
      %parallel_loop3A_939 = vector.shape_cast %parallel_loop3A_938 : vector<1x16xf32> to vector<16xf32>
      %parallel_loop3A_940 = arith.constant 6 : i32
      %parallel_loop3A_941 = arith.constant 0 : i32
      %parallel_loop3A_942 = arith.constant 0 : i32
      %parallel_loop3A_943 = tpu.memref_slice %arg7[%parallel_loop3A_184, %parallel_loop3A_941, %parallel_loop3A_942] : memref<2x8x1024xf32, #tpu.memory_space<vmem>> -> memref<1x8x1024xf32, #tpu.memory_space<vmem>>
      %parallel_loop3A_944 = tpu.memref_squeeze %parallel_loop3A_943 : memref<1x8x1024xf32, #tpu.memory_space<vmem>> -> memref<8x1024xf32, #tpu.memory_space<vmem>>
      %parallel_loop3A_945 = arith.index_cast %parallel_loop3A_940 : i32 to index
      %parallel_loop3A_946 = arith.index_cast %parallel_loop3A_756 : i32 to index
      %parallel_loop3A_947 = tpu.vector_load %parallel_loop3A_944[%parallel_loop3A_945, %parallel_loop3A_946] {strides = array<i32>} : memref<8x1024xf32, #tpu.memory_space<vmem>>, vector<1x16xf32>,
      %parallel_loop3A_948 = vector.shape_cast %parallel_loop3A_947 : vector<1x16xf32> to vector<16xf32>
      %parallel_loop3A_949 = arith.addf %parallel_loop3A_939, %parallel_loop3A_948 : vector<16xf32>
      %parallel_loop3A_950 = arith.constant 6 : i32
      %parallel_loop3A_951 = arith.constant 0 : i32
      %parallel_loop3A_952 = arith.constant 0 : i32
      %parallel_loop3A_953 = tpu.memref_slice %arg6[%parallel_loop3A_185, %parallel_loop3A_951, %parallel_loop3A_952] : memref<2x8x1024xf32, #tpu.memory_space<vmem>> -> memref<1x8x1024xf32, #tpu.memory_space<vmem>>
      %parallel_loop3A_954 = tpu.memref_squeeze %parallel_loop3A_953 : memref<1x8x1024xf32, #tpu.memory_space<vmem>> -> memref<8x1024xf32, #tpu.memory_space<vmem>>
      %parallel_loop3A_955 = arith.index_cast %parallel_loop3A_950 : i32 to index
      %parallel_loop3A_956 = arith.index_cast %parallel_loop3A_756 : i32 to index
      %parallel_loop3A_957 = tpu.vector_load %parallel_loop3A_954[%parallel_loop3A_955, %parallel_loop3A_956] {strides = array<i32>} : memref<8x1024xf32, #tpu.memory_space<vmem>>, vector<1x16xf32>,
      %parallel_loop3A_958 = vector.shape_cast %parallel_loop3A_957 : vector<1x16xf32> to vector<16xf32>
      %parallel_loop3A_959 = vector.shape_cast %parallel_loop3A_949 : vector<16xf32> to vector<1x16xf32>
      tpu.vector_store %parallel_loop3A_954[%parallel_loop3A_955, %parallel_loop3A_956], %parallel_loop3A_959 {strides = array<i32>} : memref<8x1024xf32, #tpu.memory_space<vmem>>, vector<1x16xf32>,
      %parallel_loop3A_960 = arith.constant 7 : i32
      %parallel_loop3A_961 = arith.constant 0 : i32
      %parallel_loop3A_962 = arith.constant 0 : i32
      %parallel_loop3A_963 = tpu.memref_slice %arg5[%parallel_loop3A_183, %parallel_loop3A_961, %parallel_loop3A_962] : memref<2x8x1024xf32, #tpu.memory_space<vmem>> -> memref<1x8x1024xf32, #tpu.memory_space<vmem>>
      %parallel_loop3A_964 = tpu.memref_squeeze %parallel_loop3A_963 : memref<1x8x1024xf32, #tpu.memory_space<vmem>> -> memref<8x1024xf32, #tpu.memory_space<vmem>>
      %parallel_loop3A_965 = arith.index_cast %parallel_loop3A_960 : i32 to index
      %parallel_loop3A_966 = arith.index_cast %parallel_loop3A_756 : i32 to index
      %parallel_loop3A_967 = tpu.vector_load %parallel_loop3A_964[%parallel_loop3A_965, %parallel_loop3A_966] {strides = array<i32>} : memref<8x1024xf32, #tpu.memory_space<vmem>>, vector<1x16xf32>,
      %parallel_loop3A_968 = vector.shape_cast %parallel_loop3A_967 : vector<1x16xf32> to vector<16xf32>
      %parallel_loop3A_969 = arith.constant 7 : i32
      %parallel_loop3A_970 = arith.constant 0 : i32
      %parallel_loop3A_971 = arith.constant 0 : i32
      %parallel_loop3A_972 = tpu.memref_slice %arg7[%parallel_loop3A_184, %parallel_loop3A_970, %parallel_loop3A_971] : memref<2x8x1024xf32, #tpu.memory_space<vmem>> -> memref<1x8x1024xf32, #tpu.memory_space<vmem>>
      %parallel_loop3A_973 = tpu.memref_squeeze %parallel_loop3A_972 : memref<1x8x1024xf32, #tpu.memory_space<vmem>> -> memref<8x1024xf32, #tpu.memory_space<vmem>>
      %parallel_loop3A_974 = arith.index_cast %parallel_loop3A_969 : i32 to index
      %parallel_loop3A_975 = arith.index_cast %parallel_loop3A_756 : i32 to index
      %parallel_loop3A_976 = tpu.vector_load %parallel_loop3A_973[%parallel_loop3A_974, %parallel_loop3A_975] {strides = array<i32>} : memref<8x1024xf32, #tpu.memory_space<vmem>>, vector<1x16xf32>,
      %parallel_loop3A_977 = vector.shape_cast %parallel_loop3A_976 : vector<1x16xf32> to vector<16xf32>
      %parallel_loop3A_978 = arith.addf %parallel_loop3A_968, %parallel_loop3A_977 : vector<16xf32>
      %parallel_loop3A_979 = arith.constant 7 : i32
      %parallel_loop3A_980 = arith.constant 0 : i32
      %parallel_loop3A_981 = arith.constant 0 : i32
      %parallel_loop3A_982 = tpu.memref_slice %arg6[%parallel_loop3A_185, %parallel_loop3A_980, %parallel_loop3A_981] : memref<2x8x1024xf32, #tpu.memory_space<vmem>> -> memref<1x8x1024xf32, #tpu.memory_space<vmem>>
      %parallel_loop3A_983 = tpu.memref_squeeze %parallel_loop3A_982 : memref<1x8x1024xf32, #tpu.memory_space<vmem>> -> memref<8x1024xf32, #tpu.memory_space<vmem>>
      %parallel_loop3A_984 = arith.index_cast %parallel_loop3A_979 : i32 to index
      %parallel_loop3A_985 = arith.index_cast %parallel_loop3A_756 : i32 to index
      %parallel_loop3A_986 = tpu.vector_load %parallel_loop3A_983[%parallel_loop3A_984, %parallel_loop3A_985] {strides = array<i32>} : memref<8x1024xf32, #tpu.memory_space<vmem>>, vector<1x16xf32>,
      %parallel_loop3A_987 = vector.shape_cast %parallel_loop3A_986 : vector<1x16xf32> to vector<16xf32>
      %parallel_loop3A_988 = vector.shape_cast %parallel_loop3A_978 : vector<16xf32> to vector<1x16xf32>
      tpu.vector_store %parallel_loop3A_983[%parallel_loop3A_984, %parallel_loop3A_985], %parallel_loop3A_988 {strides = array<i32>} : memref<8x1024xf32, #tpu.memory_space<vmem>>, vector<1x16xf32>,
    } {sc.loop_unroll_factor = 2 : i64, sc.parallel_access}
    %add3A_186 = arith.constant 0 : i32
    %add3A_187 = arith.addi %mul3A_2, %add3A_186 : i32
    %dma_start3A_188 = arith.constant 1 : i32
    %dma_start3A_189 = arith.constant 1 : i32
    %dma_start3A_190 = arith.constant 1 : i32
    %dma_start3A_191 = arith.constant 0 : i32
    %dma_start3A_192 = arith.constant 0 : i32
    %dma_start3A_193 = tpu.memref_slice %arg6[%dma_start3A_188, %dma_start3A_191, %dma_start3A_192] : memref<2x8x1024xf32, #tpu.memory_space<vmem>> -> memref<1x8x1024xf32, #tpu.memory_space<vmem>>
    %dma_start3A_194 = tpu.memref_squeeze %dma_start3A_193 : memref<1x8x1024xf32, #tpu.memory_space<vmem>> -> memref<8x1024xf32, #tpu.memory_space<vmem>>
    %dma_start3A_195 = arith.constant 0 : i32
    %dma_start3A_196 = tpu.memref_slice %arg4[%dma_start3A_189, %add3A_187, %dma_start3A_195] : memref<4x2048x1024xf32, #tpu.memory_space<hbm>> -> memref<1x8x1024xf32, #tpu.memory_space<hbm>>
    %dma_start3A_197 = tpu.memref_squeeze %dma_start3A_196 : memref<1x8x1024xf32, #tpu.memory_space<hbm>> -> memref<8x1024xf32, #tpu.memory_space<hbm>>
    %dma_start3A_198 = tpu.memref_slice %arg9[%dma_start3A_190] : memref<2x!tpu.dma_semaphore, #tpu.memory_space<semaphore_mem>> -> memref<1x!tpu.dma_semaphore, #tpu.memory_space<semaphore_mem>>
    %dma_start3A_199 = tpu.memref_squeeze %dma_start3A_198 : memref<1x!tpu.dma_semaphore, #tpu.memory_space<semaphore_mem>> -> memref<!tpu.dma_semaphore, #tpu.memory_space<semaphore_mem>>
    %dma_start3A_200 = arith.constant 0 : i32
    %dma_start3A_201 = tpu.memref_slice %arg4[%dma_start3A_189, %add3A_187, %dma_start3A_200] : memref<4x2048x1024xf32, #tpu.memory_space<hbm>> -> memref<1x8x1024xf32, #tpu.memory_space<hbm>>
    %dma_start3A_202 = tpu.memref_squeeze %dma_start3A_201 : memref<1x8x1024xf32, #tpu.memory_space<hbm>> -> memref<8x1024xf32, #tpu.memory_space<hbm>>
    %dma_start3A_203 = arith.constant 0 : i32
    %dma_start3A_204 = arith.constant 0 : i32
    %dma_start3A_205 = tpu.memref_slice %arg6[%dma_start3A_188, %dma_start3A_203, %dma_start3A_204] : memref<2x8x1024xf32, #tpu.memory_space<vmem>> -> memref<1x8x1024xf32, #tpu.memory_space<vmem>>
    %dma_start3A_206 = tpu.memref_squeeze %dma_start3A_205 : memref<1x8x1024xf32, #tpu.memory_space<vmem>> -> memref<8x1024xf32, #tpu.memory_space<vmem>>
    tpu.enqueue_dma source(%dma_start3A_206 : memref<8x1024xf32, #tpu.memory_space<vmem>>) target(%dma_start3A_202 : memref<8x1024xf32, #tpu.memory_space<hbm>>) target_semaphore(%dma_start3A_199 : memref<!tpu.dma_semaphore, #tpu.memory_space<semaphore_mem>>)
    %add3A_207 = arith.constant 0 : i32
    %add3A_208 = arith.addi %mul3A_2, %add3A_207 : i32
    %dma_start3A_209 = arith.constant 3 : i32
    %dma_start3A_210 = arith.constant 1 : i32
    %dma_start3A_211 = arith.constant 1 : i32
    %dma_start3A_212 = arith.constant 0 : i32
    %dma_start3A_213 = arith.constant 0 : i32
    %dma_start3A_214 = tpu.memref_slice %arg5[%dma_start3A_210, %dma_start3A_212, %dma_start3A_213] : memref<2x8x1024xf32, #tpu.memory_space<vmem>> -> memref<1x8x1024xf32, #tpu.memory_space<vmem>>
    %dma_start3A_215 = tpu.memref_squeeze %dma_start3A_214 : memref<1x8x1024xf32, #tpu.memory_space<vmem>> -> memref<8x1024xf32, #tpu.memory_space<vmem>>
    %dma_start3A_216 = arith.constant 0 : i32
    %dma_start3A_217 = tpu.memref_slice %arg2[%dma_start3A_209, %add3A_208, %dma_start3A_216] : memref<4x2048x1024xf32, #tpu.memory_space<hbm>> -> memref<1x8x1024xf32, #tpu.memory_space<hbm>>
    %dma_start3A_218 = tpu.memref_squeeze %dma_start3A_217 : memref<1x8x1024xf32, #tpu.memory_space<hbm>> -> memref<8x1024xf32, #tpu.memory_space<hbm>>
    %dma_start3A_219 = tpu.memref_slice %arg8[%dma_start3A_211] : memref<2x!tpu.dma_semaphore, #tpu.memory_space<semaphore_mem>> -> memref<1x!tpu.dma_semaphore, #tpu.memory_space<semaphore_mem>>
    %dma_start3A_220 = tpu.memref_squeeze %dma_start3A_219 : memref<1x!tpu.dma_semaphore, #tpu.memory_space<semaphore_mem>> -> memref<!tpu.dma_semaphore, #tpu.memory_space<semaphore_mem>>
    %dma_start3A_221 = arith.constant 0 : i32
    %dma_start3A_222 = arith.constant 0 : i32
    %dma_start3A_223 = tpu.memref_slice %arg5[%dma_start3A_210, %dma_start3A_221, %dma_start3A_222] : memref<2x8x1024xf32, #tpu.memory_space<vmem>> -> memref<1x8x1024xf32, #tpu.memory_space<vmem>>
    %dma_start3A_224 = tpu.memref_squeeze %dma_start3A_223 : memref<1x8x1024xf32, #tpu.memory_space<vmem>> -> memref<8x1024xf32, #tpu.memory_space<vmem>>
    %dma_start3A_225 = arith.constant 0 : i32
    %dma_start3A_226 = tpu.memref_slice %arg2[%dma_start3A_209, %add3A_208, %dma_start3A_225] : memref<4x2048x1024xf32, #tpu.memory_space<hbm>> -> memref<1x8x1024xf32, #tpu.memory_space<hbm>>
    %dma_start3A_227 = tpu.memref_squeeze %dma_start3A_226 : memref<1x8x1024xf32, #tpu.memory_space<hbm>> -> memref<8x1024xf32, #tpu.memory_space<hbm>>
    tpu.enqueue_dma source(%dma_start3A_227 : memref<8x1024xf32, #tpu.memory_space<hbm>>) target(%dma_start3A_224 : memref<8x1024xf32, #tpu.memory_space<vmem>>) target_semaphore(%dma_start3A_220 : memref<!tpu.dma_semaphore, #tpu.memory_space<semaphore_mem>>)
    %dma_wait3A_228 = arith.constant 2 : i32
    %dma_wait3A_229 = arith.constant 0 : i32
    %dma_wait3A_230 = arith.constant 0 : i32
    %dma_wait3A_231 = arith.constant 0 : i32
    %dma_wait3A_232 = arith.constant 0 : i32
    %dma_wait3A_233 = tpu.memref_slice %arg5[%dma_wait3A_229, %dma_wait3A_231, %dma_wait3A_232] : memref<2x8x1024xf32, #tpu.memory_space<vmem>> -> memref<1x8x1024xf32, #tpu.memory_space<vmem>>
    %dma_wait3A_234 = tpu.memref_squeeze %dma_wait3A_233 : memref<1x8x1024xf32, #tpu.memory_space<vmem>> -> memref<8x1024xf32, #tpu.memory_space<vmem>>
    %dma_wait3A_235 = arith.constant 0 : i32
    %dma_wait3A_236 = tpu.memref_slice %arg2[%dma_wait3A_228, %add3A_141, %dma_wait3A_235] : memref<4x2048x1024xf32, #tpu.memory_space<hbm>> -> memref<1x8x1024xf32, #tpu.memory_space<hbm>>
    %dma_wait3A_237 = tpu.memref_squeeze %dma_wait3A_236 : memref<1x8x1024xf32, #tpu.memory_space<hbm>> -> memref<8x1024xf32, #tpu.memory_space<hbm>>
    %dma_wait3A_238 = tpu.memref_slice %arg8[%dma_wait3A_230] : memref<2x!tpu.dma_semaphore, #tpu.memory_space<semaphore_mem>> -> memref<1x!tpu.dma_semaphore, #tpu.memory_space<semaphore_mem>>
    %dma_wait3A_239 = tpu.memref_squeeze %dma_wait3A_238 : memref<1x!tpu.dma_semaphore, #tpu.memory_space<semaphore_mem>> -> memref<!tpu.dma_semaphore, #tpu.memory_space<semaphore_mem>>
    %dma_wait3A_240 = arith.constant 0 : i32
    %dma_wait3A_241 = arith.constant 0 : i32
    %dma_wait3A_242 = tpu.memref_slice %arg5[%dma_wait3A_229, %dma_wait3A_240, %dma_wait3A_241] : memref<2x8x1024xf32, #tpu.memory_space<vmem>> -> memref<1x8x1024xf32, #tpu.memory_space<vmem>>
    %dma_wait3A_243 = tpu.memref_squeeze %dma_wait3A_242 : memref<1x8x1024xf32, #tpu.memory_space<vmem>> -> memref<8x1024xf32, #tpu.memory_space<vmem>>
    %dma_wait3A_244 = arith.constant 0 : i32
    %dma_wait3A_245 = tpu.memref_slice %arg2[%dma_wait3A_228, %add3A_141, %dma_wait3A_244] : memref<4x2048x1024xf32, #tpu.memory_space<hbm>> -> memref<1x8x1024xf32, #tpu.memory_space<hbm>>
    %dma_wait3A_246 = tpu.memref_squeeze %dma_wait3A_245 : memref<1x8x1024xf32, #tpu.memory_space<hbm>> -> memref<8x1024xf32, #tpu.memory_space<hbm>>
    tpu.wait_dma2 semaphore(%dma_wait3A_239 : memref<!tpu.dma_semaphore, #tpu.memory_space<semaphore_mem>>) src(%dma_wait3A_246 : memref<8x1024xf32, #tpu.memory_space<hbm>>) dst(%dma_wait3A_243 : memref<8x1024xf32, #tpu.memory_space<vmem>>)
    %dma_wait3A_247 = arith.constant 0 : i32
    %dma_wait3A_248 = arith.constant 0 : i32
    %dma_wait3A_249 = arith.constant 0 : i32
    %dma_wait3A_250 = arith.constant 0 : i32
    %dma_wait3A_251 = arith.constant 0 : i32
    %dma_wait3A_252 = tpu.memref_slice %arg6[%dma_wait3A_247, %dma_wait3A_250, %dma_wait3A_251] : memref<2x8x1024xf32, #tpu.memory_space<vmem>> -> memref<1x8x1024xf32, #tpu.memory_space<vmem>>
    %dma_wait3A_253 = tpu.memref_squeeze %dma_wait3A_252 : memref<1x8x1024xf32, #tpu.memory_space<vmem>> -> memref<8x1024xf32, #tpu.memory_space<vmem>>
    %dma_wait3A_254 = arith.constant 0 : i32
    %dma_wait3A_255 = tpu.memref_slice %arg4[%dma_wait3A_248, %add3A_120, %dma_wait3A_254] : memref<4x2048x1024xf32, #tpu.memory_space<hbm>> -> memref<1x8x1024xf32, #tpu.memory_space<hbm>>
    %dma_wait3A_256 = tpu.memref_squeeze %dma_wait3A_255 : memref<1x8x1024xf32, #tpu.memory_space<hbm>> -> memref<8x1024xf32, #tpu.memory_space<hbm>>
    %dma_wait3A_257 = tpu.memref_slice %arg9[%dma_wait3A_249] : memref<2x!tpu.dma_semaphore, #tpu.memory_space<semaphore_mem>> -> memref<1x!tpu.dma_semaphore, #tpu.memory_space<semaphore_mem>>
    %dma_wait3A_258 = tpu.memref_squeeze %dma_wait3A_257 : memref<1x!tpu.dma_semaphore, #tpu.memory_space<semaphore_mem>> -> memref<!tpu.dma_semaphore, #tpu.memory_space<semaphore_mem>>
    %dma_wait3A_259 = arith.constant 0 : i32
    %dma_wait3A_260 = tpu.memref_slice %arg4[%dma_wait3A_248, %add3A_120, %dma_wait3A_259] : memref<4x2048x1024xf32, #tpu.memory_space<hbm>> -> memref<1x8x1024xf32, #tpu.memory_space<hbm>>
    %dma_wait3A_261 = tpu.memref_squeeze %dma_wait3A_260 : memref<1x8x1024xf32, #tpu.memory_space<hbm>> -> memref<8x1024xf32, #tpu.memory_space<hbm>>
    %dma_wait3A_262 = arith.constant 0 : i32
    %dma_wait3A_263 = arith.constant 0 : i32
    %dma_wait3A_264 = tpu.memref_slice %arg6[%dma_wait3A_247, %dma_wait3A_262, %dma_wait3A_263] : memref<2x8x1024xf32, #tpu.memory_space<vmem>> -> memref<1x8x1024xf32, #tpu.memory_space<vmem>>
    %dma_wait3A_265 = tpu.memref_squeeze %dma_wait3A_264 : memref<1x8x1024xf32, #tpu.memory_space<vmem>> -> memref<8x1024xf32, #tpu.memory_space<vmem>>
    tpu.wait_dma2 semaphore(%dma_wait3A_258 : memref<!tpu.dma_semaphore, #tpu.memory_space<semaphore_mem>>) src(%dma_wait3A_265 : memref<8x1024xf32, #tpu.memory_space<vmem>>) dst(%dma_wait3A_261 : memref<8x1024xf32, #tpu.memory_space<hbm>>)
    %parallel_loop3A_266 = arith.constant 0 : i32
    %parallel_loop3A_267 = arith.constant 1024 : i32
    %parallel_loop3A_268 = arith.constant 16 : i32
    %parallel_loop3A_269 = arith.constant 0 : i32
    %parallel_loop3A_270 = arith.constant 0 : i32
    %parallel_loop3A_271 = arith.constant 0 : i32
    scf.for %parallel_loop3A_756 = %parallel_loop3A_266 to %parallel_loop3A_267 step %parallel_loop3A_268  : i32 {
      %parallel_loop3A_757 = arith.constant 0 : i32
      %parallel_loop3A_758 = arith.constant 0 : i32
      %parallel_loop3A_759 = arith.constant 0 : i32
      %parallel_loop3A_760 = tpu.memref_slice %arg5[%parallel_loop3A_269, %parallel_loop3A_758, %parallel_loop3A_759] : memref<2x8x1024xf32, #tpu.memory_space<vmem>> -> memref<1x8x1024xf32, #tpu.memory_space<vmem>>
      %parallel_loop3A_761 = tpu.memref_squeeze %parallel_loop3A_760 : memref<1x8x1024xf32, #tpu.memory_space<vmem>> -> memref<8x1024xf32, #tpu.memory_space<vmem>>
      %parallel_loop3A_762 = arith.index_cast %parallel_loop3A_757 : i32 to index
      %parallel_loop3A_763 = arith.index_cast %parallel_loop3A_756 : i32 to index
      %parallel_loop3A_764 = tpu.vector_load %parallel_loop3A_761[%parallel_loop3A_762, %parallel_loop3A_763] {strides = array<i32>} : memref<8x1024xf32, #tpu.memory_space<vmem>>, vector<1x16xf32>,
      %parallel_loop3A_765 = vector.shape_cast %parallel_loop3A_764 : vector<1x16xf32> to vector<16xf32>
      %parallel_loop3A_766 = arith.constant 0 : i32
      %parallel_loop3A_767 = arith.constant 0 : i32
      %parallel_loop3A_768 = arith.constant 0 : i32
      %parallel_loop3A_769 = tpu.memref_slice %arg7[%parallel_loop3A_270, %parallel_loop3A_767, %parallel_loop3A_768] : memref<2x8x1024xf32, #tpu.memory_space<vmem>> -> memref<1x8x1024xf32, #tpu.memory_space<vmem>>
      %parallel_loop3A_770 = tpu.memref_squeeze %parallel_loop3A_769 : memref<1x8x1024xf32, #tpu.memory_space<vmem>> -> memref<8x1024xf32, #tpu.memory_space<vmem>>
      %parallel_loop3A_771 = arith.index_cast %parallel_loop3A_766 : i32 to index
      %parallel_loop3A_772 = arith.index_cast %parallel_loop3A_756 : i32 to index
      %parallel_loop3A_773 = tpu.vector_load %parallel_loop3A_770[%parallel_loop3A_771, %parallel_loop3A_772] {strides = array<i32>} : memref<8x1024xf32, #tpu.memory_space<vmem>>, vector<1x16xf32>,
      %parallel_loop3A_774 = vector.shape_cast %parallel_loop3A_773 : vector<1x16xf32> to vector<16xf32>
      %parallel_loop3A_775 = arith.addf %parallel_loop3A_765, %parallel_loop3A_774 : vector<16xf32>
      %parallel_loop3A_776 = arith.constant 0 : i32
      %parallel_loop3A_777 = arith.constant 0 : i32
      %parallel_loop3A_778 = arith.constant 0 : i32
      %parallel_loop3A_779 = tpu.memref_slice %arg6[%parallel_loop3A_271, %parallel_loop3A_777, %parallel_loop3A_778] : memref<2x8x1024xf32, #tpu.memory_space<vmem>> -> memref<1x8x1024xf32, #tpu.memory_space<vmem>>
      %parallel_loop3A_780 = tpu.memref_squeeze %parallel_loop3A_779 : memref<1x8x1024xf32, #tpu.memory_space<vmem>> -> memref<8x1024xf32, #tpu.memory_space<vmem>>
      %parallel_loop3A_781 = arith.index_cast %parallel_loop3A_776 : i32 to index
      %parallel_loop3A_782 = arith.index_cast %parallel_loop3A_756 : i32 to index
      %parallel_loop3A_783 = tpu.vector_load %parallel_loop3A_780[%parallel_loop3A_781, %parallel_loop3A_782] {strides = array<i32>} : memref<8x1024xf32, #tpu.memory_space<vmem>>, vector<1x16xf32>,
      %parallel_loop3A_784 = vector.shape_cast %parallel_loop3A_783 : vector<1x16xf32> to vector<16xf32>
      %parallel_loop3A_785 = vector.shape_cast %parallel_loop3A_775 : vector<16xf32> to vector<1x16xf32>
      tpu.vector_store %parallel_loop3A_780[%parallel_loop3A_781, %parallel_loop3A_782], %parallel_loop3A_785 {strides = array<i32>} : memref<8x1024xf32, #tpu.memory_space<vmem>>, vector<1x16xf32>,
      %parallel_loop3A_786 = arith.constant 1 : i32
      %parallel_loop3A_787 = arith.constant 0 : i32
      %parallel_loop3A_788 = arith.constant 0 : i32
      %parallel_loop3A_789 = tpu.memref_slice %arg5[%parallel_loop3A_269, %parallel_loop3A_787, %parallel_loop3A_788] : memref<2x8x1024xf32, #tpu.memory_space<vmem>> -> memref<1x8x1024xf32, #tpu.memory_space<vmem>>
      %parallel_loop3A_790 = tpu.memref_squeeze %parallel_loop3A_789 : memref<1x8x1024xf32, #tpu.memory_space<vmem>> -> memref<8x1024xf32, #tpu.memory_space<vmem>>
      %parallel_loop3A_791 = arith.index_cast %parallel_loop3A_786 : i32 to index
      %parallel_loop3A_792 = arith.index_cast %parallel_loop3A_756 : i32 to index
      %parallel_loop3A_793 = tpu.vector_load %parallel_loop3A_790[%parallel_loop3A_791, %parallel_loop3A_792] {strides = array<i32>} : memref<8x1024xf32, #tpu.memory_space<vmem>>, vector<1x16xf32>,
      %parallel_loop3A_794 = vector.shape_cast %parallel_loop3A_793 : vector<1x16xf32> to vector<16xf32>
      %parallel_loop3A_795 = arith.constant 1 : i32
      %parallel_loop3A_796 = arith.constant 0 : i32
      %parallel_loop3A_797 = arith.constant 0 : i32
      %parallel_loop3A_798 = tpu.memref_slice %arg7[%parallel_loop3A_270, %parallel_loop3A_796, %parallel_loop3A_797] : memref<2x8x1024xf32, #tpu.memory_space<vmem>> -> memref<1x8x1024xf32, #tpu.memory_space<vmem>>
      %parallel_loop3A_799 = tpu.memref_squeeze %parallel_loop3A_798 : memref<1x8x1024xf32, #tpu.memory_space<vmem>> -> memref<8x1024xf32, #tpu.memory_space<vmem>>
      %parallel_loop3A_800 = arith.index_cast %parallel_loop3A_795 : i32 to index
      %parallel_loop3A_801 = arith.index_cast %parallel_loop3A_756 : i32 to index
      %parallel_loop3A_802 = tpu.vector_load %parallel_loop3A_799[%parallel_loop3A_800, %parallel_loop3A_801] {strides = array<i32>} : memref<8x1024xf32, #tpu.memory_space<vmem>>, vector<1x16xf32>,
      %parallel_loop3A_803 = vector.shape_cast %parallel_loop3A_802 : vector<1x16xf32> to vector<16xf32>
      %parallel_loop3A_804 = arith.addf %parallel_loop3A_794, %parallel_loop3A_803 : vector<16xf32>
      %parallel_loop3A_805 = arith.constant 1 : i32
      %parallel_loop3A_806 = arith.constant 0 : i32
      %parallel_loop3A_807 = arith.constant 0 : i32
      %parallel_loop3A_808 = tpu.memref_slice %arg6[%parallel_loop3A_271, %parallel_loop3A_806, %parallel_loop3A_807] : memref<2x8x1024xf32, #tpu.memory_space<vmem>> -> memref<1x8x1024xf32, #tpu.memory_space<vmem>>
      %parallel_loop3A_809 = tpu.memref_squeeze %parallel_loop3A_808 : memref<1x8x1024xf32, #tpu.memory_space<vmem>> -> memref<8x1024xf32, #tpu.memory_space<vmem>>
      %parallel_loop3A_810 = arith.index_cast %parallel_loop3A_805 : i32 to index
      %parallel_loop3A_811 = arith.index_cast %parallel_loop3A_756 : i32 to index
      %parallel_loop3A_812 = tpu.vector_load %parallel_loop3A_809[%parallel_loop3A_810, %parallel_loop3A_811] {strides = array<i32>} : memref<8x1024xf32, #tpu.memory_space<vmem>>, vector<1x16xf32>,
      %parallel_loop3A_813 = vector.shape_cast %parallel_loop3A_812 : vector<1x16xf32> to vector<16xf32>
      %parallel_loop3A_814 = vector.shape_cast %parallel_loop3A_804 : vector<16xf32> to vector<1x16xf32>
      tpu.vector_store %parallel_loop3A_809[%parallel_loop3A_810, %parallel_loop3A_811], %parallel_loop3A_814 {strides = array<i32>} : memref<8x1024xf32, #tpu.memory_space<vmem>>, vector<1x16xf32>,
      %parallel_loop3A_815 = arith.constant 2 : i32
      %parallel_loop3A_816 = arith.constant 0 : i32
      %parallel_loop3A_817 = arith.constant 0 : i32
      %parallel_loop3A_818 = tpu.memref_slice %arg5[%parallel_loop3A_269, %parallel_loop3A_816, %parallel_loop3A_817] : memref<2x8x1024xf32, #tpu.memory_space<vmem>> -> memref<1x8x1024xf32, #tpu.memory_space<vmem>>
      %parallel_loop3A_819 = tpu.memref_squeeze %parallel_loop3A_818 : memref<1x8x1024xf32, #tpu.memory_space<vmem>> -> memref<8x1024xf32, #tpu.memory_space<vmem>>
      %parallel_loop3A_820 = arith.index_cast %parallel_loop3A_815 : i32 to index
      %parallel_loop3A_821 = arith.index_cast %parallel_loop3A_756 : i32 to index
      %parallel_loop3A_822 = tpu.vector_load %parallel_loop3A_819[%parallel_loop3A_820, %parallel_loop3A_821] {strides = array<i32>} : memref<8x1024xf32, #tpu.memory_space<vmem>>, vector<1x16xf32>,
      %parallel_loop3A_823 = vector.shape_cast %parallel_loop3A_822 : vector<1x16xf32> to vector<16xf32>
      %parallel_loop3A_824 = arith.constant 2 : i32
      %parallel_loop3A_825 = arith.constant 0 : i32
      %parallel_loop3A_826 = arith.constant 0 : i32
      %parallel_loop3A_827 = tpu.memref_slice %arg7[%parallel_loop3A_270, %parallel_loop3A_825, %parallel_loop3A_826] : memref<2x8x1024xf32, #tpu.memory_space<vmem>> -> memref<1x8x1024xf32, #tpu.memory_space<vmem>>
      %parallel_loop3A_828 = tpu.memref_squeeze %parallel_loop3A_827 : memref<1x8x1024xf32, #tpu.memory_space<vmem>> -> memref<8x1024xf32, #tpu.memory_space<vmem>>
      %parallel_loop3A_829 = arith.index_cast %parallel_loop3A_824 : i32 to index
      %parallel_loop3A_830 = arith.index_cast %parallel_loop3A_756 : i32 to index
      %parallel_loop3A_831 = tpu.vector_load %parallel_loop3A_828[%parallel_loop3A_829, %parallel_loop3A_830] {strides = array<i32>} : memref<8x1024xf32, #tpu.memory_space<vmem>>, vector<1x16xf32>,
      %parallel_loop3A_832 = vector.shape_cast %parallel_loop3A_831 : vector<1x16xf32> to vector<16xf32>
      %parallel_loop3A_833 = arith.addf %parallel_loop3A_823, %parallel_loop3A_832 : vector<16xf32>
      %parallel_loop3A_834 = arith.constant 2 : i32
      %parallel_loop3A_835 = arith.constant 0 : i32
      %parallel_loop3A_836 = arith.constant 0 : i32
      %parallel_loop3A_837 = tpu.memref_slice %arg6[%parallel_loop3A_271, %parallel_loop3A_835, %parallel_loop3A_836] : memref<2x8x1024xf32, #tpu.memory_space<vmem>> -> memref<1x8x1024xf32, #tpu.memory_space<vmem>>
      %parallel_loop3A_838 = tpu.memref_squeeze %parallel_loop3A_837 : memref<1x8x1024xf32, #tpu.memory_space<vmem>> -> memref<8x1024xf32, #tpu.memory_space<vmem>>
      %parallel_loop3A_839 = arith.index_cast %parallel_loop3A_834 : i32 to index
      %parallel_loop3A_840 = arith.index_cast %parallel_loop3A_756 : i32 to index
      %parallel_loop3A_841 = tpu.vector_load %parallel_loop3A_838[%parallel_loop3A_839, %parallel_loop3A_840] {strides = array<i32>} : memref<8x1024xf32, #tpu.memory_space<vmem>>, vector<1x16xf32>,
      %parallel_loop3A_842 = vector.shape_cast %parallel_loop3A_841 : vector<1x16xf32> to vector<16xf32>
      %parallel_loop3A_843 = vector.shape_cast %parallel_loop3A_833 : vector<16xf32> to vector<1x16xf32>
      tpu.vector_store %parallel_loop3A_838[%parallel_loop3A_839, %parallel_loop3A_840], %parallel_loop3A_843 {strides = array<i32>} : memref<8x1024xf32, #tpu.memory_space<vmem>>, vector<1x16xf32>,
      %parallel_loop3A_844 = arith.constant 3 : i32
      %parallel_loop3A_845 = arith.constant 0 : i32
      %parallel_loop3A_846 = arith.constant 0 : i32
      %parallel_loop3A_847 = tpu.memref_slice %arg5[%parallel_loop3A_269, %parallel_loop3A_845, %parallel_loop3A_846] : memref<2x8x1024xf32, #tpu.memory_space<vmem>> -> memref<1x8x1024xf32, #tpu.memory_space<vmem>>
      %parallel_loop3A_848 = tpu.memref_squeeze %parallel_loop3A_847 : memref<1x8x1024xf32, #tpu.memory_space<vmem>> -> memref<8x1024xf32, #tpu.memory_space<vmem>>
      %parallel_loop3A_849 = arith.index_cast %parallel_loop3A_844 : i32 to index
      %parallel_loop3A_850 = arith.index_cast %parallel_loop3A_756 : i32 to index
      %parallel_loop3A_851 = tpu.vector_load %parallel_loop3A_848[%parallel_loop3A_849, %parallel_loop3A_850] {strides = array<i32>} : memref<8x1024xf32, #tpu.memory_space<vmem>>, vector<1x16xf32>,
      %parallel_loop3A_852 = vector.shape_cast %parallel_loop3A_851 : vector<1x16xf32> to vector<16xf32>
      %parallel_loop3A_853 = arith.constant 3 : i32
      %parallel_loop3A_854 = arith.constant 0 : i32
      %parallel_loop3A_855 = arith.constant 0 : i32
      %parallel_loop3A_856 = tpu.memref_slice %arg7[%parallel_loop3A_270, %parallel_loop3A_854, %parallel_loop3A_855] : memref<2x8x1024xf32, #tpu.memory_space<vmem>> -> memref<1x8x1024xf32, #tpu.memory_space<vmem>>
      %parallel_loop3A_857 = tpu.memref_squeeze %parallel_loop3A_856 : memref<1x8x1024xf32, #tpu.memory_space<vmem>> -> memref<8x1024xf32, #tpu.memory_space<vmem>>
      %parallel_loop3A_858 = arith.index_cast %parallel_loop3A_853 : i32 to index
      %parallel_loop3A_859 = arith.index_cast %parallel_loop3A_756 : i32 to index
      %parallel_loop3A_860 = tpu.vector_load %parallel_loop3A_857[%parallel_loop3A_858, %parallel_loop3A_859] {strides = array<i32>} : memref<8x1024xf32, #tpu.memory_space<vmem>>, vector<1x16xf32>,
      %parallel_loop3A_861 = vector.shape_cast %parallel_loop3A_860 : vector<1x16xf32> to vector<16xf32>
      %parallel_loop3A_862 = arith.addf %parallel_loop3A_852, %parallel_loop3A_861 : vector<16xf32>
      %parallel_loop3A_863 = arith.constant 3 : i32
      %parallel_loop3A_864 = arith.constant 0 : i32
      %parallel_loop3A_865 = arith.constant 0 : i32
      %parallel_loop3A_866 = tpu.memref_slice %arg6[%parallel_loop3A_271, %parallel_loop3A_864, %parallel_loop3A_865] : memref<2x8x1024xf32, #tpu.memory_space<vmem>> -> memref<1x8x1024xf32, #tpu.memory_space<vmem>>
      %parallel_loop3A_867 = tpu.memref_squeeze %parallel_loop3A_866 : memref<1x8x1024xf32, #tpu.memory_space<vmem>> -> memref<8x1024xf32, #tpu.memory_space<vmem>>
      %parallel_loop3A_868 = arith.index_cast %parallel_loop3A_863 : i32 to index
      %parallel_loop3A_869 = arith.index_cast %parallel_loop3A_756 : i32 to index
      %parallel_loop3A_870 = tpu.vector_load %parallel_loop3A_867[%parallel_loop3A_868, %parallel_loop3A_869] {strides = array<i32>} : memref<8x1024xf32, #tpu.memory_space<vmem>>, vector<1x16xf32>,
      %parallel_loop3A_871 = vector.shape_cast %parallel_loop3A_870 : vector<1x16xf32> to vector<16xf32>
      %parallel_loop3A_872 = vector.shape_cast %parallel_loop3A_862 : vector<16xf32> to vector<1x16xf32>
      tpu.vector_store %parallel_loop3A_867[%parallel_loop3A_868, %parallel_loop3A_869], %parallel_loop3A_872 {strides = array<i32>} : memref<8x1024xf32, #tpu.memory_space<vmem>>, vector<1x16xf32>,
      %parallel_loop3A_873 = arith.constant 4 : i32
      %parallel_loop3A_874 = arith.constant 0 : i32
      %parallel_loop3A_875 = arith.constant 0 : i32
      %parallel_loop3A_876 = tpu.memref_slice %arg5[%parallel_loop3A_269, %parallel_loop3A_874, %parallel_loop3A_875] : memref<2x8x1024xf32, #tpu.memory_space<vmem>> -> memref<1x8x1024xf32, #tpu.memory_space<vmem>>
      %parallel_loop3A_877 = tpu.memref_squeeze %parallel_loop3A_876 : memref<1x8x1024xf32, #tpu.memory_space<vmem>> -> memref<8x1024xf32, #tpu.memory_space<vmem>>
      %parallel_loop3A_878 = arith.index_cast %parallel_loop3A_873 : i32 to index
      %parallel_loop3A_879 = arith.index_cast %parallel_loop3A_756 : i32 to index
      %parallel_loop3A_880 = tpu.vector_load %parallel_loop3A_877[%parallel_loop3A_878, %parallel_loop3A_879] {strides = array<i32>} : memref<8x1024xf32, #tpu.memory_space<vmem>>, vector<1x16xf32>,
      %parallel_loop3A_881 = vector.shape_cast %parallel_loop3A_880 : vector<1x16xf32> to vector<16xf32>
      %parallel_loop3A_882 = arith.constant 4 : i32
      %parallel_loop3A_883 = arith.constant 0 : i32
      %parallel_loop3A_884 = arith.constant 0 : i32
      %parallel_loop3A_885 = tpu.memref_slice %arg7[%parallel_loop3A_270, %parallel_loop3A_883, %parallel_loop3A_884] : memref<2x8x1024xf32, #tpu.memory_space<vmem>> -> memref<1x8x1024xf32, #tpu.memory_space<vmem>>
      %parallel_loop3A_886 = tpu.memref_squeeze %parallel_loop3A_885 : memref<1x8x1024xf32, #tpu.memory_space<vmem>> -> memref<8x1024xf32, #tpu.memory_space<vmem>>
      %parallel_loop3A_887 = arith.index_cast %parallel_loop3A_882 : i32 to index
      %parallel_loop3A_888 = arith.index_cast %parallel_loop3A_756 : i32 to index
      %parallel_loop3A_889 = tpu.vector_load %parallel_loop3A_886[%parallel_loop3A_887, %parallel_loop3A_888] {strides = array<i32>} : memref<8x1024xf32, #tpu.memory_space<vmem>>, vector<1x16xf32>,
      %parallel_loop3A_890 = vector.shape_cast %parallel_loop3A_889 : vector<1x16xf32> to vector<16xf32>
      %parallel_loop3A_891 = arith.addf %parallel_loop3A_881, %parallel_loop3A_890 : vector<16xf32>
      %parallel_loop3A_892 = arith.constant 4 : i32
      %parallel_loop3A_893 = arith.constant 0 : i32
      %parallel_loop3A_894 = arith.constant 0 : i32
      %parallel_loop3A_895 = tpu.memref_slice %arg6[%parallel_loop3A_271, %parallel_loop3A_893, %parallel_loop3A_894] : memref<2x8x1024xf32, #tpu.memory_space<vmem>> -> memref<1x8x1024xf32, #tpu.memory_space<vmem>>
      %parallel_loop3A_896 = tpu.memref_squeeze %parallel_loop3A_895 : memref<1x8x1024xf32, #tpu.memory_space<vmem>> -> memref<8x1024xf32, #tpu.memory_space<vmem>>
      %parallel_loop3A_897 = arith.index_cast %parallel_loop3A_892 : i32 to index
      %parallel_loop3A_898 = arith.index_cast %parallel_loop3A_756 : i32 to index
      %parallel_loop3A_899 = tpu.vector_load %parallel_loop3A_896[%parallel_loop3A_897, %parallel_loop3A_898] {strides = array<i32>} : memref<8x1024xf32, #tpu.memory_space<vmem>>, vector<1x16xf32>,
      %parallel_loop3A_900 = vector.shape_cast %parallel_loop3A_899 : vector<1x16xf32> to vector<16xf32>
      %parallel_loop3A_901 = vector.shape_cast %parallel_loop3A_891 : vector<16xf32> to vector<1x16xf32>
      tpu.vector_store %parallel_loop3A_896[%parallel_loop3A_897, %parallel_loop3A_898], %parallel_loop3A_901 {strides = array<i32>} : memref<8x1024xf32, #tpu.memory_space<vmem>>, vector<1x16xf32>,
      %parallel_loop3A_902 = arith.constant 5 : i32
      %parallel_loop3A_903 = arith.constant 0 : i32
      %parallel_loop3A_904 = arith.constant 0 : i32
      %parallel_loop3A_905 = tpu.memref_slice %arg5[%parallel_loop3A_269, %parallel_loop3A_903, %parallel_loop3A_904] : memref<2x8x1024xf32, #tpu.memory_space<vmem>> -> memref<1x8x1024xf32, #tpu.memory_space<vmem>>
      %parallel_loop3A_906 = tpu.memref_squeeze %parallel_loop3A_905 : memref<1x8x1024xf32, #tpu.memory_space<vmem>> -> memref<8x1024xf32, #tpu.memory_space<vmem>>
      %parallel_loop3A_907 = arith.index_cast %parallel_loop3A_902 : i32 to index
      %parallel_loop3A_908 = arith.index_cast %parallel_loop3A_756 : i32 to index
      %parallel_loop3A_909 = tpu.vector_load %parallel_loop3A_906[%parallel_loop3A_907, %parallel_loop3A_908] {strides = array<i32>} : memref<8x1024xf32, #tpu.memory_space<vmem>>, vector<1x16xf32>,
      %parallel_loop3A_910 = vector.shape_cast %parallel_loop3A_909 : vector<1x16xf32> to vector<16xf32>
      %parallel_loop3A_911 = arith.constant 5 : i32
      %parallel_loop3A_912 = arith.constant 0 : i32
      %parallel_loop3A_913 = arith.constant 0 : i32
      %parallel_loop3A_914 = tpu.memref_slice %arg7[%parallel_loop3A_270, %parallel_loop3A_912, %parallel_loop3A_913] : memref<2x8x1024xf32, #tpu.memory_space<vmem>> -> memref<1x8x1024xf32, #tpu.memory_space<vmem>>
      %parallel_loop3A_915 = tpu.memref_squeeze %parallel_loop3A_914 : memref<1x8x1024xf32, #tpu.memory_space<vmem>> -> memref<8x1024xf32, #tpu.memory_space<vmem>>
      %parallel_loop3A_916 = arith.index_cast %parallel_loop3A_911 : i32 to index
      %parallel_loop3A_917 = arith.index_cast %parallel_loop3A_756 : i32 to index
      %parallel_loop3A_918 = tpu.vector_load %parallel_loop3A_915[%parallel_loop3A_916, %parallel_loop3A_917] {strides = array<i32>} : memref<8x1024xf32, #tpu.memory_space<vmem>>, vector<1x16xf32>,
      %parallel_loop3A_919 = vector.shape_cast %parallel_loop3A_918 : vector<1x16xf32> to vector<16xf32>
      %parallel_loop3A_920 = arith.addf %parallel_loop3A_910, %parallel_loop3A_919 : vector<16xf32>
      %parallel_loop3A_921 = arith.constant 5 : i32
      %parallel_loop3A_922 = arith.constant 0 : i32
      %parallel_loop3A_923 = arith.constant 0 : i32
      %parallel_loop3A_924 = tpu.memref_slice %arg6[%parallel_loop3A_271, %parallel_loop3A_922, %parallel_loop3A_923] : memref<2x8x1024xf32, #tpu.memory_space<vmem>> -> memref<1x8x1024xf32, #tpu.memory_space<vmem>>
      %parallel_loop3A_925 = tpu.memref_squeeze %parallel_loop3A_924 : memref<1x8x1024xf32, #tpu.memory_space<vmem>> -> memref<8x1024xf32, #tpu.memory_space<vmem>>
      %parallel_loop3A_926 = arith.index_cast %parallel_loop3A_921 : i32 to index
      %parallel_loop3A_927 = arith.index_cast %parallel_loop3A_756 : i32 to index
      %parallel_loop3A_928 = tpu.vector_load %parallel_loop3A_925[%parallel_loop3A_926, %parallel_loop3A_927] {strides = array<i32>} : memref<8x1024xf32, #tpu.memory_space<vmem>>, vector<1x16xf32>,
      %parallel_loop3A_929 = vector.shape_cast %parallel_loop3A_928 : vector<1x16xf32> to vector<16xf32>
      %parallel_loop3A_930 = vector.shape_cast %parallel_loop3A_920 : vector<16xf32> to vector<1x16xf32>
      tpu.vector_store %parallel_loop3A_925[%parallel_loop3A_926, %parallel_loop3A_927], %parallel_loop3A_930 {strides = array<i32>} : memref<8x1024xf32, #tpu.memory_space<vmem>>, vector<1x16xf32>,
      %parallel_loop3A_931 = arith.constant 6 : i32
      %parallel_loop3A_932 = arith.constant 0 : i32
      %parallel_loop3A_933 = arith.constant 0 : i32
      %parallel_loop3A_934 = tpu.memref_slice %arg5[%parallel_loop3A_269, %parallel_loop3A_932, %parallel_loop3A_933] : memref<2x8x1024xf32, #tpu.memory_space<vmem>> -> memref<1x8x1024xf32, #tpu.memory_space<vmem>>
      %parallel_loop3A_935 = tpu.memref_squeeze %parallel_loop3A_934 : memref<1x8x1024xf32, #tpu.memory_space<vmem>> -> memref<8x1024xf32, #tpu.memory_space<vmem>>
      %parallel_loop3A_936 = arith.index_cast %parallel_loop3A_931 : i32 to index
      %parallel_loop3A_937 = arith.index_cast %parallel_loop3A_756 : i32 to index
      %parallel_loop3A_938 = tpu.vector_load %parallel_loop3A_935[%parallel_loop3A_936, %parallel_loop3A_937] {strides = array<i32>} : memref<8x1024xf32, #tpu.memory_space<vmem>>, vector<1x16xf32>,
      %parallel_loop3A_939 = vector.shape_cast %parallel_loop3A_938 : vector<1x16xf32> to vector<16xf32>
      %parallel_loop3A_940 = arith.constant 6 : i32
      %parallel_loop3A_941 = arith.constant 0 : i32
      %parallel_loop3A_942 = arith.constant 0 : i32
      %parallel_loop3A_943 = tpu.memref_slice %arg7[%parallel_loop3A_270, %parallel_loop3A_941, %parallel_loop3A_942] : memref<2x8x1024xf32, #tpu.memory_space<vmem>> -> memref<1x8x1024xf32, #tpu.memory_space<vmem>>
      %parallel_loop3A_944 = tpu.memref_squeeze %parallel_loop3A_943 : memref<1x8x1024xf32, #tpu.memory_space<vmem>> -> memref<8x1024xf32, #tpu.memory_space<vmem>>
      %parallel_loop3A_945 = arith.index_cast %parallel_loop3A_940 : i32 to index
      %parallel_loop3A_946 = arith.index_cast %parallel_loop3A_756 : i32 to index
      %parallel_loop3A_947 = tpu.vector_load %parallel_loop3A_944[%parallel_loop3A_945, %parallel_loop3A_946] {strides = array<i32>} : memref<8x1024xf32, #tpu.memory_space<vmem>>, vector<1x16xf32>,
      %parallel_loop3A_948 = vector.shape_cast %parallel_loop3A_947 : vector<1x16xf32> to vector<16xf32>
      %parallel_loop3A_949 = arith.addf %parallel_loop3A_939, %parallel_loop3A_948 : vector<16xf32>
      %parallel_loop3A_950 = arith.constant 6 : i32
      %parallel_loop3A_951 = arith.constant 0 : i32
      %parallel_loop3A_952 = arith.constant 0 : i32
      %parallel_loop3A_953 = tpu.memref_slice %arg6[%parallel_loop3A_271, %parallel_loop3A_951, %parallel_loop3A_952] : memref<2x8x1024xf32, #tpu.memory_space<vmem>> -> memref<1x8x1024xf32, #tpu.memory_space<vmem>>
      %parallel_loop3A_954 = tpu.memref_squeeze %parallel_loop3A_953 : memref<1x8x1024xf32, #tpu.memory_space<vmem>> -> memref<8x1024xf32, #tpu.memory_space<vmem>>
      %parallel_loop3A_955 = arith.index_cast %parallel_loop3A_950 : i32 to index
      %parallel_loop3A_956 = arith.index_cast %parallel_loop3A_756 : i32 to index
      %parallel_loop3A_957 = tpu.vector_load %parallel_loop3A_954[%parallel_loop3A_955, %parallel_loop3A_956] {strides = array<i32>} : memref<8x1024xf32, #tpu.memory_space<vmem>>, vector<1x16xf32>,
      %parallel_loop3A_958 = vector.shape_cast %parallel_loop3A_957 : vector<1x16xf32> to vector<16xf32>
      %parallel_loop3A_959 = vector.shape_cast %parallel_loop3A_949 : vector<16xf32> to vector<1x16xf32>
      tpu.vector_store %parallel_loop3A_954[%parallel_loop3A_955, %parallel_loop3A_956], %parallel_loop3A_959 {strides = array<i32>} : memref<8x1024xf32, #tpu.memory_space<vmem>>, vector<1x16xf32>,
      %parallel_loop3A_960 = arith.constant 7 : i32
      %parallel_loop3A_961 = arith.constant 0 : i32
      %parallel_loop3A_962 = arith.constant 0 : i32
      %parallel_loop3A_963 = tpu.memref_slice %arg5[%parallel_loop3A_269, %parallel_loop3A_961, %parallel_loop3A_962] : memref<2x8x1024xf32, #tpu.memory_space<vmem>> -> memref<1x8x1024xf32, #tpu.memory_space<vmem>>
      %parallel_loop3A_964 = tpu.memref_squeeze %parallel_loop3A_963 : memref<1x8x1024xf32, #tpu.memory_space<vmem>> -> memref<8x1024xf32, #tpu.memory_space<vmem>>
      %parallel_loop3A_965 = arith.index_cast %parallel_loop3A_960 : i32 to index
      %parallel_loop3A_966 = arith.index_cast %parallel_loop3A_756 : i32 to index
      %parallel_loop3A_967 = tpu.vector_load %parallel_loop3A_964[%parallel_loop3A_965, %parallel_loop3A_966] {strides = array<i32>} : memref<8x1024xf32, #tpu.memory_space<vmem>>, vector<1x16xf32>,
      %parallel_loop3A_968 = vector.shape_cast %parallel_loop3A_967 : vector<1x16xf32> to vector<16xf32>
      %parallel_loop3A_969 = arith.constant 7 : i32
      %parallel_loop3A_970 = arith.constant 0 : i32
      %parallel_loop3A_971 = arith.constant 0 : i32
      %parallel_loop3A_972 = tpu.memref_slice %arg7[%parallel_loop3A_270, %parallel_loop3A_970, %parallel_loop3A_971] : memref<2x8x1024xf32, #tpu.memory_space<vmem>> -> memref<1x8x1024xf32, #tpu.memory_space<vmem>>
      %parallel_loop3A_973 = tpu.memref_squeeze %parallel_loop3A_972 : memref<1x8x1024xf32, #tpu.memory_space<vmem>> -> memref<8x1024xf32, #tpu.memory_space<vmem>>
      %parallel_loop3A_974 = arith.index_cast %parallel_loop3A_969 : i32 to index
      %parallel_loop3A_975 = arith.index_cast %parallel_loop3A_756 : i32 to index
      %parallel_loop3A_976 = tpu.vector_load %parallel_loop3A_973[%parallel_loop3A_974, %parallel_loop3A_975] {strides = array<i32>} : memref<8x1024xf32, #tpu.memory_space<vmem>>, vector<1x16xf32>,
      %parallel_loop3A_977 = vector.shape_cast %parallel_loop3A_976 : vector<1x16xf32> to vector<16xf32>
      %parallel_loop3A_978 = arith.addf %parallel_loop3A_968, %parallel_loop3A_977 : vector<16xf32>
      %parallel_loop3A_979 = arith.constant 7 : i32
      %parallel_loop3A_980 = arith.constant 0 : i32
      %parallel_loop3A_981 = arith.constant 0 : i32
      %parallel_loop3A_982 = tpu.memref_slice %arg6[%parallel_loop3A_271, %parallel_loop3A_980, %parallel_loop3A_981] : memref<2x8x1024xf32, #tpu.memory_space<vmem>> -> memref<1x8x1024xf32, #tpu.memory_space<vmem>>
      %parallel_loop3A_983 = tpu.memref_squeeze %parallel_loop3A_982 : memref<1x8x1024xf32, #tpu.memory_space<vmem>> -> memref<8x1024xf32, #tpu.memory_space<vmem>>
      %parallel_loop3A_984 = arith.index_cast %parallel_loop3A_979 : i32 to index
      %parallel_loop3A_985 = arith.index_cast %parallel_loop3A_756 : i32 to index
      %parallel_loop3A_986 = tpu.vector_load %parallel_loop3A_983[%parallel_loop3A_984, %parallel_loop3A_985] {strides = array<i32>} : memref<8x1024xf32, #tpu.memory_space<vmem>>, vector<1x16xf32>,
      %parallel_loop3A_987 = vector.shape_cast %parallel_loop3A_986 : vector<1x16xf32> to vector<16xf32>
      %parallel_loop3A_988 = vector.shape_cast %parallel_loop3A_978 : vector<16xf32> to vector<1x16xf32>
      tpu.vector_store %parallel_loop3A_983[%parallel_loop3A_984, %parallel_loop3A_985], %parallel_loop3A_988 {strides = array<i32>} : memref<8x1024xf32, #tpu.memory_space<vmem>>, vector<1x16xf32>,
    } {sc.loop_unroll_factor = 2 : i64, sc.parallel_access}
    %add3A_272 = arith.constant 0 : i32
    %add3A_273 = arith.addi %mul3A_2, %add3A_272 : i32
    %dma_start3A_274 = arith.constant 0 : i32
    %dma_start3A_275 = arith.constant 2 : i32
    %dma_start3A_276 = arith.constant 0 : i32
    %dma_start3A_277 = arith.constant 0 : i32
    %dma_start3A_278 = arith.constant 0 : i32
    %dma_start3A_279 = tpu.memref_slice %arg6[%dma_start3A_274, %dma_start3A_277, %dma_start3A_278] : memref<2x8x1024xf32, #tpu.memory_space<vmem>> -> memref<1x8x1024xf32, #tpu.memory_space<vmem>>
    %dma_start3A_280 = tpu.memref_squeeze %dma_start3A_279 : memref<1x8x1024xf32, #tpu.memory_space<vmem>> -> memref<8x1024xf32, #tpu.memory_space<vmem>>
    %dma_start3A_281 = arith.constant 0 : i32
    %dma_start3A_282 = tpu.memref_slice %arg4[%dma_start3A_275, %add3A_273, %dma_start3A_281] : memref<4x2048x1024xf32, #tpu.memory_space<hbm>> -> memref<1x8x1024xf32, #tpu.memory_space<hbm>>
    %dma_start3A_283 = tpu.memref_squeeze %dma_start3A_282 : memref<1x8x1024xf32, #tpu.memory_space<hbm>> -> memref<8x1024xf32, #tpu.memory_space<hbm>>
    %dma_start3A_284 = tpu.memref_slice %arg9[%dma_start3A_276] : memref<2x!tpu.dma_semaphore, #tpu.memory_space<semaphore_mem>> -> memref<1x!tpu.dma_semaphore, #tpu.memory_space<semaphore_mem>>
    %dma_start3A_285 = tpu.memref_squeeze %dma_start3A_284 : memref<1x!tpu.dma_semaphore, #tpu.memory_space<semaphore_mem>> -> memref<!tpu.dma_semaphore, #tpu.memory_space<semaphore_mem>>
    %dma_start3A_286 = arith.constant 0 : i32
    %dma_start3A_287 = tpu.memref_slice %arg4[%dma_start3A_275, %add3A_273, %dma_start3A_286] : memref<4x2048x1024xf32, #tpu.memory_space<hbm>> -> memref<1x8x1024xf32, #tpu.memory_space<hbm>>
    %dma_start3A_288 = tpu.memref_squeeze %dma_start3A_287 : memref<1x8x1024xf32, #tpu.memory_space<hbm>> -> memref<8x1024xf32, #tpu.memory_space<hbm>>
    %dma_start3A_289 = arith.constant 0 : i32
    %dma_start3A_290 = arith.constant 0 : i32
    %dma_start3A_291 = tpu.memref_slice %arg6[%dma_start3A_274, %dma_start3A_289, %dma_start3A_290] : memref<2x8x1024xf32, #tpu.memory_space<vmem>> -> memref<1x8x1024xf32, #tpu.memory_space<vmem>>
    %dma_start3A_292 = tpu.memref_squeeze %dma_start3A_291 : memref<1x8x1024xf32, #tpu.memory_space<vmem>> -> memref<8x1024xf32, #tpu.memory_space<vmem>>
    tpu.enqueue_dma source(%dma_start3A_292 : memref<8x1024xf32, #tpu.memory_space<vmem>>) target(%dma_start3A_288 : memref<8x1024xf32, #tpu.memory_space<hbm>>) target_semaphore(%dma_start3A_285 : memref<!tpu.dma_semaphore, #tpu.memory_space<semaphore_mem>>)
    %add3A_293 = arith.constant 8 : i32
    %add3A_294 = arith.addi %mul3A_2, %add3A_293 : i32
    %dma_start3A_295 = arith.constant 0 : i32
    %dma_start3A_296 = arith.constant 0 : i32
    %dma_start3A_297 = arith.constant 0 : i32
    %dma_start3A_298 = arith.constant 0 : i32
    %dma_start3A_299 = arith.constant 0 : i32
    %dma_start3A_300 = tpu.memref_slice %arg5[%dma_start3A_296, %dma_start3A_298, %dma_start3A_299] : memref<2x8x1024xf32, #tpu.memory_space<vmem>> -> memref<1x8x1024xf32, #tpu.memory_space<vmem>>
    %dma_start3A_301 = tpu.memref_squeeze %dma_start3A_300 : memref<1x8x1024xf32, #tpu.memory_space<vmem>> -> memref<8x1024xf32, #tpu.memory_space<vmem>>
    %dma_start3A_302 = arith.constant 0 : i32
    %dma_start3A_303 = tpu.memref_slice %arg2[%dma_start3A_295, %add3A_294, %dma_start3A_302] : memref<4x2048x1024xf32, #tpu.memory_space<hbm>> -> memref<1x8x1024xf32, #tpu.memory_space<hbm>>
    %dma_start3A_304 = tpu.memref_squeeze %dma_start3A_303 : memref<1x8x1024xf32, #tpu.memory_space<hbm>> -> memref<8x1024xf32, #tpu.memory_space<hbm>>
    %dma_start3A_305 = tpu.memref_slice %arg8[%dma_start3A_297] : memref<2x!tpu.dma_semaphore, #tpu.memory_space<semaphore_mem>> -> memref<1x!tpu.dma_semaphore, #tpu.memory_space<semaphore_mem>>
    %dma_start3A_306 = tpu.memref_squeeze %dma_start3A_305 : memref<1x!tpu.dma_semaphore, #tpu.memory_space<semaphore_mem>> -> memref<!tpu.dma_semaphore, #tpu.memory_space<semaphore_mem>>
    %dma_start3A_307 = arith.constant 0 : i32
    %dma_start3A_308 = arith.constant 0 : i32
    %dma_start3A_309 = tpu.memref_slice %arg5[%dma_start3A_296, %dma_start3A_307, %dma_start3A_308] : memref<2x8x1024xf32, #tpu.memory_space<vmem>> -> memref<1x8x1024xf32, #tpu.memory_space<vmem>>
    %dma_start3A_310 = tpu.memref_squeeze %dma_start3A_309 : memref<1x8x1024xf32, #tpu.memory_space<vmem>> -> memref<8x1024xf32, #tpu.memory_space<vmem>>
    %dma_start3A_311 = arith.constant 0 : i32
    %dma_start3A_312 = tpu.memref_slice %arg2[%dma_start3A_295, %add3A_294, %dma_start3A_311] : memref<4x2048x1024xf32, #tpu.memory_space<hbm>> -> memref<1x8x1024xf32, #tpu.memory_space<hbm>>
    %dma_start3A_313 = tpu.memref_squeeze %dma_start3A_312 : memref<1x8x1024xf32, #tpu.memory_space<hbm>> -> memref<8x1024xf32, #tpu.memory_space<hbm>>
    tpu.enqueue_dma source(%dma_start3A_313 : memref<8x1024xf32, #tpu.memory_space<hbm>>) target(%dma_start3A_310 : memref<8x1024xf32, #tpu.memory_space<vmem>>) target_semaphore(%dma_start3A_306 : memref<!tpu.dma_semaphore, #tpu.memory_space<semaphore_mem>>)
    %dma_wait3A_314 = arith.constant 3 : i32
    %dma_wait3A_315 = arith.constant 1 : i32
    %dma_wait3A_316 = arith.constant 1 : i32
    %dma_wait3A_317 = arith.constant 0 : i32
    %dma_wait3A_318 = arith.constant 0 : i32
    %dma_wait3A_319 = tpu.memref_slice %arg5[%dma_wait3A_315, %dma_wait3A_317, %dma_wait3A_318] : memref<2x8x1024xf32, #tpu.memory_space<vmem>> -> memref<1x8x1024xf32, #tpu.memory_space<vmem>>
    %dma_wait3A_320 = tpu.memref_squeeze %dma_wait3A_319 : memref<1x8x1024xf32, #tpu.memory_space<vmem>> -> memref<8x1024xf32, #tpu.memory_space<vmem>>
    %dma_wait3A_321 = arith.constant 0 : i32
    %dma_wait3A_322 = tpu.memref_slice %arg2[%dma_wait3A_314, %add3A_208, %dma_wait3A_321] : memref<4x2048x1024xf32, #tpu.memory_space<hbm>> -> memref<1x8x1024xf32, #tpu.memory_space<hbm>>
    %dma_wait3A_323 = tpu.memref_squeeze %dma_wait3A_322 : memref<1x8x1024xf32, #tpu.memory_space<hbm>> -> memref<8x1024xf32, #tpu.memory_space<hbm>>
    %dma_wait3A_324 = tpu.memref_slice %arg8[%dma_wait3A_316] : memref<2x!tpu.dma_semaphore, #tpu.memory_space<semaphore_mem>> -> memref<1x!tpu.dma_semaphore, #tpu.memory_space<semaphore_mem>>
    %dma_wait3A_325 = tpu.memref_squeeze %dma_wait3A_324 : memref<1x!tpu.dma_semaphore, #tpu.memory_space<semaphore_mem>> -> memref<!tpu.dma_semaphore, #tpu.memory_space<semaphore_mem>>
    %dma_wait3A_326 = arith.constant 0 : i32
    %dma_wait3A_327 = arith.constant 0 : i32
    %dma_wait3A_328 = tpu.memref_slice %arg5[%dma_wait3A_315, %dma_wait3A_326, %dma_wait3A_327] : memref<2x8x1024xf32, #tpu.memory_space<vmem>> -> memref<1x8x1024xf32, #tpu.memory_space<vmem>>
    %dma_wait3A_329 = tpu.memref_squeeze %dma_wait3A_328 : memref<1x8x1024xf32, #tpu.memory_space<vmem>> -> memref<8x1024xf32, #tpu.memory_space<vmem>>
    %dma_wait3A_330 = arith.constant 0 : i32
    %dma_wait3A_331 = tpu.memref_slice %arg2[%dma_wait3A_314, %add3A_208, %dma_wait3A_330] : memref<4x2048x1024xf32, #tpu.memory_space<hbm>> -> memref<1x8x1024xf32, #tpu.memory_space<hbm>>
    %dma_wait3A_332 = tpu.memref_squeeze %dma_wait3A_331 : memref<1x8x1024xf32, #tpu.memory_space<hbm>> -> memref<8x1024xf32, #tpu.memory_space<hbm>>
    tpu.wait_dma2 semaphore(%dma_wait3A_325 : memref<!tpu.dma_semaphore, #tpu.memory_space<semaphore_mem>>) src(%dma_wait3A_332 : memref<8x1024xf32, #tpu.memory_space<hbm>>) dst(%dma_wait3A_329 : memref<8x1024xf32, #tpu.memory_space<vmem>>)
    %dma_wait3A_333 = arith.constant 1 : i32
    %dma_wait3A_334 = arith.constant 1 : i32
    %dma_wait3A_335 = arith.constant 1 : i32
    %dma_wait3A_336 = arith.constant 0 : i32
    %dma_wait3A_337 = arith.constant 0 : i32
    %dma_wait3A_338 = tpu.memref_slice %arg6[%dma_wait3A_333, %dma_wait3A_336, %dma_wait3A_337] : memref<2x8x1024xf32, #tpu.memory_space<vmem>> -> memref<1x8x1024xf32, #tpu.memory_space<vmem>>
    %dma_wait3A_339 = tpu.memref_squeeze %dma_wait3A_338 : memref<1x8x1024xf32, #tpu.memory_space<vmem>> -> memref<8x1024xf32, #tpu.memory_space<vmem>>
    %dma_wait3A_340 = arith.constant 0 : i32
    %dma_wait3A_341 = tpu.memref_slice %arg4[%dma_wait3A_334, %add3A_187, %dma_wait3A_340] : memref<4x2048x1024xf32, #tpu.memory_space<hbm>> -> memref<1x8x1024xf32, #tpu.memory_space<hbm>>
    %dma_wait3A_342 = tpu.memref_squeeze %dma_wait3A_341 : memref<1x8x1024xf32, #tpu.memory_space<hbm>> -> memref<8x1024xf32, #tpu.memory_space<hbm>>
    %dma_wait3A_343 = tpu.memref_slice %arg9[%dma_wait3A_335] : memref<2x!tpu.dma_semaphore, #tpu.memory_space<semaphore_mem>> -> memref<1x!tpu.dma_semaphore, #tpu.memory_space<semaphore_mem>>
    %dma_wait3A_344 = tpu.memref_squeeze %dma_wait3A_343 : memref<1x!tpu.dma_semaphore, #tpu.memory_space<semaphore_mem>> -> memref<!tpu.dma_semaphore, #tpu.memory_space<semaphore_mem>>
    %dma_wait3A_345 = arith.constant 0 : i32
    %dma_wait3A_346 = tpu.memref_slice %arg4[%dma_wait3A_334, %add3A_187, %dma_wait3A_345] : memref<4x2048x1024xf32, #tpu.memory_space<hbm>> -> memref<1x8x1024xf32, #tpu.memory_space<hbm>>
    %dma_wait3A_347 = tpu.memref_squeeze %dma_wait3A_346 : memref<1x8x1024xf32, #tpu.memory_space<hbm>> -> memref<8x1024xf32, #tpu.memory_space<hbm>>
    %dma_wait3A_348 = arith.constant 0 : i32
    %dma_wait3A_349 = arith.constant 0 : i32
    %dma_wait3A_350 = tpu.memref_slice %arg6[%dma_wait3A_333, %dma_wait3A_348, %dma_wait3A_349] : memref<2x8x1024xf32, #tpu.memory_space<vmem>> -> memref<1x8x1024xf32, #tpu.memory_space<vmem>>
    %dma_wait3A_351 = tpu.memref_squeeze %dma_wait3A_350 : memref<1x8x1024xf32, #tpu.memory_space<vmem>> -> memref<8x1024xf32, #tpu.memory_space<vmem>>
    tpu.wait_dma2 semaphore(%dma_wait3A_344 : memref<!tpu.dma_semaphore, #tpu.memory_space<semaphore_mem>>) src(%dma_wait3A_351 : memref<8x1024xf32, #tpu.memory_space<vmem>>) dst(%dma_wait3A_347 : memref<8x1024xf32, #tpu.memory_space<hbm>>)
    %parallel_loop3A_352 = arith.constant 0 : i32
    %parallel_loop3A_353 = arith.constant 1024 : i32
    %parallel_loop3A_354 = arith.constant 16 : i32
    %parallel_loop3A_355 = arith.constant 1 : i32
    %parallel_loop3A_356 = arith.constant 0 : i32
    %parallel_loop3A_357 = arith.constant 1 : i32
    scf.for %parallel_loop3A_756 = %parallel_loop3A_352 to %parallel_loop3A_353 step %parallel_loop3A_354  : i32 {
      %parallel_loop3A_757 = arith.constant 0 : i32
      %parallel_loop3A_758 = arith.constant 0 : i32
      %parallel_loop3A_759 = arith.constant 0 : i32
      %parallel_loop3A_760 = tpu.memref_slice %arg5[%parallel_loop3A_355, %parallel_loop3A_758, %parallel_loop3A_759] : memref<2x8x1024xf32, #tpu.memory_space<vmem>> -> memref<1x8x1024xf32, #tpu.memory_space<vmem>>
      %parallel_loop3A_761 = tpu.memref_squeeze %parallel_loop3A_760 : memref<1x8x1024xf32, #tpu.memory_space<vmem>> -> memref<8x1024xf32, #tpu.memory_space<vmem>>
      %parallel_loop3A_762 = arith.index_cast %parallel_loop3A_757 : i32 to index
      %parallel_loop3A_763 = arith.index_cast %parallel_loop3A_756 : i32 to index
      %parallel_loop3A_764 = tpu.vector_load %parallel_loop3A_761[%parallel_loop3A_762, %parallel_loop3A_763] {strides = array<i32>} : memref<8x1024xf32, #tpu.memory_space<vmem>>, vector<1x16xf32>,
      %parallel_loop3A_765 = vector.shape_cast %parallel_loop3A_764 : vector<1x16xf32> to vector<16xf32>
      %parallel_loop3A_766 = arith.constant 0 : i32
      %parallel_loop3A_767 = arith.constant 0 : i32
      %parallel_loop3A_768 = arith.constant 0 : i32
      %parallel_loop3A_769 = tpu.memref_slice %arg7[%parallel_loop3A_356, %parallel_loop3A_767, %parallel_loop3A_768] : memref<2x8x1024xf32, #tpu.memory_space<vmem>> -> memref<1x8x1024xf32, #tpu.memory_space<vmem>>
      %parallel_loop3A_770 = tpu.memref_squeeze %parallel_loop3A_769 : memref<1x8x1024xf32, #tpu.memory_space<vmem>> -> memref<8x1024xf32, #tpu.memory_space<vmem>>
      %parallel_loop3A_771 = arith.index_cast %parallel_loop3A_766 : i32 to index
      %parallel_loop3A_772 = arith.index_cast %parallel_loop3A_756 : i32 to index
      %parallel_loop3A_773 = tpu.vector_load %parallel_loop3A_770[%parallel_loop3A_771, %parallel_loop3A_772] {strides = array<i32>} : memref<8x1024xf32, #tpu.memory_space<vmem>>, vector<1x16xf32>,
      %parallel_loop3A_774 = vector.shape_cast %parallel_loop3A_773 : vector<1x16xf32> to vector<16xf32>
      %parallel_loop3A_775 = arith.addf %parallel_loop3A_765, %parallel_loop3A_774 : vector<16xf32>
      %parallel_loop3A_776 = arith.constant 0 : i32
      %parallel_loop3A_777 = arith.constant 0 : i32
      %parallel_loop3A_778 = arith.constant 0 : i32
      %parallel_loop3A_779 = tpu.memref_slice %arg6[%parallel_loop3A_357, %parallel_loop3A_777, %parallel_loop3A_778] : memref<2x8x1024xf32, #tpu.memory_space<vmem>> -> memref<1x8x1024xf32, #tpu.memory_space<vmem>>
      %parallel_loop3A_780 = tpu.memref_squeeze %parallel_loop3A_779 : memref<1x8x1024xf32, #tpu.memory_space<vmem>> -> memref<8x1024xf32, #tpu.memory_space<vmem>>
      %parallel_loop3A_781 = arith.index_cast %parallel_loop3A_776 : i32 to index
      %parallel_loop3A_782 = arith.index_cast %parallel_loop3A_756 : i32 to index
      %parallel_loop3A_783 = tpu.vector_load %parallel_loop3A_780[%parallel_loop3A_781, %parallel_loop3A_782] {strides = array<i32>} : memref<8x1024xf32, #tpu.memory_space<vmem>>, vector<1x16xf32>,
      %parallel_loop3A_784 = vector.shape_cast %parallel_loop3A_783 : vector<1x16xf32> to vector<16xf32>
      %parallel_loop3A_785 = vector.shape_cast %parallel_loop3A_775 : vector<16xf32> to vector<1x16xf32>
      tpu.vector_store %parallel_loop3A_780[%parallel_loop3A_781, %parallel_loop3A_782], %parallel_loop3A_785 {strides = array<i32>} : memref<8x1024xf32, #tpu.memory_space<vmem>>, vector<1x16xf32>,
      %parallel_loop3A_786 = arith.constant 1 : i32
      %parallel_loop3A_787 = arith.constant 0 : i32
      %parallel_loop3A_788 = arith.constant 0 : i32
      %parallel_loop3A_789 = tpu.memref_slice %arg5[%parallel_loop3A_355, %parallel_loop3A_787, %parallel_loop3A_788] : memref<2x8x1024xf32, #tpu.memory_space<vmem>> -> memref<1x8x1024xf32, #tpu.memory_space<vmem>>
      %parallel_loop3A_790 = tpu.memref_squeeze %parallel_loop3A_789 : memref<1x8x1024xf32, #tpu.memory_space<vmem>> -> memref<8x1024xf32, #tpu.memory_space<vmem>>
      %parallel_loop3A_791 = arith.index_cast %parallel_loop3A_786 : i32 to index
      %parallel_loop3A_792 = arith.index_cast %parallel_loop3A_756 : i32 to index
      %parallel_loop3A_793 = tpu.vector_load %parallel_loop3A_790[%parallel_loop3A_791, %parallel_loop3A_792] {strides = array<i32>} : memref<8x1024xf32, #tpu.memory_space<vmem>>, vector<1x16xf32>,
      %parallel_loop3A_794 = vector.shape_cast %parallel_loop3A_793 : vector<1x16xf32> to vector<16xf32>
      %parallel_loop3A_795 = arith.constant 1 : i32
      %parallel_loop3A_796 = arith.constant 0 : i32
      %parallel_loop3A_797 = arith.constant 0 : i32
      %parallel_loop3A_798 = tpu.memref_slice %arg7[%parallel_loop3A_356, %parallel_loop3A_796, %parallel_loop3A_797] : memref<2x8x1024xf32, #tpu.memory_space<vmem>> -> memref<1x8x1024xf32, #tpu.memory_space<vmem>>
      %parallel_loop3A_799 = tpu.memref_squeeze %parallel_loop3A_798 : memref<1x8x1024xf32, #tpu.memory_space<vmem>> -> memref<8x1024xf32, #tpu.memory_space<vmem>>
      %parallel_loop3A_800 = arith.index_cast %parallel_loop3A_795 : i32 to index
      %parallel_loop3A_801 = arith.index_cast %parallel_loop3A_756 : i32 to index
      %parallel_loop3A_802 = tpu.vector_load %parallel_loop3A_799[%parallel_loop3A_800, %parallel_loop3A_801] {strides = array<i32>} : memref<8x1024xf32, #tpu.memory_space<vmem>>, vector<1x16xf32>,
      %parallel_loop3A_803 = vector.shape_cast %parallel_loop3A_802 : vector<1x16xf32> to vector<16xf32>
      %parallel_loop3A_804 = arith.addf %parallel_loop3A_794, %parallel_loop3A_803 : vector<16xf32>
      %parallel_loop3A_805 = arith.constant 1 : i32
      %parallel_loop3A_806 = arith.constant 0 : i32
      %parallel_loop3A_807 = arith.constant 0 : i32
      %parallel_loop3A_808 = tpu.memref_slice %arg6[%parallel_loop3A_357, %parallel_loop3A_806, %parallel_loop3A_807] : memref<2x8x1024xf32, #tpu.memory_space<vmem>> -> memref<1x8x1024xf32, #tpu.memory_space<vmem>>
      %parallel_loop3A_809 = tpu.memref_squeeze %parallel_loop3A_808 : memref<1x8x1024xf32, #tpu.memory_space<vmem>> -> memref<8x1024xf32, #tpu.memory_space<vmem>>
      %parallel_loop3A_810 = arith.index_cast %parallel_loop3A_805 : i32 to index
      %parallel_loop3A_811 = arith.index_cast %parallel_loop3A_756 : i32 to index
      %parallel_loop3A_812 = tpu.vector_load %parallel_loop3A_809[%parallel_loop3A_810, %parallel_loop3A_811] {strides = array<i32>} : memref<8x1024xf32, #tpu.memory_space<vmem>>, vector<1x16xf32>,
      %parallel_loop3A_813 = vector.shape_cast %parallel_loop3A_812 : vector<1x16xf32> to vector<16xf32>
      %parallel_loop3A_814 = vector.shape_cast %parallel_loop3A_804 : vector<16xf32> to vector<1x16xf32>
      tpu.vector_store %parallel_loop3A_809[%parallel_loop3A_810, %parallel_loop3A_811], %parallel_loop3A_814 {strides = array<i32>} : memref<8x1024xf32, #tpu.memory_space<vmem>>, vector<1x16xf32>,
      %parallel_loop3A_815 = arith.constant 2 : i32
      %parallel_loop3A_816 = arith.constant 0 : i32
      %parallel_loop3A_817 = arith.constant 0 : i32
      %parallel_loop3A_818 = tpu.memref_slice %arg5[%parallel_loop3A_355, %parallel_loop3A_816, %parallel_loop3A_817] : memref<2x8x1024xf32, #tpu.memory_space<vmem>> -> memref<1x8x1024xf32, #tpu.memory_space<vmem>>
      %parallel_loop3A_819 = tpu.memref_squeeze %parallel_loop3A_818 : memref<1x8x1024xf32, #tpu.memory_space<vmem>> -> memref<8x1024xf32, #tpu.memory_space<vmem>>
      %parallel_loop3A_820 = arith.index_cast %parallel_loop3A_815 : i32 to index
      %parallel_loop3A_821 = arith.index_cast %parallel_loop3A_756 : i32 to index
      %parallel_loop3A_822 = tpu.vector_load %parallel_loop3A_819[%parallel_loop3A_820, %parallel_loop3A_821] {strides = array<i32>} : memref<8x1024xf32, #tpu.memory_space<vmem>>, vector<1x16xf32>,
      %parallel_loop3A_823 = vector.shape_cast %parallel_loop3A_822 : vector<1x16xf32> to vector<16xf32>
      %parallel_loop3A_824 = arith.constant 2 : i32
      %parallel_loop3A_825 = arith.constant 0 : i32
      %parallel_loop3A_826 = arith.constant 0 : i32
      %parallel_loop3A_827 = tpu.memref_slice %arg7[%parallel_loop3A_356, %parallel_loop3A_825, %parallel_loop3A_826] : memref<2x8x1024xf32, #tpu.memory_space<vmem>> -> memref<1x8x1024xf32, #tpu.memory_space<vmem>>
      %parallel_loop3A_828 = tpu.memref_squeeze %parallel_loop3A_827 : memref<1x8x1024xf32, #tpu.memory_space<vmem>> -> memref<8x1024xf32, #tpu.memory_space<vmem>>
      %parallel_loop3A_829 = arith.index_cast %parallel_loop3A_824 : i32 to index
      %parallel_loop3A_830 = arith.index_cast %parallel_loop3A_756 : i32 to index
      %parallel_loop3A_831 = tpu.vector_load %parallel_loop3A_828[%parallel_loop3A_829, %parallel_loop3A_830] {strides = array<i32>} : memref<8x1024xf32, #tpu.memory_space<vmem>>, vector<1x16xf32>,
      %parallel_loop3A_832 = vector.shape_cast %parallel_loop3A_831 : vector<1x16xf32> to vector<16xf32>
      %parallel_loop3A_833 = arith.addf %parallel_loop3A_823, %parallel_loop3A_832 : vector<16xf32>
      %parallel_loop3A_834 = arith.constant 2 : i32
      %parallel_loop3A_835 = arith.constant 0 : i32
      %parallel_loop3A_836 = arith.constant 0 : i32
      %parallel_loop3A_837 = tpu.memref_slice %arg6[%parallel_loop3A_357, %parallel_loop3A_835, %parallel_loop3A_836] : memref<2x8x1024xf32, #tpu.memory_space<vmem>> -> memref<1x8x1024xf32, #tpu.memory_space<vmem>>
      %parallel_loop3A_838 = tpu.memref_squeeze %parallel_loop3A_837 : memref<1x8x1024xf32, #tpu.memory_space<vmem>> -> memref<8x1024xf32, #tpu.memory_space<vmem>>
      %parallel_loop3A_839 = arith.index_cast %parallel_loop3A_834 : i32 to index
      %parallel_loop3A_840 = arith.index_cast %parallel_loop3A_756 : i32 to index
      %parallel_loop3A_841 = tpu.vector_load %parallel_loop3A_838[%parallel_loop3A_839, %parallel_loop3A_840] {strides = array<i32>} : memref<8x1024xf32, #tpu.memory_space<vmem>>, vector<1x16xf32>,
      %parallel_loop3A_842 = vector.shape_cast %parallel_loop3A_841 : vector<1x16xf32> to vector<16xf32>
      %parallel_loop3A_843 = vector.shape_cast %parallel_loop3A_833 : vector<16xf32> to vector<1x16xf32>
      tpu.vector_store %parallel_loop3A_838[%parallel_loop3A_839, %parallel_loop3A_840], %parallel_loop3A_843 {strides = array<i32>} : memref<8x1024xf32, #tpu.memory_space<vmem>>, vector<1x16xf32>,
      %parallel_loop3A_844 = arith.constant 3 : i32
      %parallel_loop3A_845 = arith.constant 0 : i32
      %parallel_loop3A_846 = arith.constant 0 : i32
      %parallel_loop3A_847 = tpu.memref_slice %arg5[%parallel_loop3A_355, %parallel_loop3A_845, %parallel_loop3A_846] : memref<2x8x1024xf32, #tpu.memory_space<vmem>> -> memref<1x8x1024xf32, #tpu.memory_space<vmem>>
      %parallel_loop3A_848 = tpu.memref_squeeze %parallel_loop3A_847 : memref<1x8x1024xf32, #tpu.memory_space<vmem>> -> memref<8x1024xf32, #tpu.memory_space<vmem>>
      %parallel_loop3A_849 = arith.index_cast %parallel_loop3A_844 : i32 to index
      %parallel_loop3A_850 = arith.index_cast %parallel_loop3A_756 : i32 to index
      %parallel_loop3A_851 = tpu.vector_load %parallel_loop3A_848[%parallel_loop3A_849, %parallel_loop3A_850] {strides = array<i32>} : memref<8x1024xf32, #tpu.memory_space<vmem>>, vector<1x16xf32>,
      %parallel_loop3A_852 = vector.shape_cast %parallel_loop3A_851 : vector<1x16xf32> to vector<16xf32>
      %parallel_loop3A_853 = arith.constant 3 : i32
      %parallel_loop3A_854 = arith.constant 0 : i32
      %parallel_loop3A_855 = arith.constant 0 : i32
      %parallel_loop3A_856 = tpu.memref_slice %arg7[%parallel_loop3A_356, %parallel_loop3A_854, %parallel_loop3A_855] : memref<2x8x1024xf32, #tpu.memory_space<vmem>> -> memref<1x8x1024xf32, #tpu.memory_space<vmem>>
      %parallel_loop3A_857 = tpu.memref_squeeze %parallel_loop3A_856 : memref<1x8x1024xf32, #tpu.memory_space<vmem>> -> memref<8x1024xf32, #tpu.memory_space<vmem>>
      %parallel_loop3A_858 = arith.index_cast %parallel_loop3A_853 : i32 to index
      %parallel_loop3A_859 = arith.index_cast %parallel_loop3A_756 : i32 to index
      %parallel_loop3A_860 = tpu.vector_load %parallel_loop3A_857[%parallel_loop3A_858, %parallel_loop3A_859] {strides = array<i32>} : memref<8x1024xf32, #tpu.memory_space<vmem>>, vector<1x16xf32>,
      %parallel_loop3A_861 = vector.shape_cast %parallel_loop3A_860 : vector<1x16xf32> to vector<16xf32>
      %parallel_loop3A_862 = arith.addf %parallel_loop3A_852, %parallel_loop3A_861 : vector<16xf32>
      %parallel_loop3A_863 = arith.constant 3 : i32
      %parallel_loop3A_864 = arith.constant 0 : i32
      %parallel_loop3A_865 = arith.constant 0 : i32
      %parallel_loop3A_866 = tpu.memref_slice %arg6[%parallel_loop3A_357, %parallel_loop3A_864, %parallel_loop3A_865] : memref<2x8x1024xf32, #tpu.memory_space<vmem>> -> memref<1x8x1024xf32, #tpu.memory_space<vmem>>
      %parallel_loop3A_867 = tpu.memref_squeeze %parallel_loop3A_866 : memref<1x8x1024xf32, #tpu.memory_space<vmem>> -> memref<8x1024xf32, #tpu.memory_space<vmem>>
      %parallel_loop3A_868 = arith.index_cast %parallel_loop3A_863 : i32 to index
      %parallel_loop3A_869 = arith.index_cast %parallel_loop3A_756 : i32 to index
      %parallel_loop3A_870 = tpu.vector_load %parallel_loop3A_867[%parallel_loop3A_868, %parallel_loop3A_869] {strides = array<i32>} : memref<8x1024xf32, #tpu.memory_space<vmem>>, vector<1x16xf32>,
      %parallel_loop3A_871 = vector.shape_cast %parallel_loop3A_870 : vector<1x16xf32> to vector<16xf32>
      %parallel_loop3A_872 = vector.shape_cast %parallel_loop3A_862 : vector<16xf32> to vector<1x16xf32>
      tpu.vector_store %parallel_loop3A_867[%parallel_loop3A_868, %parallel_loop3A_869], %parallel_loop3A_872 {strides = array<i32>} : memref<8x1024xf32, #tpu.memory_space<vmem>>, vector<1x16xf32>,
      %parallel_loop3A_873 = arith.constant 4 : i32
      %parallel_loop3A_874 = arith.constant 0 : i32
      %parallel_loop3A_875 = arith.constant 0 : i32
      %parallel_loop3A_876 = tpu.memref_slice %arg5[%parallel_loop3A_355, %parallel_loop3A_874, %parallel_loop3A_875] : memref<2x8x1024xf32, #tpu.memory_space<vmem>> -> memref<1x8x1024xf32, #tpu.memory_space<vmem>>
      %parallel_loop3A_877 = tpu.memref_squeeze %parallel_loop3A_876 : memref<1x8x1024xf32, #tpu.memory_space<vmem>> -> memref<8x1024xf32, #tpu.memory_space<vmem>>
      %parallel_loop3A_878 = arith.index_cast %parallel_loop3A_873 : i32 to index
      %parallel_loop3A_879 = arith.index_cast %parallel_loop3A_756 : i32 to index
      %parallel_loop3A_880 = tpu.vector_load %parallel_loop3A_877[%parallel_loop3A_878, %parallel_loop3A_879] {strides = array<i32>} : memref<8x1024xf32, #tpu.memory_space<vmem>>, vector<1x16xf32>,
      %parallel_loop3A_881 = vector.shape_cast %parallel_loop3A_880 : vector<1x16xf32> to vector<16xf32>
      %parallel_loop3A_882 = arith.constant 4 : i32
      %parallel_loop3A_883 = arith.constant 0 : i32
      %parallel_loop3A_884 = arith.constant 0 : i32
      %parallel_loop3A_885 = tpu.memref_slice %arg7[%parallel_loop3A_356, %parallel_loop3A_883, %parallel_loop3A_884] : memref<2x8x1024xf32, #tpu.memory_space<vmem>> -> memref<1x8x1024xf32, #tpu.memory_space<vmem>>
      %parallel_loop3A_886 = tpu.memref_squeeze %parallel_loop3A_885 : memref<1x8x1024xf32, #tpu.memory_space<vmem>> -> memref<8x1024xf32, #tpu.memory_space<vmem>>
      %parallel_loop3A_887 = arith.index_cast %parallel_loop3A_882 : i32 to index
      %parallel_loop3A_888 = arith.index_cast %parallel_loop3A_756 : i32 to index
      %parallel_loop3A_889 = tpu.vector_load %parallel_loop3A_886[%parallel_loop3A_887, %parallel_loop3A_888] {strides = array<i32>} : memref<8x1024xf32, #tpu.memory_space<vmem>>, vector<1x16xf32>,
      %parallel_loop3A_890 = vector.shape_cast %parallel_loop3A_889 : vector<1x16xf32> to vector<16xf32>
      %parallel_loop3A_891 = arith.addf %parallel_loop3A_881, %parallel_loop3A_890 : vector<16xf32>
      %parallel_loop3A_892 = arith.constant 4 : i32
      %parallel_loop3A_893 = arith.constant 0 : i32
      %parallel_loop3A_894 = arith.constant 0 : i32
      %parallel_loop3A_895 = tpu.memref_slice %arg6[%parallel_loop3A_357, %parallel_loop3A_893, %parallel_loop3A_894] : memref<2x8x1024xf32, #tpu.memory_space<vmem>> -> memref<1x8x1024xf32, #tpu.memory_space<vmem>>
      %parallel_loop3A_896 = tpu.memref_squeeze %parallel_loop3A_895 : memref<1x8x1024xf32, #tpu.memory_space<vmem>> -> memref<8x1024xf32, #tpu.memory_space<vmem>>
      %parallel_loop3A_897 = arith.index_cast %parallel_loop3A_892 : i32 to index
      %parallel_loop3A_898 = arith.index_cast %parallel_loop3A_756 : i32 to index
      %parallel_loop3A_899 = tpu.vector_load %parallel_loop3A_896[%parallel_loop3A_897, %parallel_loop3A_898] {strides = array<i32>} : memref<8x1024xf32, #tpu.memory_space<vmem>>, vector<1x16xf32>,
      %parallel_loop3A_900 = vector.shape_cast %parallel_loop3A_899 : vector<1x16xf32> to vector<16xf32>
      %parallel_loop3A_901 = vector.shape_cast %parallel_loop3A_891 : vector<16xf32> to vector<1x16xf32>
      tpu.vector_store %parallel_loop3A_896[%parallel_loop3A_897, %parallel_loop3A_898], %parallel_loop3A_901 {strides = array<i32>} : memref<8x1024xf32, #tpu.memory_space<vmem>>, vector<1x16xf32>,
      %parallel_loop3A_902 = arith.constant 5 : i32
      %parallel_loop3A_903 = arith.constant 0 : i32
      %parallel_loop3A_904 = arith.constant 0 : i32
      %parallel_loop3A_905 = tpu.memref_slice %arg5[%parallel_loop3A_355, %parallel_loop3A_903, %parallel_loop3A_904] : memref<2x8x1024xf32, #tpu.memory_space<vmem>> -> memref<1x8x1024xf32, #tpu.memory_space<vmem>>
      %parallel_loop3A_906 = tpu.memref_squeeze %parallel_loop3A_905 : memref<1x8x1024xf32, #tpu.memory_space<vmem>> -> memref<8x1024xf32, #tpu.memory_space<vmem>>
      %parallel_loop3A_907 = arith.index_cast %parallel_loop3A_902 : i32 to index
      %parallel_loop3A_908 = arith.index_cast %parallel_loop3A_756 : i32 to index
      %parallel_loop3A_909 = tpu.vector_load %parallel_loop3A_906[%parallel_loop3A_907, %parallel_loop3A_908] {strides = array<i32>} : memref<8x1024xf32, #tpu.memory_space<vmem>>, vector<1x16xf32>,
      %parallel_loop3A_910 = vector.shape_cast %parallel_loop3A_909 : vector<1x16xf32> to vector<16xf32>
      %parallel_loop3A_911 = arith.constant 5 : i32
      %parallel_loop3A_912 = arith.constant 0 : i32
      %parallel_loop3A_913 = arith.constant 0 : i32
      %parallel_loop3A_914 = tpu.memref_slice %arg7[%parallel_loop3A_356, %parallel_loop3A_912, %parallel_loop3A_913] : memref<2x8x1024xf32, #tpu.memory_space<vmem>> -> memref<1x8x1024xf32, #tpu.memory_space<vmem>>
      %parallel_loop3A_915 = tpu.memref_squeeze %parallel_loop3A_914 : memref<1x8x1024xf32, #tpu.memory_space<vmem>> -> memref<8x1024xf32, #tpu.memory_space<vmem>>
      %parallel_loop3A_916 = arith.index_cast %parallel_loop3A_911 : i32 to index
      %parallel_loop3A_917 = arith.index_cast %parallel_loop3A_756 : i32 to index
      %parallel_loop3A_918 = tpu.vector_load %parallel_loop3A_915[%parallel_loop3A_916, %parallel_loop3A_917] {strides = array<i32>} : memref<8x1024xf32, #tpu.memory_space<vmem>>, vector<1x16xf32>,
      %parallel_loop3A_919 = vector.shape_cast %parallel_loop3A_918 : vector<1x16xf32> to vector<16xf32>
      %parallel_loop3A_920 = arith.addf %parallel_loop3A_910, %parallel_loop3A_919 : vector<16xf32>
      %parallel_loop3A_921 = arith.constant 5 : i32
      %parallel_loop3A_922 = arith.constant 0 : i32
      %parallel_loop3A_923 = arith.constant 0 : i32
      %parallel_loop3A_924 = tpu.memref_slice %arg6[%parallel_loop3A_357, %parallel_loop3A_922, %parallel_loop3A_923] : memref<2x8x1024xf32, #tpu.memory_space<vmem>> -> memref<1x8x1024xf32, #tpu.memory_space<vmem>>
      %parallel_loop3A_925 = tpu.memref_squeeze %parallel_loop3A_924 : memref<1x8x1024xf32, #tpu.memory_space<vmem>> -> memref<8x1024xf32, #tpu.memory_space<vmem>>
      %parallel_loop3A_926 = arith.index_cast %parallel_loop3A_921 : i32 to index
      %parallel_loop3A_927 = arith.index_cast %parallel_loop3A_756 : i32 to index
      %parallel_loop3A_928 = tpu.vector_load %parallel_loop3A_925[%parallel_loop3A_926, %parallel_loop3A_927] {strides = array<i32>} : memref<8x1024xf32, #tpu.memory_space<vmem>>, vector<1x16xf32>,
      %parallel_loop3A_929 = vector.shape_cast %parallel_loop3A_928 : vector<1x16xf32> to vector<16xf32>
      %parallel_loop3A_930 = vector.shape_cast %parallel_loop3A_920 : vector<16xf32> to vector<1x16xf32>
      tpu.vector_store %parallel_loop3A_925[%parallel_loop3A_926, %parallel_loop3A_927], %parallel_loop3A_930 {strides = array<i32>} : memref<8x1024xf32, #tpu.memory_space<vmem>>, vector<1x16xf32>,
      %parallel_loop3A_931 = arith.constant 6 : i32
      %parallel_loop3A_932 = arith.constant 0 : i32
      %parallel_loop3A_933 = arith.constant 0 : i32
      %parallel_loop3A_934 = tpu.memref_slice %arg5[%parallel_loop3A_355, %parallel_loop3A_932, %parallel_loop3A_933] : memref<2x8x1024xf32, #tpu.memory_space<vmem>> -> memref<1x8x1024xf32, #tpu.memory_space<vmem>>
      %parallel_loop3A_935 = tpu.memref_squeeze %parallel_loop3A_934 : memref<1x8x1024xf32, #tpu.memory_space<vmem>> -> memref<8x1024xf32, #tpu.memory_space<vmem>>
      %parallel_loop3A_936 = arith.index_cast %parallel_loop3A_931 : i32 to index
      %parallel_loop3A_937 = arith.index_cast %parallel_loop3A_756 : i32 to index
      %parallel_loop3A_938 = tpu.vector_load %parallel_loop3A_935[%parallel_loop3A_936, %parallel_loop3A_937] {strides = array<i32>} : memref<8x1024xf32, #tpu.memory_space<vmem>>, vector<1x16xf32>,
      %parallel_loop3A_939 = vector.shape_cast %parallel_loop3A_938 : vector<1x16xf32> to vector<16xf32>
      %parallel_loop3A_940 = arith.constant 6 : i32
      %parallel_loop3A_941 = arith.constant 0 : i32
      %parallel_loop3A_942 = arith.constant 0 : i32
      %parallel_loop3A_943 = tpu.memref_slice %arg7[%parallel_loop3A_356, %parallel_loop3A_941, %parallel_loop3A_942] : memref<2x8x1024xf32, #tpu.memory_space<vmem>> -> memref<1x8x1024xf32, #tpu.memory_space<vmem>>
      %parallel_loop3A_944 = tpu.memref_squeeze %parallel_loop3A_943 : memref<1x8x1024xf32, #tpu.memory_space<vmem>> -> memref<8x1024xf32, #tpu.memory_space<vmem>>
      %parallel_loop3A_945 = arith.index_cast %parallel_loop3A_940 : i32 to index
      %parallel_loop3A_946 = arith.index_cast %parallel_loop3A_756 : i32 to index
      %parallel_loop3A_947 = tpu.vector_load %parallel_loop3A_944[%parallel_loop3A_945, %parallel_loop3A_946] {strides = array<i32>} : memref<8x1024xf32, #tpu.memory_space<vmem>>, vector<1x16xf32>,
      %parallel_loop3A_948 = vector.shape_cast %parallel_loop3A_947 : vector<1x16xf32> to vector<16xf32>
      %parallel_loop3A_949 = arith.addf %parallel_loop3A_939, %parallel_loop3A_948 : vector<16xf32>
      %parallel_loop3A_950 = arith.constant 6 : i32
      %parallel_loop3A_951 = arith.constant 0 : i32
      %parallel_loop3A_952 = arith.constant 0 : i32
      %parallel_loop3A_953 = tpu.memref_slice %arg6[%parallel_loop3A_357, %parallel_loop3A_951, %parallel_loop3A_952] : memref<2x8x1024xf32, #tpu.memory_space<vmem>> -> memref<1x8x1024xf32, #tpu.memory_space<vmem>>
      %parallel_loop3A_954 = tpu.memref_squeeze %parallel_loop3A_953 : memref<1x8x1024xf32, #tpu.memory_space<vmem>> -> memref<8x1024xf32, #tpu.memory_space<vmem>>
      %parallel_loop3A_955 = arith.index_cast %parallel_loop3A_950 : i32 to index
      %parallel_loop3A_956 = arith.index_cast %parallel_loop3A_756 : i32 to index
      %parallel_loop3A_957 = tpu.vector_load %parallel_loop3A_954[%parallel_loop3A_955, %parallel_loop3A_956] {strides = array<i32>} : memref<8x1024xf32, #tpu.memory_space<vmem>>, vector<1x16xf32>,
      %parallel_loop3A_958 = vector.shape_cast %parallel_loop3A_957 : vector<1x16xf32> to vector<16xf32>
      %parallel_loop3A_959 = vector.shape_cast %parallel_loop3A_949 : vector<16xf32> to vector<1x16xf32>
      tpu.vector_store %parallel_loop3A_954[%parallel_loop3A_955, %parallel_loop3A_956], %parallel_loop3A_959 {strides = array<i32>} : memref<8x1024xf32, #tpu.memory_space<vmem>>, vector<1x16xf32>,
      %parallel_loop3A_960 = arith.constant 7 : i32
      %parallel_loop3A_961 = arith.constant 0 : i32
      %parallel_loop3A_962 = arith.constant 0 : i32
      %parallel_loop3A_963 = tpu.memref_slice %arg5[%parallel_loop3A_355, %parallel_loop3A_961, %parallel_loop3A_962] : memref<2x8x1024xf32, #tpu.memory_space<vmem>> -> memref<1x8x1024xf32, #tpu.memory_space<vmem>>
      %parallel_loop3A_964 = tpu.memref_squeeze %parallel_loop3A_963 : memref<1x8x1024xf32, #tpu.memory_space<vmem>> -> memref<8x1024xf32, #tpu.memory_space<vmem>>
      %parallel_loop3A_965 = arith.index_cast %parallel_loop3A_960 : i32 to index
      %parallel_loop3A_966 = arith.index_cast %parallel_loop3A_756 : i32 to index
      %parallel_loop3A_967 = tpu.vector_load %parallel_loop3A_964[%parallel_loop3A_965, %parallel_loop3A_966] {strides = array<i32>} : memref<8x1024xf32, #tpu.memory_space<vmem>>, vector<1x16xf32>,
      %parallel_loop3A_968 = vector.shape_cast %parallel_loop3A_967 : vector<1x16xf32> to vector<16xf32>
      %parallel_loop3A_969 = arith.constant 7 : i32
      %parallel_loop3A_970 = arith.constant 0 : i32
      %parallel_loop3A_971 = arith.constant 0 : i32
      %parallel_loop3A_972 = tpu.memref_slice %arg7[%parallel_loop3A_356, %parallel_loop3A_970, %parallel_loop3A_971] : memref<2x8x1024xf32, #tpu.memory_space<vmem>> -> memref<1x8x1024xf32, #tpu.memory_space<vmem>>
      %parallel_loop3A_973 = tpu.memref_squeeze %parallel_loop3A_972 : memref<1x8x1024xf32, #tpu.memory_space<vmem>> -> memref<8x1024xf32, #tpu.memory_space<vmem>>
      %parallel_loop3A_974 = arith.index_cast %parallel_loop3A_969 : i32 to index
      %parallel_loop3A_975 = arith.index_cast %parallel_loop3A_756 : i32 to index
      %parallel_loop3A_976 = tpu.vector_load %parallel_loop3A_973[%parallel_loop3A_974, %parallel_loop3A_975] {strides = array<i32>} : memref<8x1024xf32, #tpu.memory_space<vmem>>, vector<1x16xf32>,
      %parallel_loop3A_977 = vector.shape_cast %parallel_loop3A_976 : vector<1x16xf32> to vector<16xf32>
      %parallel_loop3A_978 = arith.addf %parallel_loop3A_968, %parallel_loop3A_977 : vector<16xf32>
      %parallel_loop3A_979 = arith.constant 7 : i32
      %parallel_loop3A_980 = arith.constant 0 : i32
      %parallel_loop3A_981 = arith.constant 0 : i32
      %parallel_loop3A_982 = tpu.memref_slice %arg6[%parallel_loop3A_357, %parallel_loop3A_980, %parallel_loop3A_981] : memref<2x8x1024xf32, #tpu.memory_space<vmem>> -> memref<1x8x1024xf32, #tpu.memory_space<vmem>>
      %parallel_loop3A_983 = tpu.memref_squeeze %parallel_loop3A_982 : memref<1x8x1024xf32, #tpu.memory_space<vmem>> -> memref<8x1024xf32, #tpu.memory_space<vmem>>
      %parallel_loop3A_984 = arith.index_cast %parallel_loop3A_979 : i32 to index
      %parallel_loop3A_985 = arith.index_cast %parallel_loop3A_756 : i32 to index
      %parallel_loop3A_986 = tpu.vector_load %parallel_loop3A_983[%parallel_loop3A_984, %parallel_loop3A_985] {strides = array<i32>} : memref<8x1024xf32, #tpu.memory_space<vmem>>, vector<1x16xf32>,
      %parallel_loop3A_987 = vector.shape_cast %parallel_loop3A_986 : vector<1x16xf32> to vector<16xf32>
      %parallel_loop3A_988 = vector.shape_cast %parallel_loop3A_978 : vector<16xf32> to vector<1x16xf32>
      tpu.vector_store %parallel_loop3A_983[%parallel_loop3A_984, %parallel_loop3A_985], %parallel_loop3A_988 {strides = array<i32>} : memref<8x1024xf32, #tpu.memory_space<vmem>>, vector<1x16xf32>,
    } {sc.loop_unroll_factor = 2 : i64, sc.parallel_access}
    %add3A_358 = arith.constant 0 : i32
    %add3A_359 = arith.addi %mul3A_2, %add3A_358 : i32
    %dma_start3A_360 = arith.constant 1 : i32
    %dma_start3A_361 = arith.constant 3 : i32
    %dma_start3A_362 = arith.constant 1 : i32
    %dma_start3A_363 = arith.constant 0 : i32
    %dma_start3A_364 = arith.constant 0 : i32
    %dma_start3A_365 = tpu.memref_slice %arg6[%dma_start3A_360, %dma_start3A_363, %dma_start3A_364] : memref<2x8x1024xf32, #tpu.memory_space<vmem>> -> memref<1x8x1024xf32, #tpu.memory_space<vmem>>
    %dma_start3A_366 = tpu.memref_squeeze %dma_start3A_365 : memref<1x8x1024xf32, #tpu.memory_space<vmem>> -> memref<8x1024xf32, #tpu.memory_space<vmem>>
    %dma_start3A_367 = arith.constant 0 : i32
    %dma_start3A_368 = tpu.memref_slice %arg4[%dma_start3A_361, %add3A_359, %dma_start3A_367] : memref<4x2048x1024xf32, #tpu.memory_space<hbm>> -> memref<1x8x1024xf32, #tpu.memory_space<hbm>>
    %dma_start3A_369 = tpu.memref_squeeze %dma_start3A_368 : memref<1x8x1024xf32, #tpu.memory_space<hbm>> -> memref<8x1024xf32, #tpu.memory_space<hbm>>
    %dma_start3A_370 = tpu.memref_slice %arg9[%dma_start3A_362] : memref<2x!tpu.dma_semaphore, #tpu.memory_space<semaphore_mem>> -> memref<1x!tpu.dma_semaphore, #tpu.memory_space<semaphore_mem>>
    %dma_start3A_371 = tpu.memref_squeeze %dma_start3A_370 : memref<1x!tpu.dma_semaphore, #tpu.memory_space<semaphore_mem>> -> memref<!tpu.dma_semaphore, #tpu.memory_space<semaphore_mem>>
    %dma_start3A_372 = arith.constant 0 : i32
    %dma_start3A_373 = tpu.memref_slice %arg4[%dma_start3A_361, %add3A_359, %dma_start3A_372] : memref<4x2048x1024xf32, #tpu.memory_space<hbm>> -> memref<1x8x1024xf32, #tpu.memory_space<hbm>>
    %dma_start3A_374 = tpu.memref_squeeze %dma_start3A_373 : memref<1x8x1024xf32, #tpu.memory_space<hbm>> -> memref<8x1024xf32, #tpu.memory_space<hbm>>
    %dma_start3A_375 = arith.constant 0 : i32
    %dma_start3A_376 = arith.constant 0 : i32
    %dma_start3A_377 = tpu.memref_slice %arg6[%dma_start3A_360, %dma_start3A_375, %dma_start3A_376] : memref<2x8x1024xf32, #tpu.memory_space<vmem>> -> memref<1x8x1024xf32, #tpu.memory_space<vmem>>
    %dma_start3A_378 = tpu.memref_squeeze %dma_start3A_377 : memref<1x8x1024xf32, #tpu.memory_space<vmem>> -> memref<8x1024xf32, #tpu.memory_space<vmem>>
    tpu.enqueue_dma source(%dma_start3A_378 : memref<8x1024xf32, #tpu.memory_space<vmem>>) target(%dma_start3A_374 : memref<8x1024xf32, #tpu.memory_space<hbm>>) target_semaphore(%dma_start3A_371 : memref<!tpu.dma_semaphore, #tpu.memory_space<semaphore_mem>>)
    %add3A_379 = arith.constant 8 : i32
    %add3A_380 = arith.addi %mul3A_2, %add3A_379 : i32
    %dma_start3A_381 = arith.constant 1 : i32
    %dma_start3A_382 = arith.constant 1 : i32
    %dma_start3A_383 = arith.constant 1 : i32
    %dma_start3A_384 = arith.constant 0 : i32
    %dma_start3A_385 = arith.constant 0 : i32
    %dma_start3A_386 = tpu.memref_slice %arg5[%dma_start3A_382, %dma_start3A_384, %dma_start3A_385] : memref<2x8x1024xf32, #tpu.memory_space<vmem>> -> memref<1x8x1024xf32, #tpu.memory_space<vmem>>
    %dma_start3A_387 = tpu.memref_squeeze %dma_start3A_386 : memref<1x8x1024xf32, #tpu.memory_space<vmem>> -> memref<8x1024xf32, #tpu.memory_space<vmem>>
    %dma_start3A_388 = arith.constant 0 : i32
    %dma_start3A_389 = tpu.memref_slice %arg2[%dma_start3A_381, %add3A_380, %dma_start3A_388] : memref<4x2048x1024xf32, #tpu.memory_space<hbm>> -> memref<1x8x1024xf32, #tpu.memory_space<hbm>>
    %dma_start3A_390 = tpu.memref_squeeze %dma_start3A_389 : memref<1x8x1024xf32, #tpu.memory_space<hbm>> -> memref<8x1024xf32, #tpu.memory_space<hbm>>
    %dma_start3A_391 = tpu.memref_slice %arg8[%dma_start3A_383] : memref<2x!tpu.dma_semaphore, #tpu.memory_space<semaphore_mem>> -> memref<1x!tpu.dma_semaphore, #tpu.memory_space<semaphore_mem>>
    %dma_start3A_392 = tpu.memref_squeeze %dma_start3A_391 : memref<1x!tpu.dma_semaphore, #tpu.memory_space<semaphore_mem>> -> memref<!tpu.dma_semaphore, #tpu.memory_space<semaphore_mem>>
    %dma_start3A_393 = arith.constant 0 : i32
    %dma_start3A_394 = arith.constant 0 : i32
    %dma_start3A_395 = tpu.memref_slice %arg5[%dma_start3A_382, %dma_start3A_393, %dma_start3A_394] : memref<2x8x1024xf32, #tpu.memory_space<vmem>> -> memref<1x8x1024xf32, #tpu.memory_space<vmem>>
    %dma_start3A_396 = tpu.memref_squeeze %dma_start3A_395 : memref<1x8x1024xf32, #tpu.memory_space<vmem>> -> memref<8x1024xf32, #tpu.memory_space<vmem>>
    %dma_start3A_397 = arith.constant 0 : i32
    %dma_start3A_398 = tpu.memref_slice %arg2[%dma_start3A_381, %add3A_380, %dma_start3A_397] : memref<4x2048x1024xf32, #tpu.memory_space<hbm>> -> memref<1x8x1024xf32, #tpu.memory_space<hbm>>
    %dma_start3A_399 = tpu.memref_squeeze %dma_start3A_398 : memref<1x8x1024xf32, #tpu.memory_space<hbm>> -> memref<8x1024xf32, #tpu.memory_space<hbm>>
    tpu.enqueue_dma source(%dma_start3A_399 : memref<8x1024xf32, #tpu.memory_space<hbm>>) target(%dma_start3A_396 : memref<8x1024xf32, #tpu.memory_space<vmem>>) target_semaphore(%dma_start3A_392 : memref<!tpu.dma_semaphore, #tpu.memory_space<semaphore_mem>>)
    %dma_wait3A_400 = arith.constant 0 : i32
    %dma_wait3A_401 = arith.constant 0 : i32
    %dma_wait3A_402 = arith.constant 0 : i32
    %dma_wait3A_403 = arith.constant 0 : i32
    %dma_wait3A_404 = arith.constant 0 : i32
    %dma_wait3A_405 = tpu.memref_slice %arg5[%dma_wait3A_401, %dma_wait3A_403, %dma_wait3A_404] : memref<2x8x1024xf32, #tpu.memory_space<vmem>> -> memref<1x8x1024xf32, #tpu.memory_space<vmem>>
    %dma_wait3A_406 = tpu.memref_squeeze %dma_wait3A_405 : memref<1x8x1024xf32, #tpu.memory_space<vmem>> -> memref<8x1024xf32, #tpu.memory_space<vmem>>
    %dma_wait3A_407 = arith.constant 0 : i32
    %dma_wait3A_408 = tpu.memref_slice %arg2[%dma_wait3A_400, %add3A_294, %dma_wait3A_407] : memref<4x2048x1024xf32, #tpu.memory_space<hbm>> -> memref<1x8x1024xf32, #tpu.memory_space<hbm>>
    %dma_wait3A_409 = tpu.memref_squeeze %dma_wait3A_408 : memref<1x8x1024xf32, #tpu.memory_space<hbm>> -> memref<8x1024xf32, #tpu.memory_space<hbm>>
    %dma_wait3A_410 = tpu.memref_slice %arg8[%dma_wait3A_402] : memref<2x!tpu.dma_semaphore, #tpu.memory_space<semaphore_mem>> -> memref<1x!tpu.dma_semaphore, #tpu.memory_space<semaphore_mem>>
    %dma_wait3A_411 = tpu.memref_squeeze %dma_wait3A_410 : memref<1x!tpu.dma_semaphore, #tpu.memory_space<semaphore_mem>> -> memref<!tpu.dma_semaphore, #tpu.memory_space<semaphore_mem>>
    %dma_wait3A_412 = arith.constant 0 : i32
    %dma_wait3A_413 = arith.constant 0 : i32
    %dma_wait3A_414 = tpu.memref_slice %arg5[%dma_wait3A_401, %dma_wait3A_412, %dma_wait3A_413] : memref<2x8x1024xf32, #tpu.memory_space<vmem>> -> memref<1x8x1024xf32, #tpu.memory_space<vmem>>
    %dma_wait3A_415 = tpu.memref_squeeze %dma_wait3A_414 : memref<1x8x1024xf32, #tpu.memory_space<vmem>> -> memref<8x1024xf32, #tpu.memory_space<vmem>>
    %dma_wait3A_416 = arith.constant 0 : i32
    %dma_wait3A_417 = tpu.memref_slice %arg2[%dma_wait3A_400, %add3A_294, %dma_wait3A_416] : memref<4x2048x1024xf32, #tpu.memory_space<hbm>> -> memref<1x8x1024xf32, #tpu.memory_space<hbm>>
    %dma_wait3A_418 = tpu.memref_squeeze %dma_wait3A_417 : memref<1x8x1024xf32, #tpu.memory_space<hbm>> -> memref<8x1024xf32, #tpu.memory_space<hbm>>
    tpu.wait_dma2 semaphore(%dma_wait3A_411 : memref<!tpu.dma_semaphore, #tpu.memory_space<semaphore_mem>>) src(%dma_wait3A_418 : memref<8x1024xf32, #tpu.memory_space<hbm>>) dst(%dma_wait3A_415 : memref<8x1024xf32, #tpu.memory_space<vmem>>)
    %dma_wait3A_419 = arith.constant 1 : i32
    %dma_wait3A_420 = arith.constant 1 : i32
    %dma_wait3A_421 = arith.constant 0 : i32
    %dma_wait3A_422 = arith.constant 0 : i32
    %dma_wait3A_423 = tpu.memref_slice %arg7[%dma_wait3A_419, %dma_wait3A_421, %dma_wait3A_422] : memref<2x8x1024xf32, #tpu.memory_space<vmem>> -> memref<1x8x1024xf32, #tpu.memory_space<vmem>>
    %dma_wait3A_424 = tpu.memref_squeeze %dma_wait3A_423 : memref<1x8x1024xf32, #tpu.memory_space<vmem>> -> memref<8x1024xf32, #tpu.memory_space<vmem>>
    %dma_wait3A_425 = arith.constant 0 : i32
    %dma_wait3A_426 = tpu.memref_slice %arg3[%add3A_63, %dma_wait3A_425] : memref<5000x1024xf32, #tpu.memory_space<hbm>> -> memref<8x1024xf32, #tpu.memory_space<hbm>>
    %dma_wait3A_427 = tpu.memref_slice %arg10[%dma_wait3A_420] : memref<2x!tpu.dma_semaphore, #tpu.memory_space<semaphore_mem>> -> memref<1x!tpu.dma_semaphore, #tpu.memory_space<semaphore_mem>>
    %dma_wait3A_428 = tpu.memref_squeeze %dma_wait3A_427 : memref<1x!tpu.dma_semaphore, #tpu.memory_space<semaphore_mem>> -> memref<!tpu.dma_semaphore, #tpu.memory_space<semaphore_mem>>
    %dma_wait3A_429 = arith.constant 0 : i32
    %dma_wait3A_430 = arith.constant 0 : i32
    %dma_wait3A_431 = tpu.memref_slice %arg7[%dma_wait3A_419, %dma_wait3A_429, %dma_wait3A_430] : memref<2x8x1024xf32, #tpu.memory_space<vmem>> -> memref<1x8x1024xf32, #tpu.memory_space<vmem>>
    %dma_wait3A_432 = tpu.memref_squeeze %dma_wait3A_431 : memref<1x8x1024xf32, #tpu.memory_space<vmem>> -> memref<8x1024xf32, #tpu.memory_space<vmem>>
    %dma_wait3A_433 = arith.constant 0 : i32
    %dma_wait3A_434 = tpu.memref_slice %arg3[%add3A_63, %dma_wait3A_433] : memref<5000x1024xf32, #tpu.memory_space<hbm>> -> memref<8x1024xf32, #tpu.memory_space<hbm>>
    tpu.wait_dma2 semaphore(%dma_wait3A_428 : memref<!tpu.dma_semaphore, #tpu.memory_space<semaphore_mem>>) src(%dma_wait3A_434 : memref<8x1024xf32, #tpu.memory_space<hbm>>) dst(%dma_wait3A_432 : memref<8x1024xf32, #tpu.memory_space<vmem>>)
    %dma_wait3A_435 = arith.constant 0 : i32
    %dma_wait3A_436 = arith.constant 2 : i32
    %dma_wait3A_437 = arith.constant 0 : i32
    %dma_wait3A_438 = arith.constant 0 : i32
    %dma_wait3A_439 = arith.constant 0 : i32
    %dma_wait3A_440 = tpu.memref_slice %arg6[%dma_wait3A_435, %dma_wait3A_438, %dma_wait3A_439] : memref<2x8x1024xf32, #tpu.memory_space<vmem>> -> memref<1x8x1024xf32, #tpu.memory_space<vmem>>
    %dma_wait3A_441 = tpu.memref_squeeze %dma_wait3A_440 : memref<1x8x1024xf32, #tpu.memory_space<vmem>> -> memref<8x1024xf32, #tpu.memory_space<vmem>>
    %dma_wait3A_442 = arith.constant 0 : i32
    %dma_wait3A_443 = tpu.memref_slice %arg4[%dma_wait3A_436, %add3A_273, %dma_wait3A_442] : memref<4x2048x1024xf32, #tpu.memory_space<hbm>> -> memref<1x8x1024xf32, #tpu.memory_space<hbm>>
    %dma_wait3A_444 = tpu.memref_squeeze %dma_wait3A_443 : memref<1x8x1024xf32, #tpu.memory_space<hbm>> -> memref<8x1024xf32, #tpu.memory_space<hbm>>
    %dma_wait3A_445 = tpu.memref_slice %arg9[%dma_wait3A_437] : memref<2x!tpu.dma_semaphore, #tpu.memory_space<semaphore_mem>> -> memref<1x!tpu.dma_semaphore, #tpu.memory_space<semaphore_mem>>
    %dma_wait3A_446 = tpu.memref_squeeze %dma_wait3A_445 : memref<1x!tpu.dma_semaphore, #tpu.memory_space<semaphore_mem>> -> memref<!tpu.dma_semaphore, #tpu.memory_space<semaphore_mem>>
    %dma_wait3A_447 = arith.constant 0 : i32
    %dma_wait3A_448 = tpu.memref_slice %arg4[%dma_wait3A_436, %add3A_273, %dma_wait3A_447] : memref<4x2048x1024xf32, #tpu.memory_space<hbm>> -> memref<1x8x1024xf32, #tpu.memory_space<hbm>>
    %dma_wait3A_449 = tpu.memref_squeeze %dma_wait3A_448 : memref<1x8x1024xf32, #tpu.memory_space<hbm>> -> memref<8x1024xf32, #tpu.memory_space<hbm>>
    %dma_wait3A_450 = arith.constant 0 : i32
    %dma_wait3A_451 = arith.constant 0 : i32
    %dma_wait3A_452 = tpu.memref_slice %arg6[%dma_wait3A_435, %dma_wait3A_450, %dma_wait3A_451] : memref<2x8x1024xf32, #tpu.memory_space<vmem>> -> memref<1x8x1024xf32, #tpu.memory_space<vmem>>
    %dma_wait3A_453 = tpu.memref_squeeze %dma_wait3A_452 : memref<1x8x1024xf32, #tpu.memory_space<vmem>> -> memref<8x1024xf32, #tpu.memory_space<vmem>>
    tpu.wait_dma2 semaphore(%dma_wait3A_446 : memref<!tpu.dma_semaphore, #tpu.memory_space<semaphore_mem>>) src(%dma_wait3A_453 : memref<8x1024xf32, #tpu.memory_space<vmem>>) dst(%dma_wait3A_449 : memref<8x1024xf32, #tpu.memory_space<hbm>>)
    %parallel_loop3A_454 = arith.constant 0 : i32
    %parallel_loop3A_455 = arith.constant 1024 : i32
    %parallel_loop3A_456 = arith.constant 16 : i32
    %parallel_loop3A_457 = arith.constant 0 : i32
    %parallel_loop3A_458 = arith.constant 1 : i32
    %parallel_loop3A_459 = arith.constant 0 : i32
    scf.for %parallel_loop3A_756 = %parallel_loop3A_454 to %parallel_loop3A_455 step %parallel_loop3A_456  : i32 {
      %parallel_loop3A_757 = arith.constant 0 : i32
      %parallel_loop3A_758 = arith.constant 0 : i32
      %parallel_loop3A_759 = arith.constant 0 : i32
      %parallel_loop3A_760 = tpu.memref_slice %arg5[%parallel_loop3A_457, %parallel_loop3A_758, %parallel_loop3A_759] : memref<2x8x1024xf32, #tpu.memory_space<vmem>> -> memref<1x8x1024xf32, #tpu.memory_space<vmem>>
      %parallel_loop3A_761 = tpu.memref_squeeze %parallel_loop3A_760 : memref<1x8x1024xf32, #tpu.memory_space<vmem>> -> memref<8x1024xf32, #tpu.memory_space<vmem>>
      %parallel_loop3A_762 = arith.index_cast %parallel_loop3A_757 : i32 to index
      %parallel_loop3A_763 = arith.index_cast %parallel_loop3A_756 : i32 to index
      %parallel_loop3A_764 = tpu.vector_load %parallel_loop3A_761[%parallel_loop3A_762, %parallel_loop3A_763] {strides = array<i32>} : memref<8x1024xf32, #tpu.memory_space<vmem>>, vector<1x16xf32>,
      %parallel_loop3A_765 = vector.shape_cast %parallel_loop3A_764 : vector<1x16xf32> to vector<16xf32>
      %parallel_loop3A_766 = arith.constant 0 : i32
      %parallel_loop3A_767 = arith.constant 0 : i32
      %parallel_loop3A_768 = arith.constant 0 : i32
      %parallel_loop3A_769 = tpu.memref_slice %arg7[%parallel_loop3A_458, %parallel_loop3A_767, %parallel_loop3A_768] : memref<2x8x1024xf32, #tpu.memory_space<vmem>> -> memref<1x8x1024xf32, #tpu.memory_space<vmem>>
      %parallel_loop3A_770 = tpu.memref_squeeze %parallel_loop3A_769 : memref<1x8x1024xf32, #tpu.memory_space<vmem>> -> memref<8x1024xf32, #tpu.memory_space<vmem>>
      %parallel_loop3A_771 = arith.index_cast %parallel_loop3A_766 : i32 to index
      %parallel_loop3A_772 = arith.index_cast %parallel_loop3A_756 : i32 to index
      %parallel_loop3A_773 = tpu.vector_load %parallel_loop3A_770[%parallel_loop3A_771, %parallel_loop3A_772] {strides = array<i32>} : memref<8x1024xf32, #tpu.memory_space<vmem>>, vector<1x16xf32>,
      %parallel_loop3A_774 = vector.shape_cast %parallel_loop3A_773 : vector<1x16xf32> to vector<16xf32>
      %parallel_loop3A_775 = arith.addf %parallel_loop3A_765, %parallel_loop3A_774 : vector<16xf32>
      %parallel_loop3A_776 = arith.constant 0 : i32
      %parallel_loop3A_777 = arith.constant 0 : i32
      %parallel_loop3A_778 = arith.constant 0 : i32
      %parallel_loop3A_779 = tpu.memref_slice %arg6[%parallel_loop3A_459, %parallel_loop3A_777, %parallel_loop3A_778] : memref<2x8x1024xf32, #tpu.memory_space<vmem>> -> memref<1x8x1024xf32, #tpu.memory_space<vmem>>
      %parallel_loop3A_780 = tpu.memref_squeeze %parallel_loop3A_779 : memref<1x8x1024xf32, #tpu.memory_space<vmem>> -> memref<8x1024xf32, #tpu.memory_space<vmem>>
      %parallel_loop3A_781 = arith.index_cast %parallel_loop3A_776 : i32 to index
      %parallel_loop3A_782 = arith.index_cast %parallel_loop3A_756 : i32 to index
      %parallel_loop3A_783 = tpu.vector_load %parallel_loop3A_780[%parallel_loop3A_781, %parallel_loop3A_782] {strides = array<i32>} : memref<8x1024xf32, #tpu.memory_space<vmem>>, vector<1x16xf32>,
      %parallel_loop3A_784 = vector.shape_cast %parallel_loop3A_783 : vector<1x16xf32> to vector<16xf32>
      %parallel_loop3A_785 = vector.shape_cast %parallel_loop3A_775 : vector<16xf32> to vector<1x16xf32>
      tpu.vector_store %parallel_loop3A_780[%parallel_loop3A_781, %parallel_loop3A_782], %parallel_loop3A_785 {strides = array<i32>} : memref<8x1024xf32, #tpu.memory_space<vmem>>, vector<1x16xf32>,
      %parallel_loop3A_786 = arith.constant 1 : i32
      %parallel_loop3A_787 = arith.constant 0 : i32
      %parallel_loop3A_788 = arith.constant 0 : i32
      %parallel_loop3A_789 = tpu.memref_slice %arg5[%parallel_loop3A_457, %parallel_loop3A_787, %parallel_loop3A_788] : memref<2x8x1024xf32, #tpu.memory_space<vmem>> -> memref<1x8x1024xf32, #tpu.memory_space<vmem>>
      %parallel_loop3A_790 = tpu.memref_squeeze %parallel_loop3A_789 : memref<1x8x1024xf32, #tpu.memory_space<vmem>> -> memref<8x1024xf32, #tpu.memory_space<vmem>>
      %parallel_loop3A_791 = arith.index_cast %parallel_loop3A_786 : i32 to index
      %parallel_loop3A_792 = arith.index_cast %parallel_loop3A_756 : i32 to index
      %parallel_loop3A_793 = tpu.vector_load %parallel_loop3A_790[%parallel_loop3A_791, %parallel_loop3A_792] {strides = array<i32>} : memref<8x1024xf32, #tpu.memory_space<vmem>>, vector<1x16xf32>,
      %parallel_loop3A_794 = vector.shape_cast %parallel_loop3A_793 : vector<1x16xf32> to vector<16xf32>
      %parallel_loop3A_795 = arith.constant 1 : i32
      %parallel_loop3A_796 = arith.constant 0 : i32
      %parallel_loop3A_797 = arith.constant 0 : i32
      %parallel_loop3A_798 = tpu.memref_slice %arg7[%parallel_loop3A_458, %parallel_loop3A_796, %parallel_loop3A_797] : memref<2x8x1024xf32, #tpu.memory_space<vmem>> -> memref<1x8x1024xf32, #tpu.memory_space<vmem>>
      %parallel_loop3A_799 = tpu.memref_squeeze %parallel_loop3A_798 : memref<1x8x1024xf32, #tpu.memory_space<vmem>> -> memref<8x1024xf32, #tpu.memory_space<vmem>>
      %parallel_loop3A_800 = arith.index_cast %parallel_loop3A_795 : i32 to index
      %parallel_loop3A_801 = arith.index_cast %parallel_loop3A_756 : i32 to index
      %parallel_loop3A_802 = tpu.vector_load %parallel_loop3A_799[%parallel_loop3A_800, %parallel_loop3A_801] {strides = array<i32>} : memref<8x1024xf32, #tpu.memory_space<vmem>>, vector<1x16xf32>,
      %parallel_loop3A_803 = vector.shape_cast %parallel_loop3A_802 : vector<1x16xf32> to vector<16xf32>
      %parallel_loop3A_804 = arith.addf %parallel_loop3A_794, %parallel_loop3A_803 : vector<16xf32>
      %parallel_loop3A_805 = arith.constant 1 : i32
      %parallel_loop3A_806 = arith.constant 0 : i32
      %parallel_loop3A_807 = arith.constant 0 : i32
      %parallel_loop3A_808 = tpu.memref_slice %arg6[%parallel_loop3A_459, %parallel_loop3A_806, %parallel_loop3A_807] : memref<2x8x1024xf32, #tpu.memory_space<vmem>> -> memref<1x8x1024xf32, #tpu.memory_space<vmem>>
      %parallel_loop3A_809 = tpu.memref_squeeze %parallel_loop3A_808 : memref<1x8x1024xf32, #tpu.memory_space<vmem>> -> memref<8x1024xf32, #tpu.memory_space<vmem>>
      %parallel_loop3A_810 = arith.index_cast %parallel_loop3A_805 : i32 to index
      %parallel_loop3A_811 = arith.index_cast %parallel_loop3A_756 : i32 to index
      %parallel_loop3A_812 = tpu.vector_load %parallel_loop3A_809[%parallel_loop3A_810, %parallel_loop3A_811] {strides = array<i32>} : memref<8x1024xf32, #tpu.memory_space<vmem>>, vector<1x16xf32>,
      %parallel_loop3A_813 = vector.shape_cast %parallel_loop3A_812 : vector<1x16xf32> to vector<16xf32>
      %parallel_loop3A_814 = vector.shape_cast %parallel_loop3A_804 : vector<16xf32> to vector<1x16xf32>
      tpu.vector_store %parallel_loop3A_809[%parallel_loop3A_810, %parallel_loop3A_811], %parallel_loop3A_814 {strides = array<i32>} : memref<8x1024xf32, #tpu.memory_space<vmem>>, vector<1x16xf32>,
      %parallel_loop3A_815 = arith.constant 2 : i32
      %parallel_loop3A_816 = arith.constant 0 : i32
      %parallel_loop3A_817 = arith.constant 0 : i32
      %parallel_loop3A_818 = tpu.memref_slice %arg5[%parallel_loop3A_457, %parallel_loop3A_816, %parallel_loop3A_817] : memref<2x8x1024xf32, #tpu.memory_space<vmem>> -> memref<1x8x1024xf32, #tpu.memory_space<vmem>>
      %parallel_loop3A_819 = tpu.memref_squeeze %parallel_loop3A_818 : memref<1x8x1024xf32, #tpu.memory_space<vmem>> -> memref<8x1024xf32, #tpu.memory_space<vmem>>
      %parallel_loop3A_820 = arith.index_cast %parallel_loop3A_815 : i32 to index
      %parallel_loop3A_821 = arith.index_cast %parallel_loop3A_756 : i32 to index
      %parallel_loop3A_822 = tpu.vector_load %parallel_loop3A_819[%parallel_loop3A_820, %parallel_loop3A_821] {strides = array<i32>} : memref<8x1024xf32, #tpu.memory_space<vmem>>, vector<1x16xf32>,
      %parallel_loop3A_823 = vector.shape_cast %parallel_loop3A_822 : vector<1x16xf32> to vector<16xf32>
      %parallel_loop3A_824 = arith.constant 2 : i32
      %parallel_loop3A_825 = arith.constant 0 : i32
      %parallel_loop3A_826 = arith.constant 0 : i32
      %parallel_loop3A_827 = tpu.memref_slice %arg7[%parallel_loop3A_458, %parallel_loop3A_825, %parallel_loop3A_826] : memref<2x8x1024xf32, #tpu.memory_space<vmem>> -> memref<1x8x1024xf32, #tpu.memory_space<vmem>>
      %parallel_loop3A_828 = tpu.memref_squeeze %parallel_loop3A_827 : memref<1x8x1024xf32, #tpu.memory_space<vmem>> -> memref<8x1024xf32, #tpu.memory_space<vmem>>
      %parallel_loop3A_829 = arith.index_cast %parallel_loop3A_824 : i32 to index
      %parallel_loop3A_830 = arith.index_cast %parallel_loop3A_756 : i32 to index
      %parallel_loop3A_831 = tpu.vector_load %parallel_loop3A_828[%parallel_loop3A_829, %parallel_loop3A_830] {strides = array<i32>} : memref<8x1024xf32, #tpu.memory_space<vmem>>, vector<1x16xf32>,
      %parallel_loop3A_832 = vector.shape_cast %parallel_loop3A_831 : vector<1x16xf32> to vector<16xf32>
      %parallel_loop3A_833 = arith.addf %parallel_loop3A_823, %parallel_loop3A_832 : vector<16xf32>
      %parallel_loop3A_834 = arith.constant 2 : i32
      %parallel_loop3A_835 = arith.constant 0 : i32
      %parallel_loop3A_836 = arith.constant 0 : i32
      %parallel_loop3A_837 = tpu.memref_slice %arg6[%parallel_loop3A_459, %parallel_loop3A_835, %parallel_loop3A_836] : memref<2x8x1024xf32, #tpu.memory_space<vmem>> -> memref<1x8x1024xf32, #tpu.memory_space<vmem>>
      %parallel_loop3A_838 = tpu.memref_squeeze %parallel_loop3A_837 : memref<1x8x1024xf32, #tpu.memory_space<vmem>> -> memref<8x1024xf32, #tpu.memory_space<vmem>>
      %parallel_loop3A_839 = arith.index_cast %parallel_loop3A_834 : i32 to index
      %parallel_loop3A_840 = arith.index_cast %parallel_loop3A_756 : i32 to index
      %parallel_loop3A_841 = tpu.vector_load %parallel_loop3A_838[%parallel_loop3A_839, %parallel_loop3A_840] {strides = array<i32>} : memref<8x1024xf32, #tpu.memory_space<vmem>>, vector<1x16xf32>,
      %parallel_loop3A_842 = vector.shape_cast %parallel_loop3A_841 : vector<1x16xf32> to vector<16xf32>
      %parallel_loop3A_843 = vector.shape_cast %parallel_loop3A_833 : vector<16xf32> to vector<1x16xf32>
      tpu.vector_store %parallel_loop3A_838[%parallel_loop3A_839, %parallel_loop3A_840], %parallel_loop3A_843 {strides = array<i32>} : memref<8x1024xf32, #tpu.memory_space<vmem>>, vector<1x16xf32>,
      %parallel_loop3A_844 = arith.constant 3 : i32
      %parallel_loop3A_845 = arith.constant 0 : i32
      %parallel_loop3A_846 = arith.constant 0 : i32
      %parallel_loop3A_847 = tpu.memref_slice %arg5[%parallel_loop3A_457, %parallel_loop3A_845, %parallel_loop3A_846] : memref<2x8x1024xf32, #tpu.memory_space<vmem>> -> memref<1x8x1024xf32, #tpu.memory_space<vmem>>
      %parallel_loop3A_848 = tpu.memref_squeeze %parallel_loop3A_847 : memref<1x8x1024xf32, #tpu.memory_space<vmem>> -> memref<8x1024xf32, #tpu.memory_space<vmem>>
      %parallel_loop3A_849 = arith.index_cast %parallel_loop3A_844 : i32 to index
      %parallel_loop3A_850 = arith.index_cast %parallel_loop3A_756 : i32 to index
      %parallel_loop3A_851 = tpu.vector_load %parallel_loop3A_848[%parallel_loop3A_849, %parallel_loop3A_850] {strides = array<i32>} : memref<8x1024xf32, #tpu.memory_space<vmem>>, vector<1x16xf32>,
      %parallel_loop3A_852 = vector.shape_cast %parallel_loop3A_851 : vector<1x16xf32> to vector<16xf32>
      %parallel_loop3A_853 = arith.constant 3 : i32
      %parallel_loop3A_854 = arith.constant 0 : i32
      %parallel_loop3A_855 = arith.constant 0 : i32
      %parallel_loop3A_856 = tpu.memref_slice %arg7[%parallel_loop3A_458, %parallel_loop3A_854, %parallel_loop3A_855] : memref<2x8x1024xf32, #tpu.memory_space<vmem>> -> memref<1x8x1024xf32, #tpu.memory_space<vmem>>
      %parallel_loop3A_857 = tpu.memref_squeeze %parallel_loop3A_856 : memref<1x8x1024xf32, #tpu.memory_space<vmem>> -> memref<8x1024xf32, #tpu.memory_space<vmem>>
      %parallel_loop3A_858 = arith.index_cast %parallel_loop3A_853 : i32 to index
      %parallel_loop3A_859 = arith.index_cast %parallel_loop3A_756 : i32 to index
      %parallel_loop3A_860 = tpu.vector_load %parallel_loop3A_857[%parallel_loop3A_858, %parallel_loop3A_859] {strides = array<i32>} : memref<8x1024xf32, #tpu.memory_space<vmem>>, vector<1x16xf32>,
      %parallel_loop3A_861 = vector.shape_cast %parallel_loop3A_860 : vector<1x16xf32> to vector<16xf32>
      %parallel_loop3A_862 = arith.addf %parallel_loop3A_852, %parallel_loop3A_861 : vector<16xf32>
      %parallel_loop3A_863 = arith.constant 3 : i32
      %parallel_loop3A_864 = arith.constant 0 : i32
      %parallel_loop3A_865 = arith.constant 0 : i32
      %parallel_loop3A_866 = tpu.memref_slice %arg6[%parallel_loop3A_459, %parallel_loop3A_864, %parallel_loop3A_865] : memref<2x8x1024xf32, #tpu.memory_space<vmem>> -> memref<1x8x1024xf32, #tpu.memory_space<vmem>>
      %parallel_loop3A_867 = tpu.memref_squeeze %parallel_loop3A_866 : memref<1x8x1024xf32, #tpu.memory_space<vmem>> -> memref<8x1024xf32, #tpu.memory_space<vmem>>
      %parallel_loop3A_868 = arith.index_cast %parallel_loop3A_863 : i32 to index
      %parallel_loop3A_869 = arith.index_cast %parallel_loop3A_756 : i32 to index
      %parallel_loop3A_870 = tpu.vector_load %parallel_loop3A_867[%parallel_loop3A_868, %parallel_loop3A_869] {strides = array<i32>} : memref<8x1024xf32, #tpu.memory_space<vmem>>, vector<1x16xf32>,
      %parallel_loop3A_871 = vector.shape_cast %parallel_loop3A_870 : vector<1x16xf32> to vector<16xf32>
      %parallel_loop3A_872 = vector.shape_cast %parallel_loop3A_862 : vector<16xf32> to vector<1x16xf32>
      tpu.vector_store %parallel_loop3A_867[%parallel_loop3A_868, %parallel_loop3A_869], %parallel_loop3A_872 {strides = array<i32>} : memref<8x1024xf32, #tpu.memory_space<vmem>>, vector<1x16xf32>,
      %parallel_loop3A_873 = arith.constant 4 : i32
      %parallel_loop3A_874 = arith.constant 0 : i32
      %parallel_loop3A_875 = arith.constant 0 : i32
      %parallel_loop3A_876 = tpu.memref_slice %arg5[%parallel_loop3A_457, %parallel_loop3A_874, %parallel_loop3A_875] : memref<2x8x1024xf32, #tpu.memory_space<vmem>> -> memref<1x8x1024xf32, #tpu.memory_space<vmem>>
      %parallel_loop3A_877 = tpu.memref_squeeze %parallel_loop3A_876 : memref<1x8x1024xf32, #tpu.memory_space<vmem>> -> memref<8x1024xf32, #tpu.memory_space<vmem>>
      %parallel_loop3A_878 = arith.index_cast %parallel_loop3A_873 : i32 to index
      %parallel_loop3A_879 = arith.index_cast %parallel_loop3A_756 : i32 to index
      %parallel_loop3A_880 = tpu.vector_load %parallel_loop3A_877[%parallel_loop3A_878, %parallel_loop3A_879] {strides = array<i32>} : memref<8x1024xf32, #tpu.memory_space<vmem>>, vector<1x16xf32>,
      %parallel_loop3A_881 = vector.shape_cast %parallel_loop3A_880 : vector<1x16xf32> to vector<16xf32>
      %parallel_loop3A_882 = arith.constant 4 : i32
      %parallel_loop3A_883 = arith.constant 0 : i32
      %parallel_loop3A_884 = arith.constant 0 : i32
      %parallel_loop3A_885 = tpu.memref_slice %arg7[%parallel_loop3A_458, %parallel_loop3A_883, %parallel_loop3A_884] : memref<2x8x1024xf32, #tpu.memory_space<vmem>> -> memref<1x8x1024xf32, #tpu.memory_space<vmem>>
      %parallel_loop3A_886 = tpu.memref_squeeze %parallel_loop3A_885 : memref<1x8x1024xf32, #tpu.memory_space<vmem>> -> memref<8x1024xf32, #tpu.memory_space<vmem>>
      %parallel_loop3A_887 = arith.index_cast %parallel_loop3A_882 : i32 to index
      %parallel_loop3A_888 = arith.index_cast %parallel_loop3A_756 : i32 to index
      %parallel_loop3A_889 = tpu.vector_load %parallel_loop3A_886[%parallel_loop3A_887, %parallel_loop3A_888] {strides = array<i32>} : memref<8x1024xf32, #tpu.memory_space<vmem>>, vector<1x16xf32>,
      %parallel_loop3A_890 = vector.shape_cast %parallel_loop3A_889 : vector<1x16xf32> to vector<16xf32>
      %parallel_loop3A_891 = arith.addf %parallel_loop3A_881, %parallel_loop3A_890 : vector<16xf32>
      %parallel_loop3A_892 = arith.constant 4 : i32
      %parallel_loop3A_893 = arith.constant 0 : i32
      %parallel_loop3A_894 = arith.constant 0 : i32
      %parallel_loop3A_895 = tpu.memref_slice %arg6[%parallel_loop3A_459, %parallel_loop3A_893, %parallel_loop3A_894] : memref<2x8x1024xf32, #tpu.memory_space<vmem>> -> memref<1x8x1024xf32, #tpu.memory_space<vmem>>
      %parallel_loop3A_896 = tpu.memref_squeeze %parallel_loop3A_895 : memref<1x8x1024xf32, #tpu.memory_space<vmem>> -> memref<8x1024xf32, #tpu.memory_space<vmem>>
      %parallel_loop3A_897 = arith.index_cast %parallel_loop3A_892 : i32 to index
      %parallel_loop3A_898 = arith.index_cast %parallel_loop3A_756 : i32 to index
      %parallel_loop3A_899 = tpu.vector_load %parallel_loop3A_896[%parallel_loop3A_897, %parallel_loop3A_898] {strides = array<i32>} : memref<8x1024xf32, #tpu.memory_space<vmem>>, vector<1x16xf32>,
      %parallel_loop3A_900 = vector.shape_cast %parallel_loop3A_899 : vector<1x16xf32> to vector<16xf32>
      %parallel_loop3A_901 = vector.shape_cast %parallel_loop3A_891 : vector<16xf32> to vector<1x16xf32>
      tpu.vector_store %parallel_loop3A_896[%parallel_loop3A_897, %parallel_loop3A_898], %parallel_loop3A_901 {strides = array<i32>} : memref<8x1024xf32, #tpu.memory_space<vmem>>, vector<1x16xf32>,
      %parallel_loop3A_902 = arith.constant 5 : i32
      %parallel_loop3A_903 = arith.constant 0 : i32
      %parallel_loop3A_904 = arith.constant 0 : i32
      %parallel_loop3A_905 = tpu.memref_slice %arg5[%parallel_loop3A_457, %parallel_loop3A_903, %parallel_loop3A_904] : memref<2x8x1024xf32, #tpu.memory_space<vmem>> -> memref<1x8x1024xf32, #tpu.memory_space<vmem>>
      %parallel_loop3A_906 = tpu.memref_squeeze %parallel_loop3A_905 : memref<1x8x1024xf32, #tpu.memory_space<vmem>> -> memref<8x1024xf32, #tpu.memory_space<vmem>>
      %parallel_loop3A_907 = arith.index_cast %parallel_loop3A_902 : i32 to index
      %parallel_loop3A_908 = arith.index_cast %parallel_loop3A_756 : i32 to index
      %parallel_loop3A_909 = tpu.vector_load %parallel_loop3A_906[%parallel_loop3A_907, %parallel_loop3A_908] {strides = array<i32>} : memref<8x1024xf32, #tpu.memory_space<vmem>>, vector<1x16xf32>,
      %parallel_loop3A_910 = vector.shape_cast %parallel_loop3A_909 : vector<1x16xf32> to vector<16xf32>
      %parallel_loop3A_911 = arith.constant 5 : i32
      %parallel_loop3A_912 = arith.constant 0 : i32
      %parallel_loop3A_913 = arith.constant 0 : i32
      %parallel_loop3A_914 = tpu.memref_slice %arg7[%parallel_loop3A_458, %parallel_loop3A_912, %parallel_loop3A_913] : memref<2x8x1024xf32, #tpu.memory_space<vmem>> -> memref<1x8x1024xf32, #tpu.memory_space<vmem>>
      %parallel_loop3A_915 = tpu.memref_squeeze %parallel_loop3A_914 : memref<1x8x1024xf32, #tpu.memory_space<vmem>> -> memref<8x1024xf32, #tpu.memory_space<vmem>>
      %parallel_loop3A_916 = arith.index_cast %parallel_loop3A_911 : i32 to index
      %parallel_loop3A_917 = arith.index_cast %parallel_loop3A_756 : i32 to index
      %parallel_loop3A_918 = tpu.vector_load %parallel_loop3A_915[%parallel_loop3A_916, %parallel_loop3A_917] {strides = array<i32>} : memref<8x1024xf32, #tpu.memory_space<vmem>>, vector<1x16xf32>,
      %parallel_loop3A_919 = vector.shape_cast %parallel_loop3A_918 : vector<1x16xf32> to vector<16xf32>
      %parallel_loop3A_920 = arith.addf %parallel_loop3A_910, %parallel_loop3A_919 : vector<16xf32>
      %parallel_loop3A_921 = arith.constant 5 : i32
      %parallel_loop3A_922 = arith.constant 0 : i32
      %parallel_loop3A_923 = arith.constant 0 : i32
      %parallel_loop3A_924 = tpu.memref_slice %arg6[%parallel_loop3A_459, %parallel_loop3A_922, %parallel_loop3A_923] : memref<2x8x1024xf32, #tpu.memory_space<vmem>> -> memref<1x8x1024xf32, #tpu.memory_space<vmem>>
      %parallel_loop3A_925 = tpu.memref_squeeze %parallel_loop3A_924 : memref<1x8x1024xf32, #tpu.memory_space<vmem>> -> memref<8x1024xf32, #tpu.memory_space<vmem>>
      %parallel_loop3A_926 = arith.index_cast %parallel_loop3A_921 : i32 to index
      %parallel_loop3A_927 = arith.index_cast %parallel_loop3A_756 : i32 to index
      %parallel_loop3A_928 = tpu.vector_load %parallel_loop3A_925[%parallel_loop3A_926, %parallel_loop3A_927] {strides = array<i32>} : memref<8x1024xf32, #tpu.memory_space<vmem>>, vector<1x16xf32>,
      %parallel_loop3A_929 = vector.shape_cast %parallel_loop3A_928 : vector<1x16xf32> to vector<16xf32>
      %parallel_loop3A_930 = vector.shape_cast %parallel_loop3A_920 : vector<16xf32> to vector<1x16xf32>
      tpu.vector_store %parallel_loop3A_925[%parallel_loop3A_926, %parallel_loop3A_927], %parallel_loop3A_930 {strides = array<i32>} : memref<8x1024xf32, #tpu.memory_space<vmem>>, vector<1x16xf32>,
      %parallel_loop3A_931 = arith.constant 6 : i32
      %parallel_loop3A_932 = arith.constant 0 : i32
      %parallel_loop3A_933 = arith.constant 0 : i32
      %parallel_loop3A_934 = tpu.memref_slice %arg5[%parallel_loop3A_457, %parallel_loop3A_932, %parallel_loop3A_933] : memref<2x8x1024xf32, #tpu.memory_space<vmem>> -> memref<1x8x1024xf32, #tpu.memory_space<vmem>>
      %parallel_loop3A_935 = tpu.memref_squeeze %parallel_loop3A_934 : memref<1x8x1024xf32, #tpu.memory_space<vmem>> -> memref<8x1024xf32, #tpu.memory_space<vmem>>
      %parallel_loop3A_936 = arith.index_cast %parallel_loop3A_931 : i32 to index
      %parallel_loop3A_937 = arith.index_cast %parallel_loop3A_756 : i32 to index
      %parallel_loop3A_938 = tpu.vector_load %parallel_loop3A_935[%parallel_loop3A_936, %parallel_loop3A_937] {strides = array<i32>} : memref<8x1024xf32, #tpu.memory_space<vmem>>, vector<1x16xf32>,
      %parallel_loop3A_939 = vector.shape_cast %parallel_loop3A_938 : vector<1x16xf32> to vector<16xf32>
      %parallel_loop3A_940 = arith.constant 6 : i32
      %parallel_loop3A_941 = arith.constant 0 : i32
      %parallel_loop3A_942 = arith.constant 0 : i32
      %parallel_loop3A_943 = tpu.memref_slice %arg7[%parallel_loop3A_458, %parallel_loop3A_941, %parallel_loop3A_942] : memref<2x8x1024xf32, #tpu.memory_space<vmem>> -> memref<1x8x1024xf32, #tpu.memory_space<vmem>>
      %parallel_loop3A_944 = tpu.memref_squeeze %parallel_loop3A_943 : memref<1x8x1024xf32, #tpu.memory_space<vmem>> -> memref<8x1024xf32, #tpu.memory_space<vmem>>
      %parallel_loop3A_945 = arith.index_cast %parallel_loop3A_940 : i32 to index
      %parallel_loop3A_946 = arith.index_cast %parallel_loop3A_756 : i32 to index
      %parallel_loop3A_947 = tpu.vector_load %parallel_loop3A_944[%parallel_loop3A_945, %parallel_loop3A_946] {strides = array<i32>} : memref<8x1024xf32, #tpu.memory_space<vmem>>, vector<1x16xf32>,
      %parallel_loop3A_948 = vector.shape_cast %parallel_loop3A_947 : vector<1x16xf32> to vector<16xf32>
      %parallel_loop3A_949 = arith.addf %parallel_loop3A_939, %parallel_loop3A_948 : vector<16xf32>
      %parallel_loop3A_950 = arith.constant 6 : i32
      %parallel_loop3A_951 = arith.constant 0 : i32
      %parallel_loop3A_952 = arith.constant 0 : i32
      %parallel_loop3A_953 = tpu.memref_slice %arg6[%parallel_loop3A_459, %parallel_loop3A_951, %parallel_loop3A_952] : memref<2x8x1024xf32, #tpu.memory_space<vmem>> -> memref<1x8x1024xf32, #tpu.memory_space<vmem>>
      %parallel_loop3A_954 = tpu.memref_squeeze %parallel_loop3A_953 : memref<1x8x1024xf32, #tpu.memory_space<vmem>> -> memref<8x1024xf32, #tpu.memory_space<vmem>>
      %parallel_loop3A_955 = arith.index_cast %parallel_loop3A_950 : i32 to index
      %parallel_loop3A_956 = arith.index_cast %parallel_loop3A_756 : i32 to index
      %parallel_loop3A_957 = tpu.vector_load %parallel_loop3A_954[%parallel_loop3A_955, %parallel_loop3A_956] {strides = array<i32>} : memref<8x1024xf32, #tpu.memory_space<vmem>>, vector<1x16xf32>,
      %parallel_loop3A_958 = vector.shape_cast %parallel_loop3A_957 : vector<1x16xf32> to vector<16xf32>
      %parallel_loop3A_959 = vector.shape_cast %parallel_loop3A_949 : vector<16xf32> to vector<1x16xf32>
      tpu.vector_store %parallel_loop3A_954[%parallel_loop3A_955, %parallel_loop3A_956], %parallel_loop3A_959 {strides = array<i32>} : memref<8x1024xf32, #tpu.memory_space<vmem>>, vector<1x16xf32>,
      %parallel_loop3A_960 = arith.constant 7 : i32
      %parallel_loop3A_961 = arith.constant 0 : i32
      %parallel_loop3A_962 = arith.constant 0 : i32
      %parallel_loop3A_963 = tpu.memref_slice %arg5[%parallel_loop3A_457, %parallel_loop3A_961, %parallel_loop3A_962] : memref<2x8x1024xf32, #tpu.memory_space<vmem>> -> memref<1x8x1024xf32, #tpu.memory_space<vmem>>
      %parallel_loop3A_964 = tpu.memref_squeeze %parallel_loop3A_963 : memref<1x8x1024xf32, #tpu.memory_space<vmem>> -> memref<8x1024xf32, #tpu.memory_space<vmem>>
      %parallel_loop3A_965 = arith.index_cast %parallel_loop3A_960 : i32 to index
      %parallel_loop3A_966 = arith.index_cast %parallel_loop3A_756 : i32 to index
      %parallel_loop3A_967 = tpu.vector_load %parallel_loop3A_964[%parallel_loop3A_965, %parallel_loop3A_966] {strides = array<i32>} : memref<8x1024xf32, #tpu.memory_space<vmem>>, vector<1x16xf32>,
      %parallel_loop3A_968 = vector.shape_cast %parallel_loop3A_967 : vector<1x16xf32> to vector<16xf32>
      %parallel_loop3A_969 = arith.constant 7 : i32
      %parallel_loop3A_970 = arith.constant 0 : i32
      %parallel_loop3A_971 = arith.constant 0 : i32
      %parallel_loop3A_972 = tpu.memref_slice %arg7[%parallel_loop3A_458, %parallel_loop3A_970, %parallel_loop3A_971] : memref<2x8x1024xf32, #tpu.memory_space<vmem>> -> memref<1x8x1024xf32, #tpu.memory_space<vmem>>
      %parallel_loop3A_973 = tpu.memref_squeeze %parallel_loop3A_972 : memref<1x8x1024xf32, #tpu.memory_space<vmem>> -> memref<8x1024xf32, #tpu.memory_space<vmem>>
      %parallel_loop3A_974 = arith.index_cast %parallel_loop3A_969 : i32 to index
      %parallel_loop3A_975 = arith.index_cast %parallel_loop3A_756 : i32 to index
      %parallel_loop3A_976 = tpu.vector_load %parallel_loop3A_973[%parallel_loop3A_974, %parallel_loop3A_975] {strides = array<i32>} : memref<8x1024xf32, #tpu.memory_space<vmem>>, vector<1x16xf32>,
      %parallel_loop3A_977 = vector.shape_cast %parallel_loop3A_976 : vector<1x16xf32> to vector<16xf32>
      %parallel_loop3A_978 = arith.addf %parallel_loop3A_968, %parallel_loop3A_977 : vector<16xf32>
      %parallel_loop3A_979 = arith.constant 7 : i32
      %parallel_loop3A_980 = arith.constant 0 : i32
      %parallel_loop3A_981 = arith.constant 0 : i32
      %parallel_loop3A_982 = tpu.memref_slice %arg6[%parallel_loop3A_459, %parallel_loop3A_980, %parallel_loop3A_981] : memref<2x8x1024xf32, #tpu.memory_space<vmem>> -> memref<1x8x1024xf32, #tpu.memory_space<vmem>>
      %parallel_loop3A_983 = tpu.memref_squeeze %parallel_loop3A_982 : memref<1x8x1024xf32, #tpu.memory_space<vmem>> -> memref<8x1024xf32, #tpu.memory_space<vmem>>
      %parallel_loop3A_984 = arith.index_cast %parallel_loop3A_979 : i32 to index
      %parallel_loop3A_985 = arith.index_cast %parallel_loop3A_756 : i32 to index
      %parallel_loop3A_986 = tpu.vector_load %parallel_loop3A_983[%parallel_loop3A_984, %parallel_loop3A_985] {strides = array<i32>} : memref<8x1024xf32, #tpu.memory_space<vmem>>, vector<1x16xf32>,
      %parallel_loop3A_987 = vector.shape_cast %parallel_loop3A_986 : vector<1x16xf32> to vector<16xf32>
      %parallel_loop3A_988 = vector.shape_cast %parallel_loop3A_978 : vector<16xf32> to vector<1x16xf32>
      tpu.vector_store %parallel_loop3A_983[%parallel_loop3A_984, %parallel_loop3A_985], %parallel_loop3A_988 {strides = array<i32>} : memref<8x1024xf32, #tpu.memory_space<vmem>>, vector<1x16xf32>,
    } {sc.loop_unroll_factor = 2 : i64, sc.parallel_access}
    %add3A_460 = arith.constant 8 : i32
    %add3A_461 = arith.addi %mul3A_2, %add3A_460 : i32
    %dma_start3A_462 = arith.constant 0 : i32
    %dma_start3A_463 = arith.constant 0 : i32
    %dma_start3A_464 = arith.constant 0 : i32
    %dma_start3A_465 = arith.constant 0 : i32
    %dma_start3A_466 = arith.constant 0 : i32
    %dma_start3A_467 = tpu.memref_slice %arg6[%dma_start3A_462, %dma_start3A_465, %dma_start3A_466] : memref<2x8x1024xf32, #tpu.memory_space<vmem>> -> memref<1x8x1024xf32, #tpu.memory_space<vmem>>
    %dma_start3A_468 = tpu.memref_squeeze %dma_start3A_467 : memref<1x8x1024xf32, #tpu.memory_space<vmem>> -> memref<8x1024xf32, #tpu.memory_space<vmem>>
    %dma_start3A_469 = arith.constant 0 : i32
    %dma_start3A_470 = tpu.memref_slice %arg4[%dma_start3A_463, %add3A_461, %dma_start3A_469] : memref<4x2048x1024xf32, #tpu.memory_space<hbm>> -> memref<1x8x1024xf32, #tpu.memory_space<hbm>>
    %dma_start3A_471 = tpu.memref_squeeze %dma_start3A_470 : memref<1x8x1024xf32, #tpu.memory_space<hbm>> -> memref<8x1024xf32, #tpu.memory_space<hbm>>
    %dma_start3A_472 = tpu.memref_slice %arg9[%dma_start3A_464] : memref<2x!tpu.dma_semaphore, #tpu.memory_space<semaphore_mem>> -> memref<1x!tpu.dma_semaphore, #tpu.memory_space<semaphore_mem>>
    %dma_start3A_473 = tpu.memref_squeeze %dma_start3A_472 : memref<1x!tpu.dma_semaphore, #tpu.memory_space<semaphore_mem>> -> memref<!tpu.dma_semaphore, #tpu.memory_space<semaphore_mem>>
    %dma_start3A_474 = arith.constant 0 : i32
    %dma_start3A_475 = tpu.memref_slice %arg4[%dma_start3A_463, %add3A_461, %dma_start3A_474] : memref<4x2048x1024xf32, #tpu.memory_space<hbm>> -> memref<1x8x1024xf32, #tpu.memory_space<hbm>>
    %dma_start3A_476 = tpu.memref_squeeze %dma_start3A_475 : memref<1x8x1024xf32, #tpu.memory_space<hbm>> -> memref<8x1024xf32, #tpu.memory_space<hbm>>
    %dma_start3A_477 = arith.constant 0 : i32
    %dma_start3A_478 = arith.constant 0 : i32
    %dma_start3A_479 = tpu.memref_slice %arg6[%dma_start3A_462, %dma_start3A_477, %dma_start3A_478] : memref<2x8x1024xf32, #tpu.memory_space<vmem>> -> memref<1x8x1024xf32, #tpu.memory_space<vmem>>
    %dma_start3A_480 = tpu.memref_squeeze %dma_start3A_479 : memref<1x8x1024xf32, #tpu.memory_space<vmem>> -> memref<8x1024xf32, #tpu.memory_space<vmem>>
    tpu.enqueue_dma source(%dma_start3A_480 : memref<8x1024xf32, #tpu.memory_space<vmem>>) target(%dma_start3A_476 : memref<8x1024xf32, #tpu.memory_space<hbm>>) target_semaphore(%dma_start3A_473 : memref<!tpu.dma_semaphore, #tpu.memory_space<semaphore_mem>>)
    %add3A_481 = arith.constant 8 : i32
    %add3A_482 = arith.addi %mul3A_2, %add3A_481 : i32
    %dma_start3A_483 = arith.constant 2 : i32
    %dma_start3A_484 = arith.constant 0 : i32
    %dma_start3A_485 = arith.constant 0 : i32
    %dma_start3A_486 = arith.constant 0 : i32
    %dma_start3A_487 = arith.constant 0 : i32
    %dma_start3A_488 = tpu.memref_slice %arg5[%dma_start3A_484, %dma_start3A_486, %dma_start3A_487] : memref<2x8x1024xf32, #tpu.memory_space<vmem>> -> memref<1x8x1024xf32, #tpu.memory_space<vmem>>
    %dma_start3A_489 = tpu.memref_squeeze %dma_start3A_488 : memref<1x8x1024xf32, #tpu.memory_space<vmem>> -> memref<8x1024xf32, #tpu.memory_space<vmem>>
    %dma_start3A_490 = arith.constant 0 : i32
    %dma_start3A_491 = tpu.memref_slice %arg2[%dma_start3A_483, %add3A_482, %dma_start3A_490] : memref<4x2048x1024xf32, #tpu.memory_space<hbm>> -> memref<1x8x1024xf32, #tpu.memory_space<hbm>>
    %dma_start3A_492 = tpu.memref_squeeze %dma_start3A_491 : memref<1x8x1024xf32, #tpu.memory_space<hbm>> -> memref<8x1024xf32, #tpu.memory_space<hbm>>
    %dma_start3A_493 = tpu.memref_slice %arg8[%dma_start3A_485] : memref<2x!tpu.dma_semaphore, #tpu.memory_space<semaphore_mem>> -> memref<1x!tpu.dma_semaphore, #tpu.memory_space<semaphore_mem>>
    %dma_start3A_494 = tpu.memref_squeeze %dma_start3A_493 : memref<1x!tpu.dma_semaphore, #tpu.memory_space<semaphore_mem>> -> memref<!tpu.dma_semaphore, #tpu.memory_space<semaphore_mem>>
    %dma_start3A_495 = arith.constant 0 : i32
    %dma_start3A_496 = arith.constant 0 : i32
    %dma_start3A_497 = tpu.memref_slice %arg5[%dma_start3A_484, %dma_start3A_495, %dma_start3A_496] : memref<2x8x1024xf32, #tpu.memory_space<vmem>> -> memref<1x8x1024xf32, #tpu.memory_space<vmem>>
    %dma_start3A_498 = tpu.memref_squeeze %dma_start3A_497 : memref<1x8x1024xf32, #tpu.memory_space<vmem>> -> memref<8x1024xf32, #tpu.memory_space<vmem>>
    %dma_start3A_499 = arith.constant 0 : i32
    %dma_start3A_500 = tpu.memref_slice %arg2[%dma_start3A_483, %add3A_482, %dma_start3A_499] : memref<4x2048x1024xf32, #tpu.memory_space<hbm>> -> memref<1x8x1024xf32, #tpu.memory_space<hbm>>
    %dma_start3A_501 = tpu.memref_squeeze %dma_start3A_500 : memref<1x8x1024xf32, #tpu.memory_space<hbm>> -> memref<8x1024xf32, #tpu.memory_space<hbm>>
    tpu.enqueue_dma source(%dma_start3A_501 : memref<8x1024xf32, #tpu.memory_space<hbm>>) target(%dma_start3A_498 : memref<8x1024xf32, #tpu.memory_space<vmem>>) target_semaphore(%dma_start3A_494 : memref<!tpu.dma_semaphore, #tpu.memory_space<semaphore_mem>>)
    %dma_wait3A_502 = arith.constant 1 : i32
    %dma_wait3A_503 = arith.constant 1 : i32
    %dma_wait3A_504 = arith.constant 1 : i32
    %dma_wait3A_505 = arith.constant 0 : i32
    %dma_wait3A_506 = arith.constant 0 : i32
    %dma_wait3A_507 = tpu.memref_slice %arg5[%dma_wait3A_503, %dma_wait3A_505, %dma_wait3A_506] : memref<2x8x1024xf32, #tpu.memory_space<vmem>> -> memref<1x8x1024xf32, #tpu.memory_space<vmem>>
    %dma_wait3A_508 = tpu.memref_squeeze %dma_wait3A_507 : memref<1x8x1024xf32, #tpu.memory_space<vmem>> -> memref<8x1024xf32, #tpu.memory_space<vmem>>
    %dma_wait3A_509 = arith.constant 0 : i32
    %dma_wait3A_510 = tpu.memref_slice %arg2[%dma_wait3A_502, %add3A_380, %dma_wait3A_509] : memref<4x2048x1024xf32, #tpu.memory_space<hbm>> -> memref<1x8x1024xf32, #tpu.memory_space<hbm>>
    %dma_wait3A_511 = tpu.memref_squeeze %dma_wait3A_510 : memref<1x8x1024xf32, #tpu.memory_space<hbm>> -> memref<8x1024xf32, #tpu.memory_space<hbm>>
    %dma_wait3A_512 = tpu.memref_slice %arg8[%dma_wait3A_504] : memref<2x!tpu.dma_semaphore, #tpu.memory_space<semaphore_mem>> -> memref<1x!tpu.dma_semaphore, #tpu.memory_space<semaphore_mem>>
    %dma_wait3A_513 = tpu.memref_squeeze %dma_wait3A_512 : memref<1x!tpu.dma_semaphore, #tpu.memory_space<semaphore_mem>> -> memref<!tpu.dma_semaphore, #tpu.memory_space<semaphore_mem>>
    %dma_wait3A_514 = arith.constant 0 : i32
    %dma_wait3A_515 = arith.constant 0 : i32
    %dma_wait3A_516 = tpu.memref_slice %arg5[%dma_wait3A_503, %dma_wait3A_514, %dma_wait3A_515] : memref<2x8x1024xf32, #tpu.memory_space<vmem>> -> memref<1x8x1024xf32, #tpu.memory_space<vmem>>
    %dma_wait3A_517 = tpu.memref_squeeze %dma_wait3A_516 : memref<1x8x1024xf32, #tpu.memory_space<vmem>> -> memref<8x1024xf32, #tpu.memory_space<vmem>>
    %dma_wait3A_518 = arith.constant 0 : i32
    %dma_wait3A_519 = tpu.memref_slice %arg2[%dma_wait3A_502, %add3A_380, %dma_wait3A_518] : memref<4x2048x1024xf32, #tpu.memory_space<hbm>> -> memref<1x8x1024xf32, #tpu.memory_space<hbm>>
    %dma_wait3A_520 = tpu.memref_squeeze %dma_wait3A_519 : memref<1x8x1024xf32, #tpu.memory_space<hbm>> -> memref<8x1024xf32, #tpu.memory_space<hbm>>
    tpu.wait_dma2 semaphore(%dma_wait3A_513 : memref<!tpu.dma_semaphore, #tpu.memory_space<semaphore_mem>>) src(%dma_wait3A_520 : memref<8x1024xf32, #tpu.memory_space<hbm>>) dst(%dma_wait3A_517 : memref<8x1024xf32, #tpu.memory_space<vmem>>)
    %dma_wait3A_521 = arith.constant 1 : i32
    %dma_wait3A_522 = arith.constant 3 : i32
    %dma_wait3A_523 = arith.constant 1 : i32
    %dma_wait3A_524 = arith.constant 0 : i32
    %dma_wait3A_525 = arith.constant 0 : i32
    %dma_wait3A_526 = tpu.memref_slice %arg6[%dma_wait3A_521, %dma_wait3A_524, %dma_wait3A_525] : memref<2x8x1024xf32, #tpu.memory_space<vmem>> -> memref<1x8x1024xf32, #tpu.memory_space<vmem>>
    %dma_wait3A_527 = tpu.memref_squeeze %dma_wait3A_526 : memref<1x8x1024xf32, #tpu.memory_space<vmem>> -> memref<8x1024xf32, #tpu.memory_space<vmem>>
    %dma_wait3A_528 = arith.constant 0 : i32
    %dma_wait3A_529 = tpu.memref_slice %arg4[%dma_wait3A_522, %add3A_359, %dma_wait3A_528] : memref<4x2048x1024xf32, #tpu.memory_space<hbm>> -> memref<1x8x1024xf32, #tpu.memory_space<hbm>>
    %dma_wait3A_530 = tpu.memref_squeeze %dma_wait3A_529 : memref<1x8x1024xf32, #tpu.memory_space<hbm>> -> memref<8x1024xf32, #tpu.memory_space<hbm>>
    %dma_wait3A_531 = tpu.memref_slice %arg9[%dma_wait3A_523] : memref<2x!tpu.dma_semaphore, #tpu.memory_space<semaphore_mem>> -> memref<1x!tpu.dma_semaphore, #tpu.memory_space<semaphore_mem>>
    %dma_wait3A_532 = tpu.memref_squeeze %dma_wait3A_531 : memref<1x!tpu.dma_semaphore, #tpu.memory_space<semaphore_mem>> -> memref<!tpu.dma_semaphore, #tpu.memory_space<semaphore_mem>>
    %dma_wait3A_533 = arith.constant 0 : i32
    %dma_wait3A_534 = tpu.memref_slice %arg4[%dma_wait3A_522, %add3A_359, %dma_wait3A_533] : memref<4x2048x1024xf32, #tpu.memory_space<hbm>> -> memref<1x8x1024xf32, #tpu.memory_space<hbm>>
    %dma_wait3A_535 = tpu.memref_squeeze %dma_wait3A_534 : memref<1x8x1024xf32, #tpu.memory_space<hbm>> -> memref<8x1024xf32, #tpu.memory_space<hbm>>
    %dma_wait3A_536 = arith.constant 0 : i32
    %dma_wait3A_537 = arith.constant 0 : i32
    %dma_wait3A_538 = tpu.memref_slice %arg6[%dma_wait3A_521, %dma_wait3A_536, %dma_wait3A_537] : memref<2x8x1024xf32, #tpu.memory_space<vmem>> -> memref<1x8x1024xf32, #tpu.memory_space<vmem>>
    %dma_wait3A_539 = tpu.memref_squeeze %dma_wait3A_538 : memref<1x8x1024xf32, #tpu.memory_space<vmem>> -> memref<8x1024xf32, #tpu.memory_space<vmem>>
    tpu.wait_dma2 semaphore(%dma_wait3A_532 : memref<!tpu.dma_semaphore, #tpu.memory_space<semaphore_mem>>) src(%dma_wait3A_539 : memref<8x1024xf32, #tpu.memory_space<vmem>>) dst(%dma_wait3A_535 : memref<8x1024xf32, #tpu.memory_space<hbm>>)
    %parallel_loop3A_540 = arith.constant 0 : i32
    %parallel_loop3A_541 = arith.constant 1024 : i32
    %parallel_loop3A_542 = arith.constant 16 : i32
    %parallel_loop3A_543 = arith.constant 1 : i32
    %parallel_loop3A_544 = arith.constant 1 : i32
    %parallel_loop3A_545 = arith.constant 1 : i32
    scf.for %parallel_loop3A_756 = %parallel_loop3A_540 to %parallel_loop3A_541 step %parallel_loop3A_542  : i32 {
      %parallel_loop3A_757 = arith.constant 0 : i32
      %parallel_loop3A_758 = arith.constant 0 : i32
      %parallel_loop3A_759 = arith.constant 0 : i32
      %parallel_loop3A_760 = tpu.memref_slice %arg5[%parallel_loop3A_543, %parallel_loop3A_758, %parallel_loop3A_759] : memref<2x8x1024xf32, #tpu.memory_space<vmem>> -> memref<1x8x1024xf32, #tpu.memory_space<vmem>>
      %parallel_loop3A_761 = tpu.memref_squeeze %parallel_loop3A_760 : memref<1x8x1024xf32, #tpu.memory_space<vmem>> -> memref<8x1024xf32, #tpu.memory_space<vmem>>
      %parallel_loop3A_762 = arith.index_cast %parallel_loop3A_757 : i32 to index
      %parallel_loop3A_763 = arith.index_cast %parallel_loop3A_756 : i32 to index
      %parallel_loop3A_764 = tpu.vector_load %parallel_loop3A_761[%parallel_loop3A_762, %parallel_loop3A_763] {strides = array<i32>} : memref<8x1024xf32, #tpu.memory_space<vmem>>, vector<1x16xf32>,
      %parallel_loop3A_765 = vector.shape_cast %parallel_loop3A_764 : vector<1x16xf32> to vector<16xf32>
      %parallel_loop3A_766 = arith.constant 0 : i32
      %parallel_loop3A_767 = arith.constant 0 : i32
      %parallel_loop3A_768 = arith.constant 0 : i32
      %parallel_loop3A_769 = tpu.memref_slice %arg7[%parallel_loop3A_544, %parallel_loop3A_767, %parallel_loop3A_768] : memref<2x8x1024xf32, #tpu.memory_space<vmem>> -> memref<1x8x1024xf32, #tpu.memory_space<vmem>>
      %parallel_loop3A_770 = tpu.memref_squeeze %parallel_loop3A_769 : memref<1x8x1024xf32, #tpu.memory_space<vmem>> -> memref<8x1024xf32, #tpu.memory_space<vmem>>
      %parallel_loop3A_771 = arith.index_cast %parallel_loop3A_766 : i32 to index
      %parallel_loop3A_772 = arith.index_cast %parallel_loop3A_756 : i32 to index
      %parallel_loop3A_773 = tpu.vector_load %parallel_loop3A_770[%parallel_loop3A_771, %parallel_loop3A_772] {strides = array<i32>} : memref<8x1024xf32, #tpu.memory_space<vmem>>, vector<1x16xf32>,
      %parallel_loop3A_774 = vector.shape_cast %parallel_loop3A_773 : vector<1x16xf32> to vector<16xf32>
      %parallel_loop3A_775 = arith.addf %parallel_loop3A_765, %parallel_loop3A_774 : vector<16xf32>
      %parallel_loop3A_776 = arith.constant 0 : i32
      %parallel_loop3A_777 = arith.constant 0 : i32
      %parallel_loop3A_778 = arith.constant 0 : i32
      %parallel_loop3A_779 = tpu.memref_slice %arg6[%parallel_loop3A_545, %parallel_loop3A_777, %parallel_loop3A_778] : memref<2x8x1024xf32, #tpu.memory_space<vmem>> -> memref<1x8x1024xf32, #tpu.memory_space<vmem>>
      %parallel_loop3A_780 = tpu.memref_squeeze %parallel_loop3A_779 : memref<1x8x1024xf32, #tpu.memory_space<vmem>> -> memref<8x1024xf32, #tpu.memory_space<vmem>>
      %parallel_loop3A_781 = arith.index_cast %parallel_loop3A_776 : i32 to index
      %parallel_loop3A_782 = arith.index_cast %parallel_loop3A_756 : i32 to index
      %parallel_loop3A_783 = tpu.vector_load %parallel_loop3A_780[%parallel_loop3A_781, %parallel_loop3A_782] {strides = array<i32>} : memref<8x1024xf32, #tpu.memory_space<vmem>>, vector<1x16xf32>,
      %parallel_loop3A_784 = vector.shape_cast %parallel_loop3A_783 : vector<1x16xf32> to vector<16xf32>
      %parallel_loop3A_785 = vector.shape_cast %parallel_loop3A_775 : vector<16xf32> to vector<1x16xf32>
      tpu.vector_store %parallel_loop3A_780[%parallel_loop3A_781, %parallel_loop3A_782], %parallel_loop3A_785 {strides = array<i32>} : memref<8x1024xf32, #tpu.memory_space<vmem>>, vector<1x16xf32>,
      %parallel_loop3A_786 = arith.constant 1 : i32
      %parallel_loop3A_787 = arith.constant 0 : i32
      %parallel_loop3A_788 = arith.constant 0 : i32
      %parallel_loop3A_789 = tpu.memref_slice %arg5[%parallel_loop3A_543, %parallel_loop3A_787, %parallel_loop3A_788] : memref<2x8x1024xf32, #tpu.memory_space<vmem>> -> memref<1x8x1024xf32, #tpu.memory_space<vmem>>
      %parallel_loop3A_790 = tpu.memref_squeeze %parallel_loop3A_789 : memref<1x8x1024xf32, #tpu.memory_space<vmem>> -> memref<8x1024xf32, #tpu.memory_space<vmem>>
      %parallel_loop3A_791 = arith.index_cast %parallel_loop3A_786 : i32 to index
      %parallel_loop3A_792 = arith.index_cast %parallel_loop3A_756 : i32 to index
      %parallel_loop3A_793 = tpu.vector_load %parallel_loop3A_790[%parallel_loop3A_791, %parallel_loop3A_792] {strides = array<i32>} : memref<8x1024xf32, #tpu.memory_space<vmem>>, vector<1x16xf32>,
      %parallel_loop3A_794 = vector.shape_cast %parallel_loop3A_793 : vector<1x16xf32> to vector<16xf32>
      %parallel_loop3A_795 = arith.constant 1 : i32
      %parallel_loop3A_796 = arith.constant 0 : i32
      %parallel_loop3A_797 = arith.constant 0 : i32
      %parallel_loop3A_798 = tpu.memref_slice %arg7[%parallel_loop3A_544, %parallel_loop3A_796, %parallel_loop3A_797] : memref<2x8x1024xf32, #tpu.memory_space<vmem>> -> memref<1x8x1024xf32, #tpu.memory_space<vmem>>
      %parallel_loop3A_799 = tpu.memref_squeeze %parallel_loop3A_798 : memref<1x8x1024xf32, #tpu.memory_space<vmem>> -> memref<8x1024xf32, #tpu.memory_space<vmem>>
      %parallel_loop3A_800 = arith.index_cast %parallel_loop3A_795 : i32 to index
      %parallel_loop3A_801 = arith.index_cast %parallel_loop3A_756 : i32 to index
      %parallel_loop3A_802 = tpu.vector_load %parallel_loop3A_799[%parallel_loop3A_800, %parallel_loop3A_801] {strides = array<i32>} : memref<8x1024xf32, #tpu.memory_space<vmem>>, vector<1x16xf32>,
      %parallel_loop3A_803 = vector.shape_cast %parallel_loop3A_802 : vector<1x16xf32> to vector<16xf32>
      %parallel_loop3A_804 = arith.addf %parallel_loop3A_794, %parallel_loop3A_803 : vector<16xf32>
      %parallel_loop3A_805 = arith.constant 1 : i32
      %parallel_loop3A_806 = arith.constant 0 : i32
      %parallel_loop3A_807 = arith.constant 0 : i32
      %parallel_loop3A_808 = tpu.memref_slice %arg6[%parallel_loop3A_545, %parallel_loop3A_806, %parallel_loop3A_807] : memref<2x8x1024xf32, #tpu.memory_space<vmem>> -> memref<1x8x1024xf32, #tpu.memory_space<vmem>>
      %parallel_loop3A_809 = tpu.memref_squeeze %parallel_loop3A_808 : memref<1x8x1024xf32, #tpu.memory_space<vmem>> -> memref<8x1024xf32, #tpu.memory_space<vmem>>
      %parallel_loop3A_810 = arith.index_cast %parallel_loop3A_805 : i32 to index
      %parallel_loop3A_811 = arith.index_cast %parallel_loop3A_756 : i32 to index
      %parallel_loop3A_812 = tpu.vector_load %parallel_loop3A_809[%parallel_loop3A_810, %parallel_loop3A_811] {strides = array<i32>} : memref<8x1024xf32, #tpu.memory_space<vmem>>, vector<1x16xf32>,
      %parallel_loop3A_813 = vector.shape_cast %parallel_loop3A_812 : vector<1x16xf32> to vector<16xf32>
      %parallel_loop3A_814 = vector.shape_cast %parallel_loop3A_804 : vector<16xf32> to vector<1x16xf32>
      tpu.vector_store %parallel_loop3A_809[%parallel_loop3A_810, %parallel_loop3A_811], %parallel_loop3A_814 {strides = array<i32>} : memref<8x1024xf32, #tpu.memory_space<vmem>>, vector<1x16xf32>,
      %parallel_loop3A_815 = arith.constant 2 : i32
      %parallel_loop3A_816 = arith.constant 0 : i32
      %parallel_loop3A_817 = arith.constant 0 : i32
      %parallel_loop3A_818 = tpu.memref_slice %arg5[%parallel_loop3A_543, %parallel_loop3A_816, %parallel_loop3A_817] : memref<2x8x1024xf32, #tpu.memory_space<vmem>> -> memref<1x8x1024xf32, #tpu.memory_space<vmem>>
      %parallel_loop3A_819 = tpu.memref_squeeze %parallel_loop3A_818 : memref<1x8x1024xf32, #tpu.memory_space<vmem>> -> memref<8x1024xf32, #tpu.memory_space<vmem>>
      %parallel_loop3A_820 = arith.index_cast %parallel_loop3A_815 : i32 to index
      %parallel_loop3A_821 = arith.index_cast %parallel_loop3A_756 : i32 to index
      %parallel_loop3A_822 = tpu.vector_load %parallel_loop3A_819[%parallel_loop3A_820, %parallel_loop3A_821] {strides = array<i32>} : memref<8x1024xf32, #tpu.memory_space<vmem>>, vector<1x16xf32>,
      %parallel_loop3A_823 = vector.shape_cast %parallel_loop3A_822 : vector<1x16xf32> to vector<16xf32>
      %parallel_loop3A_824 = arith.constant 2 : i32
      %parallel_loop3A_825 = arith.constant 0 : i32
      %parallel_loop3A_826 = arith.constant 0 : i32
      %parallel_loop3A_827 = tpu.memref_slice %arg7[%parallel_loop3A_544, %parallel_loop3A_825, %parallel_loop3A_826] : memref<2x8x1024xf32, #tpu.memory_space<vmem>> -> memref<1x8x1024xf32, #tpu.memory_space<vmem>>
      %parallel_loop3A_828 = tpu.memref_squeeze %parallel_loop3A_827 : memref<1x8x1024xf32, #tpu.memory_space<vmem>> -> memref<8x1024xf32, #tpu.memory_space<vmem>>
      %parallel_loop3A_829 = arith.index_cast %parallel_loop3A_824 : i32 to index
      %parallel_loop3A_830 = arith.index_cast %parallel_loop3A_756 : i32 to index
      %parallel_loop3A_831 = tpu.vector_load %parallel_loop3A_828[%parallel_loop3A_829, %parallel_loop3A_830] {strides = array<i32>} : memref<8x1024xf32, #tpu.memory_space<vmem>>, vector<1x16xf32>,
      %parallel_loop3A_832 = vector.shape_cast %parallel_loop3A_831 : vector<1x16xf32> to vector<16xf32>
      %parallel_loop3A_833 = arith.addf %parallel_loop3A_823, %parallel_loop3A_832 : vector<16xf32>
      %parallel_loop3A_834 = arith.constant 2 : i32
      %parallel_loop3A_835 = arith.constant 0 : i32
      %parallel_loop3A_836 = arith.constant 0 : i32
      %parallel_loop3A_837 = tpu.memref_slice %arg6[%parallel_loop3A_545, %parallel_loop3A_835, %parallel_loop3A_836] : memref<2x8x1024xf32, #tpu.memory_space<vmem>> -> memref<1x8x1024xf32, #tpu.memory_space<vmem>>
      %parallel_loop3A_838 = tpu.memref_squeeze %parallel_loop3A_837 : memref<1x8x1024xf32, #tpu.memory_space<vmem>> -> memref<8x1024xf32, #tpu.memory_space<vmem>>
      %parallel_loop3A_839 = arith.index_cast %parallel_loop3A_834 : i32 to index
      %parallel_loop3A_840 = arith.index_cast %parallel_loop3A_756 : i32 to index
      %parallel_loop3A_841 = tpu.vector_load %parallel_loop3A_838[%parallel_loop3A_839, %parallel_loop3A_840] {strides = array<i32>} : memref<8x1024xf32, #tpu.memory_space<vmem>>, vector<1x16xf32>,
      %parallel_loop3A_842 = vector.shape_cast %parallel_loop3A_841 : vector<1x16xf32> to vector<16xf32>
      %parallel_loop3A_843 = vector.shape_cast %parallel_loop3A_833 : vector<16xf32> to vector<1x16xf32>
      tpu.vector_store %parallel_loop3A_838[%parallel_loop3A_839, %parallel_loop3A_840], %parallel_loop3A_843 {strides = array<i32>} : memref<8x1024xf32, #tpu.memory_space<vmem>>, vector<1x16xf32>,
      %parallel_loop3A_844 = arith.constant 3 : i32
      %parallel_loop3A_845 = arith.constant 0 : i32
      %parallel_loop3A_846 = arith.constant 0 : i32
      %parallel_loop3A_847 = tpu.memref_slice %arg5[%parallel_loop3A_543, %parallel_loop3A_845, %parallel_loop3A_846] : memref<2x8x1024xf32, #tpu.memory_space<vmem>> -> memref<1x8x1024xf32, #tpu.memory_space<vmem>>
      %parallel_loop3A_848 = tpu.memref_squeeze %parallel_loop3A_847 : memref<1x8x1024xf32, #tpu.memory_space<vmem>> -> memref<8x1024xf32, #tpu.memory_space<vmem>>
      %parallel_loop3A_849 = arith.index_cast %parallel_loop3A_844 : i32 to index
      %parallel_loop3A_850 = arith.index_cast %parallel_loop3A_756 : i32 to index
      %parallel_loop3A_851 = tpu.vector_load %parallel_loop3A_848[%parallel_loop3A_849, %parallel_loop3A_850] {strides = array<i32>} : memref<8x1024xf32, #tpu.memory_space<vmem>>, vector<1x16xf32>,
      %parallel_loop3A_852 = vector.shape_cast %parallel_loop3A_851 : vector<1x16xf32> to vector<16xf32>
      %parallel_loop3A_853 = arith.constant 3 : i32
      %parallel_loop3A_854 = arith.constant 0 : i32
      %parallel_loop3A_855 = arith.constant 0 : i32
      %parallel_loop3A_856 = tpu.memref_slice %arg7[%parallel_loop3A_544, %parallel_loop3A_854, %parallel_loop3A_855] : memref<2x8x1024xf32, #tpu.memory_space<vmem>> -> memref<1x8x1024xf32, #tpu.memory_space<vmem>>
      %parallel_loop3A_857 = tpu.memref_squeeze %parallel_loop3A_856 : memref<1x8x1024xf32, #tpu.memory_space<vmem>> -> memref<8x1024xf32, #tpu.memory_space<vmem>>
      %parallel_loop3A_858 = arith.index_cast %parallel_loop3A_853 : i32 to index
      %parallel_loop3A_859 = arith.index_cast %parallel_loop3A_756 : i32 to index
      %parallel_loop3A_860 = tpu.vector_load %parallel_loop3A_857[%parallel_loop3A_858, %parallel_loop3A_859] {strides = array<i32>} : memref<8x1024xf32, #tpu.memory_space<vmem>>, vector<1x16xf32>,
      %parallel_loop3A_861 = vector.shape_cast %parallel_loop3A_860 : vector<1x16xf32> to vector<16xf32>
      %parallel_loop3A_862 = arith.addf %parallel_loop3A_852, %parallel_loop3A_861 : vector<16xf32>
      %parallel_loop3A_863 = arith.constant 3 : i32
      %parallel_loop3A_864 = arith.constant 0 : i32
      %parallel_loop3A_865 = arith.constant 0 : i32
      %parallel_loop3A_866 = tpu.memref_slice %arg6[%parallel_loop3A_545, %parallel_loop3A_864, %parallel_loop3A_865] : memref<2x8x1024xf32, #tpu.memory_space<vmem>> -> memref<1x8x1024xf32, #tpu.memory_space<vmem>>
      %parallel_loop3A_867 = tpu.memref_squeeze %parallel_loop3A_866 : memref<1x8x1024xf32, #tpu.memory_space<vmem>> -> memref<8x1024xf32, #tpu.memory_space<vmem>>
      %parallel_loop3A_868 = arith.index_cast %parallel_loop3A_863 : i32 to index
      %parallel_loop3A_869 = arith.index_cast %parallel_loop3A_756 : i32 to index
      %parallel_loop3A_870 = tpu.vector_load %parallel_loop3A_867[%parallel_loop3A_868, %parallel_loop3A_869] {strides = array<i32>} : memref<8x1024xf32, #tpu.memory_space<vmem>>, vector<1x16xf32>,
      %parallel_loop3A_871 = vector.shape_cast %parallel_loop3A_870 : vector<1x16xf32> to vector<16xf32>
      %parallel_loop3A_872 = vector.shape_cast %parallel_loop3A_862 : vector<16xf32> to vector<1x16xf32>
      tpu.vector_store %parallel_loop3A_867[%parallel_loop3A_868, %parallel_loop3A_869], %parallel_loop3A_872 {strides = array<i32>} : memref<8x1024xf32, #tpu.memory_space<vmem>>, vector<1x16xf32>,
      %parallel_loop3A_873 = arith.constant 4 : i32
      %parallel_loop3A_874 = arith.constant 0 : i32
      %parallel_loop3A_875 = arith.constant 0 : i32
      %parallel_loop3A_876 = tpu.memref_slice %arg5[%parallel_loop3A_543, %parallel_loop3A_874, %parallel_loop3A_875] : memref<2x8x1024xf32, #tpu.memory_space<vmem>> -> memref<1x8x1024xf32, #tpu.memory_space<vmem>>
      %parallel_loop3A_877 = tpu.memref_squeeze %parallel_loop3A_876 : memref<1x8x1024xf32, #tpu.memory_space<vmem>> -> memref<8x1024xf32, #tpu.memory_space<vmem>>
      %parallel_loop3A_878 = arith.index_cast %parallel_loop3A_873 : i32 to index
      %parallel_loop3A_879 = arith.index_cast %parallel_loop3A_756 : i32 to index
      %parallel_loop3A_880 = tpu.vector_load %parallel_loop3A_877[%parallel_loop3A_878, %parallel_loop3A_879] {strides = array<i32>} : memref<8x1024xf32, #tpu.memory_space<vmem>>, vector<1x16xf32>,
      %parallel_loop3A_881 = vector.shape_cast %parallel_loop3A_880 : vector<1x16xf32> to vector<16xf32>
      %parallel_loop3A_882 = arith.constant 4 : i32
      %parallel_loop3A_883 = arith.constant 0 : i32
      %parallel_loop3A_884 = arith.constant 0 : i32
      %parallel_loop3A_885 = tpu.memref_slice %arg7[%parallel_loop3A_544, %parallel_loop3A_883, %parallel_loop3A_884] : memref<2x8x1024xf32, #tpu.memory_space<vmem>> -> memref<1x8x1024xf32, #tpu.memory_space<vmem>>
      %parallel_loop3A_886 = tpu.memref_squeeze %parallel_loop3A_885 : memref<1x8x1024xf32, #tpu.memory_space<vmem>> -> memref<8x1024xf32, #tpu.memory_space<vmem>>
      %parallel_loop3A_887 = arith.index_cast %parallel_loop3A_882 : i32 to index
      %parallel_loop3A_888 = arith.index_cast %parallel_loop3A_756 : i32 to index
      %parallel_loop3A_889 = tpu.vector_load %parallel_loop3A_886[%parallel_loop3A_887, %parallel_loop3A_888] {strides = array<i32>} : memref<8x1024xf32, #tpu.memory_space<vmem>>, vector<1x16xf32>,
      %parallel_loop3A_890 = vector.shape_cast %parallel_loop3A_889 : vector<1x16xf32> to vector<16xf32>
      %parallel_loop3A_891 = arith.addf %parallel_loop3A_881, %parallel_loop3A_890 : vector<16xf32>
      %parallel_loop3A_892 = arith.constant 4 : i32
      %parallel_loop3A_893 = arith.constant 0 : i32
      %parallel_loop3A_894 = arith.constant 0 : i32
      %parallel_loop3A_895 = tpu.memref_slice %arg6[%parallel_loop3A_545, %parallel_loop3A_893, %parallel_loop3A_894] : memref<2x8x1024xf32, #tpu.memory_space<vmem>> -> memref<1x8x1024xf32, #tpu.memory_space<vmem>>
      %parallel_loop3A_896 = tpu.memref_squeeze %parallel_loop3A_895 : memref<1x8x1024xf32, #tpu.memory_space<vmem>> -> memref<8x1024xf32, #tpu.memory_space<vmem>>
      %parallel_loop3A_897 = arith.index_cast %parallel_loop3A_892 : i32 to index
      %parallel_loop3A_898 = arith.index_cast %parallel_loop3A_756 : i32 to index
      %parallel_loop3A_899 = tpu.vector_load %parallel_loop3A_896[%parallel_loop3A_897, %parallel_loop3A_898] {strides = array<i32>} : memref<8x1024xf32, #tpu.memory_space<vmem>>, vector<1x16xf32>,
      %parallel_loop3A_900 = vector.shape_cast %parallel_loop3A_899 : vector<1x16xf32> to vector<16xf32>
      %parallel_loop3A_901 = vector.shape_cast %parallel_loop3A_891 : vector<16xf32> to vector<1x16xf32>
      tpu.vector_store %parallel_loop3A_896[%parallel_loop3A_897, %parallel_loop3A_898], %parallel_loop3A_901 {strides = array<i32>} : memref<8x1024xf32, #tpu.memory_space<vmem>>, vector<1x16xf32>,
      %parallel_loop3A_902 = arith.constant 5 : i32
      %parallel_loop3A_903 = arith.constant 0 : i32
      %parallel_loop3A_904 = arith.constant 0 : i32
      %parallel_loop3A_905 = tpu.memref_slice %arg5[%parallel_loop3A_543, %parallel_loop3A_903, %parallel_loop3A_904] : memref<2x8x1024xf32, #tpu.memory_space<vmem>> -> memref<1x8x1024xf32, #tpu.memory_space<vmem>>
      %parallel_loop3A_906 = tpu.memref_squeeze %parallel_loop3A_905 : memref<1x8x1024xf32, #tpu.memory_space<vmem>> -> memref<8x1024xf32, #tpu.memory_space<vmem>>
      %parallel_loop3A_907 = arith.index_cast %parallel_loop3A_902 : i32 to index
      %parallel_loop3A_908 = arith.index_cast %parallel_loop3A_756 : i32 to index
      %parallel_loop3A_909 = tpu.vector_load %parallel_loop3A_906[%parallel_loop3A_907, %parallel_loop3A_908] {strides = array<i32>} : memref<8x1024xf32, #tpu.memory_space<vmem>>, vector<1x16xf32>,
      %parallel_loop3A_910 = vector.shape_cast %parallel_loop3A_909 : vector<1x16xf32> to vector<16xf32>
      %parallel_loop3A_911 = arith.constant 5 : i32
      %parallel_loop3A_912 = arith.constant 0 : i32
      %parallel_loop3A_913 = arith.constant 0 : i32
      %parallel_loop3A_914 = tpu.memref_slice %arg7[%parallel_loop3A_544, %parallel_loop3A_912, %parallel_loop3A_913] : memref<2x8x1024xf32, #tpu.memory_space<vmem>> -> memref<1x8x1024xf32, #tpu.memory_space<vmem>>
      %parallel_loop3A_915 = tpu.memref_squeeze %parallel_loop3A_914 : memref<1x8x1024xf32, #tpu.memory_space<vmem>> -> memref<8x1024xf32, #tpu.memory_space<vmem>>
      %parallel_loop3A_916 = arith.index_cast %parallel_loop3A_911 : i32 to index
      %parallel_loop3A_917 = arith.index_cast %parallel_loop3A_756 : i32 to index
      %parallel_loop3A_918 = tpu.vector_load %parallel_loop3A_915[%parallel_loop3A_916, %parallel_loop3A_917] {strides = array<i32>} : memref<8x1024xf32, #tpu.memory_space<vmem>>, vector<1x16xf32>,
      %parallel_loop3A_919 = vector.shape_cast %parallel_loop3A_918 : vector<1x16xf32> to vector<16xf32>
      %parallel_loop3A_920 = arith.addf %parallel_loop3A_910, %parallel_loop3A_919 : vector<16xf32>
      %parallel_loop3A_921 = arith.constant 5 : i32
      %parallel_loop3A_922 = arith.constant 0 : i32
      %parallel_loop3A_923 = arith.constant 0 : i32
      %parallel_loop3A_924 = tpu.memref_slice %arg6[%parallel_loop3A_545, %parallel_loop3A_922, %parallel_loop3A_923] : memref<2x8x1024xf32, #tpu.memory_space<vmem>> -> memref<1x8x1024xf32, #tpu.memory_space<vmem>>
      %parallel_loop3A_925 = tpu.memref_squeeze %parallel_loop3A_924 : memref<1x8x1024xf32, #tpu.memory_space<vmem>> -> memref<8x1024xf32, #tpu.memory_space<vmem>>
      %parallel_loop3A_926 = arith.index_cast %parallel_loop3A_921 : i32 to index
      %parallel_loop3A_927 = arith.index_cast %parallel_loop3A_756 : i32 to index
      %parallel_loop3A_928 = tpu.vector_load %parallel_loop3A_925[%parallel_loop3A_926, %parallel_loop3A_927] {strides = array<i32>} : memref<8x1024xf32, #tpu.memory_space<vmem>>, vector<1x16xf32>,
      %parallel_loop3A_929 = vector.shape_cast %parallel_loop3A_928 : vector<1x16xf32> to vector<16xf32>
      %parallel_loop3A_930 = vector.shape_cast %parallel_loop3A_920 : vector<16xf32> to vector<1x16xf32>
      tpu.vector_store %parallel_loop3A_925[%parallel_loop3A_926, %parallel_loop3A_927], %parallel_loop3A_930 {strides = array<i32>} : memref<8x1024xf32, #tpu.memory_space<vmem>>, vector<1x16xf32>,
      %parallel_loop3A_931 = arith.constant 6 : i32
      %parallel_loop3A_932 = arith.constant 0 : i32
      %parallel_loop3A_933 = arith.constant 0 : i32
      %parallel_loop3A_934 = tpu.memref_slice %arg5[%parallel_loop3A_543, %parallel_loop3A_932, %parallel_loop3A_933] : memref<2x8x1024xf32, #tpu.memory_space<vmem>> -> memref<1x8x1024xf32, #tpu.memory_space<vmem>>
      %parallel_loop3A_935 = tpu.memref_squeeze %parallel_loop3A_934 : memref<1x8x1024xf32, #tpu.memory_space<vmem>> -> memref<8x1024xf32, #tpu.memory_space<vmem>>
      %parallel_loop3A_936 = arith.index_cast %parallel_loop3A_931 : i32 to index
      %parallel_loop3A_937 = arith.index_cast %parallel_loop3A_756 : i32 to index
      %parallel_loop3A_938 = tpu.vector_load %parallel_loop3A_935[%parallel_loop3A_936, %parallel_loop3A_937] {strides = array<i32>} : memref<8x1024xf32, #tpu.memory_space<vmem>>, vector<1x16xf32>,
      %parallel_loop3A_939 = vector.shape_cast %parallel_loop3A_938 : vector<1x16xf32> to vector<16xf32>
      %parallel_loop3A_940 = arith.constant 6 : i32
      %parallel_loop3A_941 = arith.constant 0 : i32
      %parallel_loop3A_942 = arith.constant 0 : i32
      %parallel_loop3A_943 = tpu.memref_slice %arg7[%parallel_loop3A_544, %parallel_loop3A_941, %parallel_loop3A_942] : memref<2x8x1024xf32, #tpu.memory_space<vmem>> -> memref<1x8x1024xf32, #tpu.memory_space<vmem>>
      %parallel_loop3A_944 = tpu.memref_squeeze %parallel_loop3A_943 : memref<1x8x1024xf32, #tpu.memory_space<vmem>> -> memref<8x1024xf32, #tpu.memory_space<vmem>>
      %parallel_loop3A_945 = arith.index_cast %parallel_loop3A_940 : i32 to index
      %parallel_loop3A_946 = arith.index_cast %parallel_loop3A_756 : i32 to index
      %parallel_loop3A_947 = tpu.vector_load %parallel_loop3A_944[%parallel_loop3A_945, %parallel_loop3A_946] {strides = array<i32>} : memref<8x1024xf32, #tpu.memory_space<vmem>>, vector<1x16xf32>,
      %parallel_loop3A_948 = vector.shape_cast %parallel_loop3A_947 : vector<1x16xf32> to vector<16xf32>
      %parallel_loop3A_949 = arith.addf %parallel_loop3A_939, %parallel_loop3A_948 : vector<16xf32>
      %parallel_loop3A_950 = arith.constant 6 : i32
      %parallel_loop3A_951 = arith.constant 0 : i32
      %parallel_loop3A_952 = arith.constant 0 : i32
      %parallel_loop3A_953 = tpu.memref_slice %arg6[%parallel_loop3A_545, %parallel_loop3A_951, %parallel_loop3A_952] : memref<2x8x1024xf32, #tpu.memory_space<vmem>> -> memref<1x8x1024xf32, #tpu.memory_space<vmem>>
      %parallel_loop3A_954 = tpu.memref_squeeze %parallel_loop3A_953 : memref<1x8x1024xf32, #tpu.memory_space<vmem>> -> memref<8x1024xf32, #tpu.memory_space<vmem>>
      %parallel_loop3A_955 = arith.index_cast %parallel_loop3A_950 : i32 to index
      %parallel_loop3A_956 = arith.index_cast %parallel_loop3A_756 : i32 to index
      %parallel_loop3A_957 = tpu.vector_load %parallel_loop3A_954[%parallel_loop3A_955, %parallel_loop3A_956] {strides = array<i32>} : memref<8x1024xf32, #tpu.memory_space<vmem>>, vector<1x16xf32>,
      %parallel_loop3A_958 = vector.shape_cast %parallel_loop3A_957 : vector<1x16xf32> to vector<16xf32>
      %parallel_loop3A_959 = vector.shape_cast %parallel_loop3A_949 : vector<16xf32> to vector<1x16xf32>
      tpu.vector_store %parallel_loop3A_954[%parallel_loop3A_955, %parallel_loop3A_956], %parallel_loop3A_959 {strides = array<i32>} : memref<8x1024xf32, #tpu.memory_space<vmem>>, vector<1x16xf32>,
      %parallel_loop3A_960 = arith.constant 7 : i32
      %parallel_loop3A_961 = arith.constant 0 : i32
      %parallel_loop3A_962 = arith.constant 0 : i32
      %parallel_loop3A_963 = tpu.memref_slice %arg5[%parallel_loop3A_543, %parallel_loop3A_961, %parallel_loop3A_962] : memref<2x8x1024xf32, #tpu.memory_space<vmem>> -> memref<1x8x1024xf32, #tpu.memory_space<vmem>>
      %parallel_loop3A_964 = tpu.memref_squeeze %parallel_loop3A_963 : memref<1x8x1024xf32, #tpu.memory_space<vmem>> -> memref<8x1024xf32, #tpu.memory_space<vmem>>
      %parallel_loop3A_965 = arith.index_cast %parallel_loop3A_960 : i32 to index
      %parallel_loop3A_966 = arith.index_cast %parallel_loop3A_756 : i32 to index
      %parallel_loop3A_967 = tpu.vector_load %parallel_loop3A_964[%parallel_loop3A_965, %parallel_loop3A_966] {strides = array<i32>} : memref<8x1024xf32, #tpu.memory_space<vmem>>, vector<1x16xf32>,
      %parallel_loop3A_968 = vector.shape_cast %parallel_loop3A_967 : vector<1x16xf32> to vector<16xf32>
      %parallel_loop3A_969 = arith.constant 7 : i32
      %parallel_loop3A_970 = arith.constant 0 : i32
      %parallel_loop3A_971 = arith.constant 0 : i32
      %parallel_loop3A_972 = tpu.memref_slice %arg7[%parallel_loop3A_544, %parallel_loop3A_970, %parallel_loop3A_971] : memref<2x8x1024xf32, #tpu.memory_space<vmem>> -> memref<1x8x1024xf32, #tpu.memory_space<vmem>>
      %parallel_loop3A_973 = tpu.memref_squeeze %parallel_loop3A_972 : memref<1x8x1024xf32, #tpu.memory_space<vmem>> -> memref<8x1024xf32, #tpu.memory_space<vmem>>
      %parallel_loop3A_974 = arith.index_cast %parallel_loop3A_969 : i32 to index
      %parallel_loop3A_975 = arith.index_cast %parallel_loop3A_756 : i32 to index
      %parallel_loop3A_976 = tpu.vector_load %parallel_loop3A_973[%parallel_loop3A_974, %parallel_loop3A_975] {strides = array<i32>} : memref<8x1024xf32, #tpu.memory_space<vmem>>, vector<1x16xf32>,
      %parallel_loop3A_977 = vector.shape_cast %parallel_loop3A_976 : vector<1x16xf32> to vector<16xf32>
      %parallel_loop3A_978 = arith.addf %parallel_loop3A_968, %parallel_loop3A_977 : vector<16xf32>
      %parallel_loop3A_979 = arith.constant 7 : i32
      %parallel_loop3A_980 = arith.constant 0 : i32
      %parallel_loop3A_981 = arith.constant 0 : i32
      %parallel_loop3A_982 = tpu.memref_slice %arg6[%parallel_loop3A_545, %parallel_loop3A_980, %parallel_loop3A_981] : memref<2x8x1024xf32, #tpu.memory_space<vmem>> -> memref<1x8x1024xf32, #tpu.memory_space<vmem>>
      %parallel_loop3A_983 = tpu.memref_squeeze %parallel_loop3A_982 : memref<1x8x1024xf32, #tpu.memory_space<vmem>> -> memref<8x1024xf32, #tpu.memory_space<vmem>>
      %parallel_loop3A_984 = arith.index_cast %parallel_loop3A_979 : i32 to index
      %parallel_loop3A_985 = arith.index_cast %parallel_loop3A_756 : i32 to index
      %parallel_loop3A_986 = tpu.vector_load %parallel_loop3A_983[%parallel_loop3A_984, %parallel_loop3A_985] {strides = array<i32>} : memref<8x1024xf32, #tpu.memory_space<vmem>>, vector<1x16xf32>,
      %parallel_loop3A_987 = vector.shape_cast %parallel_loop3A_986 : vector<1x16xf32> to vector<16xf32>
      %parallel_loop3A_988 = vector.shape_cast %parallel_loop3A_978 : vector<16xf32> to vector<1x16xf32>
      tpu.vector_store %parallel_loop3A_983[%parallel_loop3A_984, %parallel_loop3A_985], %parallel_loop3A_988 {strides = array<i32>} : memref<8x1024xf32, #tpu.memory_space<vmem>>, vector<1x16xf32>,
    } {sc.loop_unroll_factor = 2 : i64, sc.parallel_access}
    %add3A_546 = arith.constant 8 : i32
    %add3A_547 = arith.addi %mul3A_2, %add3A_546 : i32
    %dma_start3A_548 = arith.constant 1 : i32
    %dma_start3A_549 = arith.constant 1 : i32
    %dma_start3A_550 = arith.constant 1 : i32
    %dma_start3A_551 = arith.constant 0 : i32
    %dma_start3A_552 = arith.constant 0 : i32
    %dma_start3A_553 = tpu.memref_slice %arg6[%dma_start3A_548, %dma_start3A_551, %dma_start3A_552] : memref<2x8x1024xf32, #tpu.memory_space<vmem>> -> memref<1x8x1024xf32, #tpu.memory_space<vmem>>
    %dma_start3A_554 = tpu.memref_squeeze %dma_start3A_553 : memref<1x8x1024xf32, #tpu.memory_space<vmem>> -> memref<8x1024xf32, #tpu.memory_space<vmem>>
    %dma_start3A_555 = arith.constant 0 : i32
    %dma_start3A_556 = tpu.memref_slice %arg4[%dma_start3A_549, %add3A_547, %dma_start3A_555] : memref<4x2048x1024xf32, #tpu.memory_space<hbm>> -> memref<1x8x1024xf32, #tpu.memory_space<hbm>>
    %dma_start3A_557 = tpu.memref_squeeze %dma_start3A_556 : memref<1x8x1024xf32, #tpu.memory_space<hbm>> -> memref<8x1024xf32, #tpu.memory_space<hbm>>
    %dma_start3A_558 = tpu.memref_slice %arg9[%dma_start3A_550] : memref<2x!tpu.dma_semaphore, #tpu.memory_space<semaphore_mem>> -> memref<1x!tpu.dma_semaphore, #tpu.memory_space<semaphore_mem>>
    %dma_start3A_559 = tpu.memref_squeeze %dma_start3A_558 : memref<1x!tpu.dma_semaphore, #tpu.memory_space<semaphore_mem>> -> memref<!tpu.dma_semaphore, #tpu.memory_space<semaphore_mem>>
    %dma_start3A_560 = arith.constant 0 : i32
    %dma_start3A_561 = tpu.memref_slice %arg4[%dma_start3A_549, %add3A_547, %dma_start3A_560] : memref<4x2048x1024xf32, #tpu.memory_space<hbm>> -> memref<1x8x1024xf32, #tpu.memory_space<hbm>>
    %dma_start3A_562 = tpu.memref_squeeze %dma_start3A_561 : memref<1x8x1024xf32, #tpu.memory_space<hbm>> -> memref<8x1024xf32, #tpu.memory_space<hbm>>
    %dma_start3A_563 = arith.constant 0 : i32
    %dma_start3A_564 = arith.constant 0 : i32
    %dma_start3A_565 = tpu.memref_slice %arg6[%dma_start3A_548, %dma_start3A_563, %dma_start3A_564] : memref<2x8x1024xf32, #tpu.memory_space<vmem>> -> memref<1x8x1024xf32, #tpu.memory_space<vmem>>
    %dma_start3A_566 = tpu.memref_squeeze %dma_start3A_565 : memref<1x8x1024xf32, #tpu.memory_space<vmem>> -> memref<8x1024xf32, #tpu.memory_space<vmem>>
    tpu.enqueue_dma source(%dma_start3A_566 : memref<8x1024xf32, #tpu.memory_space<vmem>>) target(%dma_start3A_562 : memref<8x1024xf32, #tpu.memory_space<hbm>>) target_semaphore(%dma_start3A_559 : memref<!tpu.dma_semaphore, #tpu.memory_space<semaphore_mem>>)
    %add3A_567 = arith.constant 8 : i32
    %add3A_568 = arith.addi %mul3A_2, %add3A_567 : i32
    %dma_start3A_569 = arith.constant 3 : i32
    %dma_start3A_570 = arith.constant 1 : i32
    %dma_start3A_571 = arith.constant 1 : i32
    %dma_start3A_572 = arith.constant 0 : i32
    %dma_start3A_573 = arith.constant 0 : i32
    %dma_start3A_574 = tpu.memref_slice %arg5[%dma_start3A_570, %dma_start3A_572, %dma_start3A_573] : memref<2x8x1024xf32, #tpu.memory_space<vmem>> -> memref<1x8x1024xf32, #tpu.memory_space<vmem>>
    %dma_start3A_575 = tpu.memref_squeeze %dma_start3A_574 : memref<1x8x1024xf32, #tpu.memory_space<vmem>> -> memref<8x1024xf32, #tpu.memory_space<vmem>>
    %dma_start3A_576 = arith.constant 0 : i32
    %dma_start3A_577 = tpu.memref_slice %arg2[%dma_start3A_569, %add3A_568, %dma_start3A_576] : memref<4x2048x1024xf32, #tpu.memory_space<hbm>> -> memref<1x8x1024xf32, #tpu.memory_space<hbm>>
    %dma_start3A_578 = tpu.memref_squeeze %dma_start3A_577 : memref<1x8x1024xf32, #tpu.memory_space<hbm>> -> memref<8x1024xf32, #tpu.memory_space<hbm>>
    %dma_start3A_579 = tpu.memref_slice %arg8[%dma_start3A_571] : memref<2x!tpu.dma_semaphore, #tpu.memory_space<semaphore_mem>> -> memref<1x!tpu.dma_semaphore, #tpu.memory_space<semaphore_mem>>
    %dma_start3A_580 = tpu.memref_squeeze %dma_start3A_579 : memref<1x!tpu.dma_semaphore, #tpu.memory_space<semaphore_mem>> -> memref<!tpu.dma_semaphore, #tpu.memory_space<semaphore_mem>>
    %dma_start3A_581 = arith.constant 0 : i32
    %dma_start3A_582 = arith.constant 0 : i32
    %dma_start3A_583 = tpu.memref_slice %arg5[%dma_start3A_570, %dma_start3A_581, %dma_start3A_582] : memref<2x8x1024xf32, #tpu.memory_space<vmem>> -> memref<1x8x1024xf32, #tpu.memory_space<vmem>>
    %dma_start3A_584 = tpu.memref_squeeze %dma_start3A_583 : memref<1x8x1024xf32, #tpu.memory_space<vmem>> -> memref<8x1024xf32, #tpu.memory_space<vmem>>
    %dma_start3A_585 = arith.constant 0 : i32
    %dma_start3A_586 = tpu.memref_slice %arg2[%dma_start3A_569, %add3A_568, %dma_start3A_585] : memref<4x2048x1024xf32, #tpu.memory_space<hbm>> -> memref<1x8x1024xf32, #tpu.memory_space<hbm>>
    %dma_start3A_587 = tpu.memref_squeeze %dma_start3A_586 : memref<1x8x1024xf32, #tpu.memory_space<hbm>> -> memref<8x1024xf32, #tpu.memory_space<hbm>>
    tpu.enqueue_dma source(%dma_start3A_587 : memref<8x1024xf32, #tpu.memory_space<hbm>>) target(%dma_start3A_584 : memref<8x1024xf32, #tpu.memory_space<vmem>>) target_semaphore(%dma_start3A_580 : memref<!tpu.dma_semaphore, #tpu.memory_space<semaphore_mem>>)
    %dma_wait3A_588 = arith.constant 2 : i32
    %dma_wait3A_589 = arith.constant 0 : i32
    %dma_wait3A_590 = arith.constant 0 : i32
    %dma_wait3A_591 = arith.constant 0 : i32
    %dma_wait3A_592 = arith.constant 0 : i32
    %dma_wait3A_593 = tpu.memref_slice %arg5[%dma_wait3A_589, %dma_wait3A_591, %dma_wait3A_592] : memref<2x8x1024xf32, #tpu.memory_space<vmem>> -> memref<1x8x1024xf32, #tpu.memory_space<vmem>>
    %dma_wait3A_594 = tpu.memref_squeeze %dma_wait3A_593 : memref<1x8x1024xf32, #tpu.memory_space<vmem>> -> memref<8x1024xf32, #tpu.memory_space<vmem>>
    %dma_wait3A_595 = arith.constant 0 : i32
    %dma_wait3A_596 = tpu.memref_slice %arg2[%dma_wait3A_588, %add3A_482, %dma_wait3A_595] : memref<4x2048x1024xf32, #tpu.memory_space<hbm>> -> memref<1x8x1024xf32, #tpu.memory_space<hbm>>
    %dma_wait3A_597 = tpu.memref_squeeze %dma_wait3A_596 : memref<1x8x1024xf32, #tpu.memory_space<hbm>> -> memref<8x1024xf32, #tpu.memory_space<hbm>>
    %dma_wait3A_598 = tpu.memref_slice %arg8[%dma_wait3A_590] : memref<2x!tpu.dma_semaphore, #tpu.memory_space<semaphore_mem>> -> memref<1x!tpu.dma_semaphore, #tpu.memory_space<semaphore_mem>>
    %dma_wait3A_599 = tpu.memref_squeeze %dma_wait3A_598 : memref<1x!tpu.dma_semaphore, #tpu.memory_space<semaphore_mem>> -> memref<!tpu.dma_semaphore, #tpu.memory_space<semaphore_mem>>
    %dma_wait3A_600 = arith.constant 0 : i32
    %dma_wait3A_601 = arith.constant 0 : i32
    %dma_wait3A_602 = tpu.memref_slice %arg5[%dma_wait3A_589, %dma_wait3A_600, %dma_wait3A_601] : memref<2x8x1024xf32, #tpu.memory_space<vmem>> -> memref<1x8x1024xf32, #tpu.memory_space<vmem>>
    %dma_wait3A_603 = tpu.memref_squeeze %dma_wait3A_602 : memref<1x8x1024xf32, #tpu.memory_space<vmem>> -> memref<8x1024xf32, #tpu.memory_space<vmem>>
    %dma_wait3A_604 = arith.constant 0 : i32
    %dma_wait3A_605 = tpu.memref_slice %arg2[%dma_wait3A_588, %add3A_482, %dma_wait3A_604] : memref<4x2048x1024xf32, #tpu.memory_space<hbm>> -> memref<1x8x1024xf32, #tpu.memory_space<hbm>>
    %dma_wait3A_606 = tpu.memref_squeeze %dma_wait3A_605 : memref<1x8x1024xf32, #tpu.memory_space<hbm>> -> memref<8x1024xf32, #tpu.memory_space<hbm>>
    tpu.wait_dma2 semaphore(%dma_wait3A_599 : memref<!tpu.dma_semaphore, #tpu.memory_space<semaphore_mem>>) src(%dma_wait3A_606 : memref<8x1024xf32, #tpu.memory_space<hbm>>) dst(%dma_wait3A_603 : memref<8x1024xf32, #tpu.memory_space<vmem>>)
    %dma_wait3A_607 = arith.constant 0 : i32
    %dma_wait3A_608 = arith.constant 0 : i32
    %dma_wait3A_609 = arith.constant 0 : i32
    %dma_wait3A_610 = arith.constant 0 : i32
    %dma_wait3A_611 = arith.constant 0 : i32
    %dma_wait3A_612 = tpu.memref_slice %arg6[%dma_wait3A_607, %dma_wait3A_610, %dma_wait3A_611] : memref<2x8x1024xf32, #tpu.memory_space<vmem>> -> memref<1x8x1024xf32, #tpu.memory_space<vmem>>
    %dma_wait3A_613 = tpu.memref_squeeze %dma_wait3A_612 : memref<1x8x1024xf32, #tpu.memory_space<vmem>> -> memref<8x1024xf32, #tpu.memory_space<vmem>>
    %dma_wait3A_614 = arith.constant 0 : i32
    %dma_wait3A_615 = tpu.memref_slice %arg4[%dma_wait3A_608, %add3A_461, %dma_wait3A_614] : memref<4x2048x1024xf32, #tpu.memory_space<hbm>> -> memref<1x8x1024xf32, #tpu.memory_space<hbm>>
    %dma_wait3A_616 = tpu.memref_squeeze %dma_wait3A_615 : memref<1x8x1024xf32, #tpu.memory_space<hbm>> -> memref<8x1024xf32, #tpu.memory_space<hbm>>
    %dma_wait3A_617 = tpu.memref_slice %arg9[%dma_wait3A_609] : memref<2x!tpu.dma_semaphore, #tpu.memory_space<semaphore_mem>> -> memref<1x!tpu.dma_semaphore, #tpu.memory_space<semaphore_mem>>
    %dma_wait3A_618 = tpu.memref_squeeze %dma_wait3A_617 : memref<1x!tpu.dma_semaphore, #tpu.memory_space<semaphore_mem>> -> memref<!tpu.dma_semaphore, #tpu.memory_space<semaphore_mem>>
    %dma_wait3A_619 = arith.constant 0 : i32
    %dma_wait3A_620 = tpu.memref_slice %arg4[%dma_wait3A_608, %add3A_461, %dma_wait3A_619] : memref<4x2048x1024xf32, #tpu.memory_space<hbm>> -> memref<1x8x1024xf32, #tpu.memory_space<hbm>>
    %dma_wait3A_621 = tpu.memref_squeeze %dma_wait3A_620 : memref<1x8x1024xf32, #tpu.memory_space<hbm>> -> memref<8x1024xf32, #tpu.memory_space<hbm>>
    %dma_wait3A_622 = arith.constant 0 : i32
    %dma_wait3A_623 = arith.constant 0 : i32
    %dma_wait3A_624 = tpu.memref_slice %arg6[%dma_wait3A_607, %dma_wait3A_622, %dma_wait3A_623] : memref<2x8x1024xf32, #tpu.memory_space<vmem>> -> memref<1x8x1024xf32, #tpu.memory_space<vmem>>
    %dma_wait3A_625 = tpu.memref_squeeze %dma_wait3A_624 : memref<1x8x1024xf32, #tpu.memory_space<vmem>> -> memref<8x1024xf32, #tpu.memory_space<vmem>>
    tpu.wait_dma2 semaphore(%dma_wait3A_618 : memref<!tpu.dma_semaphore, #tpu.memory_space<semaphore_mem>>) src(%dma_wait3A_625 : memref<8x1024xf32, #tpu.memory_space<vmem>>) dst(%dma_wait3A_621 : memref<8x1024xf32, #tpu.memory_space<hbm>>)
    %parallel_loop3A_626 = arith.constant 0 : i32
    %parallel_loop3A_627 = arith.constant 1024 : i32
    %parallel_loop3A_628 = arith.constant 16 : i32
    %parallel_loop3A_629 = arith.constant 0 : i32
    %parallel_loop3A_630 = arith.constant 1 : i32
    %parallel_loop3A_631 = arith.constant 0 : i32
    scf.for %parallel_loop3A_756 = %parallel_loop3A_626 to %parallel_loop3A_627 step %parallel_loop3A_628  : i32 {
      %parallel_loop3A_757 = arith.constant 0 : i32
      %parallel_loop3A_758 = arith.constant 0 : i32
      %parallel_loop3A_759 = arith.constant 0 : i32
      %parallel_loop3A_760 = tpu.memref_slice %arg5[%parallel_loop3A_629, %parallel_loop3A_758, %parallel_loop3A_759] : memref<2x8x1024xf32, #tpu.memory_space<vmem>> -> memref<1x8x1024xf32, #tpu.memory_space<vmem>>
      %parallel_loop3A_761 = tpu.memref_squeeze %parallel_loop3A_760 : memref<1x8x1024xf32, #tpu.memory_space<vmem>> -> memref<8x1024xf32, #tpu.memory_space<vmem>>
      %parallel_loop3A_762 = arith.index_cast %parallel_loop3A_757 : i32 to index
      %parallel_loop3A_763 = arith.index_cast %parallel_loop3A_756 : i32 to index
      %parallel_loop3A_764 = tpu.vector_load %parallel_loop3A_761[%parallel_loop3A_762, %parallel_loop3A_763] {strides = array<i32>} : memref<8x1024xf32, #tpu.memory_space<vmem>>, vector<1x16xf32>,
      %parallel_loop3A_765 = vector.shape_cast %parallel_loop3A_764 : vector<1x16xf32> to vector<16xf32>
      %parallel_loop3A_766 = arith.constant 0 : i32
      %parallel_loop3A_767 = arith.constant 0 : i32
      %parallel_loop3A_768 = arith.constant 0 : i32
      %parallel_loop3A_769 = tpu.memref_slice %arg7[%parallel_loop3A_630, %parallel_loop3A_767, %parallel_loop3A_768] : memref<2x8x1024xf32, #tpu.memory_space<vmem>> -> memref<1x8x1024xf32, #tpu.memory_space<vmem>>
      %parallel_loop3A_770 = tpu.memref_squeeze %parallel_loop3A_769 : memref<1x8x1024xf32, #tpu.memory_space<vmem>> -> memref<8x1024xf32, #tpu.memory_space<vmem>>
      %parallel_loop3A_771 = arith.index_cast %parallel_loop3A_766 : i32 to index
      %parallel_loop3A_772 = arith.index_cast %parallel_loop3A_756 : i32 to index
      %parallel_loop3A_773 = tpu.vector_load %parallel_loop3A_770[%parallel_loop3A_771, %parallel_loop3A_772] {strides = array<i32>} : memref<8x1024xf32, #tpu.memory_space<vmem>>, vector<1x16xf32>,
      %parallel_loop3A_774 = vector.shape_cast %parallel_loop3A_773 : vector<1x16xf32> to vector<16xf32>
      %parallel_loop3A_775 = arith.addf %parallel_loop3A_765, %parallel_loop3A_774 : vector<16xf32>
      %parallel_loop3A_776 = arith.constant 0 : i32
      %parallel_loop3A_777 = arith.constant 0 : i32
      %parallel_loop3A_778 = arith.constant 0 : i32
      %parallel_loop3A_779 = tpu.memref_slice %arg6[%parallel_loop3A_631, %parallel_loop3A_777, %parallel_loop3A_778] : memref<2x8x1024xf32, #tpu.memory_space<vmem>> -> memref<1x8x1024xf32, #tpu.memory_space<vmem>>
      %parallel_loop3A_780 = tpu.memref_squeeze %parallel_loop3A_779 : memref<1x8x1024xf32, #tpu.memory_space<vmem>> -> memref<8x1024xf32, #tpu.memory_space<vmem>>
      %parallel_loop3A_781 = arith.index_cast %parallel_loop3A_776 : i32 to index
      %parallel_loop3A_782 = arith.index_cast %parallel_loop3A_756 : i32 to index
      %parallel_loop3A_783 = tpu.vector_load %parallel_loop3A_780[%parallel_loop3A_781, %parallel_loop3A_782] {strides = array<i32>} : memref<8x1024xf32, #tpu.memory_space<vmem>>, vector<1x16xf32>,
      %parallel_loop3A_784 = vector.shape_cast %parallel_loop3A_783 : vector<1x16xf32> to vector<16xf32>
      %parallel_loop3A_785 = vector.shape_cast %parallel_loop3A_775 : vector<16xf32> to vector<1x16xf32>
      tpu.vector_store %parallel_loop3A_780[%parallel_loop3A_781, %parallel_loop3A_782], %parallel_loop3A_785 {strides = array<i32>} : memref<8x1024xf32, #tpu.memory_space<vmem>>, vector<1x16xf32>,
      %parallel_loop3A_786 = arith.constant 1 : i32
      %parallel_loop3A_787 = arith.constant 0 : i32
      %parallel_loop3A_788 = arith.constant 0 : i32
      %parallel_loop3A_789 = tpu.memref_slice %arg5[%parallel_loop3A_629, %parallel_loop3A_787, %parallel_loop3A_788] : memref<2x8x1024xf32, #tpu.memory_space<vmem>> -> memref<1x8x1024xf32, #tpu.memory_space<vmem>>
      %parallel_loop3A_790 = tpu.memref_squeeze %parallel_loop3A_789 : memref<1x8x1024xf32, #tpu.memory_space<vmem>> -> memref<8x1024xf32, #tpu.memory_space<vmem>>
      %parallel_loop3A_791 = arith.index_cast %parallel_loop3A_786 : i32 to index
      %parallel_loop3A_792 = arith.index_cast %parallel_loop3A_756 : i32 to index
      %parallel_loop3A_793 = tpu.vector_load %parallel_loop3A_790[%parallel_loop3A_791, %parallel_loop3A_792] {strides = array<i32>} : memref<8x1024xf32, #tpu.memory_space<vmem>>, vector<1x16xf32>,
      %parallel_loop3A_794 = vector.shape_cast %parallel_loop3A_793 : vector<1x16xf32> to vector<16xf32>
      %parallel_loop3A_795 = arith.constant 1 : i32
      %parallel_loop3A_796 = arith.constant 0 : i32
      %parallel_loop3A_797 = arith.constant 0 : i32
      %parallel_loop3A_798 = tpu.memref_slice %arg7[%parallel_loop3A_630, %parallel_loop3A_796, %parallel_loop3A_797] : memref<2x8x1024xf32, #tpu.memory_space<vmem>> -> memref<1x8x1024xf32, #tpu.memory_space<vmem>>
      %parallel_loop3A_799 = tpu.memref_squeeze %parallel_loop3A_798 : memref<1x8x1024xf32, #tpu.memory_space<vmem>> -> memref<8x1024xf32, #tpu.memory_space<vmem>>
      %parallel_loop3A_800 = arith.index_cast %parallel_loop3A_795 : i32 to index
      %parallel_loop3A_801 = arith.index_cast %parallel_loop3A_756 : i32 to index
      %parallel_loop3A_802 = tpu.vector_load %parallel_loop3A_799[%parallel_loop3A_800, %parallel_loop3A_801] {strides = array<i32>} : memref<8x1024xf32, #tpu.memory_space<vmem>>, vector<1x16xf32>,
      %parallel_loop3A_803 = vector.shape_cast %parallel_loop3A_802 : vector<1x16xf32> to vector<16xf32>
      %parallel_loop3A_804 = arith.addf %parallel_loop3A_794, %parallel_loop3A_803 : vector<16xf32>
      %parallel_loop3A_805 = arith.constant 1 : i32
      %parallel_loop3A_806 = arith.constant 0 : i32
      %parallel_loop3A_807 = arith.constant 0 : i32
      %parallel_loop3A_808 = tpu.memref_slice %arg6[%parallel_loop3A_631, %parallel_loop3A_806, %parallel_loop3A_807] : memref<2x8x1024xf32, #tpu.memory_space<vmem>> -> memref<1x8x1024xf32, #tpu.memory_space<vmem>>
      %parallel_loop3A_809 = tpu.memref_squeeze %parallel_loop3A_808 : memref<1x8x1024xf32, #tpu.memory_space<vmem>> -> memref<8x1024xf32, #tpu.memory_space<vmem>>
      %parallel_loop3A_810 = arith.index_cast %parallel_loop3A_805 : i32 to index
      %parallel_loop3A_811 = arith.index_cast %parallel_loop3A_756 : i32 to index
      %parallel_loop3A_812 = tpu.vector_load %parallel_loop3A_809[%parallel_loop3A_810, %parallel_loop3A_811] {strides = array<i32>} : memref<8x1024xf32, #tpu.memory_space<vmem>>, vector<1x16xf32>,
      %parallel_loop3A_813 = vector.shape_cast %parallel_loop3A_812 : vector<1x16xf32> to vector<16xf32>
      %parallel_loop3A_814 = vector.shape_cast %parallel_loop3A_804 : vector<16xf32> to vector<1x16xf32>
      tpu.vector_store %parallel_loop3A_809[%parallel_loop3A_810, %parallel_loop3A_811], %parallel_loop3A_814 {strides = array<i32>} : memref<8x1024xf32, #tpu.memory_space<vmem>>, vector<1x16xf32>,
      %parallel_loop3A_815 = arith.constant 2 : i32
      %parallel_loop3A_816 = arith.constant 0 : i32
      %parallel_loop3A_817 = arith.constant 0 : i32
      %parallel_loop3A_818 = tpu.memref_slice %arg5[%parallel_loop3A_629, %parallel_loop3A_816, %parallel_loop3A_817] : memref<2x8x1024xf32, #tpu.memory_space<vmem>> -> memref<1x8x1024xf32, #tpu.memory_space<vmem>>
      %parallel_loop3A_819 = tpu.memref_squeeze %parallel_loop3A_818 : memref<1x8x1024xf32, #tpu.memory_space<vmem>> -> memref<8x1024xf32, #tpu.memory_space<vmem>>
      %parallel_loop3A_820 = arith.index_cast %parallel_loop3A_815 : i32 to index
      %parallel_loop3A_821 = arith.index_cast %parallel_loop3A_756 : i32 to index
      %parallel_loop3A_822 = tpu.vector_load %parallel_loop3A_819[%parallel_loop3A_820, %parallel_loop3A_821] {strides = array<i32>} : memref<8x1024xf32, #tpu.memory_space<vmem>>, vector<1x16xf32>,
      %parallel_loop3A_823 = vector.shape_cast %parallel_loop3A_822 : vector<1x16xf32> to vector<16xf32>
      %parallel_loop3A_824 = arith.constant 2 : i32
      %parallel_loop3A_825 = arith.constant 0 : i32
      %parallel_loop3A_826 = arith.constant 0 : i32
      %parallel_loop3A_827 = tpu.memref_slice %arg7[%parallel_loop3A_630, %parallel_loop3A_825, %parallel_loop3A_826] : memref<2x8x1024xf32, #tpu.memory_space<vmem>> -> memref<1x8x1024xf32, #tpu.memory_space<vmem>>
      %parallel_loop3A_828 = tpu.memref_squeeze %parallel_loop3A_827 : memref<1x8x1024xf32, #tpu.memory_space<vmem>> -> memref<8x1024xf32, #tpu.memory_space<vmem>>
      %parallel_loop3A_829 = arith.index_cast %parallel_loop3A_824 : i32 to index
      %parallel_loop3A_830 = arith.index_cast %parallel_loop3A_756 : i32 to index
      %parallel_loop3A_831 = tpu.vector_load %parallel_loop3A_828[%parallel_loop3A_829, %parallel_loop3A_830] {strides = array<i32>} : memref<8x1024xf32, #tpu.memory_space<vmem>>, vector<1x16xf32>,
      %parallel_loop3A_832 = vector.shape_cast %parallel_loop3A_831 : vector<1x16xf32> to vector<16xf32>
      %parallel_loop3A_833 = arith.addf %parallel_loop3A_823, %parallel_loop3A_832 : vector<16xf32>
      %parallel_loop3A_834 = arith.constant 2 : i32
      %parallel_loop3A_835 = arith.constant 0 : i32
      %parallel_loop3A_836 = arith.constant 0 : i32
      %parallel_loop3A_837 = tpu.memref_slice %arg6[%parallel_loop3A_631, %parallel_loop3A_835, %parallel_loop3A_836] : memref<2x8x1024xf32, #tpu.memory_space<vmem>> -> memref<1x8x1024xf32, #tpu.memory_space<vmem>>
      %parallel_loop3A_838 = tpu.memref_squeeze %parallel_loop3A_837 : memref<1x8x1024xf32, #tpu.memory_space<vmem>> -> memref<8x1024xf32, #tpu.memory_space<vmem>>
      %parallel_loop3A_839 = arith.index_cast %parallel_loop3A_834 : i32 to index
      %parallel_loop3A_840 = arith.index_cast %parallel_loop3A_756 : i32 to index
      %parallel_loop3A_841 = tpu.vector_load %parallel_loop3A_838[%parallel_loop3A_839, %parallel_loop3A_840] {strides = array<i32>} : memref<8x1024xf32, #tpu.memory_space<vmem>>, vector<1x16xf32>,
      %parallel_loop3A_842 = vector.shape_cast %parallel_loop3A_841 : vector<1x16xf32> to vector<16xf32>
      %parallel_loop3A_843 = vector.shape_cast %parallel_loop3A_833 : vector<16xf32> to vector<1x16xf32>
      tpu.vector_store %parallel_loop3A_838[%parallel_loop3A_839, %parallel_loop3A_840], %parallel_loop3A_843 {strides = array<i32>} : memref<8x1024xf32, #tpu.memory_space<vmem>>, vector<1x16xf32>,
      %parallel_loop3A_844 = arith.constant 3 : i32
      %parallel_loop3A_845 = arith.constant 0 : i32
      %parallel_loop3A_846 = arith.constant 0 : i32
      %parallel_loop3A_847 = tpu.memref_slice %arg5[%parallel_loop3A_629, %parallel_loop3A_845, %parallel_loop3A_846] : memref<2x8x1024xf32, #tpu.memory_space<vmem>> -> memref<1x8x1024xf32, #tpu.memory_space<vmem>>
      %parallel_loop3A_848 = tpu.memref_squeeze %parallel_loop3A_847 : memref<1x8x1024xf32, #tpu.memory_space<vmem>> -> memref<8x1024xf32, #tpu.memory_space<vmem>>
      %parallel_loop3A_849 = arith.index_cast %parallel_loop3A_844 : i32 to index
      %parallel_loop3A_850 = arith.index_cast %parallel_loop3A_756 : i32 to index
      %parallel_loop3A_851 = tpu.vector_load %parallel_loop3A_848[%parallel_loop3A_849, %parallel_loop3A_850] {strides = array<i32>} : memref<8x1024xf32, #tpu.memory_space<vmem>>, vector<1x16xf32>,
      %parallel_loop3A_852 = vector.shape_cast %parallel_loop3A_851 : vector<1x16xf32> to vector<16xf32>
      %parallel_loop3A_853 = arith.constant 3 : i32
      %parallel_loop3A_854 = arith.constant 0 : i32
      %parallel_loop3A_855 = arith.constant 0 : i32
      %parallel_loop3A_856 = tpu.memref_slice %arg7[%parallel_loop3A_630, %parallel_loop3A_854, %parallel_loop3A_855] : memref<2x8x1024xf32, #tpu.memory_space<vmem>> -> memref<1x8x1024xf32, #tpu.memory_space<vmem>>
      %parallel_loop3A_857 = tpu.memref_squeeze %parallel_loop3A_856 : memref<1x8x1024xf32, #tpu.memory_space<vmem>> -> memref<8x1024xf32, #tpu.memory_space<vmem>>
      %parallel_loop3A_858 = arith.index_cast %parallel_loop3A_853 : i32 to index
      %parallel_loop3A_859 = arith.index_cast %parallel_loop3A_756 : i32 to index
      %parallel_loop3A_860 = tpu.vector_load %parallel_loop3A_857[%parallel_loop3A_858, %parallel_loop3A_859] {strides = array<i32>} : memref<8x1024xf32, #tpu.memory_space<vmem>>, vector<1x16xf32>,
      %parallel_loop3A_861 = vector.shape_cast %parallel_loop3A_860 : vector<1x16xf32> to vector<16xf32>
      %parallel_loop3A_862 = arith.addf %parallel_loop3A_852, %parallel_loop3A_861 : vector<16xf32>
      %parallel_loop3A_863 = arith.constant 3 : i32
      %parallel_loop3A_864 = arith.constant 0 : i32
      %parallel_loop3A_865 = arith.constant 0 : i32
      %parallel_loop3A_866 = tpu.memref_slice %arg6[%parallel_loop3A_631, %parallel_loop3A_864, %parallel_loop3A_865] : memref<2x8x1024xf32, #tpu.memory_space<vmem>> -> memref<1x8x1024xf32, #tpu.memory_space<vmem>>
      %parallel_loop3A_867 = tpu.memref_squeeze %parallel_loop3A_866 : memref<1x8x1024xf32, #tpu.memory_space<vmem>> -> memref<8x1024xf32, #tpu.memory_space<vmem>>
      %parallel_loop3A_868 = arith.index_cast %parallel_loop3A_863 : i32 to index
      %parallel_loop3A_869 = arith.index_cast %parallel_loop3A_756 : i32 to index
      %parallel_loop3A_870 = tpu.vector_load %parallel_loop3A_867[%parallel_loop3A_868, %parallel_loop3A_869] {strides = array<i32>} : memref<8x1024xf32, #tpu.memory_space<vmem>>, vector<1x16xf32>,
      %parallel_loop3A_871 = vector.shape_cast %parallel_loop3A_870 : vector<1x16xf32> to vector<16xf32>
      %parallel_loop3A_872 = vector.shape_cast %parallel_loop3A_862 : vector<16xf32> to vector<1x16xf32>
      tpu.vector_store %parallel_loop3A_867[%parallel_loop3A_868, %parallel_loop3A_869], %parallel_loop3A_872 {strides = array<i32>} : memref<8x1024xf32, #tpu.memory_space<vmem>>, vector<1x16xf32>,
      %parallel_loop3A_873 = arith.constant 4 : i32
      %parallel_loop3A_874 = arith.constant 0 : i32
      %parallel_loop3A_875 = arith.constant 0 : i32
      %parallel_loop3A_876 = tpu.memref_slice %arg5[%parallel_loop3A_629, %parallel_loop3A_874, %parallel_loop3A_875] : memref<2x8x1024xf32, #tpu.memory_space<vmem>> -> memref<1x8x1024xf32, #tpu.memory_space<vmem>>
      %parallel_loop3A_877 = tpu.memref_squeeze %parallel_loop3A_876 : memref<1x8x1024xf32, #tpu.memory_space<vmem>> -> memref<8x1024xf32, #tpu.memory_space<vmem>>
      %parallel_loop3A_878 = arith.index_cast %parallel_loop3A_873 : i32 to index
      %parallel_loop3A_879 = arith.index_cast %parallel_loop3A_756 : i32 to index
      %parallel_loop3A_880 = tpu.vector_load %parallel_loop3A_877[%parallel_loop3A_878, %parallel_loop3A_879] {strides = array<i32>} : memref<8x1024xf32, #tpu.memory_space<vmem>>, vector<1x16xf32>,
      %parallel_loop3A_881 = vector.shape_cast %parallel_loop3A_880 : vector<1x16xf32> to vector<16xf32>
      %parallel_loop3A_882 = arith.constant 4 : i32
      %parallel_loop3A_883 = arith.constant 0 : i32
      %parallel_loop3A_884 = arith.constant 0 : i32
      %parallel_loop3A_885 = tpu.memref_slice %arg7[%parallel_loop3A_630, %parallel_loop3A_883, %parallel_loop3A_884] : memref<2x8x1024xf32, #tpu.memory_space<vmem>> -> memref<1x8x1024xf32, #tpu.memory_space<vmem>>
      %parallel_loop3A_886 = tpu.memref_squeeze %parallel_loop3A_885 : memref<1x8x1024xf32, #tpu.memory_space<vmem>> -> memref<8x1024xf32, #tpu.memory_space<vmem>>
      %parallel_loop3A_887 = arith.index_cast %parallel_loop3A_882 : i32 to index
      %parallel_loop3A_888 = arith.index_cast %parallel_loop3A_756 : i32 to index
      %parallel_loop3A_889 = tpu.vector_load %parallel_loop3A_886[%parallel_loop3A_887, %parallel_loop3A_888] {strides = array<i32>} : memref<8x1024xf32, #tpu.memory_space<vmem>>, vector<1x16xf32>,
      %parallel_loop3A_890 = vector.shape_cast %parallel_loop3A_889 : vector<1x16xf32> to vector<16xf32>
      %parallel_loop3A_891 = arith.addf %parallel_loop3A_881, %parallel_loop3A_890 : vector<16xf32>
      %parallel_loop3A_892 = arith.constant 4 : i32
      %parallel_loop3A_893 = arith.constant 0 : i32
      %parallel_loop3A_894 = arith.constant 0 : i32
      %parallel_loop3A_895 = tpu.memref_slice %arg6[%parallel_loop3A_631, %parallel_loop3A_893, %parallel_loop3A_894] : memref<2x8x1024xf32, #tpu.memory_space<vmem>> -> memref<1x8x1024xf32, #tpu.memory_space<vmem>>
      %parallel_loop3A_896 = tpu.memref_squeeze %parallel_loop3A_895 : memref<1x8x1024xf32, #tpu.memory_space<vmem>> -> memref<8x1024xf32, #tpu.memory_space<vmem>>
      %parallel_loop3A_897 = arith.index_cast %parallel_loop3A_892 : i32 to index
      %parallel_loop3A_898 = arith.index_cast %parallel_loop3A_756 : i32 to index
      %parallel_loop3A_899 = tpu.vector_load %parallel_loop3A_896[%parallel_loop3A_897, %parallel_loop3A_898] {strides = array<i32>} : memref<8x1024xf32, #tpu.memory_space<vmem>>, vector<1x16xf32>,
      %parallel_loop3A_900 = vector.shape_cast %parallel_loop3A_899 : vector<1x16xf32> to vector<16xf32>
      %parallel_loop3A_901 = vector.shape_cast %parallel_loop3A_891 : vector<16xf32> to vector<1x16xf32>
      tpu.vector_store %parallel_loop3A_896[%parallel_loop3A_897, %parallel_loop3A_898], %parallel_loop3A_901 {strides = array<i32>} : memref<8x1024xf32, #tpu.memory_space<vmem>>, vector<1x16xf32>,
      %parallel_loop3A_902 = arith.constant 5 : i32
      %parallel_loop3A_903 = arith.constant 0 : i32
      %parallel_loop3A_904 = arith.constant 0 : i32
      %parallel_loop3A_905 = tpu.memref_slice %arg5[%parallel_loop3A_629, %parallel_loop3A_903, %parallel_loop3A_904] : memref<2x8x1024xf32, #tpu.memory_space<vmem>> -> memref<1x8x1024xf32, #tpu.memory_space<vmem>>
      %parallel_loop3A_906 = tpu.memref_squeeze %parallel_loop3A_905 : memref<1x8x1024xf32, #tpu.memory_space<vmem>> -> memref<8x1024xf32, #tpu.memory_space<vmem>>
      %parallel_loop3A_907 = arith.index_cast %parallel_loop3A_902 : i32 to index
      %parallel_loop3A_908 = arith.index_cast %parallel_loop3A_756 : i32 to index
      %parallel_loop3A_909 = tpu.vector_load %parallel_loop3A_906[%parallel_loop3A_907, %parallel_loop3A_908] {strides = array<i32>} : memref<8x1024xf32, #tpu.memory_space<vmem>>, vector<1x16xf32>,
      %parallel_loop3A_910 = vector.shape_cast %parallel_loop3A_909 : vector<1x16xf32> to vector<16xf32>
      %parallel_loop3A_911 = arith.constant 5 : i32
      %parallel_loop3A_912 = arith.constant 0 : i32
      %parallel_loop3A_913 = arith.constant 0 : i32
      %parallel_loop3A_914 = tpu.memref_slice %arg7[%parallel_loop3A_630, %parallel_loop3A_912, %parallel_loop3A_913] : memref<2x8x1024xf32, #tpu.memory_space<vmem>> -> memref<1x8x1024xf32, #tpu.memory_space<vmem>>
      %parallel_loop3A_915 = tpu.memref_squeeze %parallel_loop3A_914 : memref<1x8x1024xf32, #tpu.memory_space<vmem>> -> memref<8x1024xf32, #tpu.memory_space<vmem>>
      %parallel_loop3A_916 = arith.index_cast %parallel_loop3A_911 : i32 to index
      %parallel_loop3A_917 = arith.index_cast %parallel_loop3A_756 : i32 to index
      %parallel_loop3A_918 = tpu.vector_load %parallel_loop3A_915[%parallel_loop3A_916, %parallel_loop3A_917] {strides = array<i32>} : memref<8x1024xf32, #tpu.memory_space<vmem>>, vector<1x16xf32>,
      %parallel_loop3A_919 = vector.shape_cast %parallel_loop3A_918 : vector<1x16xf32> to vector<16xf32>
      %parallel_loop3A_920 = arith.addf %parallel_loop3A_910, %parallel_loop3A_919 : vector<16xf32>
      %parallel_loop3A_921 = arith.constant 5 : i32
      %parallel_loop3A_922 = arith.constant 0 : i32
      %parallel_loop3A_923 = arith.constant 0 : i32
      %parallel_loop3A_924 = tpu.memref_slice %arg6[%parallel_loop3A_631, %parallel_loop3A_922, %parallel_loop3A_923] : memref<2x8x1024xf32, #tpu.memory_space<vmem>> -> memref<1x8x1024xf32, #tpu.memory_space<vmem>>
      %parallel_loop3A_925 = tpu.memref_squeeze %parallel_loop3A_924 : memref<1x8x1024xf32, #tpu.memory_space<vmem>> -> memref<8x1024xf32, #tpu.memory_space<vmem>>
      %parallel_loop3A_926 = arith.index_cast %parallel_loop3A_921 : i32 to index
      %parallel_loop3A_927 = arith.index_cast %parallel_loop3A_756 : i32 to index
      %parallel_loop3A_928 = tpu.vector_load %parallel_loop3A_925[%parallel_loop3A_926, %parallel_loop3A_927] {strides = array<i32>} : memref<8x1024xf32, #tpu.memory_space<vmem>>, vector<1x16xf32>,
      %parallel_loop3A_929 = vector.shape_cast %parallel_loop3A_928 : vector<1x16xf32> to vector<16xf32>
      %parallel_loop3A_930 = vector.shape_cast %parallel_loop3A_920 : vector<16xf32> to vector<1x16xf32>
      tpu.vector_store %parallel_loop3A_925[%parallel_loop3A_926, %parallel_loop3A_927], %parallel_loop3A_930 {strides = array<i32>} : memref<8x1024xf32, #tpu.memory_space<vmem>>, vector<1x16xf32>,
      %parallel_loop3A_931 = arith.constant 6 : i32
      %parallel_loop3A_932 = arith.constant 0 : i32
      %parallel_loop3A_933 = arith.constant 0 : i32
      %parallel_loop3A_934 = tpu.memref_slice %arg5[%parallel_loop3A_629, %parallel_loop3A_932, %parallel_loop3A_933] : memref<2x8x1024xf32, #tpu.memory_space<vmem>> -> memref<1x8x1024xf32, #tpu.memory_space<vmem>>
      %parallel_loop3A_935 = tpu.memref_squeeze %parallel_loop3A_934 : memref<1x8x1024xf32, #tpu.memory_space<vmem>> -> memref<8x1024xf32, #tpu.memory_space<vmem>>
      %parallel_loop3A_936 = arith.index_cast %parallel_loop3A_931 : i32 to index
      %parallel_loop3A_937 = arith.index_cast %parallel_loop3A_756 : i32 to index
      %parallel_loop3A_938 = tpu.vector_load %parallel_loop3A_935[%parallel_loop3A_936, %parallel_loop3A_937] {strides = array<i32>} : memref<8x1024xf32, #tpu.memory_space<vmem>>, vector<1x16xf32>,
      %parallel_loop3A_939 = vector.shape_cast %parallel_loop3A_938 : vector<1x16xf32> to vector<16xf32>
      %parallel_loop3A_940 = arith.constant 6 : i32
      %parallel_loop3A_941 = arith.constant 0 : i32
      %parallel_loop3A_942 = arith.constant 0 : i32
      %parallel_loop3A_943 = tpu.memref_slice %arg7[%parallel_loop3A_630, %parallel_loop3A_941, %parallel_loop3A_942] : memref<2x8x1024xf32, #tpu.memory_space<vmem>> -> memref<1x8x1024xf32, #tpu.memory_space<vmem>>
      %parallel_loop3A_944 = tpu.memref_squeeze %parallel_loop3A_943 : memref<1x8x1024xf32, #tpu.memory_space<vmem>> -> memref<8x1024xf32, #tpu.memory_space<vmem>>
      %parallel_loop3A_945 = arith.index_cast %parallel_loop3A_940 : i32 to index
      %parallel_loop3A_946 = arith.index_cast %parallel_loop3A_756 : i32 to index
      %parallel_loop3A_947 = tpu.vector_load %parallel_loop3A_944[%parallel_loop3A_945, %parallel_loop3A_946] {strides = array<i32>} : memref<8x1024xf32, #tpu.memory_space<vmem>>, vector<1x16xf32>,
      %parallel_loop3A_948 = vector.shape_cast %parallel_loop3A_947 : vector<1x16xf32> to vector<16xf32>
      %parallel_loop3A_949 = arith.addf %parallel_loop3A_939, %parallel_loop3A_948 : vector<16xf32>
      %parallel_loop3A_950 = arith.constant 6 : i32
      %parallel_loop3A_951 = arith.constant 0 : i32
      %parallel_loop3A_952 = arith.constant 0 : i32
      %parallel_loop3A_953 = tpu.memref_slice %arg6[%parallel_loop3A_631, %parallel_loop3A_951, %parallel_loop3A_952] : memref<2x8x1024xf32, #tpu.memory_space<vmem>> -> memref<1x8x1024xf32, #tpu.memory_space<vmem>>
      %parallel_loop3A_954 = tpu.memref_squeeze %parallel_loop3A_953 : memref<1x8x1024xf32, #tpu.memory_space<vmem>> -> memref<8x1024xf32, #tpu.memory_space<vmem>>
      %parallel_loop3A_955 = arith.index_cast %parallel_loop3A_950 : i32 to index
      %parallel_loop3A_956 = arith.index_cast %parallel_loop3A_756 : i32 to index
      %parallel_loop3A_957 = tpu.vector_load %parallel_loop3A_954[%parallel_loop3A_955, %parallel_loop3A_956] {strides = array<i32>} : memref<8x1024xf32, #tpu.memory_space<vmem>>, vector<1x16xf32>,
      %parallel_loop3A_958 = vector.shape_cast %parallel_loop3A_957 : vector<1x16xf32> to vector<16xf32>
      %parallel_loop3A_959 = vector.shape_cast %parallel_loop3A_949 : vector<16xf32> to vector<1x16xf32>
      tpu.vector_store %parallel_loop3A_954[%parallel_loop3A_955, %parallel_loop3A_956], %parallel_loop3A_959 {strides = array<i32>} : memref<8x1024xf32, #tpu.memory_space<vmem>>, vector<1x16xf32>,
      %parallel_loop3A_960 = arith.constant 7 : i32
      %parallel_loop3A_961 = arith.constant 0 : i32
      %parallel_loop3A_962 = arith.constant 0 : i32
      %parallel_loop3A_963 = tpu.memref_slice %arg5[%parallel_loop3A_629, %parallel_loop3A_961, %parallel_loop3A_962] : memref<2x8x1024xf32, #tpu.memory_space<vmem>> -> memref<1x8x1024xf32, #tpu.memory_space<vmem>>
      %parallel_loop3A_964 = tpu.memref_squeeze %parallel_loop3A_963 : memref<1x8x1024xf32, #tpu.memory_space<vmem>> -> memref<8x1024xf32, #tpu.memory_space<vmem>>
      %parallel_loop3A_965 = arith.index_cast %parallel_loop3A_960 : i32 to index
      %parallel_loop3A_966 = arith.index_cast %parallel_loop3A_756 : i32 to index
      %parallel_loop3A_967 = tpu.vector_load %parallel_loop3A_964[%parallel_loop3A_965, %parallel_loop3A_966] {strides = array<i32>} : memref<8x1024xf32, #tpu.memory_space<vmem>>, vector<1x16xf32>,
      %parallel_loop3A_968 = vector.shape_cast %parallel_loop3A_967 : vector<1x16xf32> to vector<16xf32>
      %parallel_loop3A_969 = arith.constant 7 : i32
      %parallel_loop3A_970 = arith.constant 0 : i32
      %parallel_loop3A_971 = arith.constant 0 : i32
      %parallel_loop3A_972 = tpu.memref_slice %arg7[%parallel_loop3A_630, %parallel_loop3A_970, %parallel_loop3A_971] : memref<2x8x1024xf32, #tpu.memory_space<vmem>> -> memref<1x8x1024xf32, #tpu.memory_space<vmem>>
      %parallel_loop3A_973 = tpu.memref_squeeze %parallel_loop3A_972 : memref<1x8x1024xf32, #tpu.memory_space<vmem>> -> memref<8x1024xf32, #tpu.memory_space<vmem>>
      %parallel_loop3A_974 = arith.index_cast %parallel_loop3A_969 : i32 to index
      %parallel_loop3A_975 = arith.index_cast %parallel_loop3A_756 : i32 to index
      %parallel_loop3A_976 = tpu.vector_load %parallel_loop3A_973[%parallel_loop3A_974, %parallel_loop3A_975] {strides = array<i32>} : memref<8x1024xf32, #tpu.memory_space<vmem>>, vector<1x16xf32>,
      %parallel_loop3A_977 = vector.shape_cast %parallel_loop3A_976 : vector<1x16xf32> to vector<16xf32>
      %parallel_loop3A_978 = arith.addf %parallel_loop3A_968, %parallel_loop3A_977 : vector<16xf32>
      %parallel_loop3A_979 = arith.constant 7 : i32
      %parallel_loop3A_980 = arith.constant 0 : i32
      %parallel_loop3A_981 = arith.constant 0 : i32
      %parallel_loop3A_982 = tpu.memref_slice %arg6[%parallel_loop3A_631, %parallel_loop3A_980, %parallel_loop3A_981] : memref<2x8x1024xf32, #tpu.memory_space<vmem>> -> memref<1x8x1024xf32, #tpu.memory_space<vmem>>
      %parallel_loop3A_983 = tpu.memref_squeeze %parallel_loop3A_982 : memref<1x8x1024xf32, #tpu.memory_space<vmem>> -> memref<8x1024xf32, #tpu.memory_space<vmem>>
      %parallel_loop3A_984 = arith.index_cast %parallel_loop3A_979 : i32 to index
      %parallel_loop3A_985 = arith.index_cast %parallel_loop3A_756 : i32 to index
      %parallel_loop3A_986 = tpu.vector_load %parallel_loop3A_983[%parallel_loop3A_984, %parallel_loop3A_985] {strides = array<i32>} : memref<8x1024xf32, #tpu.memory_space<vmem>>, vector<1x16xf32>,
      %parallel_loop3A_987 = vector.shape_cast %parallel_loop3A_986 : vector<1x16xf32> to vector<16xf32>
      %parallel_loop3A_988 = vector.shape_cast %parallel_loop3A_978 : vector<16xf32> to vector<1x16xf32>
      tpu.vector_store %parallel_loop3A_983[%parallel_loop3A_984, %parallel_loop3A_985], %parallel_loop3A_988 {strides = array<i32>} : memref<8x1024xf32, #tpu.memory_space<vmem>>, vector<1x16xf32>,
    } {sc.loop_unroll_factor = 2 : i64, sc.parallel_access}
    %add3A_632 = arith.constant 8 : i32
    %add3A_633 = arith.addi %mul3A_2, %add3A_632 : i32
    %dma_start3A_634 = arith.constant 0 : i32
    %dma_start3A_635 = arith.constant 2 : i32
    %dma_start3A_636 = arith.constant 0 : i32
    %dma_start3A_637 = arith.constant 0 : i32
    %dma_start3A_638 = arith.constant 0 : i32
    %dma_start3A_639 = tpu.memref_slice %arg6[%dma_start3A_634, %dma_start3A_637, %dma_start3A_638] : memref<2x8x1024xf32, #tpu.memory_space<vmem>> -> memref<1x8x1024xf32, #tpu.memory_space<vmem>>
    %dma_start3A_640 = tpu.memref_squeeze %dma_start3A_639 : memref<1x8x1024xf32, #tpu.memory_space<vmem>> -> memref<8x1024xf32, #tpu.memory_space<vmem>>
    %dma_start3A_641 = arith.constant 0 : i32
    %dma_start3A_642 = tpu.memref_slice %arg4[%dma_start3A_635, %add3A_633, %dma_start3A_641] : memref<4x2048x1024xf32, #tpu.memory_space<hbm>> -> memref<1x8x1024xf32, #tpu.memory_space<hbm>>
    %dma_start3A_643 = tpu.memref_squeeze %dma_start3A_642 : memref<1x8x1024xf32, #tpu.memory_space<hbm>> -> memref<8x1024xf32, #tpu.memory_space<hbm>>
    %dma_start3A_644 = tpu.memref_slice %arg9[%dma_start3A_636] : memref<2x!tpu.dma_semaphore, #tpu.memory_space<semaphore_mem>> -> memref<1x!tpu.dma_semaphore, #tpu.memory_space<semaphore_mem>>
    %dma_start3A_645 = tpu.memref_squeeze %dma_start3A_644 : memref<1x!tpu.dma_semaphore, #tpu.memory_space<semaphore_mem>> -> memref<!tpu.dma_semaphore, #tpu.memory_space<semaphore_mem>>
    %dma_start3A_646 = arith.constant 0 : i32
    %dma_start3A_647 = tpu.memref_slice %arg4[%dma_start3A_635, %add3A_633, %dma_start3A_646] : memref<4x2048x1024xf32, #tpu.memory_space<hbm>> -> memref<1x8x1024xf32, #tpu.memory_space<hbm>>
    %dma_start3A_648 = tpu.memref_squeeze %dma_start3A_647 : memref<1x8x1024xf32, #tpu.memory_space<hbm>> -> memref<8x1024xf32, #tpu.memory_space<hbm>>
    %dma_start3A_649 = arith.constant 0 : i32
    %dma_start3A_650 = arith.constant 0 : i32
    %dma_start3A_651 = tpu.memref_slice %arg6[%dma_start3A_634, %dma_start3A_649, %dma_start3A_650] : memref<2x8x1024xf32, #tpu.memory_space<vmem>> -> memref<1x8x1024xf32, #tpu.memory_space<vmem>>
    %dma_start3A_652 = tpu.memref_squeeze %dma_start3A_651 : memref<1x8x1024xf32, #tpu.memory_space<vmem>> -> memref<8x1024xf32, #tpu.memory_space<vmem>>
    tpu.enqueue_dma source(%dma_start3A_652 : memref<8x1024xf32, #tpu.memory_space<vmem>>) target(%dma_start3A_648 : memref<8x1024xf32, #tpu.memory_space<hbm>>) target_semaphore(%dma_start3A_645 : memref<!tpu.dma_semaphore, #tpu.memory_space<semaphore_mem>>)
    %dma_wait3A_653 = arith.constant 3 : i32
    %dma_wait3A_654 = arith.constant 1 : i32
    %dma_wait3A_655 = arith.constant 1 : i32
    %dma_wait3A_656 = arith.constant 0 : i32
    %dma_wait3A_657 = arith.constant 0 : i32
    %dma_wait3A_658 = tpu.memref_slice %arg5[%dma_wait3A_654, %dma_wait3A_656, %dma_wait3A_657] : memref<2x8x1024xf32, #tpu.memory_space<vmem>> -> memref<1x8x1024xf32, #tpu.memory_space<vmem>>
    %dma_wait3A_659 = tpu.memref_squeeze %dma_wait3A_658 : memref<1x8x1024xf32, #tpu.memory_space<vmem>> -> memref<8x1024xf32, #tpu.memory_space<vmem>>
    %dma_wait3A_660 = arith.constant 0 : i32
    %dma_wait3A_661 = tpu.memref_slice %arg2[%dma_wait3A_653, %add3A_568, %dma_wait3A_660] : memref<4x2048x1024xf32, #tpu.memory_space<hbm>> -> memref<1x8x1024xf32, #tpu.memory_space<hbm>>
    %dma_wait3A_662 = tpu.memref_squeeze %dma_wait3A_661 : memref<1x8x1024xf32, #tpu.memory_space<hbm>> -> memref<8x1024xf32, #tpu.memory_space<hbm>>
    %dma_wait3A_663 = tpu.memref_slice %arg8[%dma_wait3A_655] : memref<2x!tpu.dma_semaphore, #tpu.memory_space<semaphore_mem>> -> memref<1x!tpu.dma_semaphore, #tpu.memory_space<semaphore_mem>>
    %dma_wait3A_664 = tpu.memref_squeeze %dma_wait3A_663 : memref<1x!tpu.dma_semaphore, #tpu.memory_space<semaphore_mem>> -> memref<!tpu.dma_semaphore, #tpu.memory_space<semaphore_mem>>
    %dma_wait3A_665 = arith.constant 0 : i32
    %dma_wait3A_666 = arith.constant 0 : i32
    %dma_wait3A_667 = tpu.memref_slice %arg5[%dma_wait3A_654, %dma_wait3A_665, %dma_wait3A_666] : memref<2x8x1024xf32, #tpu.memory_space<vmem>> -> memref<1x8x1024xf32, #tpu.memory_space<vmem>>
    %dma_wait3A_668 = tpu.memref_squeeze %dma_wait3A_667 : memref<1x8x1024xf32, #tpu.memory_space<vmem>> -> memref<8x1024xf32, #tpu.memory_space<vmem>>
    %dma_wait3A_669 = arith.constant 0 : i32
    %dma_wait3A_670 = tpu.memref_slice %arg2[%dma_wait3A_653, %add3A_568, %dma_wait3A_669] : memref<4x2048x1024xf32, #tpu.memory_space<hbm>> -> memref<1x8x1024xf32, #tpu.memory_space<hbm>>
    %dma_wait3A_671 = tpu.memref_squeeze %dma_wait3A_670 : memref<1x8x1024xf32, #tpu.memory_space<hbm>> -> memref<8x1024xf32, #tpu.memory_space<hbm>>
    tpu.wait_dma2 semaphore(%dma_wait3A_664 : memref<!tpu.dma_semaphore, #tpu.memory_space<semaphore_mem>>) src(%dma_wait3A_671 : memref<8x1024xf32, #tpu.memory_space<hbm>>) dst(%dma_wait3A_668 : memref<8x1024xf32, #tpu.memory_space<vmem>>)
    %dma_wait3A_672 = arith.constant 1 : i32
    %dma_wait3A_673 = arith.constant 1 : i32
    %dma_wait3A_674 = arith.constant 1 : i32
    %dma_wait3A_675 = arith.constant 0 : i32
    %dma_wait3A_676 = arith.constant 0 : i32
    %dma_wait3A_677 = tpu.memref_slice %arg6[%dma_wait3A_672, %dma_wait3A_675, %dma_wait3A_676] : memref<2x8x1024xf32, #tpu.memory_space<vmem>> -> memref<1x8x1024xf32, #tpu.memory_space<vmem>>
    %dma_wait3A_678 = tpu.memref_squeeze %dma_wait3A_677 : memref<1x8x1024xf32, #tpu.memory_space<vmem>> -> memref<8x1024xf32, #tpu.memory_space<vmem>>
    %dma_wait3A_679 = arith.constant 0 : i32
    %dma_wait3A_680 = tpu.memref_slice %arg4[%dma_wait3A_673, %add3A_547, %dma_wait3A_679] : memref<4x2048x1024xf32, #tpu.memory_space<hbm>> -> memref<1x8x1024xf32, #tpu.memory_space<hbm>>
    %dma_wait3A_681 = tpu.memref_squeeze %dma_wait3A_680 : memref<1x8x1024xf32, #tpu.memory_space<hbm>> -> memref<8x1024xf32, #tpu.memory_space<hbm>>
    %dma_wait3A_682 = tpu.memref_slice %arg9[%dma_wait3A_674] : memref<2x!tpu.dma_semaphore, #tpu.memory_space<semaphore_mem>> -> memref<1x!tpu.dma_semaphore, #tpu.memory_space<semaphore_mem>>
    %dma_wait3A_683 = tpu.memref_squeeze %dma_wait3A_682 : memref<1x!tpu.dma_semaphore, #tpu.memory_space<semaphore_mem>> -> memref<!tpu.dma_semaphore, #tpu.memory_space<semaphore_mem>>
    %dma_wait3A_684 = arith.constant 0 : i32
    %dma_wait3A_685 = tpu.memref_slice %arg4[%dma_wait3A_673, %add3A_547, %dma_wait3A_684] : memref<4x2048x1024xf32, #tpu.memory_space<hbm>> -> memref<1x8x1024xf32, #tpu.memory_space<hbm>>
    %dma_wait3A_686 = tpu.memref_squeeze %dma_wait3A_685 : memref<1x8x1024xf32, #tpu.memory_space<hbm>> -> memref<8x1024xf32, #tpu.memory_space<hbm>>
    %dma_wait3A_687 = arith.constant 0 : i32
    %dma_wait3A_688 = arith.constant 0 : i32
    %dma_wait3A_689 = tpu.memref_slice %arg6[%dma_wait3A_672, %dma_wait3A_687, %dma_wait3A_688] : memref<2x8x1024xf32, #tpu.memory_space<vmem>> -> memref<1x8x1024xf32, #tpu.memory_space<vmem>>
    %dma_wait3A_690 = tpu.memref_squeeze %dma_wait3A_689 : memref<1x8x1024xf32, #tpu.memory_space<vmem>> -> memref<8x1024xf32, #tpu.memory_space<vmem>>
    tpu.wait_dma2 semaphore(%dma_wait3A_683 : memref<!tpu.dma_semaphore, #tpu.memory_space<semaphore_mem>>) src(%dma_wait3A_690 : memref<8x1024xf32, #tpu.memory_space<vmem>>) dst(%dma_wait3A_686 : memref<8x1024xf32, #tpu.memory_space<hbm>>)
    %parallel_loop3A_691 = arith.constant 0 : i32
    %parallel_loop3A_692 = arith.constant 1024 : i32
    %parallel_loop3A_693 = arith.constant 16 : i32
    %parallel_loop3A_694 = arith.constant 1 : i32
    %parallel_loop3A_695 = arith.constant 1 : i32
    %parallel_loop3A_696 = arith.constant 1 : i32
    scf.for %parallel_loop3A_756 = %parallel_loop3A_691 to %parallel_loop3A_692 step %parallel_loop3A_693  : i32 {
      %parallel_loop3A_757 = arith.constant 0 : i32
      %parallel_loop3A_758 = arith.constant 0 : i32
      %parallel_loop3A_759 = arith.constant 0 : i32
      %parallel_loop3A_760 = tpu.memref_slice %arg5[%parallel_loop3A_694, %parallel_loop3A_758, %parallel_loop3A_759] : memref<2x8x1024xf32, #tpu.memory_space<vmem>> -> memref<1x8x1024xf32, #tpu.memory_space<vmem>>
      %parallel_loop3A_761 = tpu.memref_squeeze %parallel_loop3A_760 : memref<1x8x1024xf32, #tpu.memory_space<vmem>> -> memref<8x1024xf32, #tpu.memory_space<vmem>>
      %parallel_loop3A_762 = arith.index_cast %parallel_loop3A_757 : i32 to index
      %parallel_loop3A_763 = arith.index_cast %parallel_loop3A_756 : i32 to index
      %parallel_loop3A_764 = tpu.vector_load %parallel_loop3A_761[%parallel_loop3A_762, %parallel_loop3A_763] {strides = array<i32>} : memref<8x1024xf32, #tpu.memory_space<vmem>>, vector<1x16xf32>,
      %parallel_loop3A_765 = vector.shape_cast %parallel_loop3A_764 : vector<1x16xf32> to vector<16xf32>
      %parallel_loop3A_766 = arith.constant 0 : i32
      %parallel_loop3A_767 = arith.constant 0 : i32
      %parallel_loop3A_768 = arith.constant 0 : i32
      %parallel_loop3A_769 = tpu.memref_slice %arg7[%parallel_loop3A_695, %parallel_loop3A_767, %parallel_loop3A_768] : memref<2x8x1024xf32, #tpu.memory_space<vmem>> -> memref<1x8x1024xf32, #tpu.memory_space<vmem>>
      %parallel_loop3A_770 = tpu.memref_squeeze %parallel_loop3A_769 : memref<1x8x1024xf32, #tpu.memory_space<vmem>> -> memref<8x1024xf32, #tpu.memory_space<vmem>>
      %parallel_loop3A_771 = arith.index_cast %parallel_loop3A_766 : i32 to index
      %parallel_loop3A_772 = arith.index_cast %parallel_loop3A_756 : i32 to index
      %parallel_loop3A_773 = tpu.vector_load %parallel_loop3A_770[%parallel_loop3A_771, %parallel_loop3A_772] {strides = array<i32>} : memref<8x1024xf32, #tpu.memory_space<vmem>>, vector<1x16xf32>,
      %parallel_loop3A_774 = vector.shape_cast %parallel_loop3A_773 : vector<1x16xf32> to vector<16xf32>
      %parallel_loop3A_775 = arith.addf %parallel_loop3A_765, %parallel_loop3A_774 : vector<16xf32>
      %parallel_loop3A_776 = arith.constant 0 : i32
      %parallel_loop3A_777 = arith.constant 0 : i32
      %parallel_loop3A_778 = arith.constant 0 : i32
      %parallel_loop3A_779 = tpu.memref_slice %arg6[%parallel_loop3A_696, %parallel_loop3A_777, %parallel_loop3A_778] : memref<2x8x1024xf32, #tpu.memory_space<vmem>> -> memref<1x8x1024xf32, #tpu.memory_space<vmem>>
      %parallel_loop3A_780 = tpu.memref_squeeze %parallel_loop3A_779 : memref<1x8x1024xf32, #tpu.memory_space<vmem>> -> memref<8x1024xf32, #tpu.memory_space<vmem>>
      %parallel_loop3A_781 = arith.index_cast %parallel_loop3A_776 : i32 to index
      %parallel_loop3A_782 = arith.index_cast %parallel_loop3A_756 : i32 to index
      %parallel_loop3A_783 = tpu.vector_load %parallel_loop3A_780[%parallel_loop3A_781, %parallel_loop3A_782] {strides = array<i32>} : memref<8x1024xf32, #tpu.memory_space<vmem>>, vector<1x16xf32>,
      %parallel_loop3A_784 = vector.shape_cast %parallel_loop3A_783 : vector<1x16xf32> to vector<16xf32>
      %parallel_loop3A_785 = vector.shape_cast %parallel_loop3A_775 : vector<16xf32> to vector<1x16xf32>
      tpu.vector_store %parallel_loop3A_780[%parallel_loop3A_781, %parallel_loop3A_782], %parallel_loop3A_785 {strides = array<i32>} : memref<8x1024xf32, #tpu.memory_space<vmem>>, vector<1x16xf32>,
      %parallel_loop3A_786 = arith.constant 1 : i32
      %parallel_loop3A_787 = arith.constant 0 : i32
      %parallel_loop3A_788 = arith.constant 0 : i32
      %parallel_loop3A_789 = tpu.memref_slice %arg5[%parallel_loop3A_694, %parallel_loop3A_787, %parallel_loop3A_788] : memref<2x8x1024xf32, #tpu.memory_space<vmem>> -> memref<1x8x1024xf32, #tpu.memory_space<vmem>>
      %parallel_loop3A_790 = tpu.memref_squeeze %parallel_loop3A_789 : memref<1x8x1024xf32, #tpu.memory_space<vmem>> -> memref<8x1024xf32, #tpu.memory_space<vmem>>
      %parallel_loop3A_791 = arith.index_cast %parallel_loop3A_786 : i32 to index
      %parallel_loop3A_792 = arith.index_cast %parallel_loop3A_756 : i32 to index
      %parallel_loop3A_793 = tpu.vector_load %parallel_loop3A_790[%parallel_loop3A_791, %parallel_loop3A_792] {strides = array<i32>} : memref<8x1024xf32, #tpu.memory_space<vmem>>, vector<1x16xf32>,
      %parallel_loop3A_794 = vector.shape_cast %parallel_loop3A_793 : vector<1x16xf32> to vector<16xf32>
      %parallel_loop3A_795 = arith.constant 1 : i32
      %parallel_loop3A_796 = arith.constant 0 : i32
      %parallel_loop3A_797 = arith.constant 0 : i32
      %parallel_loop3A_798 = tpu.memref_slice %arg7[%parallel_loop3A_695, %parallel_loop3A_796, %parallel_loop3A_797] : memref<2x8x1024xf32, #tpu.memory_space<vmem>> -> memref<1x8x1024xf32, #tpu.memory_space<vmem>>
      %parallel_loop3A_799 = tpu.memref_squeeze %parallel_loop3A_798 : memref<1x8x1024xf32, #tpu.memory_space<vmem>> -> memref<8x1024xf32, #tpu.memory_space<vmem>>
      %parallel_loop3A_800 = arith.index_cast %parallel_loop3A_795 : i32 to index
      %parallel_loop3A_801 = arith.index_cast %parallel_loop3A_756 : i32 to index
      %parallel_loop3A_802 = tpu.vector_load %parallel_loop3A_799[%parallel_loop3A_800, %parallel_loop3A_801] {strides = array<i32>} : memref<8x1024xf32, #tpu.memory_space<vmem>>, vector<1x16xf32>,
      %parallel_loop3A_803 = vector.shape_cast %parallel_loop3A_802 : vector<1x16xf32> to vector<16xf32>
      %parallel_loop3A_804 = arith.addf %parallel_loop3A_794, %parallel_loop3A_803 : vector<16xf32>
      %parallel_loop3A_805 = arith.constant 1 : i32
      %parallel_loop3A_806 = arith.constant 0 : i32
      %parallel_loop3A_807 = arith.constant 0 : i32
      %parallel_loop3A_808 = tpu.memref_slice %arg6[%parallel_loop3A_696, %parallel_loop3A_806, %parallel_loop3A_807] : memref<2x8x1024xf32, #tpu.memory_space<vmem>> -> memref<1x8x1024xf32, #tpu.memory_space<vmem>>
      %parallel_loop3A_809 = tpu.memref_squeeze %parallel_loop3A_808 : memref<1x8x1024xf32, #tpu.memory_space<vmem>> -> memref<8x1024xf32, #tpu.memory_space<vmem>>
      %parallel_loop3A_810 = arith.index_cast %parallel_loop3A_805 : i32 to index
      %parallel_loop3A_811 = arith.index_cast %parallel_loop3A_756 : i32 to index
      %parallel_loop3A_812 = tpu.vector_load %parallel_loop3A_809[%parallel_loop3A_810, %parallel_loop3A_811] {strides = array<i32>} : memref<8x1024xf32, #tpu.memory_space<vmem>>, vector<1x16xf32>,
      %parallel_loop3A_813 = vector.shape_cast %parallel_loop3A_812 : vector<1x16xf32> to vector<16xf32>
      %parallel_loop3A_814 = vector.shape_cast %parallel_loop3A_804 : vector<16xf32> to vector<1x16xf32>
      tpu.vector_store %parallel_loop3A_809[%parallel_loop3A_810, %parallel_loop3A_811], %parallel_loop3A_814 {strides = array<i32>} : memref<8x1024xf32, #tpu.memory_space<vmem>>, vector<1x16xf32>,
      %parallel_loop3A_815 = arith.constant 2 : i32
      %parallel_loop3A_816 = arith.constant 0 : i32
      %parallel_loop3A_817 = arith.constant 0 : i32
      %parallel_loop3A_818 = tpu.memref_slice %arg5[%parallel_loop3A_694, %parallel_loop3A_816, %parallel_loop3A_817] : memref<2x8x1024xf32, #tpu.memory_space<vmem>> -> memref<1x8x1024xf32, #tpu.memory_space<vmem>>
      %parallel_loop3A_819 = tpu.memref_squeeze %parallel_loop3A_818 : memref<1x8x1024xf32, #tpu.memory_space<vmem>> -> memref<8x1024xf32, #tpu.memory_space<vmem>>
      %parallel_loop3A_820 = arith.index_cast %parallel_loop3A_815 : i32 to index
      %parallel_loop3A_821 = arith.index_cast %parallel_loop3A_756 : i32 to index
      %parallel_loop3A_822 = tpu.vector_load %parallel_loop3A_819[%parallel_loop3A_820, %parallel_loop3A_821] {strides = array<i32>} : memref<8x1024xf32, #tpu.memory_space<vmem>>, vector<1x16xf32>,
      %parallel_loop3A_823 = vector.shape_cast %parallel_loop3A_822 : vector<1x16xf32> to vector<16xf32>
      %parallel_loop3A_824 = arith.constant 2 : i32
      %parallel_loop3A_825 = arith.constant 0 : i32
      %parallel_loop3A_826 = arith.constant 0 : i32
      %parallel_loop3A_827 = tpu.memref_slice %arg7[%parallel_loop3A_695, %parallel_loop3A_825, %parallel_loop3A_826] : memref<2x8x1024xf32, #tpu.memory_space<vmem>> -> memref<1x8x1024xf32, #tpu.memory_space<vmem>>
      %parallel_loop3A_828 = tpu.memref_squeeze %parallel_loop3A_827 : memref<1x8x1024xf32, #tpu.memory_space<vmem>> -> memref<8x1024xf32, #tpu.memory_space<vmem>>
      %parallel_loop3A_829 = arith.index_cast %parallel_loop3A_824 : i32 to index
      %parallel_loop3A_830 = arith.index_cast %parallel_loop3A_756 : i32 to index
      %parallel_loop3A_831 = tpu.vector_load %parallel_loop3A_828[%parallel_loop3A_829, %parallel_loop3A_830] {strides = array<i32>} : memref<8x1024xf32, #tpu.memory_space<vmem>>, vector<1x16xf32>,
      %parallel_loop3A_832 = vector.shape_cast %parallel_loop3A_831 : vector<1x16xf32> to vector<16xf32>
      %parallel_loop3A_833 = arith.addf %parallel_loop3A_823, %parallel_loop3A_832 : vector<16xf32>
      %parallel_loop3A_834 = arith.constant 2 : i32
      %parallel_loop3A_835 = arith.constant 0 : i32
      %parallel_loop3A_836 = arith.constant 0 : i32
      %parallel_loop3A_837 = tpu.memref_slice %arg6[%parallel_loop3A_696, %parallel_loop3A_835, %parallel_loop3A_836] : memref<2x8x1024xf32, #tpu.memory_space<vmem>> -> memref<1x8x1024xf32, #tpu.memory_space<vmem>>
      %parallel_loop3A_838 = tpu.memref_squeeze %parallel_loop3A_837 : memref<1x8x1024xf32, #tpu.memory_space<vmem>> -> memref<8x1024xf32, #tpu.memory_space<vmem>>
      %parallel_loop3A_839 = arith.index_cast %parallel_loop3A_834 : i32 to index
      %parallel_loop3A_840 = arith.index_cast %parallel_loop3A_756 : i32 to index
      %parallel_loop3A_841 = tpu.vector_load %parallel_loop3A_838[%parallel_loop3A_839, %parallel_loop3A_840] {strides = array<i32>} : memref<8x1024xf32, #tpu.memory_space<vmem>>, vector<1x16xf32>,
      %parallel_loop3A_842 = vector.shape_cast %parallel_loop3A_841 : vector<1x16xf32> to vector<16xf32>
      %parallel_loop3A_843 = vector.shape_cast %parallel_loop3A_833 : vector<16xf32> to vector<1x16xf32>
      tpu.vector_store %parallel_loop3A_838[%parallel_loop3A_839, %parallel_loop3A_840], %parallel_loop3A_843 {strides = array<i32>} : memref<8x1024xf32, #tpu.memory_space<vmem>>, vector<1x16xf32>,
      %parallel_loop3A_844 = arith.constant 3 : i32
      %parallel_loop3A_845 = arith.constant 0 : i32
      %parallel_loop3A_846 = arith.constant 0 : i32
      %parallel_loop3A_847 = tpu.memref_slice %arg5[%parallel_loop3A_694, %parallel_loop3A_845, %parallel_loop3A_846] : memref<2x8x1024xf32, #tpu.memory_space<vmem>> -> memref<1x8x1024xf32, #tpu.memory_space<vmem>>
      %parallel_loop3A_848 = tpu.memref_squeeze %parallel_loop3A_847 : memref<1x8x1024xf32, #tpu.memory_space<vmem>> -> memref<8x1024xf32, #tpu.memory_space<vmem>>
      %parallel_loop3A_849 = arith.index_cast %parallel_loop3A_844 : i32 to index
      %parallel_loop3A_850 = arith.index_cast %parallel_loop3A_756 : i32 to index
      %parallel_loop3A_851 = tpu.vector_load %parallel_loop3A_848[%parallel_loop3A_849, %parallel_loop3A_850] {strides = array<i32>} : memref<8x1024xf32, #tpu.memory_space<vmem>>, vector<1x16xf32>,
      %parallel_loop3A_852 = vector.shape_cast %parallel_loop3A_851 : vector<1x16xf32> to vector<16xf32>
      %parallel_loop3A_853 = arith.constant 3 : i32
      %parallel_loop3A_854 = arith.constant 0 : i32
      %parallel_loop3A_855 = arith.constant 0 : i32
      %parallel_loop3A_856 = tpu.memref_slice %arg7[%parallel_loop3A_695, %parallel_loop3A_854, %parallel_loop3A_855] : memref<2x8x1024xf32, #tpu.memory_space<vmem>> -> memref<1x8x1024xf32, #tpu.memory_space<vmem>>
      %parallel_loop3A_857 = tpu.memref_squeeze %parallel_loop3A_856 : memref<1x8x1024xf32, #tpu.memory_space<vmem>> -> memref<8x1024xf32, #tpu.memory_space<vmem>>
      %parallel_loop3A_858 = arith.index_cast %parallel_loop3A_853 : i32 to index
      %parallel_loop3A_859 = arith.index_cast %parallel_loop3A_756 : i32 to index
      %parallel_loop3A_860 = tpu.vector_load %parallel_loop3A_857[%parallel_loop3A_858, %parallel_loop3A_859] {strides = array<i32>} : memref<8x1024xf32, #tpu.memory_space<vmem>>, vector<1x16xf32>,
      %parallel_loop3A_861 = vector.shape_cast %parallel_loop3A_860 : vector<1x16xf32> to vector<16xf32>
      %parallel_loop3A_862 = arith.addf %parallel_loop3A_852, %parallel_loop3A_861 : vector<16xf32>
      %parallel_loop3A_863 = arith.constant 3 : i32
      %parallel_loop3A_864 = arith.constant 0 : i32
      %parallel_loop3A_865 = arith.constant 0 : i32
      %parallel_loop3A_866 = tpu.memref_slice %arg6[%parallel_loop3A_696, %parallel_loop3A_864, %parallel_loop3A_865] : memref<2x8x1024xf32, #tpu.memory_space<vmem>> -> memref<1x8x1024xf32, #tpu.memory_space<vmem>>
      %parallel_loop3A_867 = tpu.memref_squeeze %parallel_loop3A_866 : memref<1x8x1024xf32, #tpu.memory_space<vmem>> -> memref<8x1024xf32, #tpu.memory_space<vmem>>
      %parallel_loop3A_868 = arith.index_cast %parallel_loop3A_863 : i32 to index
      %parallel_loop3A_869 = arith.index_cast %parallel_loop3A_756 : i32 to index
      %parallel_loop3A_870 = tpu.vector_load %parallel_loop3A_867[%parallel_loop3A_868, %parallel_loop3A_869] {strides = array<i32>} : memref<8x1024xf32, #tpu.memory_space<vmem>>, vector<1x16xf32>,
      %parallel_loop3A_871 = vector.shape_cast %parallel_loop3A_870 : vector<1x16xf32> to vector<16xf32>
      %parallel_loop3A_872 = vector.shape_cast %parallel_loop3A_862 : vector<16xf32> to vector<1x16xf32>
      tpu.vector_store %parallel_loop3A_867[%parallel_loop3A_868, %parallel_loop3A_869], %parallel_loop3A_872 {strides = array<i32>} : memref<8x1024xf32, #tpu.memory_space<vmem>>, vector<1x16xf32>,
      %parallel_loop3A_873 = arith.constant 4 : i32
      %parallel_loop3A_874 = arith.constant 0 : i32
      %parallel_loop3A_875 = arith.constant 0 : i32
      %parallel_loop3A_876 = tpu.memref_slice %arg5[%parallel_loop3A_694, %parallel_loop3A_874, %parallel_loop3A_875] : memref<2x8x1024xf32, #tpu.memory_space<vmem>> -> memref<1x8x1024xf32, #tpu.memory_space<vmem>>
      %parallel_loop3A_877 = tpu.memref_squeeze %parallel_loop3A_876 : memref<1x8x1024xf32, #tpu.memory_space<vmem>> -> memref<8x1024xf32, #tpu.memory_space<vmem>>
      %parallel_loop3A_878 = arith.index_cast %parallel_loop3A_873 : i32 to index
      %parallel_loop3A_879 = arith.index_cast %parallel_loop3A_756 : i32 to index
      %parallel_loop3A_880 = tpu.vector_load %parallel_loop3A_877[%parallel_loop3A_878, %parallel_loop3A_879] {strides = array<i32>} : memref<8x1024xf32, #tpu.memory_space<vmem>>, vector<1x16xf32>,
      %parallel_loop3A_881 = vector.shape_cast %parallel_loop3A_880 : vector<1x16xf32> to vector<16xf32>
      %parallel_loop3A_882 = arith.constant 4 : i32
      %parallel_loop3A_883 = arith.constant 0 : i32
      %parallel_loop3A_884 = arith.constant 0 : i32
      %parallel_loop3A_885 = tpu.memref_slice %arg7[%parallel_loop3A_695, %parallel_loop3A_883, %parallel_loop3A_884] : memref<2x8x1024xf32, #tpu.memory_space<vmem>> -> memref<1x8x1024xf32, #tpu.memory_space<vmem>>
      %parallel_loop3A_886 = tpu.memref_squeeze %parallel_loop3A_885 : memref<1x8x1024xf32, #tpu.memory_space<vmem>> -> memref<8x1024xf32, #tpu.memory_space<vmem>>
      %parallel_loop3A_887 = arith.index_cast %parallel_loop3A_882 : i32 to index
      %parallel_loop3A_888 = arith.index_cast %parallel_loop3A_756 : i32 to index
      %parallel_loop3A_889 = tpu.vector_load %parallel_loop3A_886[%parallel_loop3A_887, %parallel_loop3A_888] {strides = array<i32>} : memref<8x1024xf32, #tpu.memory_space<vmem>>, vector<1x16xf32>,
      %parallel_loop3A_890 = vector.shape_cast %parallel_loop3A_889 : vector<1x16xf32> to vector<16xf32>
      %parallel_loop3A_891 = arith.addf %parallel_loop3A_881, %parallel_loop3A_890 : vector<16xf32>
      %parallel_loop3A_892 = arith.constant 4 : i32
      %parallel_loop3A_893 = arith.constant 0 : i32
      %parallel_loop3A_894 = arith.constant 0 : i32
      %parallel_loop3A_895 = tpu.memref_slice %arg6[%parallel_loop3A_696, %parallel_loop3A_893, %parallel_loop3A_894] : memref<2x8x1024xf32, #tpu.memory_space<vmem>> -> memref<1x8x1024xf32, #tpu.memory_space<vmem>>
      %parallel_loop3A_896 = tpu.memref_squeeze %parallel_loop3A_895 : memref<1x8x1024xf32, #tpu.memory_space<vmem>> -> memref<8x1024xf32, #tpu.memory_space<vmem>>
      %parallel_loop3A_897 = arith.index_cast %parallel_loop3A_892 : i32 to index
      %parallel_loop3A_898 = arith.index_cast %parallel_loop3A_756 : i32 to index
      %parallel_loop3A_899 = tpu.vector_load %parallel_loop3A_896[%parallel_loop3A_897, %parallel_loop3A_898] {strides = array<i32>} : memref<8x1024xf32, #tpu.memory_space<vmem>>, vector<1x16xf32>,
      %parallel_loop3A_900 = vector.shape_cast %parallel_loop3A_899 : vector<1x16xf32> to vector<16xf32>
      %parallel_loop3A_901 = vector.shape_cast %parallel_loop3A_891 : vector<16xf32> to vector<1x16xf32>
      tpu.vector_store %parallel_loop3A_896[%parallel_loop3A_897, %parallel_loop3A_898], %parallel_loop3A_901 {strides = array<i32>} : memref<8x1024xf32, #tpu.memory_space<vmem>>, vector<1x16xf32>,
      %parallel_loop3A_902 = arith.constant 5 : i32
      %parallel_loop3A_903 = arith.constant 0 : i32
      %parallel_loop3A_904 = arith.constant 0 : i32
      %parallel_loop3A_905 = tpu.memref_slice %arg5[%parallel_loop3A_694, %parallel_loop3A_903, %parallel_loop3A_904] : memref<2x8x1024xf32, #tpu.memory_space<vmem>> -> memref<1x8x1024xf32, #tpu.memory_space<vmem>>
      %parallel_loop3A_906 = tpu.memref_squeeze %parallel_loop3A_905 : memref<1x8x1024xf32, #tpu.memory_space<vmem>> -> memref<8x1024xf32, #tpu.memory_space<vmem>>
      %parallel_loop3A_907 = arith.index_cast %parallel_loop3A_902 : i32 to index
      %parallel_loop3A_908 = arith.index_cast %parallel_loop3A_756 : i32 to index
      %parallel_loop3A_909 = tpu.vector_load %parallel_loop3A_906[%parallel_loop3A_907, %parallel_loop3A_908] {strides = array<i32>} : memref<8x1024xf32, #tpu.memory_space<vmem>>, vector<1x16xf32>,
      %parallel_loop3A_910 = vector.shape_cast %parallel_loop3A_909 : vector<1x16xf32> to vector<16xf32>
      %parallel_loop3A_911 = arith.constant 5 : i32
      %parallel_loop3A_912 = arith.constant 0 : i32
      %parallel_loop3A_913 = arith.constant 0 : i32
      %parallel_loop3A_914 = tpu.memref_slice %arg7[%parallel_loop3A_695, %parallel_loop3A_912, %parallel_loop3A_913] : memref<2x8x1024xf32, #tpu.memory_space<vmem>> -> memref<1x8x1024xf32, #tpu.memory_space<vmem>>
      %parallel_loop3A_915 = tpu.memref_squeeze %parallel_loop3A_914 : memref<1x8x1024xf32, #tpu.memory_space<vmem>> -> memref<8x1024xf32, #tpu.memory_space<vmem>>
      %parallel_loop3A_916 = arith.index_cast %parallel_loop3A_911 : i32 to index
      %parallel_loop3A_917 = arith.index_cast %parallel_loop3A_756 : i32 to index
      %parallel_loop3A_918 = tpu.vector_load %parallel_loop3A_915[%parallel_loop3A_916, %parallel_loop3A_917] {strides = array<i32>} : memref<8x1024xf32, #tpu.memory_space<vmem>>, vector<1x16xf32>,
      %parallel_loop3A_919 = vector.shape_cast %parallel_loop3A_918 : vector<1x16xf32> to vector<16xf32>
      %parallel_loop3A_920 = arith.addf %parallel_loop3A_910, %parallel_loop3A_919 : vector<16xf32>
      %parallel_loop3A_921 = arith.constant 5 : i32
      %parallel_loop3A_922 = arith.constant 0 : i32
      %parallel_loop3A_923 = arith.constant 0 : i32
      %parallel_loop3A_924 = tpu.memref_slice %arg6[%parallel_loop3A_696, %parallel_loop3A_922, %parallel_loop3A_923] : memref<2x8x1024xf32, #tpu.memory_space<vmem>> -> memref<1x8x1024xf32, #tpu.memory_space<vmem>>
      %parallel_loop3A_925 = tpu.memref_squeeze %parallel_loop3A_924 : memref<1x8x1024xf32, #tpu.memory_space<vmem>> -> memref<8x1024xf32, #tpu.memory_space<vmem>>
      %parallel_loop3A_926 = arith.index_cast %parallel_loop3A_921 : i32 to index
      %parallel_loop3A_927 = arith.index_cast %parallel_loop3A_756 : i32 to index
      %parallel_loop3A_928 = tpu.vector_load %parallel_loop3A_925[%parallel_loop3A_926, %parallel_loop3A_927] {strides = array<i32>} : memref<8x1024xf32, #tpu.memory_space<vmem>>, vector<1x16xf32>,
      %parallel_loop3A_929 = vector.shape_cast %parallel_loop3A_928 : vector<1x16xf32> to vector<16xf32>
      %parallel_loop3A_930 = vector.shape_cast %parallel_loop3A_920 : vector<16xf32> to vector<1x16xf32>
      tpu.vector_store %parallel_loop3A_925[%parallel_loop3A_926, %parallel_loop3A_927], %parallel_loop3A_930 {strides = array<i32>} : memref<8x1024xf32, #tpu.memory_space<vmem>>, vector<1x16xf32>,
      %parallel_loop3A_931 = arith.constant 6 : i32
      %parallel_loop3A_932 = arith.constant 0 : i32
      %parallel_loop3A_933 = arith.constant 0 : i32
      %parallel_loop3A_934 = tpu.memref_slice %arg5[%parallel_loop3A_694, %parallel_loop3A_932, %parallel_loop3A_933] : memref<2x8x1024xf32, #tpu.memory_space<vmem>> -> memref<1x8x1024xf32, #tpu.memory_space<vmem>>
      %parallel_loop3A_935 = tpu.memref_squeeze %parallel_loop3A_934 : memref<1x8x1024xf32, #tpu.memory_space<vmem>> -> memref<8x1024xf32, #tpu.memory_space<vmem>>
      %parallel_loop3A_936 = arith.index_cast %parallel_loop3A_931 : i32 to index
      %parallel_loop3A_937 = arith.index_cast %parallel_loop3A_756 : i32 to index
      %parallel_loop3A_938 = tpu.vector_load %parallel_loop3A_935[%parallel_loop3A_936, %parallel_loop3A_937] {strides = array<i32>} : memref<8x1024xf32, #tpu.memory_space<vmem>>, vector<1x16xf32>,
      %parallel_loop3A_939 = vector.shape_cast %parallel_loop3A_938 : vector<1x16xf32> to vector<16xf32>
      %parallel_loop3A_940 = arith.constant 6 : i32
      %parallel_loop3A_941 = arith.constant 0 : i32
      %parallel_loop3A_942 = arith.constant 0 : i32
      %parallel_loop3A_943 = tpu.memref_slice %arg7[%parallel_loop3A_695, %parallel_loop3A_941, %parallel_loop3A_942] : memref<2x8x1024xf32, #tpu.memory_space<vmem>> -> memref<1x8x1024xf32, #tpu.memory_space<vmem>>
      %parallel_loop3A_944 = tpu.memref_squeeze %parallel_loop3A_943 : memref<1x8x1024xf32, #tpu.memory_space<vmem>> -> memref<8x1024xf32, #tpu.memory_space<vmem>>
      %parallel_loop3A_945 = arith.index_cast %parallel_loop3A_940 : i32 to index
      %parallel_loop3A_946 = arith.index_cast %parallel_loop3A_756 : i32 to index
      %parallel_loop3A_947 = tpu.vector_load %parallel_loop3A_944[%parallel_loop3A_945, %parallel_loop3A_946] {strides = array<i32>} : memref<8x1024xf32, #tpu.memory_space<vmem>>, vector<1x16xf32>,
      %parallel_loop3A_948 = vector.shape_cast %parallel_loop3A_947 : vector<1x16xf32> to vector<16xf32>
      %parallel_loop3A_949 = arith.addf %parallel_loop3A_939, %parallel_loop3A_948 : vector<16xf32>
      %parallel_loop3A_950 = arith.constant 6 : i32
      %parallel_loop3A_951 = arith.constant 0 : i32
      %parallel_loop3A_952 = arith.constant 0 : i32
      %parallel_loop3A_953 = tpu.memref_slice %arg6[%parallel_loop3A_696, %parallel_loop3A_951, %parallel_loop3A_952] : memref<2x8x1024xf32, #tpu.memory_space<vmem>> -> memref<1x8x1024xf32, #tpu.memory_space<vmem>>
      %parallel_loop3A_954 = tpu.memref_squeeze %parallel_loop3A_953 : memref<1x8x1024xf32, #tpu.memory_space<vmem>> -> memref<8x1024xf32, #tpu.memory_space<vmem>>
      %parallel_loop3A_955 = arith.index_cast %parallel_loop3A_950 : i32 to index
      %parallel_loop3A_956 = arith.index_cast %parallel_loop3A_756 : i32 to index
      %parallel_loop3A_957 = tpu.vector_load %parallel_loop3A_954[%parallel_loop3A_955, %parallel_loop3A_956] {strides = array<i32>} : memref<8x1024xf32, #tpu.memory_space<vmem>>, vector<1x16xf32>,
      %parallel_loop3A_958 = vector.shape_cast %parallel_loop3A_957 : vector<1x16xf32> to vector<16xf32>
      %parallel_loop3A_959 = vector.shape_cast %parallel_loop3A_949 : vector<16xf32> to vector<1x16xf32>
      tpu.vector_store %parallel_loop3A_954[%parallel_loop3A_955, %parallel_loop3A_956], %parallel_loop3A_959 {strides = array<i32>} : memref<8x1024xf32, #tpu.memory_space<vmem>>, vector<1x16xf32>,
      %parallel_loop3A_960 = arith.constant 7 : i32
      %parallel_loop3A_961 = arith.constant 0 : i32
      %parallel_loop3A_962 = arith.constant 0 : i32
      %parallel_loop3A_963 = tpu.memref_slice %arg5[%parallel_loop3A_694, %parallel_loop3A_961, %parallel_loop3A_962] : memref<2x8x1024xf32, #tpu.memory_space<vmem>> -> memref<1x8x1024xf32, #tpu.memory_space<vmem>>
      %parallel_loop3A_964 = tpu.memref_squeeze %parallel_loop3A_963 : memref<1x8x1024xf32, #tpu.memory_space<vmem>> -> memref<8x1024xf32, #tpu.memory_space<vmem>>
      %parallel_loop3A_965 = arith.index_cast %parallel_loop3A_960 : i32 to index
      %parallel_loop3A_966 = arith.index_cast %parallel_loop3A_756 : i32 to index
      %parallel_loop3A_967 = tpu.vector_load %parallel_loop3A_964[%parallel_loop3A_965, %parallel_loop3A_966] {strides = array<i32>} : memref<8x1024xf32, #tpu.memory_space<vmem>>, vector<1x16xf32>,
      %parallel_loop3A_968 = vector.shape_cast %parallel_loop3A_967 : vector<1x16xf32> to vector<16xf32>
      %parallel_loop3A_969 = arith.constant 7 : i32
      %parallel_loop3A_970 = arith.constant 0 : i32
      %parallel_loop3A_971 = arith.constant 0 : i32
      %parallel_loop3A_972 = tpu.memref_slice %arg7[%parallel_loop3A_695, %parallel_loop3A_970, %parallel_loop3A_971] : memref<2x8x1024xf32, #tpu.memory_space<vmem>> -> memref<1x8x1024xf32, #tpu.memory_space<vmem>>
      %parallel_loop3A_973 = tpu.memref_squeeze %parallel_loop3A_972 : memref<1x8x1024xf32, #tpu.memory_space<vmem>> -> memref<8x1024xf32, #tpu.memory_space<vmem>>
      %parallel_loop3A_974 = arith.index_cast %parallel_loop3A_969 : i32 to index
      %parallel_loop3A_975 = arith.index_cast %parallel_loop3A_756 : i32 to index
      %parallel_loop3A_976 = tpu.vector_load %parallel_loop3A_973[%parallel_loop3A_974, %parallel_loop3A_975] {strides = array<i32>} : memref<8x1024xf32, #tpu.memory_space<vmem>>, vector<1x16xf32>,
      %parallel_loop3A_977 = vector.shape_cast %parallel_loop3A_976 : vector<1x16xf32> to vector<16xf32>
      %parallel_loop3A_978 = arith.addf %parallel_loop3A_968, %parallel_loop3A_977 : vector<16xf32>
      %parallel_loop3A_979 = arith.constant 7 : i32
      %parallel_loop3A_980 = arith.constant 0 : i32
      %parallel_loop3A_981 = arith.constant 0 : i32
      %parallel_loop3A_982 = tpu.memref_slice %arg6[%parallel_loop3A_696, %parallel_loop3A_980, %parallel_loop3A_981] : memref<2x8x1024xf32, #tpu.memory_space<vmem>> -> memref<1x8x1024xf32, #tpu.memory_space<vmem>>
      %parallel_loop3A_983 = tpu.memref_squeeze %parallel_loop3A_982 : memref<1x8x1024xf32, #tpu.memory_space<vmem>> -> memref<8x1024xf32, #tpu.memory_space<vmem>>
      %parallel_loop3A_984 = arith.index_cast %parallel_loop3A_979 : i32 to index
      %parallel_loop3A_985 = arith.index_cast %parallel_loop3A_756 : i32 to index
      %parallel_loop3A_986 = tpu.vector_load %parallel_loop3A_983[%parallel_loop3A_984, %parallel_loop3A_985] {strides = array<i32>} : memref<8x1024xf32, #tpu.memory_space<vmem>>, vector<1x16xf32>,
      %parallel_loop3A_987 = vector.shape_cast %parallel_loop3A_986 : vector<1x16xf32> to vector<16xf32>
      %parallel_loop3A_988 = vector.shape_cast %parallel_loop3A_978 : vector<16xf32> to vector<1x16xf32>
      tpu.vector_store %parallel_loop3A_983[%parallel_loop3A_984, %parallel_loop3A_985], %parallel_loop3A_988 {strides = array<i32>} : memref<8x1024xf32, #tpu.memory_space<vmem>>, vector<1x16xf32>,
    } {sc.loop_unroll_factor = 2 : i64, sc.parallel_access}
    %add3A_697 = arith.constant 8 : i32
    %add3A_698 = arith.addi %mul3A_2, %add3A_697 : i32
    %dma_start3A_699 = arith.constant 1 : i32
    %dma_start3A_700 = arith.constant 3 : i32
    %dma_start3A_701 = arith.constant 1 : i32
    %dma_start3A_702 = arith.constant 0 : i32
    %dma_start3A_703 = arith.constant 0 : i32
    %dma_start3A_704 = tpu.memref_slice %arg6[%dma_start3A_699, %dma_start3A_702, %dma_start3A_703] : memref<2x8x1024xf32, #tpu.memory_space<vmem>> -> memref<1x8x1024xf32, #tpu.memory_space<vmem>>
    %dma_start3A_705 = tpu.memref_squeeze %dma_start3A_704 : memref<1x8x1024xf32, #tpu.memory_space<vmem>> -> memref<8x1024xf32, #tpu.memory_space<vmem>>
    %dma_start3A_706 = arith.constant 0 : i32
    %dma_start3A_707 = tpu.memref_slice %arg4[%dma_start3A_700, %add3A_698, %dma_start3A_706] : memref<4x2048x1024xf32, #tpu.memory_space<hbm>> -> memref<1x8x1024xf32, #tpu.memory_space<hbm>>
    %dma_start3A_708 = tpu.memref_squeeze %dma_start3A_707 : memref<1x8x1024xf32, #tpu.memory_space<hbm>> -> memref<8x1024xf32, #tpu.memory_space<hbm>>
    %dma_start3A_709 = tpu.memref_slice %arg9[%dma_start3A_701] : memref<2x!tpu.dma_semaphore, #tpu.memory_space<semaphore_mem>> -> memref<1x!tpu.dma_semaphore, #tpu.memory_space<semaphore_mem>>
    %dma_start3A_710 = tpu.memref_squeeze %dma_start3A_709 : memref<1x!tpu.dma_semaphore, #tpu.memory_space<semaphore_mem>> -> memref<!tpu.dma_semaphore, #tpu.memory_space<semaphore_mem>>
    %dma_start3A_711 = arith.constant 0 : i32
    %dma_start3A_712 = tpu.memref_slice %arg4[%dma_start3A_700, %add3A_698, %dma_start3A_711] : memref<4x2048x1024xf32, #tpu.memory_space<hbm>> -> memref<1x8x1024xf32, #tpu.memory_space<hbm>>
    %dma_start3A_713 = tpu.memref_squeeze %dma_start3A_712 : memref<1x8x1024xf32, #tpu.memory_space<hbm>> -> memref<8x1024xf32, #tpu.memory_space<hbm>>
    %dma_start3A_714 = arith.constant 0 : i32
    %dma_start3A_715 = arith.constant 0 : i32
    %dma_start3A_716 = tpu.memref_slice %arg6[%dma_start3A_699, %dma_start3A_714, %dma_start3A_715] : memref<2x8x1024xf32, #tpu.memory_space<vmem>> -> memref<1x8x1024xf32, #tpu.memory_space<vmem>>
    %dma_start3A_717 = tpu.memref_squeeze %dma_start3A_716 : memref<1x8x1024xf32, #tpu.memory_space<vmem>> -> memref<8x1024xf32, #tpu.memory_space<vmem>>
    tpu.enqueue_dma source(%dma_start3A_717 : memref<8x1024xf32, #tpu.memory_space<vmem>>) target(%dma_start3A_713 : memref<8x1024xf32, #tpu.memory_space<hbm>>) target_semaphore(%dma_start3A_710 : memref<!tpu.dma_semaphore, #tpu.memory_space<semaphore_mem>>)
    %dma_wait3A_718 = arith.constant 0 : i32
    %dma_wait3A_719 = arith.constant 2 : i32
    %dma_wait3A_720 = arith.constant 0 : i32
    %dma_wait3A_721 = arith.constant 0 : i32
    %dma_wait3A_722 = arith.constant 0 : i32
    %dma_wait3A_723 = tpu.memref_slice %arg6[%dma_wait3A_718, %dma_wait3A_721, %dma_wait3A_722] : memref<2x8x1024xf32, #tpu.memory_space<vmem>> -> memref<1x8x1024xf32, #tpu.memory_space<vmem>>
    %dma_wait3A_724 = tpu.memref_squeeze %dma_wait3A_723 : memref<1x8x1024xf32, #tpu.memory_space<vmem>> -> memref<8x1024xf32, #tpu.memory_space<vmem>>
    %dma_wait3A_725 = arith.constant 0 : i32
    %dma_wait3A_726 = tpu.memref_slice %arg4[%dma_wait3A_719, %add3A_633, %dma_wait3A_725] : memref<4x2048x1024xf32, #tpu.memory_space<hbm>> -> memref<1x8x1024xf32, #tpu.memory_space<hbm>>
    %dma_wait3A_727 = tpu.memref_squeeze %dma_wait3A_726 : memref<1x8x1024xf32, #tpu.memory_space<hbm>> -> memref<8x1024xf32, #tpu.memory_space<hbm>>
    %dma_wait3A_728 = tpu.memref_slice %arg9[%dma_wait3A_720] : memref<2x!tpu.dma_semaphore, #tpu.memory_space<semaphore_mem>> -> memref<1x!tpu.dma_semaphore, #tpu.memory_space<semaphore_mem>>
    %dma_wait3A_729 = tpu.memref_squeeze %dma_wait3A_728 : memref<1x!tpu.dma_semaphore, #tpu.memory_space<semaphore_mem>> -> memref<!tpu.dma_semaphore, #tpu.memory_space<semaphore_mem>>
    %dma_wait3A_730 = arith.constant 0 : i32
    %dma_wait3A_731 = tpu.memref_slice %arg4[%dma_wait3A_719, %add3A_633, %dma_wait3A_730] : memref<4x2048x1024xf32, #tpu.memory_space<hbm>> -> memref<1x8x1024xf32, #tpu.memory_space<hbm>>
    %dma_wait3A_732 = tpu.memref_squeeze %dma_wait3A_731 : memref<1x8x1024xf32, #tpu.memory_space<hbm>> -> memref<8x1024xf32, #tpu.memory_space<hbm>>
    %dma_wait3A_733 = arith.constant 0 : i32
    %dma_wait3A_734 = arith.constant 0 : i32
    %dma_wait3A_735 = tpu.memref_slice %arg6[%dma_wait3A_718, %dma_wait3A_733, %dma_wait3A_734] : memref<2x8x1024xf32, #tpu.memory_space<vmem>> -> memref<1x8x1024xf32, #tpu.memory_space<vmem>>
    %dma_wait3A_736 = tpu.memref_squeeze %dma_wait3A_735 : memref<1x8x1024xf32, #tpu.memory_space<vmem>> -> memref<8x1024xf32, #tpu.memory_space<vmem>>
    tpu.wait_dma2 semaphore(%dma_wait3A_729 : memref<!tpu.dma_semaphore, #tpu.memory_space<semaphore_mem>>) src(%dma_wait3A_736 : memref<8x1024xf32, #tpu.memory_space<vmem>>) dst(%dma_wait3A_732 : memref<8x1024xf32, #tpu.memory_space<hbm>>)
    %dma_wait3A_737 = arith.constant 1 : i32
    %dma_wait3A_738 = arith.constant 3 : i32
    %dma_wait3A_739 = arith.constant 1 : i32
    %dma_wait3A_740 = arith.constant 0 : i32
    %dma_wait3A_741 = arith.constant 0 : i32
    %dma_wait3A_742 = tpu.memref_slice %arg6[%dma_wait3A_737, %dma_wait3A_740, %dma_wait3A_741] : memref<2x8x1024xf32, #tpu.memory_space<vmem>> -> memref<1x8x1024xf32, #tpu.memory_space<vmem>>
    %dma_wait3A_743 = tpu.memref_squeeze %dma_wait3A_742 : memref<1x8x1024xf32, #tpu.memory_space<vmem>> -> memref<8x1024xf32, #tpu.memory_space<vmem>>
    %dma_wait3A_744 = arith.constant 0 : i32
    %dma_wait3A_745 = tpu.memref_slice %arg4[%dma_wait3A_738, %add3A_698, %dma_wait3A_744] : memref<4x2048x1024xf32, #tpu.memory_space<hbm>> -> memref<1x8x1024xf32, #tpu.memory_space<hbm>>
    %dma_wait3A_746 = tpu.memref_squeeze %dma_wait3A_745 : memref<1x8x1024xf32, #tpu.memory_space<hbm>> -> memref<8x1024xf32, #tpu.memory_space<hbm>>
    %dma_wait3A_747 = tpu.memref_slice %arg9[%dma_wait3A_739] : memref<2x!tpu.dma_semaphore, #tpu.memory_space<semaphore_mem>> -> memref<1x!tpu.dma_semaphore, #tpu.memory_space<semaphore_mem>>
    %dma_wait3A_748 = tpu.memref_squeeze %dma_wait3A_747 : memref<1x!tpu.dma_semaphore, #tpu.memory_space<semaphore_mem>> -> memref<!tpu.dma_semaphore, #tpu.memory_space<semaphore_mem>>
    %dma_wait3A_749 = arith.constant 0 : i32
    %dma_wait3A_750 = tpu.memref_slice %arg4[%dma_wait3A_738, %add3A_698, %dma_wait3A_749] : memref<4x2048x1024xf32, #tpu.memory_space<hbm>> -> memref<1x8x1024xf32, #tpu.memory_space<hbm>>
    %dma_wait3A_751 = tpu.memref_squeeze %dma_wait3A_750 : memref<1x8x1024xf32, #tpu.memory_space<hbm>> -> memref<8x1024xf32, #tpu.memory_space<hbm>>
    %dma_wait3A_752 = arith.constant 0 : i32
    %dma_wait3A_753 = arith.constant 0 : i32
    %dma_wait3A_754 = tpu.memref_slice %arg6[%dma_wait3A_737, %dma_wait3A_752, %dma_wait3A_753] : memref<2x8x1024xf32, #tpu.memory_space<vmem>> -> memref<1x8x1024xf32, #tpu.memory_space<vmem>>
    %dma_wait3A_755 = tpu.memref_squeeze %dma_wait3A_754 : memref<1x8x1024xf32, #tpu.memory_space<vmem>> -> memref<8x1024xf32, #tpu.memory_space<vmem>>
    tpu.wait_dma2 semaphore(%dma_wait3A_748 : memref<!tpu.dma_semaphore, #tpu.memory_space<semaphore_mem>>) src(%dma_wait3A_755 : memref<8x1024xf32, #tpu.memory_space<vmem>>) dst(%dma_wait3A_751 : memref<8x1024xf32, #tpu.memory_space<hbm>>)
    return
  }
}

module attributes {stable_mosaic.version = 14 : i64} {
  func.func @_tc_add_kernel(%arg0: i32, %arg1: memref<4x256x1024xf32, #tpu.memory_space<vmem>>, %arg2: memref<256x1024xf32, #tpu.memory_space<vmem>>, %arg3: memref<4x2048x1024xf32, #tpu.memory_space<any>>, %arg4: memref<4x256x1024xf32, #tpu.memory_space<vmem>>) attributes {dimension_semantics = [#tpu.dimension_semantics<arbitrary>], iteration_bounds = array<i64: 6>, scalar_prefetch = 0 : i64, scratch_operands = 0 : i64, tpu.core_type = #tpu.core_type<tc>, window_params = [{transform_indices = @transform_0, window_bounds = array<i64: 4, 256, 1024>}, {transform_indices = @transform_1, window_bounds = array<i64: 256, 1024>}, {}, {transform_indices = @transform_3, window_bounds = array<i64: 4, 256, 1024>}]} {
    %get3A = arith.constant 0 : index
    %get3A_0 = arith.constant 0 : index
    %get3A_1 = arith.constant 0 : index
    %get3A_2 = vector.load %arg1[%get3A, %get3A_0, %get3A_1] : memref<4x256x1024xf32, #tpu.memory_space<vmem>>, vector<4x256x1024xf32>
    %get3A_3 = arith.constant 0 : index
    %get3A_4 = arith.constant 0 : index
    %get3A_5 = vector.load %arg2[%get3A_3, %get3A_4] : memref<256x1024xf32, #tpu.memory_space<vmem>>, vector<256x1024xf32>
    %broadcast_in_dim3A = vector.shape_cast %get3A_5 : vector<256x1024xf32> to vector<1x256x1024xf32>
    %add3A = vector.broadcast %broadcast_in_dim3A : vector<1x256x1024xf32> to vector<4x256x1024xf32>
    %add3A_6 = arith.addf %get3A_2, %add3A : vector<4x256x1024xf32>
    %swap3A = arith.constant 0 : index
    %swap3A_7 = arith.constant 0 : index
    %swap3A_8 = arith.constant 0 : index
    %swap3A_9 = vector.load %arg4[%swap3A, %swap3A_7, %swap3A_8] : memref<4x256x1024xf32, #tpu.memory_space<vmem>>, vector<4x256x1024xf32>
    tpu.vector_store %arg4[%swap3A, %swap3A_7, %swap3A_8], %add3A_6 {strides = array<i32>} : memref<4x256x1024xf32, #tpu.memory_space<vmem>>, vector<4x256x1024xf32>,
    return
  }
  func.func @transform_0(%arg0: i32) -> (i32, i32, i32) {
    %add3A = arith.constant 2 : i32
    %add3A_0 = arith.addi %arg0, %add3A : i32
    %c0_i32 = arith.constant 0 : i32
    %c0_i32_1 = arith.constant 0 : i32
    %c0_i32_2 = arith.constant 0 : i32
    return %c0_i32, %add3A_0, %c0_i32_1 : i32, i32, i32
  }
  func.func @transform_1(%arg0: i32) -> (i32, i32) {
    %add3A = arith.constant 2 : i32
    %add3A_0 = arith.addi %arg0, %add3A : i32
    %c0_i32 = arith.constant 0 : i32
    %c0_i32_1 = arith.constant 0 : i32
    return %add3A_0, %c0_i32 : i32, i32
  }
  func.func @transform_3(%arg0: i32) -> (i32, i32, i32) {
    %add3A = arith.constant 2 : i32
    %add3A_0 = arith.addi %arg0, %add3A : i32
    %c0_i32 = arith.constant 0 : i32
    %c0_i32_1 = arith.constant 0 : i32
    %c0_i32_2 = arith.constant 0 : i32
    return %c0_i32, %add3A_0, %c0_i32_1 : i32, i32, i32
  }
}

</mosaic_0001>

<sc_bundles>
// kernel: kernel.4.cloned.1.call-start
scs
__scs_entry_jumppad:
0x0: {  	(pc) =	sbr.rel $0x88, $3  }
0x1: {  	(tag) =	ssettag $0x0;
	lr =	simm.s32 $0x1  }
0x2: {  	[smem:$0x3F9F] =	sst lr;
	_ =	strace $0xD0000000  }
0x3: {  	_ = 	snop  }
0x4: {  	_ = 	snop  }
0x5: {  	_ = 	snop  }
0x6: {  	_ = 	snop  }
0x7: {  	_ = 	snop  }
__scs_overlays_trampoline_lowered:
0x8: {  	[smem:$0x3FAE] =	sst s0  }
0x9: {  	[smem:$0x3FAF] =	sst s1  }
0xa: {  	[smem:$0x3FB0] =	sst s2  }
0xb: {  	[smem:$0x3FB1] =	sst s3  }
0xc: {  	[smem:$0x3FB2] =	sst s4  }
0xd: {  	[smem:$0x3FB3] =	sst s5  }
0xe: {  	[smem:$0x3FB4] =	sst s6  }
0xf: {  	[smem:$0x3FB5] =	sst s7  }
0x10: {  	[smem:$0x3FB6] =	sst s8  }
0x11: {  	[smem:$0x3FB7] =	sst s9;
	s0 =	simm.s32 @!p0 $0x0  }
0x12: {  	s1 =	sld [smem:$0x3F9D];
	s0 =	simm.s32 @p0 $0x1  }
0x13: {  	[smem:$0x3FB8] =	sst s0;
	s0 =	simm.s32 @!p1 $0x0  }
0x14: {  	s2 =	sld [smem:$0x3F9C];
	s0 =	simm.s32 @p1 $0x1  }
0x15: {  	[smem:$0x3FB9] =	sst s0;
	s0 =	simm.s32 @!p2 $0x0  }
0x16: {  	s3 =	sld [smem:$0x3FDB];
	s0 =	simm.s32 @p2 $0x1  }
0x17: {  	s4 =	simm.s32 $0x1BF5;
	[smem:$0x3FBB] =	sst s0  }
0x18: {  	s0 =	sld [smem:$0x3F9E];
	_ =	swait.ge [sflag:s4], $0x0  }
0x19: {  	s7 =	sld [smem:$0x3F9F]  }
0x1a: {  	s8 =	sadd.s32 $0xFFFFE003, lr  }
0x1b: {  	s9 =	sadd.s32 $0xFFFFFEF7, lr;
	s5 =	simm.s32 $0xFFFFFFFF;
	p2 =	slt.u32 s8, $0xFFFFF086  }
0x1c: {  	p1 =	slt.u32 s9, $0xF7A;
	s5 =	simm.s32 @!p2 $0x0  }
0x1d: {  	s5 =	simm.s32 @p1 $0x1;
	p0 =	seq.s32 s7, s2  }
0x1e: {  	s7 =	smul.u32 @!p0 $0xF7A, s2;
	p2 =	seq.s32 @!p0 s5, $0x0  }
0x1f: {  	s9 =	smul.u32 $0xF7A, s1;
	s8 =	simm.s32 @!p0 $0x1BF5;
	p2 =	por !p2, p0  }
0x20: {  	[sflag:s8] =	ssyncset.s32 @!p0 $0xFFFFF086;
	s6 =	sadd.s32 @!p0 s3, s7;
	s7 =	simm.s32 @!p0 $0x108  }
0x21: {  	s3 =	sadd.s32 s3, s9;
	s6 =	sadd.s32 @!p0 $0x88, s6;
	s7 =	simm.s32 @p2 $0x1082  }
0x22: {  	[simem:s7], [sflag:s8] =	dma.local @!p0 [hbm:s6], $0xF7A  }
0x23: {  	s9 =	sor.u32 $0xD0000000, s2;
	s6 =	simm.s32 $0x108;
	_ =	swait.ge @!p0 [sflag:s8], $0x0  }
0x24: {  	s3 =	sadd.s32 $0x88, s3;
	s6 =	simm.s32 @!p1 $0x1082;
	[sflag:s4] =	ssyncset.s32 $0xFFFFF086  }
0x25: {  	[simem:s6], [sflag:s4] =	dma.local [hbm:s3], $0xF7A  }
0x26: {  	[smem:$0x3F9F] =	sst s1;
	(tag) =	ssettag s2;
	_ =	strace s9  }
0x27: {  	s1 =	sld [smem:$0x3FAF]  }
0x28: {  	s2 =	sld [smem:$0x3FB0]  }
0x29: {  	s4 =	sld [smem:$0x3FB2]  }
0x2a: {  	p0 =	seq.s32 s5, $0x0;
	s5 =	sld [smem:$0x3FB3]  }
0x2b: {  	s6 =	sld [smem:$0x3FB4]  }
0x2c: {  	s7 =	sld [smem:$0x3FB5]  }
0x2d: {  	s3 =	simm.s32 $0x108;
	s8 =	sld [smem:$0x3FB6]  }
0x2e: {  	s3 =	simm.s32 @!p0 $0x1082;
	s9 =	sld [smem:$0x3FB7]  }
0x2f: {  	lr =	sadd.s32 s0, s3;
	s0 =	sld [smem:$0x3FAE]  }
0x30: {  	s3 =	sld [smem:$0x3FB1]  }
0x31: {  	[smem:$0x3FBA] =	sst s10  }
0x32: {  	s10 =	sld [smem:$0x3FB8];
	_ =	sdelay $0x3  }
0x33: {  	p0 =	seq.s32 s10, $0x1;
	s10 =	sld [smem:$0x3FBA];
	_ =	sdelay $0x3  }
0x34: {  	[smem:$0x3FBA] =	sst s10  }
0x35: {  	s10 =	sld [smem:$0x3FB9];
	_ =	sdelay $0x3  }
0x36: {  	p1 =	seq.s32 s10, $0x1;
	s10 =	sld [smem:$0x3FBA];
	_ =	sdelay $0x3  }
0x37: {  	[smem:$0x3FBA] =	sst s10  }
0x38: {  	s10 =	sld [smem:$0x3FBB]  }
0x39: {  	_ = 	snop;
	(pc) =	sbr.ind lr, $3  }
0x3a: {  	_ = 	snop  }
0x3b: {  	_ = 	snop  }
0x3c: {  	p2 =	seq.s32 s10, $0x1;
	s10 =	sld [smem:$0x3FBA]  }
0x3d: {  	_ =	shalt  }
0x3e: {  	_ =	shalt  }
0x3f: {  	_ =	shalt  }
0x40: {  	_ =	shalt  }
0x41: {  	_ =	shalt  }
0x42: {  	_ =	shalt  }
0x43: {  	_ =	shalt  }
0x44: {  	_ =	shalt  }
0x45: {  	_ =	shalt  }
0x46: {  	_ =	shalt  }
0x47: {  	_ =	shalt  }
0x48: {  	_ =	shalt  }
0x49: {  	_ =	shalt  }
0x4a: {  	_ =	shalt  }
0x4b: {  	_ =	shalt  }
0x4c: {  	_ =	shalt  }
0x4d: {  	_ =	shalt  }
0x4e: {  	_ =	shalt  }
0x4f: {  	_ =	shalt  }
0x50: {  	_ =	shalt  }
0x51: {  	_ =	shalt  }
0x52: {  	_ =	shalt  }
0x53: {  	_ =	shalt  }
0x54: {  	_ =	shalt  }
0x55: {  	_ =	shalt  }
0x56: {  	_ =	shalt  }
0x57: {  	_ =	shalt  }
0x58: {  	_ =	shalt  }
0x59: {  	_ =	shalt  }
0x5a: {  	_ =	shalt  }
0x5b: {  	_ =	shalt  }
0x5c: {  	_ =	shalt  }
0x5d: {  	_ =	shalt  }
0x5e: {  	_ =	shalt  }
0x5f: {  	_ =	shalt  }
0x60: {  	_ =	shalt  }
0x61: {  	_ =	shalt  }
0x62: {  	_ =	shalt  }
0x63: {  	_ =	shalt  }
0x64: {  	_ =	shalt  }
0x65: {  	_ =	shalt  }
0x66: {  	_ =	shalt  }
0x67: {  	_ =	shalt  }
0x68: {  	_ =	shalt  }
0x69: {  	_ =	shalt  }
0x6a: {  	_ =	shalt  }
0x6b: {  	_ =	shalt  }
0x6c: {  	_ =	shalt  }
0x6d: {  	_ =	shalt  }
0x6e: {  	_ =	shalt  }
0x6f: {  	_ =	shalt  }
0x70: {  	_ =	shalt  }
0x71: {  	_ =	shalt  }
0x72: {  	_ =	shalt  }
0x73: {  	_ =	shalt  }
0x74: {  	_ =	shalt  }
0x75: {  	_ =	shalt  }
0x76: {  	_ =	shalt  }
0x77: {  	_ =	shalt  }
0x78: {  	_ =	shalt  }
0x79: {  	_ =	shalt  }
0x7a: {  	_ =	shalt  }
0x7b: {  	_ =	shalt  }
0x7c: {  	_ =	shalt  }
0x7d: {  	_ =	shalt  }
0x7e: {  	_ =	shalt  }
0x7f: {  	_ =	shalt  }
0x80: {  	_ =	shalt  }
0x81: {  	_ =	shalt  }
0x82: {  	_ =	shalt  }
0x83: {  	_ =	shalt  }
0x84: {  	_ =	shalt  }
0x85: {  	_ =	shalt  }
0x86: {  	_ =	shalt  }
0x87: {  	_ =	shalt  }
.Lfunc_end0:
.L_simem_size_0:
called_computation_lowered:
.L_overlay_start_0:
0x88: {  	s2 =	sld [smem:$0x3FD9]  }
0x89: {  	s3 =	sld [smem:$0x3FFE];
	_ =	sdelay $0x1  }
0x8a: {  	s1 =	srdreg.scid  }
0x8b: {  	s0 =	sand.u32 $0x1, s1  }
0x8c: {  	s18 =	sshll.u32 s0, $0xA;
	s2 =	sadd.s32 s3, s2  }
0x8d: {  	s2 =	sadd.s32 s2, s18  }
0x8e: {  	[smem:$0x3FC6] =	sst s2  }
0x8f: {  	_ = 	snop  }
0x90: {  	s2 =	sld [smem:$0x3FC9]  }
0x91: {  	s19 =	sld [smem:$0x3FC8]  }
0x92: {  	s4 =	sld [smem:$0x3FD0];
	(tm) =	ssettm $0x1  }
0x93: {  	s5 =	sld [smem:$0x3FFB];
	_ =	sdelay $0x3  }
0x94: {  	_ =	strace s5  }
0x95: {  	s5 =	sld [smem:$0x3FFC];
	_ =	sdelay $0x3  }
0x96: {  	_ =	strace s5  }
0x97: {  	s5 =	sld [smem:$0x3FFD];
	_ =	sdelay $0x3  }
0x98: {  	_ =	strace s5  }
0x99: {  	_ =	strace $0x8FFFFFFF  }
0x9a: {  	s20 =	sld [smem:$0x3FDB];
	_ =	sdelay $0x1  }
0x9b: {  	s6 =	simm.s32 $_scs_section_size  }
0x9c: {  	s7 =	simm.s32 $_size__tile_overlayer_lowered;
	s8 =	simm.s32 $_tile_overlayer_lowered  }
0x9d: {  	s23 =	simm.s32 $0x1BFF;
	s22 =	sshll.u32 s8, $0x1;
	s5 =	sadd.s32 s6, s20  }
0x9e: {  	s9 =	simm.s32 $0x0;
	s21 =	sshll.u32 s7, $0x1;
	s7 =	sadd.s32 s22, s5  }
0x9f: {  	[timem:s9], [sflag:s23] =	dma.local [hbm:s7], s21  }
0xa0: {  	_ =	swait.ge [sflag:s23], s21  }
0xa1: {  	s6 =	ssub.s32 $0x0, s21;
	[sflag:s23] =	ssyncset.done $0x0  }
0xa2: {  	[sflag:s23] =	ssyncadd.s32 s6;
	_ =	sdelay $0x1  }
0xa3: {  	s24 =	simm.s32 $0x1B8B  }
0xa4: {  	_ =	swait.ge [sflag:s24], $0x1  }
0xa5: {  	[sflag:s24] =	ssyncset.done $0x0  }
0xa6: {  	s25 =	simm.s32 $0x1B8E;
	[sflag:s24] =	ssyncadd.s32 $0xFFFFFFFF  }
0xa7: {  	s26 =	simm.s32 $execute0_lowered;
	[smem:$0x3FD2] =	sst s25  }
0xa8: {  	s6 =	sshll.u32 s26, $0x1;
	_ =	strace $0x80000046;
	[dreg:$0x1] =	wrdreg $0xFFFFFFFF  }
0xa9: {  	s28 =	simm.s32 $_size_execute0_lowered;
	s5 =	sadd.s32 s5, s6;
	[dreg:$0x0] =	wrdreg $0x0  }
0xaa: {  	s6 =	sshll.u32 s28, $0x1;
	[dreg:$0x2] =	wrdreg s5  }
0xab: {  	[dreg:$0x3] =	wrdreg s6  }
0xac: {  	[dreg:$0x4] =	wrdreg $0xC0  }
0xad: {  	_ =	task [dreg:s9], $0x5FFFF  }
0xae: {  	[dreg:$0x1] =	wrdreg $0xFFFFFFFF  }
0xaf: {  	[dreg:$0x0] =	wrdreg $0x60  }
0xb0: {  	[dreg:$0x2] =	wrdreg s2  }
0xb1: {  	[dreg:$0x3] =	wrdreg s19  }
0xb2: {  	[dreg:$0x4] =	wrdreg s4  }
0xb3: {  	[dreg:$0x5] =	wrdreg $0x9  }
0xb4: {  	_ =	task.clear_ibuf [dreg:s9], $0x6FFFF;
	_ =	strace $0x90000046  }
0xb5: {  	s29 =	simm.s32 $0x9;
	_ =	strace $0x80000048  }
0xb6: {  	_ =	swait.ge [sflag:s29], $0x1  }
0xb7: {  	[sflag:s29] =	ssyncadd.s32 $0xFFFFFFFF  }
0xb8: {  	_ =	strace $0x90000048  }
0xb9: {  	_ =	sfence  }
0xba: {  	s30 =	sld [smem:$0x0];
	_ =	sdelay $0x2  }
0xbb: {  	s31 =	sshll.u32 s1, $0xD;
	s1 =	sshrl.u32 s1, $0x2  }
0xbc: {  	s3 =	sand.u32 $0x4000, s31;
	s1 =	sadd.s32 s1, s30  }
0xbd: {  	s0 =	sor.u32 s3, s0;
	s1 =	sshll.u32 s1, $0x11  }
0xbe: {  	s0 =	sor.u32 s1, s0  }
0xbf: {  	s0 =	sadd.s32 $0x8F2B, s0  }
0xc0: {  	[sflag:s0] =	ssyncadd.remote.s32 $0x1  }
0xc1: {  	_ =	sfence.sel $0xFFFF  }
0xc2: {  	[dreg:$0x0] =	wrdreg $0xFFFFFFFF;
	(pc) =	sbr.abs _section_cstart, $3  }
0xc3: {  	[dreg:$0x1] =	wrdreg $0xFFFFFFFF  }
0xc4: {  	_ =	task.clear_ibuf [dreg:s9], $0x2FFFF;
	_ =	strace $0x9FFFFFFF  }
0xc5: {  	(tm) =	ssettm $0x7FFFFFFF  }
tec
execute0_lowered:
.L_overlay_start_1:
0x0: {  	(tag) =	ssettag $0x1  }
0x1: {  	s0 =	rddreg [dreg:$0x0]  }
0x2: {  	s1 =	rddreg [dreg:$0x1]  }
0x3: {  	s3 =	rddreg [dreg:$0x2];
	s2 =	simm.s32 $0x0;
	s4 =	srdreg.scid  }
0x4: {  	s6 =	stileid.u32;
	s28 =	simm.s32 $0x4000;
	s29 =	simm.s32 $0x2  }
0x5: {  	s30 =	simm.s32 $0x6000;
	s31 =	simm.s32 $0x3;
	s4 =	sand.u32 $0x1, s4  }
0x6: {  	s6 =	sshll.u32 s6, $0xC;
	s5 =	ssub.s32 $0x2, s4;
	s4 =	sshll.u32 s4, $0xB  }
0x7: {  	[smem:$0x7FF] =	sst s2;
	s7 =	sshrl.u32 s5, $0x1;
	s4 =	sor.u32 s4, s6  }
0x8: {  	_ =	strace $0x80000047;
	s5 =	ssub.s32 s5, s7;
	s6 =	sadd.s32 s1, s4  }
0x9: {  	s13 =	sor.u32 $0x40000, s4;
	s14 =	sadd.s32 s0, s4;
	[dreg:$0x4] =	wrdreg s6  }
0xa: {  	s16 =	sor.u32 $0x400, s4;
	s17 =	sadd.s32 s3, s4;
	[dreg:$0x5] =	wrdreg s14  }
0xb: {  	s18 =	sor.u32 $0x80000, s4;
	s15 =	sadd.s32 s0, s13;
	[dreg:$0x8] =	wrdreg s17  }
0xc: {  	s19 =	sor.u32 $0xC0000, s4;
	s1 =	sadd.s32 s1, s16;
	[dreg:$0x6] =	wrdreg s15  }
0xd: {  	s21 =	sor.u32 $0x40400, s4;
	s8 =	sadd.s32 s0, s18;
	[dreg:$0x7] =	wrdreg s1  }
0xe: {  	s25 =	sor.u32 $0x80400, s4;
	s6 =	sadd.s32 s3, s13;
	[dreg:$0x9] =	wrdreg s8  }
0xf: {  	s4 =	sor.u32 $0xC0400, s4;
	s20 =	sadd.s32 s0, s19;
	[dreg:$0xa] =	wrdreg s6  }
0x10: {  	s22 =	sadd.s32 s0, s16;
	s23 =	sadd.s32 s0, s21;
	[dreg:$0xb] =	wrdreg s20  }
0x11: {  	s24 =	sadd.s32 s3, s16;
	s26 =	sadd.s32 s0, s25;
	[dreg:$0xd] =	wrdreg s22  }
0x12: {  	s17 =	sadd.s32 s3, s21;
	s21 =	smax.u32 s5, $0x1;
	[dreg:$0xf] =	wrdreg s23  }
0x13: {  	s1 =	sadd.s32 s3, s18;
	s6 =	sadd.s32 s3, s19;
	[dreg:$0x10] =	wrdreg s24  }
0x14: {  	[dreg:$0x11] =	wrdreg s26;
	s18 =	sadd.s32 s0, s4;
	s19 =	sadd.s32 s3, s25  }
0x15: {  	s20 =	sadd.s32 s3, s4;
	s23 =	simm.s32 $0x2000;
	s25 =	simm.s32 $0x1  }
0x16: {  	s26 =	simm.s32 $0x5;
	s0 =	simm.s32 $0x4;
	[dreg:$0xc] =	wrdreg s1  }
0x17: {  	s22 =	simm.s32 $0x0;
	[dreg:$0xe] =	wrdreg s6;
	s1 =	simm.s32 $0x6  }
.LBB2_1:
0x18: {  	s3 =	rddreg [dreg:$0x4];
	s4 =	simm.s32 $0x8000  }
0x19: {  	[tilespmem:s4], [sflag:$0x5] =	stream.linear.gather [hbm4b:s3+s2], $0x2000, $0x38;
	[tilespmem:$0xC000] =	vst v63  }
0x1a: {  	s9 =	rddreg [dreg:$0x5]  }
0x1b: {  	[tilespmem:s2], [sflag:$0x1] =	stream.linear.gather [hbm4b:s9+s2], $0x2000, $0x38;
	[tilespmem:$0xC000] =	vst v63  }
0x1c: {  	s10 =	rddreg [dreg:$0x6]  }
0x1d: {  	[tilespmem:s23], [sflag:$0x2] =	stream.linear.gather [hbm4b:s10+s2], $0x2000, $0x38;
	[tilespmem:$0xC000] =	vst v63  }
0x1e: {  	s11 =	rddreg [dreg:$0x7];
	s12 =	simm.s32 $0xA000  }
0x1f: {  	[tilespmem:s12], [sflag:$0x6] =	stream.linear.gather [hbm4b:s11+s2], $0x2000, $0x38;
	[tilespmem:$0xC000] =	vst v63  }
0x20: {  	_ =	swait.ge [sflag:s25], $0x2000  }
0x21: {  	[sflag:s25] =	ssyncset.done $0x0  }
0x22: {  	[sflag:s25] =	ssyncadd.s32 $0xFFFFE000  }
0x23: {  	s5 =	simm.s32 $0x0;
	_ =	swait.ge [sflag:s26], $0x2000  }
0x24: {  	s14 =	sand.u32 $0x1C00, s2;
	s13 =	sand.u32 $0x60, s5;
	[sflag:s26] =	ssyncset.done $0x0  }
0x25: {  	s3 =	sor.u32 s13, s14;
	[sflag:s26] =	ssyncadd.s32 $0xFFFFE000  }
0x26: {  	v0 =	vld [tilespmem:s3+$0x10]  }
0x27: {  	v1 =	vld [tilespmem:s3+$0x8010]  }
0x28: {  	v2 =	vld [tilespmem:s3+$0x90]  }
0x29: {  	v3 =	vld [tilespmem:s3+$0x8090]  }
0x2a: {  	v4 =	vld [tilespmem:s3+$0x110]  }
0x2b: {  	v5 =	vld [tilespmem:s3+$0x8110]  }
0x2c: {  	v6 =	vld [tilespmem:s3+$0x190]  }
0x2d: {  	v7 =	vld [tilespmem:s3+$0x8190]  }
0x2e: {  	v8 =	vld [tilespmem:s3+$0x210]  }
0x2f: {  	v9 =	vld [tilespmem:s3+$0x8210]  }
0x30: {  	v10 =	vld [tilespmem:s3+$0x290]  }
0x31: {  	v59 =	vld [tilespmem:s3+$0x180]  }
0x32: {  	v60 =	vld [tilespmem:s3+$0x8180]  }
0x33: {  	s16 =	simm.s32 $0x20;
	s8 =	simm.s32 $0x100;
	v61 =	vld [tilespmem:s3+$0x200]  }
0x34: {  	s9 =	sand.u32 $0x60, s16;
	s10 =	sand.u32 $0x1C00, s8;
	v11 =	vld [tilespmem:s3+$0x8200]  }
0x35: {  	s9 =	sor.u32 s9, s10;
	v12 =	vld [tilespmem:s3+$0x8280]  }
0x36: {  	v14 =	vld [tilespmem:s9+$0x10]  }
0x37: {  	v15 =	vld [tilespmem:s9+$0x8010]  }
0x38: {  	v16 =	vld [tilespmem:s9+$0x90]  }
0x39: {  	v17 =	vld [tilespmem:s9+$0x8090]  }
0x3a: {  	v18 =	vld [tilespmem:s9+$0x110]  }
0x3b: {  	v19 =	vld [tilespmem:s9+$0x8110]  }
0x3c: {  	v20 =	vld [tilespmem:s9+$0x190]  }
0x3d: {  	v21 =	vld [tilespmem:s9+$0x8190]  }
0x3e: {  	v22 =	vld [tilespmem:s9+$0x210]  }
0x3f: {  	v23 =	vld [tilespmem:s9+$0x8210]  }
0x40: {  	v24 =	vld [tilespmem:s9+$0x290]  }
0x41: {  	v62 =	vld [tilespmem:s9+$0x8290]  }
0x42: {  	v25 =	vld [tilespmem:s9+$0x0]  }
0x43: {  	v63 =	vld [tilespmem:s9+$0x8000];
	v0 =	vadd.f32 v1, v0  }
0x44: {  	v29 =	vld [tilespmem:s9+$0x80];
	v2 =	vadd.f32 v3, v2  }
0x45: {  	v31 =	vld [tilespmem:s9+$0x8080];
	v14 =	vadd.f32 v15, v14;
	[tilespmem:s3+$0x4010] =	vst v0  }
0x46: {  	v1 =	vld [tilespmem:s3+$0x8290];
	v16 =	vadd.f32 v17, v16;
	[tilespmem:s3+$0x4090] =	vst v2  }
0x47: {  	v33 =	vld [tilespmem:s9+$0x100];
	v28 =	vadd.f32 v19, v18;
	[tilespmem:s9+$0x4010] =	vst v14  }
0x48: {  	v3 =	vld [tilespmem:s3+$0x0];
	v0 =	vadd.f32 v5, v4;
	[tilespmem:s9+$0x4090] =	vst v16  }
0x49: {  	s15 =	sand.u32 $0x3, s2;
	v2 =	vadd.f32 v7, v6;
	v4 =	vld [tilespmem:s3+$0x8000];
	[tilespmem:s9+$0x4110] =	vst v28  }
0x4a: {  	s4 =	sshll.u32 s15, $0x5;
	v5 =	vld [tilespmem:s3+$0x80];
	[tilespmem:s3+$0x4110] =	vst v0;
	v0 =	vadd.f32 v9, v8  }
0x4b: {  	s4 =	sadd.s32 $0x0, s4;
	s12 =	simm.s32 $0x1;
	v7 =	vld [tilespmem:s3+$0x8100];
	[tilespmem:s3+$0x4190] =	vst v2;
	v1 =	vadd.f32 v1, v10  }
0x4c: {  	s6 =	sadd.s32 $0x10, s4;
	s10 =	sand.u32 $0x3, s12;
	v30 =	vadd.f32 v21, v20;
	v2 =	vld [tilespmem:s3+$0x8080];
	[tilespmem:s3+$0x4210] =	vst v0  }
0x4d: {  	s7 =	sor.u32 $0x300, s6;
	s10 =	sshll.u32 s10, $0x5;
	v32 =	vadd.f32 v23, v22;
	v0 =	vld [tilespmem:s3+$0x100];
	[tilespmem:s3+$0x4290] =	vst v1  }
0x4e: {  	s10 =	sadd.s32 $0x100, s10;
	v15 =	vadd.f32 v62, v24;
	[tilespmem:s9+$0x4190] =	vst v30;
	v1 =	vld [tilespmem:s7+$0x0]  }
0x4f: {  	s12 =	sadd.s32 $0x10, s10;
	[tilespmem:s9+$0x4210] =	vst v32;
	v6 =	vld [tilespmem:s7+$0x8000]  }
0x50: {  	s13 =	sor.u32 $0x300, s12;
	v34 =	vld [tilespmem:s9+$0x8100];
	[tilespmem:s9+$0x4290] =	vst v15;
	v3 =	vadd.f32 v4, v3  }
0x51: {  	v2 =	vadd.f32 v2, v5;
	v5 =	vld [tilespmem:s13+$0x0]  }
0x52: {  	[tilespmem:s3+$0x4000] =	vst v3;
	v3 =	vld [tilespmem:s13+$0x8000]  }
0x53: {  	v35 =	vld [tilespmem:s9+$0x200];
	v0 =	vadd.f32 v7, v0  }
0x54: {  	v4 =	vld [tilespmem:s9+$0x180];
	v1 =	vadd.f32 v6, v1  }
0x55: {  	v7 =	vld [tilespmem:s9+$0x8180];
	[tilespmem:s3+$0x4100] =	vst v0;
	v0 =	vadd.f32 v11, v61  }
0x56: {  	v6 =	vld [tilespmem:s3+$0x280];
	[tilespmem:s7+$0x4000] =	vst v1  }
0x57: {  	s6 =	sor.u32 $0x380, s6;
	v3 =	vadd.f32 v3, v5;
	[tilespmem:s3+$0x4200] =	vst v0;
	v0 =	vld [tilespmem:s9+$0x280]  }
0x58: {  	[tilespmem:s3+$0x4080] =	vst v2;
	v1 =	vld [tilespmem:s6+$0x0]  }
0x59: {  	s12 =	sor.u32 $0x380, s12;
	v2 =	vadd.f32 v60, v59;
	v13 =	vld [tilespmem:s6+$0x8000];
	[tilespmem:s13+$0x4000] =	vst v3  }
0x5a: {  	v36 =	vld [tilespmem:s12+$0x0]  }
0x5b: {  	[tilespmem:s3+$0x4180] =	vst v2;
	v55 =	vld [tilespmem:s12+$0x8000];
	v2 =	vadd.f32 v12, v6  }
0x5c: {  	v6 =	vld [tilespmem:s9+$0x8200]  }
0x5d: {  	s24 =	simm.s32 $0x40;
	s11 =	sor.u32 $0x300, s4;
	[tilespmem:s3+$0x4280] =	vst v2;
	v2 =	vld [tilespmem:s9+$0x8280];
	s3 =	simm.s32 $0x200  }
0x5e: {  	s13 =	sand.u32 $0x60, s24;
	v5 =	vld [tilespmem:s11+$0x0];
	s14 =	sand.u32 $0x1C00, s3  }
0x5f: {  	v3 =	vld [tilespmem:s11+$0x8000];
	s4 =	sor.u32 s13, s14  }
0x60: {  	v37 =	vld [tilespmem:s4+$0x10]  }
0x61: {  	v38 =	vld [tilespmem:s4+$0x8010]  }
0x62: {  	v39 =	vld [tilespmem:s4+$0x90]  }
0x63: {  	v40 =	vld [tilespmem:s4+$0x8090]  }
0x64: {  	v41 =	vld [tilespmem:s4+$0x110]  }
0x65: {  	v42 =	vld [tilespmem:s4+$0x8110]  }
0x66: {  	v43 =	vld [tilespmem:s4+$0x190]  }
0x67: {  	v17 =	vadd.f32 v63, v25;
	v44 =	vld [tilespmem:s4+$0x8190]  }
0x68: {  	v1 =	vadd.f32 v13, v1;
	v45 =	vld [tilespmem:s4+$0x210]  }
0x69: {  	[tilespmem:s9+$0x4000] =	vst v17;
	v59 =	vadd.f32 v34, v33;
	v46 =	vld [tilespmem:s4+$0x8210]  }
0x6a: {  	v47 =	vld [tilespmem:s4+$0x290];
	[tilespmem:s6+$0x4000] =	vst v1;
	v1 =	vadd.f32 v31, v29  }
0x6b: {  	[tilespmem:s9+$0x4100] =	vst v59;
	v48 =	vld [tilespmem:s4+$0x8290];
	v10 =	vadd.f32 v38, v37  }
0x6c: {  	v49 =	vld [tilespmem:s4+$0x0];
	[tilespmem:s9+$0x4080] =	vst v1;
	v1 =	vadd.f32 v40, v39  }
0x6d: {  	v50 =	vld [tilespmem:s4+$0x8000];
	s6 =	simm.s32 $0x2;
	v51 =	vadd.f32 v42, v41;
	[tilespmem:s4+$0x4010] =	vst v10  }
0x6e: {  	v52 =	vld [tilespmem:s4+$0x80];
	s15 =	sand.u32 $0x3, s6;
	[tilespmem:s4+$0x4090] =	vst v1;
	v1 =	vadd.f32 v44, v43  }
0x6f: {  	v53 =	vld [tilespmem:s4+$0x8080];
	s13 =	sshll.u32 s15, $0x5;
	v54 =	vadd.f32 v46, v45;
	[tilespmem:s4+$0x4110] =	vst v51  }
0x70: {  	v56 =	vld [tilespmem:s4+$0x100];
	s13 =	sadd.s32 $0x200, s13;
	[tilespmem:s4+$0x4190] =	vst v1;
	v1 =	vadd.f32 v48, v47  }
0x71: {  	v4 =	vadd.f32 v7, v4;
	v58 =	vld [tilespmem:s4+$0x8100];
	s14 =	sadd.s32 $0x10, s13;
	[tilespmem:s4+$0x4210] =	vst v54  }
0x72: {  	v60 =	vld [tilespmem:s4+$0x180];
	v6 =	vadd.f32 v6, v35;
	s15 =	sor.u32 $0x300, s14;
	[tilespmem:s4+$0x4290] =	vst v1  }
0x73: {  	[tilespmem:s9+$0x4180] =	vst v4;
	v0 =	vadd.f32 v2, v0;
	v61 =	vld [tilespmem:s15+$0x0]  }
0x74: {  	[tilespmem:s9+$0x4200] =	vst v6;
	v3 =	vadd.f32 v3, v5;
	v62 =	vld [tilespmem:s15+$0x8000]  }
0x75: {  	v7 =	vld [tilespmem:s4+$0x8180];
	[tilespmem:s9+$0x4280] =	vst v0;
	v1 =	vadd.f32 v53, v52  }
0x76: {  	v63 =	vld [tilespmem:s4+$0x200];
	v0 =	vadd.f32 v55, v36;
	[tilespmem:s11+$0x4000] =	vst v3  }
0x77: {  	v2 =	vld [tilespmem:s4+$0x8200];
	[tilespmem:s4+$0x4080] =	vst v1;
	v1 =	vadd.f32 v58, v56  }
0x78: {  	v57 =	vadd.f32 v50, v49;
	v3 =	vld [tilespmem:s4+$0x8280];
	[tilespmem:s12+$0x4000] =	vst v0  }
0x79: {  	s5 =	sor.u32 s2, s5;
	s9 =	sor.u32 $0x300, s10;
	[tilespmem:s4+$0x4100] =	vst v1;
	v1 =	vld [tilespmem:s4+$0x280];
	v4 =	vadd.f32 v62, v61  }
0x7a: {  	s5 =	sor.u32 $0x380, s5;
	v5 =	vadd.f32 v7, v60;
	v0 =	vld [tilespmem:s9+$0x0];
	[tilespmem:s4+$0x4000] =	vst v57  }
0x7b: {  	s7 =	sor.u32 s8, s16;
	s16 =	sor.u32 s3, s24;
	s11 =	sor.u32 $0x380, s14;
	[tilespmem:s15+$0x4000] =	vst v4;
	v4 =	vld [tilespmem:s9+$0x8000]  }
0x7c: {  	s7 =	sor.u32 $0x380, s7;
	s8 =	sor.u32 $0x380, s16;
	s10 =	sor.u32 $0x300, s13;
	[tilespmem:s4+$0x4180] =	vst v5;
	v5 =	vadd.f32 v2, v63;
	v2 =	vld [tilespmem:s11+$0x0]  }
.LBB2_2:
0x7d: {  	s24 =	sadd.s32 $0x20, s24;
	v6 =	vld [tilespmem:s11+$0x8000];
	s3 =	sadd.s32 $0x100, s3  }
0x7e: {  	s12 =	sand.u32 $0x60, s24;
	s13 =	sand.u32 $0x1C00, s3;
	s14 =	sor.u32 s3, s24;
	[tilespmem:s4+$0x4200] =	vst v5;
	v1 =	vadd.f32 v3, v1;
	v3 =	vld [tilespmem:s5+$0x0]  }
0x7f: {  	p0 =	slt.u32 s24, $0x3E0;
	s12 =	sor.u32 s12, s13;
	s13 =	sor.u32 $0x380, s14;
	v5 =	vld [tilespmem:s5+$0x8000]  }
0x80: {  	v7 =	vld [tilespmem:s12+$0x10];
	[tilespmem:s4+$0x4280] =	vst v1;
	v0 =	vadd.f32 v4, v0;
	s4 =	smov.u32 s12  }
0x81: {  	v1 =	vld [tilespmem:s4+$0x8010]  }
0x82: {  	v4 =	vld [tilespmem:s4+$0x90];
	v2 =	vadd.f32 v6, v2;
	[tilespmem:s9+$0x4000] =	vst v0;
	s9 =	smov.u32 s10  }
0x83: {  	v0 =	vld [tilespmem:s4+$0x8090]  }
0x84: {  	v6 =	vld [tilespmem:s4+$0x110];
	[tilespmem:s11+$0x4000] =	vst v2;
	v2 =	vadd.f32 v5, v3  }
0x85: {  	v3 =	vld [tilespmem:s4+$0x8110]  }
0x86: {  	v5 =	vld [tilespmem:s4+$0x190];
	[tilespmem:s5+$0x4000] =	vst v2;
	s5 =	smov.u32 s7;
	s7 =	smov.u32 s8;
	s8 =	smov.u32 s13  }
0x87: {  	v2 =	vld [tilespmem:s4+$0x8190]  }
0x88: {  	v8 =	vld [tilespmem:s4+$0x210]  }
0x89: {  	v9 =	vld [tilespmem:s4+$0x8210]  }
0x8a: {  	v10 =	vld [tilespmem:s4+$0x290]  }
0x8b: {  	v1 =	vadd.f32 v1, v7;
	v7 =	vld [tilespmem:s4+$0x8290]  }
0x8c: {  	v0 =	vadd.f32 v0, v4;
	v11 =	vld [tilespmem:s4+$0x0]  }
0x8d: {  	s6 =	sadd.s32 $0x1, s6;
	v4 =	vld [tilespmem:s4+$0x8000];
	[tilespmem:s4+$0x4010] =	vst v1;
	v1 =	vadd.f32 v3, v6  }
0x8e: {  	s10 =	sand.u32 $0x3, s6;
	v3 =	vld [tilespmem:s4+$0x80];
	[tilespmem:s4+$0x4090] =	vst v0;
	v0 =	vadd.f32 v2, v5  }
0x8f: {  	s10 =	sshll.u32 s10, $0x5;
	v2 =	vld [tilespmem:s4+$0x8080];
	[tilespmem:s4+$0x4110] =	vst v1;
	v1 =	vadd.f32 v9, v8  }
0x90: {  	s11 =	sadd.s32 s10, s3;
	v5 =	vld [tilespmem:s4+$0x100];
	[tilespmem:s4+$0x4190] =	vst v0;
	v0 =	vadd.f32 v7, v10  }
0x91: {  	s10 =	sor.u32 $0x300, s11;
	s11 =	sadd.s32 $0x10, s11;
	v6 =	vld [tilespmem:s4+$0x8100];
	[tilespmem:s4+$0x4210] =	vst v1  }
0x92: {  	s12 =	sor.u32 $0x300, s11;
	v1 =	vadd.f32 v4, v11;
	v4 =	vld [tilespmem:s4+$0x180];
	[tilespmem:s4+$0x4290] =	vst v0  }
0x93: {  	v0 =	vld [tilespmem:s12+$0x0]  }
0x94: {  	[tilespmem:s4+$0x4000] =	vst v1;
	v1 =	vadd.f32 v2, v3;
	v2 =	vld [tilespmem:s12+$0x8000]  }
0x95: {  	v7 =	vld [tilespmem:s4+$0x8180]  }
0x96: {  	[tilespmem:s4+$0x4080] =	vst v1;
	v1 =	vadd.f32 v6, v5;
	v5 =	vld [tilespmem:s4+$0x200]  }
0x97: {  	v6 =	vld [tilespmem:s4+$0x8200]  }
.Ltmp0:
0x98: {  	[tilespmem:s4+$0x4100] =	vst v1;
	v1 =	vld [tilespmem:s4+$0x280];
	(pc) =	sbr.rel @p0 .LBB2_2-.Ltmp0, $4  }
0x99: {  	v3 =	vld [tilespmem:s4+$0x8280];
	v2 =	vadd.f32 v2, v0  }
0x9a: {  	v7 =	vadd.f32 v7, v4;
	v0 =	vld [tilespmem:s9+$0x0]  }
0x9b: {  	s11 =	sor.u32 $0x380, s11;
	[tilespmem:s12+$0x4000] =	vst v2;
	v4 =	vld [tilespmem:s9+$0x8000]  }
0x9c: {  	[tilespmem:s4+$0x4180] =	vst v7;
	v5 =	vadd.f32 v6, v5;
	v2 =	vld [tilespmem:s11+$0x0]  }
0x9d: {  	_ = 	snop  }
0x9e: {  	v1 =	vadd.f32 v3, v1  }
0x9f: {  	[tilespmem:s4+$0x4200] =	vst v5  }
0xa0: {  	[tilespmem:s4+$0x4280] =	vst v1  }
0xa1: {  	v1 =	vld [tilespmem:s10+$0x0]  }
0xa2: {  	v3 =	vld [tilespmem:s10+$0x8000];
	_ =	sdelay $0x2  }
0xa3: {  	v6 =	vld [tilespmem:s5+$0x8000];
	v0 =	vadd.f32 v4, v0  }
0xa4: {  	v5 =	vld [tilespmem:s11+$0x8000]  }
0xa5: {  	v4 =	vld [tilespmem:s5+$0x0];
	[tilespmem:s9+$0x4000] =	vst v0;
	v0 =	vadd.f32 v3, v1  }
0xa6: {  	v1 =	vld [tilespmem:s7+$0x0]  }
0xa7: {  	v3 =	vld [tilespmem:s7+$0x8000];
	[tilespmem:s10+$0x4000] =	vst v0  }
0xa8: {  	v0 =	vld [tilespmem:s8+$0x0]  }
0xa9: {  	v7 =	vld [tilespmem:s8+$0x8000];
	_ =	sdelay $0x1  }
0xaa: {  	v2 =	vadd.f32 v5, v2  }
0xab: {  	v4 =	vadd.f32 v6, v4  }
0xac: {  	[tilespmem:s11+$0x4000] =	vst v2;
	v1 =	vadd.f32 v3, v1  }
0xad: {  	[tilespmem:s5+$0x4000] =	vst v4;
	v0 =	vadd.f32 v7, v0  }
0xae: {  	[tilespmem:s7+$0x4000] =	vst v1  }
0xaf: {  	[tilespmem:s8+$0x4000] =	vst v0  }
0xb0: {  	s5 =	simm.s32 $0x0;
	s3 =	rddreg [dreg:$0x8]  }
0xb1: {  	[hbm4b:s3+s5] =	stream.linear.scatter [tilespmem:s28], [sflag:$0x3], $0x2000, $0x38;
	[tilespmem:$0xC000] =	vst v63  }
0xb2: {  	s24 =	rddreg [dreg:$0x9]  }
0xb3: {  	[tilespmem:s5], [sflag:$0x1] =	stream.linear.gather [hbm4b:s24+s5], $0x2000, $0x38;
	[tilespmem:$0xC000] =	vst v63  }
0xb4: {  	s6 =	simm.s32 $0x0;
	_ =	swait.ge [sflag:s29], $0x2000  }
0xb5: {  	s4 =	sand.u32 $0x60, s6;
	s7 =	sand.u32 $0x1C00, s5;
	[sflag:s29] =	ssyncset.done $0x0  }
0xb6: {  	s3 =	sor.u32 s4, s7;
	[sflag:s29] =	ssyncadd.s32 $0xFFFFE000  }
0xb7: {  	v0 =	vld [tilespmem:s3+$0x2010]  }
0xb8: {  	v1 =	vld [tilespmem:s3+$0x8010]  }
0xb9: {  	v2 =	vld [tilespmem:s3+$0x2090]  }
0xba: {  	v3 =	vld [tilespmem:s3+$0x8090]  }
0xbb: {  	v4 =	vld [tilespmem:s3+$0x2110]  }
0xbc: {  	v5 =	vld [tilespmem:s3+$0x8110]  }
0xbd: {  	v6 =	vld [tilespmem:s3+$0x2190]  }
0xbe: {  	v7 =	vld [tilespmem:s3+$0x8190]  }
0xbf: {  	v8 =	vld [tilespmem:s3+$0x2210]  }
0xc0: {  	v9 =	vld [tilespmem:s3+$0x8210]  }
0xc1: {  	v10 =	vld [tilespmem:s3+$0x2290]  }
0xc2: {  	v0 =	vadd.f32 v1, v0;
	v1 =	vld [tilespmem:s3+$0x8290]  }
0xc3: {  	v2 =	vadd.f32 v3, v2  }
0xc4: {  	[tilespmem:s3+$0x6010] =	vst v0;
	v0 =	vadd.f32 v5, v4  }
0xc5: {  	s8 =	sand.u32 $0x3, s5;
	v59 =	vld [tilespmem:s3+$0x2180];
	[tilespmem:s3+$0x6090] =	vst v2;
	v2 =	vadd.f32 v7, v6  }
0xc6: {  	s4 =	sshll.u32 s8, $0x5;
	v60 =	vld [tilespmem:s3+$0x8180];
	[tilespmem:s3+$0x6110] =	vst v0;
	v0 =	vadd.f32 v9, v8  }
0xc7: {  	s4 =	sadd.s32 $0x0, s4;
	v61 =	vld [tilespmem:s3+$0x2200];
	[tilespmem:s3+$0x6190] =	vst v2;
	v1 =	vadd.f32 v1, v10  }
0xc8: {  	s9 =	sadd.s32 $0x10, s4;
	v11 =	vld [tilespmem:s3+$0x8200];
	[tilespmem:s3+$0x6210] =	vst v0  }
0xc9: {  	s10 =	sor.u32 $0x300, s9;
	v12 =	vld [tilespmem:s3+$0x8280];
	[tilespmem:s3+$0x6290] =	vst v1  }
0xca: {  	v1 =	vld [tilespmem:s10+$0x2000]  }
0xcb: {  	v6 =	vld [tilespmem:s10+$0x8000]  }
0xcc: {  	v3 =	vld [tilespmem:s3+$0x2000]  }
0xcd: {  	v4 =	vld [tilespmem:s3+$0x8000]  }
0xce: {  	v5 =	vld [tilespmem:s3+$0x2080]  }
0xcf: {  	v7 =	vld [tilespmem:s3+$0x8100]  }
0xd0: {  	v2 =	vld [tilespmem:s3+$0x8080];
	v1 =	vadd.f32 v6, v1  }
0xd1: {  	v0 =	vld [tilespmem:s3+$0x2100]  }
0xd2: {  	s8 =	simm.s32 $0x20;
	s7 =	sor.u32 $0x380, s9;
	s9 =	simm.s32 $0x100;
	v6 =	vld [tilespmem:s3+$0x2280];
	[tilespmem:s10+$0x6000] =	vst v1  }
0xd3: {  	s11 =	sand.u32 $0x60, s8;
	s12 =	sand.u32 $0x1C00, s9;
	v1 =	vld [tilespmem:s7+$0x2000]  }
0xd4: {  	s10 =	sor.u32 s11, s12;
	v13 =	vld [tilespmem:s7+$0x8000]  }
0xd5: {  	v14 =	vld [tilespmem:s10+$0x2010]  }
0xd6: {  	v15 =	vld [tilespmem:s10+$0x8010]  }
0xd7: {  	v16 =	vld [tilespmem:s10+$0x2090]  }
0xd8: {  	v17 =	vld [tilespmem:s10+$0x8090]  }
0xd9: {  	v18 =	vld [tilespmem:s10+$0x2110]  }
0xda: {  	v19 =	vld [tilespmem:s10+$0x8110]  }
0xdb: {  	v20 =	vld [tilespmem:s10+$0x2190]  }
0xdc: {  	v21 =	vld [tilespmem:s10+$0x8190]  }
0xdd: {  	v22 =	vld [tilespmem:s10+$0x2210]  }
0xde: {  	v23 =	vld [tilespmem:s10+$0x8210]  }
0xdf: {  	v24 =	vld [tilespmem:s10+$0x2290]  }
0xe0: {  	v62 =	vld [tilespmem:s10+$0x8290];
	v14 =	vadd.f32 v15, v14  }
0xe1: {  	v25 =	vld [tilespmem:s10+$0x2000];
	v16 =	vadd.f32 v17, v16  }
0xe2: {  	s13 =	simm.s32 $0x1;
	v63 =	vld [tilespmem:s10+$0x8000];
	v28 =	vadd.f32 v19, v18;
	[tilespmem:s10+$0x6010] =	vst v14  }
0xe3: {  	s11 =	sand.u32 $0x3, s13;
	v29 =	vld [tilespmem:s10+$0x2080];
	v30 =	vadd.f32 v21, v20;
	[tilespmem:s10+$0x6090] =	vst v16  }
0xe4: {  	s11 =	sshll.u32 s11, $0x5;
	v31 =	vld [tilespmem:s10+$0x8080];
	v32 =	vadd.f32 v23, v22;
	[tilespmem:s10+$0x6110] =	vst v28  }
0xe5: {  	v33 =	vld [tilespmem:s10+$0x2100];
	s11 =	sadd.s32 $0x100, s11;
	v15 =	vadd.f32 v62, v24;
	[tilespmem:s10+$0x6190] =	vst v30  }
0xe6: {  	v3 =	vadd.f32 v4, v3;
	v34 =	vld [tilespmem:s10+$0x8100];
	s13 =	sadd.s32 $0x10, s11;
	[tilespmem:s10+$0x6210] =	vst v32  }
0xe7: {  	v2 =	vadd.f32 v2, v5;
	v4 =	vld [tilespmem:s10+$0x2180];
	s14 =	sor.u32 $0x300, s13;
	[tilespmem:s10+$0x6290] =	vst v15  }
0xe8: {  	[tilespmem:s3+$0x6000] =	vst v3;
	v0 =	vadd.f32 v7, v0;
	v5 =	vld [tilespmem:s14+$0x2000]  }
0xe9: {  	[tilespmem:s3+$0x6080] =	vst v2;
	v2 =	vadd.f32 v60, v59;
	v3 =	vld [tilespmem:s14+$0x8000]  }
0xea: {  	[tilespmem:s3+$0x6100] =	vst v0;
	v0 =	vadd.f32 v11, v61;
	v7 =	vld [tilespmem:s10+$0x8180]  }
0xeb: {  	[tilespmem:s3+$0x6180] =	vst v2;
	v35 =	vld [tilespmem:s10+$0x2200]  }
0xec: {  	[tilespmem:s3+$0x6200] =	vst v0;
	v0 =	vld [tilespmem:s10+$0x2280];
	v2 =	vadd.f32 v12, v6  }
0xed: {  	v6 =	vld [tilespmem:s10+$0x8200]  }
0xee: {  	s12 =	sor.u32 $0x300, s4;
	[tilespmem:s3+$0x6280] =	vst v2;
	v2 =	vld [tilespmem:s10+$0x8280];
	v3 =	vadd.f32 v3, v5  }
0xef: {  	v5 =	vld [tilespmem:s12+$0x2000]  }
0xf0: {  	s24 =	simm.s32 $0x40;
	s13 =	sor.u32 $0x380, s13;
	s3 =	simm.s32 $0x200;
	[tilespmem:s14+$0x6000] =	vst v3;
	v3 =	vld [tilespmem:s12+$0x8000]  }
0xf1: {  	s15 =	sand.u32 $0x1C00, s3;
	s14 =	sand.u32 $0x60, s24;
	v36 =	vld [tilespmem:s13+$0x2000]  }
0xf2: {  	s4 =	sor.u32 s14, s15;
	v55 =	vld [tilespmem:s13+$0x8000]  }
0xf3: {  	v37 =	vld [tilespmem:s4+$0x2010]  }
0xf4: {  	v38 =	vld [tilespmem:s4+$0x8010]  }
0xf5: {  	v39 =	vld [tilespmem:s4+$0x2090]  }
0xf6: {  	v40 =	vld [tilespmem:s4+$0x8090]  }
0xf7: {  	v41 =	vld [tilespmem:s4+$0x2110]  }
0xf8: {  	v42 =	vld [tilespmem:s4+$0x8110]  }
0xf9: {  	v43 =	vld [tilespmem:s4+$0x2190]  }
0xfa: {  	v1 =	vadd.f32 v13, v1;
	v44 =	vld [tilespmem:s4+$0x8190]  }
0xfb: {  	v17 =	vadd.f32 v63, v25;
	v45 =	vld [tilespmem:s4+$0x2210]  }
0xfc: {  	v59 =	vadd.f32 v34, v33;
	[tilespmem:s7+$0x6000] =	vst v1;
	v46 =	vld [tilespmem:s4+$0x8210]  }
0xfd: {  	v1 =	vadd.f32 v31, v29;
	[tilespmem:s10+$0x6000] =	vst v17;
	v47 =	vld [tilespmem:s4+$0x2290]  }
0xfe: {  	[tilespmem:s10+$0x6100] =	vst v59;
	v48 =	vld [tilespmem:s4+$0x8290];
	v10 =	vadd.f32 v38, v37  }
0xff: {  	[tilespmem:s10+$0x6080] =	vst v1;
	v49 =	vld [tilespmem:s4+$0x2000];
	v1 =	vadd.f32 v40, v39  }
0x100: {  	s7 =	simm.s32 $0x2;
	v50 =	vld [tilespmem:s4+$0x8000];
	v51 =	vadd.f32 v42, v41;
	[tilespmem:s4+$0x6010] =	vst v10  }
0x101: {  	s16 =	sand.u32 $0x3, s7;
	v52 =	vld [tilespmem:s4+$0x2080];
	[tilespmem:s4+$0x6090] =	vst v1;
	v1 =	vadd.f32 v44, v43  }
0x102: {  	s14 =	sshll.u32 s16, $0x5;
	v53 =	vld [tilespmem:s4+$0x8080];
	v54 =	vadd.f32 v46, v45;
	[tilespmem:s4+$0x6110] =	vst v51  }
0x103: {  	v56 =	vld [tilespmem:s4+$0x2100];
	s14 =	sadd.s32 $0x200, s14;
	[tilespmem:s4+$0x6190] =	vst v1;
	v1 =	vadd.f32 v48, v47  }
0x104: {  	v4 =	vadd.f32 v7, v4;
	v58 =	vld [tilespmem:s4+$0x8100];
	s15 =	sadd.s32 $0x10, s14;
	[tilespmem:s4+$0x6210] =	vst v54  }
0x105: {  	v6 =	vadd.f32 v6, v35;
	v60 =	vld [tilespmem:s4+$0x2180];
	s16 =	sor.u32 $0x300, s15;
	[tilespmem:s4+$0x6290] =	vst v1  }
0x106: {  	[tilespmem:s10+$0x6180] =	vst v4;
	v0 =	vadd.f32 v2, v0;
	v61 =	vld [tilespmem:s16+$0x2000]  }
0x107: {  	[tilespmem:s10+$0x6200] =	vst v6;
	v3 =	vadd.f32 v3, v5;
	v62 =	vld [tilespmem:s16+$0x8000]  }
0x108: {  	[tilespmem:s10+$0x6280] =	vst v0;
	v7 =	vld [tilespmem:s4+$0x8180];
	v1 =	vadd.f32 v53, v52  }
0x109: {  	v63 =	vld [tilespmem:s4+$0x2200];
	v0 =	vadd.f32 v55, v36;
	[tilespmem:s12+$0x6000] =	vst v3  }
0x10a: {  	v2 =	vld [tilespmem:s4+$0x8200];
	[tilespmem:s4+$0x6080] =	vst v1;
	v1 =	vadd.f32 v58, v56  }
0x10b: {  	v57 =	vadd.f32 v50, v49;
	v3 =	vld [tilespmem:s4+$0x8280];
	[tilespmem:s13+$0x6000] =	vst v0  }
0x10c: {  	s5 =	sor.u32 s5, s6;
	s10 =	sor.u32 $0x300, s11;
	[tilespmem:s4+$0x6100] =	vst v1;
	v1 =	vld [tilespmem:s4+$0x2280];
	v4 =	vadd.f32 v62, v61  }
0x10d: {  	s5 =	sor.u32 $0x380, s5;
	v5 =	vadd.f32 v7, v60;
	v0 =	vld [tilespmem:s10+$0x2000];
	[tilespmem:s4+$0x6000] =	vst v57  }
0x10e: {  	s11 =	sor.u32 $0x380, s15;
	s12 =	sor.u32 s9, s8;
	s13 =	sor.u32 s3, s24;
	[tilespmem:s16+$0x6000] =	vst v4;
	v4 =	vld [tilespmem:s10+$0x8000]  }
0x10f: {  	s9 =	sor.u32 $0x300, s14;
	s6 =	sor.u32 $0x380, s12;
	s8 =	sor.u32 $0x380, s13;
	[tilespmem:s4+$0x6180] =	vst v5;
	v5 =	vadd.f32 v2, v63;
	v2 =	vld [tilespmem:s11+$0x2000]  }
.LBB2_4:
0x110: {  	s24 =	sadd.s32 $0x20, s24;
	v6 =	vld [tilespmem:s11+$0x8000];
	s3 =	sadd.s32 $0x100, s3  }
0x111: {  	s12 =	sand.u32 $0x60, s24;
	s13 =	sand.u32 $0x1C00, s3;
	s14 =	sor.u32 s3, s24;
	[tilespmem:s4+$0x6200] =	vst v5;
	v1 =	vadd.f32 v3, v1;
	v3 =	vld [tilespmem:s5+$0x2000]  }
0x112: {  	p0 =	slt.u32 s24, $0x3E0;
	s12 =	sor.u32 s12, s13;
	s13 =	sor.u32 $0x380, s14;
	v5 =	vld [tilespmem:s5+$0x8000]  }
0x113: {  	v7 =	vld [tilespmem:s12+$0x2010];
	[tilespmem:s4+$0x6280] =	vst v1;
	v0 =	vadd.f32 v4, v0;
	s4 =	smov.u32 s12  }
0x114: {  	v1 =	vld [tilespmem:s4+$0x8010]  }
0x115: {  	v4 =	vld [tilespmem:s4+$0x2090];
	v2 =	vadd.f32 v6, v2;
	[tilespmem:s10+$0x6000] =	vst v0;
	s10 =	smov.u32 s9  }
0x116: {  	v0 =	vld [tilespmem:s4+$0x8090]  }
0x117: {  	v6 =	vld [tilespmem:s4+$0x2110];
	[tilespmem:s11+$0x6000] =	vst v2;
	v2 =	vadd.f32 v5, v3  }
0x118: {  	v3 =	vld [tilespmem:s4+$0x8110]  }
0x119: {  	v5 =	vld [tilespmem:s4+$0x2190];
	[tilespmem:s5+$0x6000] =	vst v2;
	s5 =	smov.u32 s6;
	s6 =	smov.u32 s8;
	s8 =	smov.u32 s13  }
0x11a: {  	v2 =	vld [tilespmem:s4+$0x8190]  }
0x11b: {  	v8 =	vld [tilespmem:s4+$0x2210]  }
0x11c: {  	v9 =	vld [tilespmem:s4+$0x8210]  }
0x11d: {  	v10 =	vld [tilespmem:s4+$0x2290]  }
0x11e: {  	v1 =	vadd.f32 v1, v7;
	v7 =	vld [tilespmem:s4+$0x8290]  }
0x11f: {  	v0 =	vadd.f32 v0, v4;
	v11 =	vld [tilespmem:s4+$0x2000]  }
0x120: {  	s7 =	sadd.s32 $0x1, s7;
	v4 =	vld [tilespmem:s4+$0x8000];
	[tilespmem:s4+$0x6010] =	vst v1;
	v1 =	vadd.f32 v3, v6  }
0x121: {  	s9 =	sand.u32 $0x3, s7;
	v3 =	vld [tilespmem:s4+$0x2080];
	[tilespmem:s4+$0x6090] =	vst v0;
	v0 =	vadd.f32 v2, v5  }
0x122: {  	s9 =	sshll.u32 s9, $0x5;
	v2 =	vld [tilespmem:s4+$0x8080];
	[tilespmem:s4+$0x6110] =	vst v1;
	v1 =	vadd.f32 v9, v8  }
0x123: {  	s11 =	sadd.s32 s9, s3;
	v5 =	vld [tilespmem:s4+$0x2100];
	[tilespmem:s4+$0x6190] =	vst v0;
	v0 =	vadd.f32 v7, v10  }
0x124: {  	s9 =	sor.u32 $0x300, s11;
	s11 =	sadd.s32 $0x10, s11;
	v6 =	vld [tilespmem:s4+$0x8100];
	[tilespmem:s4+$0x6210] =	vst v1  }
0x125: {  	s12 =	sor.u32 $0x300, s11;
	v1 =	vadd.f32 v4, v11;
	v4 =	vld [tilespmem:s4+$0x2180];
	[tilespmem:s4+$0x6290] =	vst v0  }
0x126: {  	v0 =	vld [tilespmem:s12+$0x2000]  }
0x127: {  	[tilespmem:s4+$0x6000] =	vst v1;
	v1 =	vadd.f32 v2, v3;
	v2 =	vld [tilespmem:s12+$0x8000]  }
0x128: {  	v7 =	vld [tilespmem:s4+$0x8180]  }
0x129: {  	[tilespmem:s4+$0x6080] =	vst v1;
	v1 =	vadd.f32 v6, v5;
	v5 =	vld [tilespmem:s4+$0x2200]  }
0x12a: {  	v6 =	vld [tilespmem:s4+$0x8200]  }
.Ltmp1:
0x12b: {  	[tilespmem:s4+$0x6100] =	vst v1;
	v1 =	vld [tilespmem:s4+$0x2280];
	(pc) =	sbr.rel @p0 .LBB2_4-.Ltmp1, $4  }
0x12c: {  	v3 =	vld [tilespmem:s4+$0x8280];
	v2 =	vadd.f32 v2, v0  }
0x12d: {  	v7 =	vadd.f32 v7, v4;
	v0 =	vld [tilespmem:s10+$0x2000]  }
0x12e: {  	s11 =	sor.u32 $0x380, s11;
	[tilespmem:s12+$0x6000] =	vst v2;
	v4 =	vld [tilespmem:s10+$0x8000]  }
0x12f: {  	[tilespmem:s4+$0x6180] =	vst v7;
	v5 =	vadd.f32 v6, v5;
	v2 =	vld [tilespmem:s11+$0x2000]  }
0x130: {  	_ = 	snop  }
0x131: {  	v1 =	vadd.f32 v3, v1  }
0x132: {  	[tilespmem:s4+$0x6200] =	vst v5  }
0x133: {  	[tilespmem:s4+$0x6280] =	vst v1  }
0x134: {  	v1 =	vld [tilespmem:s9+$0x2000]  }
0x135: {  	v3 =	vld [tilespmem:s9+$0x8000];
	_ =	sdelay $0x2  }
0x136: {  	v6 =	vld [tilespmem:s5+$0x8000];
	v0 =	vadd.f32 v4, v0  }
0x137: {  	v5 =	vld [tilespmem:s11+$0x8000]  }
0x138: {  	v4 =	vld [tilespmem:s5+$0x2000];
	[tilespmem:s10+$0x6000] =	vst v0;
	v0 =	vadd.f32 v3, v1  }
0x139: {  	v1 =	vld [tilespmem:s6+$0x2000]  }
0x13a: {  	v3 =	vld [tilespmem:s6+$0x8000];
	[tilespmem:s9+$0x6000] =	vst v0  }
0x13b: {  	v0 =	vld [tilespmem:s8+$0x2000]  }
0x13c: {  	v7 =	vld [tilespmem:s8+$0x8000];
	_ =	sdelay $0x1  }
0x13d: {  	v2 =	vadd.f32 v5, v2  }
0x13e: {  	v4 =	vadd.f32 v6, v4  }
0x13f: {  	[tilespmem:s11+$0x6000] =	vst v2;
	v1 =	vadd.f32 v3, v1  }
0x140: {  	[tilespmem:s5+$0x6000] =	vst v4;
	v0 =	vadd.f32 v7, v0  }
0x141: {  	[tilespmem:s6+$0x6000] =	vst v1  }
0x142: {  	[tilespmem:s8+$0x6000] =	vst v0  }
0x143: {  	s5 =	simm.s32 $0x0;
	s3 =	rddreg [dreg:$0xa]  }
0x144: {  	[hbm4b:s3+s5] =	stream.linear.scatter [tilespmem:s30], [sflag:$0x4], $0x2000, $0x38;
	[tilespmem:$0xC000] =	vst v63  }
0x145: {  	s6 =	rddreg [dreg:$0xb]  }
0x146: {  	[tilespmem:s23], [sflag:$0x2] =	stream.linear.gather [hbm4b:s6+s5], $0x2000, $0x38;
	[tilespmem:$0xC000] =	vst v63  }
0x147: {  	_ =	swait.ge [sflag:s25], $0x2000  }
0x148: {  	[sflag:s25] =	ssyncset.done $0x0  }
0x149: {  	[sflag:s25] =	ssyncadd.s32 $0xFFFFE000  }
0x14a: {  	s6 =	simm.s32 $0x0;
	_ =	swait.ge [sflag:s31], $0x2000  }
0x14b: {  	s8 =	sand.u32 $0x1C00, s5;
	s7 =	sand.u32 $0x60, s6;
	[sflag:s31] =	ssyncset.done $0x0  }
0x14c: {  	s3 =	sor.u32 s7, s8;
	[sflag:s31] =	ssyncadd.s32 $0xFFFFE000  }
0x14d: {  	v0 =	vld [tilespmem:s3+$0x10]  }
0x14e: {  	v1 =	vld [tilespmem:s3+$0x8010]  }
0x14f: {  	v2 =	vld [tilespmem:s3+$0x90]  }
0x150: {  	v3 =	vld [tilespmem:s3+$0x8090]  }
0x151: {  	v4 =	vld [tilespmem:s3+$0x110]  }
0x152: {  	v5 =	vld [tilespmem:s3+$0x8110]  }
0x153: {  	v6 =	vld [tilespmem:s3+$0x190]  }
0x154: {  	v7 =	vld [tilespmem:s3+$0x8190]  }
0x155: {  	v8 =	vld [tilespmem:s3+$0x210]  }
0x156: {  	v9 =	vld [tilespmem:s3+$0x8210]  }
0x157: {  	v10 =	vld [tilespmem:s3+$0x290]  }
0x158: {  	v0 =	vadd.f32 v1, v0;
	v1 =	vld [tilespmem:s3+$0x8290]  }
0x159: {  	v2 =	vadd.f32 v3, v2  }
0x15a: {  	[tilespmem:s3+$0x4010] =	vst v0;
	v0 =	vadd.f32 v5, v4  }
0x15b: {  	s9 =	sand.u32 $0x3, s5;
	v59 =	vld [tilespmem:s3+$0x180];
	[tilespmem:s3+$0x4090] =	vst v2;
	v2 =	vadd.f32 v7, v6  }
0x15c: {  	s4 =	sshll.u32 s9, $0x5;
	v60 =	vld [tilespmem:s3+$0x8180];
	[tilespmem:s3+$0x4110] =	vst v0;
	v0 =	vadd.f32 v9, v8  }
0x15d: {  	s4 =	sadd.s32 $0x0, s4;
	v61 =	vld [tilespmem:s3+$0x200];
	[tilespmem:s3+$0x4190] =	vst v2;
	v1 =	vadd.f32 v1, v10  }
0x15e: {  	s7 =	sadd.s32 $0x10, s4;
	v11 =	vld [tilespmem:s3+$0x8200];
	[tilespmem:s3+$0x4210] =	vst v0  }
0x15f: {  	s10 =	sor.u32 $0x300, s7;
	v12 =	vld [tilespmem:s3+$0x8280];
	[tilespmem:s3+$0x4290] =	vst v1  }
0x160: {  	v1 =	vld [tilespmem:s10+$0x0]  }
0x161: {  	v6 =	vld [tilespmem:s10+$0x8000]  }
0x162: {  	v3 =	vld [tilespmem:s3+$0x0]  }
0x163: {  	v4 =	vld [tilespmem:s3+$0x8000]  }
0x164: {  	v5 =	vld [tilespmem:s3+$0x80]  }
0x165: {  	v7 =	vld [tilespmem:s3+$0x8100]  }
0x166: {  	v2 =	vld [tilespmem:s3+$0x8080];
	v1 =	vadd.f32 v6, v1  }
0x167: {  	v0 =	vld [tilespmem:s3+$0x100]  }
0x168: {  	s9 =	simm.s32 $0x100;
	s8 =	simm.s32 $0x20;
	s7 =	sor.u32 $0x380, s7;
	v6 =	vld [tilespmem:s3+$0x280];
	[tilespmem:s10+$0x4000] =	vst v1  }
0x169: {  	s12 =	sand.u32 $0x1C00, s9;
	s11 =	sand.u32 $0x60, s8;
	v1 =	vld [tilespmem:s7+$0x0]  }
0x16a: {  	s10 =	sor.u32 s11, s12;
	v13 =	vld [tilespmem:s7+$0x8000]  }
0x16b: {  	v14 =	vld [tilespmem:s10+$0x10]  }
0x16c: {  	v15 =	vld [tilespmem:s10+$0x8010]  }
0x16d: {  	v16 =	vld [tilespmem:s10+$0x90]  }
0x16e: {  	v17 =	vld [tilespmem:s10+$0x8090]  }
0x16f: {  	v18 =	vld [tilespmem:s10+$0x110]  }
0x170: {  	v19 =	vld [tilespmem:s10+$0x8110]  }
0x171: {  	v20 =	vld [tilespmem:s10+$0x190]  }
0x172: {  	v21 =	vld [tilespmem:s10+$0x8190]  }
0x173: {  	v22 =	vld [tilespmem:s10+$0x210]  }
0x174: {  	v23 =	vld [tilespmem:s10+$0x8210]  }
0x175: {  	v24 =	vld [tilespmem:s10+$0x290]  }
0x176: {  	v62 =	vld [tilespmem:s10+$0x8290];
	v14 =	vadd.f32 v15, v14  }
0x177: {  	v25 =	vld [tilespmem:s10+$0x0];
	v16 =	vadd.f32 v17, v16  }
0x178: {  	s13 =	simm.s32 $0x1;
	v63 =	vld [tilespmem:s10+$0x8000];
	v28 =	vadd.f32 v19, v18;
	[tilespmem:s10+$0x4010] =	vst v14  }
0x179: {  	s11 =	sand.u32 $0x3, s13;
	v29 =	vld [tilespmem:s10+$0x80];
	v30 =	vadd.f32 v21, v20;
	[tilespmem:s10+$0x4090] =	vst v16  }
0x17a: {  	s11 =	sshll.u32 s11, $0x5;
	v31 =	vld [tilespmem:s10+$0x8080];
	v32 =	vadd.f32 v23, v22;
	[tilespmem:s10+$0x4110] =	vst v28  }
0x17b: {  	v33 =	vld [tilespmem:s10+$0x100];
	s11 =	sadd.s32 $0x100, s11;
	v15 =	vadd.f32 v62, v24;
	[tilespmem:s10+$0x4190] =	vst v30  }
0x17c: {  	v3 =	vadd.f32 v4, v3;
	v34 =	vld [tilespmem:s10+$0x8100];
	s13 =	sadd.s32 $0x10, s11;
	[tilespmem:s10+$0x4210] =	vst v32  }
0x17d: {  	v2 =	vadd.f32 v2, v5;
	v4 =	vld [tilespmem:s10+$0x180];
	s14 =	sor.u32 $0x300, s13;
	[tilespmem:s10+$0x4290] =	vst v15  }
0x17e: {  	[tilespmem:s3+$0x4000] =	vst v3;
	v0 =	vadd.f32 v7, v0;
	v5 =	vld [tilespmem:s14+$0x0]  }
0x17f: {  	[tilespmem:s3+$0x4080] =	vst v2;
	v2 =	vadd.f32 v60, v59;
	v3 =	vld [tilespmem:s14+$0x8000]  }
0x180: {  	[tilespmem:s3+$0x4100] =	vst v0;
	v0 =	vadd.f32 v11, v61;
	v7 =	vld [tilespmem:s10+$0x8180]  }
0x181: {  	[tilespmem:s3+$0x4180] =	vst v2;
	v35 =	vld [tilespmem:s10+$0x200]  }
0x182: {  	[tilespmem:s3+$0x4200] =	vst v0;
	v0 =	vld [tilespmem:s10+$0x280];
	v2 =	vadd.f32 v12, v6  }
0x183: {  	v6 =	vld [tilespmem:s10+$0x8200]  }
0x184: {  	s12 =	sor.u32 $0x300, s4;
	[tilespmem:s3+$0x4280] =	vst v2;
	v2 =	vld [tilespmem:s10+$0x8280];
	v3 =	vadd.f32 v3, v5  }
0x185: {  	v5 =	vld [tilespmem:s12+$0x0]  }
0x186: {  	s24 =	simm.s32 $0x40;
	s13 =	sor.u32 $0x380, s13;
	s3 =	simm.s32 $0x200;
	[tilespmem:s14+$0x4000] =	vst v3;
	v3 =	vld [tilespmem:s12+$0x8000]  }
0x187: {  	s15 =	sand.u32 $0x1C00, s3;
	s14 =	sand.u32 $0x60, s24;
	v36 =	vld [tilespmem:s13+$0x0]  }
0x188: {  	s4 =	sor.u32 s14, s15;
	v55 =	vld [tilespmem:s13+$0x8000]  }
0x189: {  	v37 =	vld [tilespmem:s4+$0x10]  }
0x18a: {  	v38 =	vld [tilespmem:s4+$0x8010]  }
0x18b: {  	v39 =	vld [tilespmem:s4+$0x90]  }
0x18c: {  	v40 =	vld [tilespmem:s4+$0x8090]  }
0x18d: {  	v41 =	vld [tilespmem:s4+$0x110]  }
0x18e: {  	v42 =	vld [tilespmem:s4+$0x8110]  }
0x18f: {  	v43 =	vld [tilespmem:s4+$0x190]  }
0x190: {  	v1 =	vadd.f32 v13, v1;
	v44 =	vld [tilespmem:s4+$0x8190]  }
0x191: {  	v17 =	vadd.f32 v63, v25;
	v45 =	vld [tilespmem:s4+$0x210]  }
0x192: {  	v59 =	vadd.f32 v34, v33;
	[tilespmem:s7+$0x4000] =	vst v1;
	v46 =	vld [tilespmem:s4+$0x8210]  }
0x193: {  	v1 =	vadd.f32 v31, v29;
	[tilespmem:s10+$0x4000] =	vst v17;
	v47 =	vld [tilespmem:s4+$0x290]  }
0x194: {  	[tilespmem:s10+$0x4100] =	vst v59;
	v48 =	vld [tilespmem:s4+$0x8290];
	v10 =	vadd.f32 v38, v37  }
0x195: {  	[tilespmem:s10+$0x4080] =	vst v1;
	v49 =	vld [tilespmem:s4+$0x0];
	v1 =	vadd.f32 v40, v39  }
0x196: {  	s7 =	simm.s32 $0x2;
	v50 =	vld [tilespmem:s4+$0x8000];
	v51 =	vadd.f32 v42, v41;
	[tilespmem:s4+$0x4010] =	vst v10  }
0x197: {  	s16 =	sand.u32 $0x3, s7;
	v52 =	vld [tilespmem:s4+$0x80];
	[tilespmem:s4+$0x4090] =	vst v1;
	v1 =	vadd.f32 v44, v43  }
0x198: {  	s14 =	sshll.u32 s16, $0x5;
	v53 =	vld [tilespmem:s4+$0x8080];
	v54 =	vadd.f32 v46, v45;
	[tilespmem:s4+$0x4110] =	vst v51  }
0x199: {  	v56 =	vld [tilespmem:s4+$0x100];
	s14 =	sadd.s32 $0x200, s14;
	[tilespmem:s4+$0x4190] =	vst v1;
	v1 =	vadd.f32 v48, v47  }
0x19a: {  	v4 =	vadd.f32 v7, v4;
	v58 =	vld [tilespmem:s4+$0x8100];
	s15 =	sadd.s32 $0x10, s14;
	[tilespmem:s4+$0x4210] =	vst v54  }
0x19b: {  	v6 =	vadd.f32 v6, v35;
	v60 =	vld [tilespmem:s4+$0x180];
	s16 =	sor.u32 $0x300, s15;
	[tilespmem:s4+$0x4290] =	vst v1  }
0x19c: {  	[tilespmem:s10+$0x4180] =	vst v4;
	v0 =	vadd.f32 v2, v0;
	v61 =	vld [tilespmem:s16+$0x0]  }
0x19d: {  	[tilespmem:s10+$0x4200] =	vst v6;
	v3 =	vadd.f32 v3, v5;
	v62 =	vld [tilespmem:s16+$0x8000]  }
0x19e: {  	[tilespmem:s10+$0x4280] =	vst v0;
	v7 =	vld [tilespmem:s4+$0x8180];
	v1 =	vadd.f32 v53, v52  }
0x19f: {  	v63 =	vld [tilespmem:s4+$0x200];
	v0 =	vadd.f32 v55, v36;
	[tilespmem:s12+$0x4000] =	vst v3  }
0x1a0: {  	v2 =	vld [tilespmem:s4+$0x8200];
	[tilespmem:s4+$0x4080] =	vst v1;
	v1 =	vadd.f32 v58, v56  }
0x1a1: {  	v57 =	vadd.f32 v50, v49;
	v3 =	vld [tilespmem:s4+$0x8280];
	[tilespmem:s13+$0x4000] =	vst v0  }
0x1a2: {  	s5 =	sor.u32 s5, s6;
	s10 =	sor.u32 $0x300, s11;
	[tilespmem:s4+$0x4100] =	vst v1;
	v1 =	vld [tilespmem:s4+$0x280];
	v4 =	vadd.f32 v62, v61  }
0x1a3: {  	s5 =	sor.u32 $0x380, s5;
	v5 =	vadd.f32 v7, v60;
	v0 =	vld [tilespmem:s10+$0x0];
	[tilespmem:s4+$0x4000] =	vst v57  }
0x1a4: {  	s11 =	sor.u32 $0x380, s15;
	s12 =	sor.u32 s9, s8;
	s13 =	sor.u32 s3, s24;
	[tilespmem:s16+$0x4000] =	vst v4;
	v4 =	vld [tilespmem:s10+$0x8000]  }
0x1a5: {  	s9 =	sor.u32 $0x300, s14;
	s6 =	sor.u32 $0x380, s12;
	s8 =	sor.u32 $0x380, s13;
	[tilespmem:s4+$0x4180] =	vst v5;
	v5 =	vadd.f32 v2, v63;
	v2 =	vld [tilespmem:s11+$0x0]  }
.LBB2_6:
0x1a6: {  	s24 =	sadd.s32 $0x20, s24;
	v6 =	vld [tilespmem:s11+$0x8000];
	s3 =	sadd.s32 $0x100, s3  }
0x1a7: {  	s12 =	sand.u32 $0x60, s24;
	s13 =	sand.u32 $0x1C00, s3;
	s14 =	sor.u32 s3, s24;
	[tilespmem:s4+$0x4200] =	vst v5;
	v1 =	vadd.f32 v3, v1;
	v3 =	vld [tilespmem:s5+$0x0]  }
0x1a8: {  	p0 =	slt.u32 s24, $0x3E0;
	s12 =	sor.u32 s12, s13;
	s13 =	sor.u32 $0x380, s14;
	v5 =	vld [tilespmem:s5+$0x8000]  }
0x1a9: {  	v7 =	vld [tilespmem:s12+$0x10];
	[tilespmem:s4+$0x4280] =	vst v1;
	v0 =	vadd.f32 v4, v0;
	s4 =	smov.u32 s12  }
0x1aa: {  	v1 =	vld [tilespmem:s4+$0x8010]  }
0x1ab: {  	v4 =	vld [tilespmem:s4+$0x90];
	v2 =	vadd.f32 v6, v2;
	[tilespmem:s10+$0x4000] =	vst v0;
	s10 =	smov.u32 s9  }
0x1ac: {  	v0 =	vld [tilespmem:s4+$0x8090]  }
0x1ad: {  	v6 =	vld [tilespmem:s4+$0x110];
	[tilespmem:s11+$0x4000] =	vst v2;
	v2 =	vadd.f32 v5, v3  }
0x1ae: {  	v3 =	vld [tilespmem:s4+$0x8110]  }
0x1af: {  	v5 =	vld [tilespmem:s4+$0x190];
	[tilespmem:s5+$0x4000] =	vst v2;
	s5 =	smov.u32 s6;
	s6 =	smov.u32 s8;
	s8 =	smov.u32 s13  }
0x1b0: {  	v2 =	vld [tilespmem:s4+$0x8190]  }
0x1b1: {  	v8 =	vld [tilespmem:s4+$0x210]  }
0x1b2: {  	v9 =	vld [tilespmem:s4+$0x8210]  }
0x1b3: {  	v10 =	vld [tilespmem:s4+$0x290]  }
0x1b4: {  	v1 =	vadd.f32 v1, v7;
	v7 =	vld [tilespmem:s4+$0x8290]  }
0x1b5: {  	v0 =	vadd.f32 v0, v4;
	v11 =	vld [tilespmem:s4+$0x0]  }
0x1b6: {  	s7 =	sadd.s32 $0x1, s7;
	v4 =	vld [tilespmem:s4+$0x8000];
	[tilespmem:s4+$0x4010] =	vst v1;
	v1 =	vadd.f32 v3, v6  }
0x1b7: {  	s9 =	sand.u32 $0x3, s7;
	v3 =	vld [tilespmem:s4+$0x80];
	[tilespmem:s4+$0x4090] =	vst v0;
	v0 =	vadd.f32 v2, v5  }
0x1b8: {  	s9 =	sshll.u32 s9, $0x5;
	v2 =	vld [tilespmem:s4+$0x8080];
	[tilespmem:s4+$0x4110] =	vst v1;
	v1 =	vadd.f32 v9, v8  }
0x1b9: {  	s11 =	sadd.s32 s9, s3;
	v5 =	vld [tilespmem:s4+$0x100];
	[tilespmem:s4+$0x4190] =	vst v0;
	v0 =	vadd.f32 v7, v10  }
0x1ba: {  	s9 =	sor.u32 $0x300, s11;
	s11 =	sadd.s32 $0x10, s11;
	v6 =	vld [tilespmem:s4+$0x8100];
	[tilespmem:s4+$0x4210] =	vst v1  }
0x1bb: {  	s12 =	sor.u32 $0x300, s11;
	v1 =	vadd.f32 v4, v11;
	v4 =	vld [tilespmem:s4+$0x180];
	[tilespmem:s4+$0x4290] =	vst v0  }
0x1bc: {  	v0 =	vld [tilespmem:s12+$0x0]  }
0x1bd: {  	[tilespmem:s4+$0x4000] =	vst v1;
	v1 =	vadd.f32 v2, v3;
	v2 =	vld [tilespmem:s12+$0x8000]  }
0x1be: {  	v7 =	vld [tilespmem:s4+$0x8180]  }
0x1bf: {  	[tilespmem:s4+$0x4080] =	vst v1;
	v1 =	vadd.f32 v6, v5;
	v5 =	vld [tilespmem:s4+$0x200]  }
0x1c0: {  	v6 =	vld [tilespmem:s4+$0x8200]  }
.Ltmp2:
0x1c1: {  	[tilespmem:s4+$0x4100] =	vst v1;
	v1 =	vld [tilespmem:s4+$0x280];
	(pc) =	sbr.rel @p0 .LBB2_6-.Ltmp2, $4  }
0x1c2: {  	v3 =	vld [tilespmem:s4+$0x8280];
	v2 =	vadd.f32 v2, v0  }
0x1c3: {  	v7 =	vadd.f32 v7, v4;
	v0 =	vld [tilespmem:s10+$0x0]  }
0x1c4: {  	s11 =	sor.u32 $0x380, s11;
	[tilespmem:s12+$0x4000] =	vst v2;
	v4 =	vld [tilespmem:s10+$0x8000]  }
0x1c5: {  	[tilespmem:s4+$0x4180] =	vst v7;
	v5 =	vadd.f32 v6, v5;
	v2 =	vld [tilespmem:s11+$0x0]  }
0x1c6: {  	_ = 	snop  }
0x1c7: {  	v1 =	vadd.f32 v3, v1  }
0x1c8: {  	[tilespmem:s4+$0x4200] =	vst v5  }
0x1c9: {  	[tilespmem:s4+$0x4280] =	vst v1  }
0x1ca: {  	v1 =	vld [tilespmem:s9+$0x0]  }
0x1cb: {  	v3 =	vld [tilespmem:s9+$0x8000];
	_ =	sdelay $0x2  }
0x1cc: {  	v6 =	vld [tilespmem:s5+$0x8000];
	v0 =	vadd.f32 v4, v0  }
0x1cd: {  	v5 =	vld [tilespmem:s11+$0x8000]  }
0x1ce: {  	v4 =	vld [tilespmem:s5+$0x0];
	[tilespmem:s10+$0x4000] =	vst v0;
	v0 =	vadd.f32 v3, v1  }
0x1cf: {  	v1 =	vld [tilespmem:s6+$0x0]  }
0x1d0: {  	v3 =	vld [tilespmem:s6+$0x8000];
	[tilespmem:s9+$0x4000] =	vst v0  }
0x1d1: {  	v0 =	vld [tilespmem:s8+$0x0]  }
0x1d2: {  	v7 =	vld [tilespmem:s8+$0x8000];
	_ =	sdelay $0x1  }
0x1d3: {  	v2 =	vadd.f32 v5, v2  }
0x1d4: {  	v4 =	vadd.f32 v6, v4  }
0x1d5: {  	[tilespmem:s11+$0x4000] =	vst v2;
	v1 =	vadd.f32 v3, v1  }
0x1d6: {  	[tilespmem:s5+$0x4000] =	vst v4;
	v0 =	vadd.f32 v7, v0  }
0x1d7: {  	[tilespmem:s6+$0x4000] =	vst v1  }
0x1d8: {  	[tilespmem:s8+$0x4000] =	vst v0  }
0x1d9: {  	s5 =	simm.s32 $0x0;
	s3 =	rddreg [dreg:$0xc]  }
0x1da: {  	[hbm4b:s3+s5] =	stream.linear.scatter [tilespmem:s28], [sflag:$0x3], $0x2000, $0x38;
	[tilespmem:$0xC000] =	vst v63  }
0x1db: {  	s6 =	rddreg [dreg:$0xd]  }
0x1dc: {  	[tilespmem:s5], [sflag:$0x1] =	stream.linear.gather [hbm4b:s6+s5], $0x2000, $0x38;
	[tilespmem:$0xC000] =	vst v63  }
0x1dd: {  	_ =	swait.ge [sflag:s29], $0x2000  }
0x1de: {  	[sflag:s29] =	ssyncset.done $0x0  }
0x1df: {  	[sflag:s29] =	ssyncadd.s32 $0xFFFFE000  }
0x1e0: {  	s6 =	simm.s32 $0x0;
	_ =	swait.ge [sflag:s0], $0x2000  }
0x1e1: {  	s8 =	sand.u32 $0x1C00, s5;
	s7 =	sand.u32 $0x60, s6;
	[sflag:s0] =	ssyncset.done $0x0  }
0x1e2: {  	s3 =	sor.u32 s7, s8;
	[sflag:s0] =	ssyncadd.s32 $0xFFFFE000  }
0x1e3: {  	v0 =	vld [tilespmem:s3+$0x2010]  }
0x1e4: {  	v1 =	vld [tilespmem:s3+$0x8010]  }
0x1e5: {  	v2 =	vld [tilespmem:s3+$0x2090]  }
0x1e6: {  	v3 =	vld [tilespmem:s3+$0x8090]  }
0x1e7: {  	v4 =	vld [tilespmem:s3+$0x2110]  }
0x1e8: {  	v5 =	vld [tilespmem:s3+$0x8110]  }
0x1e9: {  	v6 =	vld [tilespmem:s3+$0x2190]  }
0x1ea: {  	v7 =	vld [tilespmem:s3+$0x8190]  }
0x1eb: {  	v8 =	vld [tilespmem:s3+$0x2210]  }
0x1ec: {  	v9 =	vld [tilespmem:s3+$0x8210]  }
0x1ed: {  	v10 =	vld [tilespmem:s3+$0x2290]  }
0x1ee: {  	v0 =	vadd.f32 v1, v0;
	v1 =	vld [tilespmem:s3+$0x8290]  }
0x1ef: {  	v2 =	vadd.f32 v3, v2  }
0x1f0: {  	[tilespmem:s3+$0x6010] =	vst v0;
	v0 =	vadd.f32 v5, v4  }
0x1f1: {  	s9 =	sand.u32 $0x3, s5;
	v59 =	vld [tilespmem:s3+$0x2180];
	[tilespmem:s3+$0x6090] =	vst v2;
	v2 =	vadd.f32 v7, v6  }
0x1f2: {  	s4 =	sshll.u32 s9, $0x5;
	v60 =	vld [tilespmem:s3+$0x8180];
	[tilespmem:s3+$0x6110] =	vst v0;
	v0 =	vadd.f32 v9, v8  }
0x1f3: {  	s4 =	sadd.s32 $0x0, s4;
	v61 =	vld [tilespmem:s3+$0x2200];
	[tilespmem:s3+$0x6190] =	vst v2;
	v1 =	vadd.f32 v1, v10  }
0x1f4: {  	s7 =	sadd.s32 $0x10, s4;
	v11 =	vld [tilespmem:s3+$0x8200];
	[tilespmem:s3+$0x6210] =	vst v0  }
0x1f5: {  	s10 =	sor.u32 $0x300, s7;
	v12 =	vld [tilespmem:s3+$0x8280];
	[tilespmem:s3+$0x6290] =	vst v1  }
0x1f6: {  	v1 =	vld [tilespmem:s10+$0x2000]  }
0x1f7: {  	v6 =	vld [tilespmem:s10+$0x8000]  }
0x1f8: {  	v3 =	vld [tilespmem:s3+$0x2000]  }
0x1f9: {  	v4 =	vld [tilespmem:s3+$0x8000]  }
0x1fa: {  	v5 =	vld [tilespmem:s3+$0x2080]  }
0x1fb: {  	v7 =	vld [tilespmem:s3+$0x8100]  }
0x1fc: {  	v2 =	vld [tilespmem:s3+$0x8080];
	v1 =	vadd.f32 v6, v1  }
0x1fd: {  	v0 =	vld [tilespmem:s3+$0x2100]  }
0x1fe: {  	s9 =	simm.s32 $0x100;
	s8 =	simm.s32 $0x20;
	s7 =	sor.u32 $0x380, s7;
	v6 =	vld [tilespmem:s3+$0x2280];
	[tilespmem:s10+$0x6000] =	vst v1  }
0x1ff: {  	s12 =	sand.u32 $0x1C00, s9;
	s11 =	sand.u32 $0x60, s8;
	v1 =	vld [tilespmem:s7+$0x2000]  }
0x200: {  	s10 =	sor.u32 s11, s12;
	v13 =	vld [tilespmem:s7+$0x8000]  }
0x201: {  	v14 =	vld [tilespmem:s10+$0x2010]  }
0x202: {  	v15 =	vld [tilespmem:s10+$0x8010]  }
0x203: {  	v16 =	vld [tilespmem:s10+$0x2090]  }
0x204: {  	v17 =	vld [tilespmem:s10+$0x8090]  }
0x205: {  	v18 =	vld [tilespmem:s10+$0x2110]  }
0x206: {  	v19 =	vld [tilespmem:s10+$0x8110]  }
0x207: {  	v20 =	vld [tilespmem:s10+$0x2190]  }
0x208: {  	v21 =	vld [tilespmem:s10+$0x8190]  }
0x209: {  	v22 =	vld [tilespmem:s10+$0x2210]  }
0x20a: {  	v23 =	vld [tilespmem:s10+$0x8210]  }
0x20b: {  	v24 =	vld [tilespmem:s10+$0x2290]  }
0x20c: {  	v62 =	vld [tilespmem:s10+$0x8290];
	v14 =	vadd.f32 v15, v14  }
0x20d: {  	v25 =	vld [tilespmem:s10+$0x2000];
	v16 =	vadd.f32 v17, v16  }
0x20e: {  	s13 =	simm.s32 $0x1;
	v63 =	vld [tilespmem:s10+$0x8000];
	v28 =	vadd.f32 v19, v18;
	[tilespmem:s10+$0x6010] =	vst v14  }
0x20f: {  	s11 =	sand.u32 $0x3, s13;
	v29 =	vld [tilespmem:s10+$0x2080];
	v30 =	vadd.f32 v21, v20;
	[tilespmem:s10+$0x6090] =	vst v16  }
0x210: {  	s11 =	sshll.u32 s11, $0x5;
	v31 =	vld [tilespmem:s10+$0x8080];
	v32 =	vadd.f32 v23, v22;
	[tilespmem:s10+$0x6110] =	vst v28  }
0x211: {  	v33 =	vld [tilespmem:s10+$0x2100];
	s11 =	sadd.s32 $0x100, s11;
	v15 =	vadd.f32 v62, v24;
	[tilespmem:s10+$0x6190] =	vst v30  }
0x212: {  	v3 =	vadd.f32 v4, v3;
	v34 =	vld [tilespmem:s10+$0x8100];
	s13 =	sadd.s32 $0x10, s11;
	[tilespmem:s10+$0x6210] =	vst v32  }
0x213: {  	v2 =	vadd.f32 v2, v5;
	v4 =	vld [tilespmem:s10+$0x2180];
	s14 =	sor.u32 $0x300, s13;
	[tilespmem:s10+$0x6290] =	vst v15  }
0x214: {  	[tilespmem:s3+$0x6000] =	vst v3;
	v0 =	vadd.f32 v7, v0;
	v5 =	vld [tilespmem:s14+$0x2000]  }
0x215: {  	[tilespmem:s3+$0x6080] =	vst v2;
	v2 =	vadd.f32 v60, v59;
	v3 =	vld [tilespmem:s14+$0x8000]  }
0x216: {  	[tilespmem:s3+$0x6100] =	vst v0;
	v0 =	vadd.f32 v11, v61;
	v7 =	vld [tilespmem:s10+$0x8180]  }
0x217: {  	[tilespmem:s3+$0x6180] =	vst v2;
	v35 =	vld [tilespmem:s10+$0x2200]  }
0x218: {  	[tilespmem:s3+$0x6200] =	vst v0;
	v0 =	vld [tilespmem:s10+$0x2280];
	v2 =	vadd.f32 v12, v6  }
0x219: {  	v6 =	vld [tilespmem:s10+$0x8200]  }
0x21a: {  	s12 =	sor.u32 $0x300, s4;
	[tilespmem:s3+$0x6280] =	vst v2;
	v2 =	vld [tilespmem:s10+$0x8280];
	v3 =	vadd.f32 v3, v5  }
0x21b: {  	v5 =	vld [tilespmem:s12+$0x2000]  }
0x21c: {  	s24 =	simm.s32 $0x40;
	s13 =	sor.u32 $0x380, s13;
	s3 =	simm.s32 $0x200;
	[tilespmem:s14+$0x6000] =	vst v3;
	v3 =	vld [tilespmem:s12+$0x8000]  }
0x21d: {  	s15 =	sand.u32 $0x1C00, s3;
	s14 =	sand.u32 $0x60, s24;
	v36 =	vld [tilespmem:s13+$0x2000]  }
0x21e: {  	s4 =	sor.u32 s14, s15;
	v55 =	vld [tilespmem:s13+$0x8000]  }
0x21f: {  	v37 =	vld [tilespmem:s4+$0x2010]  }
0x220: {  	v38 =	vld [tilespmem:s4+$0x8010]  }
0x221: {  	v39 =	vld [tilespmem:s4+$0x2090]  }
0x222: {  	v40 =	vld [tilespmem:s4+$0x8090]  }
0x223: {  	v41 =	vld [tilespmem:s4+$0x2110]  }
0x224: {  	v42 =	vld [tilespmem:s4+$0x8110]  }
0x225: {  	v43 =	vld [tilespmem:s4+$0x2190]  }
0x226: {  	v1 =	vadd.f32 v13, v1;
	v44 =	vld [tilespmem:s4+$0x8190]  }
0x227: {  	v17 =	vadd.f32 v63, v25;
	v45 =	vld [tilespmem:s4+$0x2210]  }
0x228: {  	v59 =	vadd.f32 v34, v33;
	[tilespmem:s7+$0x6000] =	vst v1;
	v46 =	vld [tilespmem:s4+$0x8210]  }
0x229: {  	v1 =	vadd.f32 v31, v29;
	[tilespmem:s10+$0x6000] =	vst v17;
	v47 =	vld [tilespmem:s4+$0x2290]  }
0x22a: {  	[tilespmem:s10+$0x6100] =	vst v59;
	v48 =	vld [tilespmem:s4+$0x8290];
	v10 =	vadd.f32 v38, v37  }
0x22b: {  	[tilespmem:s10+$0x6080] =	vst v1;
	v49 =	vld [tilespmem:s4+$0x2000];
	v1 =	vadd.f32 v40, v39  }
0x22c: {  	s7 =	simm.s32 $0x2;
	v50 =	vld [tilespmem:s4+$0x8000];
	v51 =	vadd.f32 v42, v41;
	[tilespmem:s4+$0x6010] =	vst v10  }
0x22d: {  	s16 =	sand.u32 $0x3, s7;
	v52 =	vld [tilespmem:s4+$0x2080];
	[tilespmem:s4+$0x6090] =	vst v1;
	v1 =	vadd.f32 v44, v43  }
0x22e: {  	s14 =	sshll.u32 s16, $0x5;
	v53 =	vld [tilespmem:s4+$0x8080];
	v54 =	vadd.f32 v46, v45;
	[tilespmem:s4+$0x6110] =	vst v51  }
0x22f: {  	v56 =	vld [tilespmem:s4+$0x2100];
	s14 =	sadd.s32 $0x200, s14;
	[tilespmem:s4+$0x6190] =	vst v1;
	v1 =	vadd.f32 v48, v47  }
0x230: {  	v4 =	vadd.f32 v7, v4;
	v58 =	vld [tilespmem:s4+$0x8100];
	s15 =	sadd.s32 $0x10, s14;
	[tilespmem:s4+$0x6210] =	vst v54  }
0x231: {  	v6 =	vadd.f32 v6, v35;
	v60 =	vld [tilespmem:s4+$0x2180];
	s16 =	sor.u32 $0x300, s15;
	[tilespmem:s4+$0x6290] =	vst v1  }
0x232: {  	[tilespmem:s10+$0x6180] =	vst v4;
	v0 =	vadd.f32 v2, v0;
	v61 =	vld [tilespmem:s16+$0x2000]  }
0x233: {  	[tilespmem:s10+$0x6200] =	vst v6;
	v3 =	vadd.f32 v3, v5;
	v62 =	vld [tilespmem:s16+$0x8000]  }
0x234: {  	[tilespmem:s10+$0x6280] =	vst v0;
	v7 =	vld [tilespmem:s4+$0x8180];
	v1 =	vadd.f32 v53, v52  }
0x235: {  	v63 =	vld [tilespmem:s4+$0x2200];
	v0 =	vadd.f32 v55, v36;
	[tilespmem:s12+$0x6000] =	vst v3  }
0x236: {  	v2 =	vld [tilespmem:s4+$0x8200];
	[tilespmem:s4+$0x6080] =	vst v1;
	v1 =	vadd.f32 v58, v56  }
0x237: {  	v57 =	vadd.f32 v50, v49;
	v3 =	vld [tilespmem:s4+$0x8280];
	[tilespmem:s13+$0x6000] =	vst v0  }
0x238: {  	s5 =	sor.u32 s5, s6;
	s10 =	sor.u32 $0x300, s11;
	[tilespmem:s4+$0x6100] =	vst v1;
	v1 =	vld [tilespmem:s4+$0x2280];
	v4 =	vadd.f32 v62, v61  }
0x239: {  	s5 =	sor.u32 $0x380, s5;
	v5 =	vadd.f32 v7, v60;
	v0 =	vld [tilespmem:s10+$0x2000];
	[tilespmem:s4+$0x6000] =	vst v57  }
0x23a: {  	s11 =	sor.u32 $0x380, s15;
	s12 =	sor.u32 s9, s8;
	s13 =	sor.u32 s3, s24;
	[tilespmem:s16+$0x6000] =	vst v4;
	v4 =	vld [tilespmem:s10+$0x8000]  }
0x23b: {  	s9 =	sor.u32 $0x300, s14;
	s6 =	sor.u32 $0x380, s12;
	s8 =	sor.u32 $0x380, s13;
	[tilespmem:s4+$0x6180] =	vst v5;
	v5 =	vadd.f32 v2, v63;
	v2 =	vld [tilespmem:s11+$0x2000]  }
.LBB2_8:
0x23c: {  	s24 =	sadd.s32 $0x20, s24;
	v6 =	vld [tilespmem:s11+$0x8000];
	s3 =	sadd.s32 $0x100, s3  }
0x23d: {  	s12 =	sand.u32 $0x60, s24;
	s13 =	sand.u32 $0x1C00, s3;
	s14 =	sor.u32 s3, s24;
	[tilespmem:s4+$0x6200] =	vst v5;
	v1 =	vadd.f32 v3, v1;
	v3 =	vld [tilespmem:s5+$0x2000]  }
0x23e: {  	p0 =	slt.u32 s24, $0x3E0;
	s12 =	sor.u32 s12, s13;
	s13 =	sor.u32 $0x380, s14;
	v5 =	vld [tilespmem:s5+$0x8000]  }
0x23f: {  	v7 =	vld [tilespmem:s12+$0x2010];
	[tilespmem:s4+$0x6280] =	vst v1;
	v0 =	vadd.f32 v4, v0;
	s4 =	smov.u32 s12  }
0x240: {  	v1 =	vld [tilespmem:s4+$0x8010]  }
0x241: {  	v4 =	vld [tilespmem:s4+$0x2090];
	v2 =	vadd.f32 v6, v2;
	[tilespmem:s10+$0x6000] =	vst v0;
	s10 =	smov.u32 s9  }
0x242: {  	v0 =	vld [tilespmem:s4+$0x8090]  }
0x243: {  	v6 =	vld [tilespmem:s4+$0x2110];
	[tilespmem:s11+$0x6000] =	vst v2;
	v2 =	vadd.f32 v5, v3  }
0x244: {  	v3 =	vld [tilespmem:s4+$0x8110]  }
0x245: {  	v5 =	vld [tilespmem:s4+$0x2190];
	[tilespmem:s5+$0x6000] =	vst v2;
	s5 =	smov.u32 s6;
	s6 =	smov.u32 s8;
	s8 =	smov.u32 s13  }
0x246: {  	v2 =	vld [tilespmem:s4+$0x8190]  }
0x247: {  	v8 =	vld [tilespmem:s4+$0x2210]  }
0x248: {  	v9 =	vld [tilespmem:s4+$0x8210]  }
0x249: {  	v10 =	vld [tilespmem:s4+$0x2290]  }
0x24a: {  	v1 =	vadd.f32 v1, v7;
	v7 =	vld [tilespmem:s4+$0x8290]  }
0x24b: {  	v0 =	vadd.f32 v0, v4;
	v11 =	vld [tilespmem:s4+$0x2000]  }
0x24c: {  	s7 =	sadd.s32 $0x1, s7;
	v4 =	vld [tilespmem:s4+$0x8000];
	[tilespmem:s4+$0x6010] =	vst v1;
	v1 =	vadd.f32 v3, v6  }
0x24d: {  	s9 =	sand.u32 $0x3, s7;
	v3 =	vld [tilespmem:s4+$0x2080];
	[tilespmem:s4+$0x6090] =	vst v0;
	v0 =	vadd.f32 v2, v5  }
0x24e: {  	s9 =	sshll.u32 s9, $0x5;
	v2 =	vld [tilespmem:s4+$0x8080];
	[tilespmem:s4+$0x6110] =	vst v1;
	v1 =	vadd.f32 v9, v8  }
0x24f: {  	s11 =	sadd.s32 s9, s3;
	v5 =	vld [tilespmem:s4+$0x2100];
	[tilespmem:s4+$0x6190] =	vst v0;
	v0 =	vadd.f32 v7, v10  }
0x250: {  	s9 =	sor.u32 $0x300, s11;
	s11 =	sadd.s32 $0x10, s11;
	v6 =	vld [tilespmem:s4+$0x8100];
	[tilespmem:s4+$0x6210] =	vst v1  }
0x251: {  	s12 =	sor.u32 $0x300, s11;
	v1 =	vadd.f32 v4, v11;
	v4 =	vld [tilespmem:s4+$0x2180];
	[tilespmem:s4+$0x6290] =	vst v0  }
0x252: {  	v0 =	vld [tilespmem:s12+$0x2000]  }
0x253: {  	[tilespmem:s4+$0x6000] =	vst v1;
	v1 =	vadd.f32 v2, v3;
	v2 =	vld [tilespmem:s12+$0x8000]  }
0x254: {  	v7 =	vld [tilespmem:s4+$0x8180]  }
0x255: {  	[tilespmem:s4+$0x6080] =	vst v1;
	v1 =	vadd.f32 v6, v5;
	v5 =	vld [tilespmem:s4+$0x2200]  }
0x256: {  	v6 =	vld [tilespmem:s4+$0x8200]  }
.Ltmp3:
0x257: {  	[tilespmem:s4+$0x6100] =	vst v1;
	v1 =	vld [tilespmem:s4+$0x2280];
	(pc) =	sbr.rel @p0 .LBB2_8-.Ltmp3, $4  }
0x258: {  	v3 =	vld [tilespmem:s4+$0x8280];
	v2 =	vadd.f32 v2, v0  }
0x259: {  	v7 =	vadd.f32 v7, v4;
	v0 =	vld [tilespmem:s10+$0x2000]  }
0x25a: {  	s11 =	sor.u32 $0x380, s11;
	[tilespmem:s12+$0x6000] =	vst v2;
	v4 =	vld [tilespmem:s10+$0x8000]  }
0x25b: {  	[tilespmem:s4+$0x6180] =	vst v7;
	v5 =	vadd.f32 v6, v5;
	v2 =	vld [tilespmem:s11+$0x2000]  }
0x25c: {  	_ = 	snop  }
0x25d: {  	v1 =	vadd.f32 v3, v1  }
0x25e: {  	[tilespmem:s4+$0x6200] =	vst v5  }
0x25f: {  	[tilespmem:s4+$0x6280] =	vst v1  }
0x260: {  	v1 =	vld [tilespmem:s9+$0x2000]  }
0x261: {  	v3 =	vld [tilespmem:s9+$0x8000];
	_ =	sdelay $0x2  }
0x262: {  	v6 =	vld [tilespmem:s5+$0x8000];
	v0 =	vadd.f32 v4, v0  }
0x263: {  	v5 =	vld [tilespmem:s11+$0x8000]  }
0x264: {  	v4 =	vld [tilespmem:s5+$0x2000];
	[tilespmem:s10+$0x6000] =	vst v0;
	v0 =	vadd.f32 v3, v1  }
0x265: {  	v1 =	vld [tilespmem:s6+$0x2000]  }
0x266: {  	v3 =	vld [tilespmem:s6+$0x8000];
	[tilespmem:s9+$0x6000] =	vst v0  }
0x267: {  	v0 =	vld [tilespmem:s8+$0x2000]  }
0x268: {  	v7 =	vld [tilespmem:s8+$0x8000];
	_ =	sdelay $0x1  }
0x269: {  	v2 =	vadd.f32 v5, v2  }
0x26a: {  	v4 =	vadd.f32 v6, v4  }
0x26b: {  	[tilespmem:s11+$0x6000] =	vst v2;
	v1 =	vadd.f32 v3, v1  }
0x26c: {  	[tilespmem:s5+$0x6000] =	vst v4;
	v0 =	vadd.f32 v7, v0  }
0x26d: {  	[tilespmem:s6+$0x6000] =	vst v1  }
0x26e: {  	[tilespmem:s8+$0x6000] =	vst v0  }
0x26f: {  	s5 =	simm.s32 $0x0;
	s3 =	rddreg [dreg:$0xe]  }
0x270: {  	[hbm4b:s3+s5] =	stream.linear.scatter [tilespmem:s30], [sflag:$0x4], $0x2000, $0x38;
	[tilespmem:$0xC000] =	vst v63  }
0x271: {  	s6 =	rddreg [dreg:$0xf]  }
0x272: {  	[tilespmem:s23], [sflag:$0x2] =	stream.linear.gather [hbm4b:s6+s5], $0x2000, $0x38;
	[tilespmem:$0xC000] =	vst v63  }
0x273: {  	_ =	swait.ge [sflag:s25], $0x2000  }
0x274: {  	[sflag:s25] =	ssyncset.done $0x0  }
0x275: {  	[sflag:s25] =	ssyncadd.s32 $0xFFFFE000  }
0x276: {  	_ =	swait.ge [sflag:s1], $0x2000  }
0x277: {  	[sflag:s1] =	ssyncset.done $0x0  }
0x278: {  	[sflag:s1] =	ssyncadd.s32 $0xFFFFE000  }
0x279: {  	s6 =	simm.s32 $0x0;
	_ =	swait.ge [sflag:s31], $0x2000  }
0x27a: {  	s8 =	sand.u32 $0x1C00, s5;
	s7 =	sand.u32 $0x60, s6;
	[sflag:s31] =	ssyncset.done $0x0  }
0x27b: {  	s3 =	sor.u32 s7, s8;
	[sflag:s31] =	ssyncadd.s32 $0xFFFFE000  }
0x27c: {  	v0 =	vld [tilespmem:s3+$0x10]  }
0x27d: {  	v1 =	vld [tilespmem:s3+$0xA010]  }
0x27e: {  	v2 =	vld [tilespmem:s3+$0x90]  }
0x27f: {  	v3 =	vld [tilespmem:s3+$0xA090]  }
0x280: {  	v4 =	vld [tilespmem:s3+$0x110]  }
0x281: {  	v5 =	vld [tilespmem:s3+$0xA110]  }
0x282: {  	v6 =	vld [tilespmem:s3+$0x190]  }
0x283: {  	v7 =	vld [tilespmem:s3+$0xA190]  }
0x284: {  	v8 =	vld [tilespmem:s3+$0x210]  }
0x285: {  	v9 =	vld [tilespmem:s3+$0xA210]  }
0x286: {  	v10 =	vld [tilespmem:s3+$0x290]  }
0x287: {  	v0 =	vadd.f32 v1, v0;
	v1 =	vld [tilespmem:s3+$0xA290]  }
0x288: {  	v2 =	vadd.f32 v3, v2  }
0x289: {  	[tilespmem:s3+$0x4010] =	vst v0;
	v0 =	vadd.f32 v5, v4  }
0x28a: {  	s9 =	sand.u32 $0x3, s5;
	v59 =	vld [tilespmem:s3+$0x180];
	[tilespmem:s3+$0x4090] =	vst v2;
	v2 =	vadd.f32 v7, v6  }
0x28b: {  	s4 =	sshll.u32 s9, $0x5;
	v60 =	vld [tilespmem:s3+$0xA180];
	[tilespmem:s3+$0x4110] =	vst v0;
	v0 =	vadd.f32 v9, v8  }
0x28c: {  	s4 =	sadd.s32 $0x0, s4;
	v61 =	vld [tilespmem:s3+$0x200];
	[tilespmem:s3+$0x4190] =	vst v2;
	v1 =	vadd.f32 v1, v10  }
0x28d: {  	s7 =	sadd.s32 $0x10, s4;
	v11 =	vld [tilespmem:s3+$0xA200];
	[tilespmem:s3+$0x4210] =	vst v0  }
0x28e: {  	s10 =	sor.u32 $0x300, s7;
	v12 =	vld [tilespmem:s3+$0xA280];
	[tilespmem:s3+$0x4290] =	vst v1  }
0x28f: {  	v1 =	vld [tilespmem:s10+$0x0]  }
0x290: {  	v6 =	vld [tilespmem:s10+$0xA000]  }
0x291: {  	v3 =	vld [tilespmem:s3+$0x0]  }
0x292: {  	v4 =	vld [tilespmem:s3+$0xA000]  }
0x293: {  	v5 =	vld [tilespmem:s3+$0x80]  }
0x294: {  	v7 =	vld [tilespmem:s3+$0xA100]  }
0x295: {  	v2 =	vld [tilespmem:s3+$0xA080];
	v1 =	vadd.f32 v6, v1  }
0x296: {  	v0 =	vld [tilespmem:s3+$0x100]  }
0x297: {  	s9 =	simm.s32 $0x100;
	s8 =	simm.s32 $0x20;
	s7 =	sor.u32 $0x380, s7;
	v6 =	vld [tilespmem:s3+$0x280];
	[tilespmem:s10+$0x4000] =	vst v1  }
0x298: {  	s12 =	sand.u32 $0x1C00, s9;
	s11 =	sand.u32 $0x60, s8;
	v1 =	vld [tilespmem:s7+$0x0]  }
0x299: {  	s10 =	sor.u32 s11, s12;
	v13 =	vld [tilespmem:s7+$0xA000]  }
0x29a: {  	v14 =	vld [tilespmem:s10+$0x10]  }
0x29b: {  	v15 =	vld [tilespmem:s10+$0xA010]  }
0x29c: {  	v16 =	vld [tilespmem:s10+$0x90]  }
0x29d: {  	v17 =	vld [tilespmem:s10+$0xA090]  }
0x29e: {  	v18 =	vld [tilespmem:s10+$0x110]  }
0x29f: {  	v19 =	vld [tilespmem:s10+$0xA110]  }
0x2a0: {  	v20 =	vld [tilespmem:s10+$0x190]  }
0x2a1: {  	v21 =	vld [tilespmem:s10+$0xA190]  }
0x2a2: {  	v22 =	vld [tilespmem:s10+$0x210]  }
0x2a3: {  	v23 =	vld [tilespmem:s10+$0xA210]  }
0x2a4: {  	v24 =	vld [tilespmem:s10+$0x290]  }
0x2a5: {  	v62 =	vld [tilespmem:s10+$0xA290];
	v14 =	vadd.f32 v15, v14  }
0x2a6: {  	v25 =	vld [tilespmem:s10+$0x0];
	v16 =	vadd.f32 v17, v16  }
0x2a7: {  	s13 =	simm.s32 $0x1;
	v63 =	vld [tilespmem:s10+$0xA000];
	v28 =	vadd.f32 v19, v18;
	[tilespmem:s10+$0x4010] =	vst v14  }
0x2a8: {  	s11 =	sand.u32 $0x3, s13;
	v29 =	vld [tilespmem:s10+$0x80];
	v30 =	vadd.f32 v21, v20;
	[tilespmem:s10+$0x4090] =	vst v16  }
0x2a9: {  	s11 =	sshll.u32 s11, $0x5;
	v31 =	vld [tilespmem:s10+$0xA080];
	v32 =	vadd.f32 v23, v22;
	[tilespmem:s10+$0x4110] =	vst v28  }
0x2aa: {  	v33 =	vld [tilespmem:s10+$0x100];
	s11 =	sadd.s32 $0x100, s11;
	v15 =	vadd.f32 v62, v24;
	[tilespmem:s10+$0x4190] =	vst v30  }
0x2ab: {  	v3 =	vadd.f32 v4, v3;
	v34 =	vld [tilespmem:s10+$0xA100];
	s13 =	sadd.s32 $0x10, s11;
	[tilespmem:s10+$0x4210] =	vst v32  }
0x2ac: {  	v2 =	vadd.f32 v2, v5;
	v4 =	vld [tilespmem:s10+$0x180];
	s14 =	sor.u32 $0x300, s13;
	[tilespmem:s10+$0x4290] =	vst v15  }
0x2ad: {  	[tilespmem:s3+$0x4000] =	vst v3;
	v0 =	vadd.f32 v7, v0;
	v5 =	vld [tilespmem:s14+$0x0]  }
0x2ae: {  	[tilespmem:s3+$0x4080] =	vst v2;
	v2 =	vadd.f32 v60, v59;
	v3 =	vld [tilespmem:s14+$0xA000]  }
0x2af: {  	[tilespmem:s3+$0x4100] =	vst v0;
	v0 =	vadd.f32 v11, v61;
	v7 =	vld [tilespmem:s10+$0xA180]  }
0x2b0: {  	[tilespmem:s3+$0x4180] =	vst v2;
	v35 =	vld [tilespmem:s10+$0x200]  }
0x2b1: {  	[tilespmem:s3+$0x4200] =	vst v0;
	v0 =	vld [tilespmem:s10+$0x280];
	v2 =	vadd.f32 v12, v6  }
0x2b2: {  	v6 =	vld [tilespmem:s10+$0xA200]  }
0x2b3: {  	s12 =	sor.u32 $0x300, s4;
	[tilespmem:s3+$0x4280] =	vst v2;
	v2 =	vld [tilespmem:s10+$0xA280];
	v3 =	vadd.f32 v3, v5  }
0x2b4: {  	v5 =	vld [tilespmem:s12+$0x0]  }
0x2b5: {  	s24 =	simm.s32 $0x40;
	s13 =	sor.u32 $0x380, s13;
	s3 =	simm.s32 $0x200;
	[tilespmem:s14+$0x4000] =	vst v3;
	v3 =	vld [tilespmem:s12+$0xA000]  }
0x2b6: {  	s15 =	sand.u32 $0x1C00, s3;
	s14 =	sand.u32 $0x60, s24;
	v36 =	vld [tilespmem:s13+$0x0]  }
0x2b7: {  	s4 =	sor.u32 s14, s15;
	v55 =	vld [tilespmem:s13+$0xA000]  }
0x2b8: {  	v37 =	vld [tilespmem:s4+$0x10]  }
0x2b9: {  	v38 =	vld [tilespmem:s4+$0xA010]  }
0x2ba: {  	v39 =	vld [tilespmem:s4+$0x90]  }
0x2bb: {  	v40 =	vld [tilespmem:s4+$0xA090]  }
0x2bc: {  	v41 =	vld [tilespmem:s4+$0x110]  }
0x2bd: {  	v42 =	vld [tilespmem:s4+$0xA110]  }
0x2be: {  	v43 =	vld [tilespmem:s4+$0x190]  }
0x2bf: {  	v1 =	vadd.f32 v13, v1;
	v44 =	vld [tilespmem:s4+$0xA190]  }
0x2c0: {  	v17 =	vadd.f32 v63, v25;
	v45 =	vld [tilespmem:s4+$0x210]  }
0x2c1: {  	v59 =	vadd.f32 v34, v33;
	[tilespmem:s7+$0x4000] =	vst v1;
	v46 =	vld [tilespmem:s4+$0xA210]  }
0x2c2: {  	v1 =	vadd.f32 v31, v29;
	[tilespmem:s10+$0x4000] =	vst v17;
	v47 =	vld [tilespmem:s4+$0x290]  }
0x2c3: {  	[tilespmem:s10+$0x4100] =	vst v59;
	v48 =	vld [tilespmem:s4+$0xA290];
	v10 =	vadd.f32 v38, v37  }
0x2c4: {  	[tilespmem:s10+$0x4080] =	vst v1;
	v49 =	vld [tilespmem:s4+$0x0];
	v1 =	vadd.f32 v40, v39  }
0x2c5: {  	s7 =	simm.s32 $0x2;
	v50 =	vld [tilespmem:s4+$0xA000];
	v51 =	vadd.f32 v42, v41;
	[tilespmem:s4+$0x4010] =	vst v10  }
0x2c6: {  	s16 =	sand.u32 $0x3, s7;
	v52 =	vld [tilespmem:s4+$0x80];
	[tilespmem:s4+$0x4090] =	vst v1;
	v1 =	vadd.f32 v44, v43  }
0x2c7: {  	s14 =	sshll.u32 s16, $0x5;
	v53 =	vld [tilespmem:s4+$0xA080];
	v54 =	vadd.f32 v46, v45;
	[tilespmem:s4+$0x4110] =	vst v51  }
0x2c8: {  	v56 =	vld [tilespmem:s4+$0x100];
	s14 =	sadd.s32 $0x200, s14;
	[tilespmem:s4+$0x4190] =	vst v1;
	v1 =	vadd.f32 v48, v47  }
0x2c9: {  	v4 =	vadd.f32 v7, v4;
	v58 =	vld [tilespmem:s4+$0xA100];
	s15 =	sadd.s32 $0x10, s14;
	[tilespmem:s4+$0x4210] =	vst v54  }
0x2ca: {  	v6 =	vadd.f32 v6, v35;
	v60 =	vld [tilespmem:s4+$0x180];
	s16 =	sor.u32 $0x300, s15;
	[tilespmem:s4+$0x4290] =	vst v1  }
0x2cb: {  	[tilespmem:s10+$0x4180] =	vst v4;
	v0 =	vadd.f32 v2, v0;
	v61 =	vld [tilespmem:s16+$0x0]  }
0x2cc: {  	[tilespmem:s10+$0x4200] =	vst v6;
	v3 =	vadd.f32 v3, v5;
	v62 =	vld [tilespmem:s16+$0xA000]  }
0x2cd: {  	[tilespmem:s10+$0x4280] =	vst v0;
	v7 =	vld [tilespmem:s4+$0xA180];
	v1 =	vadd.f32 v53, v52  }
0x2ce: {  	v63 =	vld [tilespmem:s4+$0x200];
	v0 =	vadd.f32 v55, v36;
	[tilespmem:s12+$0x4000] =	vst v3  }
0x2cf: {  	v2 =	vld [tilespmem:s4+$0xA200];
	[tilespmem:s4+$0x4080] =	vst v1;
	v1 =	vadd.f32 v58, v56  }
0x2d0: {  	v57 =	vadd.f32 v50, v49;
	v3 =	vld [tilespmem:s4+$0xA280];
	[tilespmem:s13+$0x4000] =	vst v0  }
0x2d1: {  	s5 =	sor.u32 s5, s6;
	s10 =	sor.u32 $0x300, s11;
	[tilespmem:s4+$0x4100] =	vst v1;
	v1 =	vld [tilespmem:s4+$0x280];
	v4 =	vadd.f32 v62, v61  }
0x2d2: {  	s5 =	sor.u32 $0x380, s5;
	v5 =	vadd.f32 v7, v60;
	v0 =	vld [tilespmem:s10+$0x0];
	[tilespmem:s4+$0x4000] =	vst v57  }
0x2d3: {  	s11 =	sor.u32 $0x380, s15;
	s12 =	sor.u32 s9, s8;
	s13 =	sor.u32 s3, s24;
	[tilespmem:s16+$0x4000] =	vst v4;
	v4 =	vld [tilespmem:s10+$0xA000]  }
0x2d4: {  	s9 =	sor.u32 $0x300, s14;
	s6 =	sor.u32 $0x380, s12;
	s8 =	sor.u32 $0x380, s13;
	[tilespmem:s4+$0x4180] =	vst v5;
	v5 =	vadd.f32 v2, v63;
	v2 =	vld [tilespmem:s11+$0x0]  }
.LBB2_10:
0x2d5: {  	s24 =	sadd.s32 $0x20, s24;
	v6 =	vld [tilespmem:s11+$0xA000];
	s3 =	sadd.s32 $0x100, s3  }
0x2d6: {  	s12 =	sand.u32 $0x60, s24;
	s13 =	sand.u32 $0x1C00, s3;
	s14 =	sor.u32 s3, s24;
	[tilespmem:s4+$0x4200] =	vst v5;
	v1 =	vadd.f32 v3, v1;
	v3 =	vld [tilespmem:s5+$0x0]  }
0x2d7: {  	p0 =	slt.u32 s24, $0x3E0;
	s12 =	sor.u32 s12, s13;
	s13 =	sor.u32 $0x380, s14;
	v5 =	vld [tilespmem:s5+$0xA000]  }
0x2d8: {  	v7 =	vld [tilespmem:s12+$0x10];
	[tilespmem:s4+$0x4280] =	vst v1;
	v0 =	vadd.f32 v4, v0;
	s4 =	smov.u32 s12  }
0x2d9: {  	v1 =	vld [tilespmem:s4+$0xA010]  }
0x2da: {  	v4 =	vld [tilespmem:s4+$0x90];
	v2 =	vadd.f32 v6, v2;
	[tilespmem:s10+$0x4000] =	vst v0;
	s10 =	smov.u32 s9  }
0x2db: {  	v0 =	vld [tilespmem:s4+$0xA090]  }
0x2dc: {  	v6 =	vld [tilespmem:s4+$0x110];
	[tilespmem:s11+$0x4000] =	vst v2;
	v2 =	vadd.f32 v5, v3  }
0x2dd: {  	v3 =	vld [tilespmem:s4+$0xA110]  }
0x2de: {  	v5 =	vld [tilespmem:s4+$0x190];
	[tilespmem:s5+$0x4000] =	vst v2;
	s5 =	smov.u32 s6;
	s6 =	smov.u32 s8;
	s8 =	smov.u32 s13  }
0x2df: {  	v2 =	vld [tilespmem:s4+$0xA190]  }
0x2e0: {  	v8 =	vld [tilespmem:s4+$0x210]  }
0x2e1: {  	v9 =	vld [tilespmem:s4+$0xA210]  }
0x2e2: {  	v10 =	vld [tilespmem:s4+$0x290]  }
0x2e3: {  	v1 =	vadd.f32 v1, v7;
	v7 =	vld [tilespmem:s4+$0xA290]  }
0x2e4: {  	v0 =	vadd.f32 v0, v4;
	v11 =	vld [tilespmem:s4+$0x0]  }
0x2e5: {  	s7 =	sadd.s32 $0x1, s7;
	v4 =	vld [tilespmem:s4+$0xA000];
	[tilespmem:s4+$0x4010] =	vst v1;
	v1 =	vadd.f32 v3, v6  }
0x2e6: {  	s9 =	sand.u32 $0x3, s7;
	v3 =	vld [tilespmem:s4+$0x80];
	[tilespmem:s4+$0x4090] =	vst v0;
	v0 =	vadd.f32 v2, v5  }
0x2e7: {  	s9 =	sshll.u32 s9, $0x5;
	v2 =	vld [tilespmem:s4+$0xA080];
	[tilespmem:s4+$0x4110] =	vst v1;
	v1 =	vadd.f32 v9, v8  }
0x2e8: {  	s11 =	sadd.s32 s9, s3;
	v5 =	vld [tilespmem:s4+$0x100];
	[tilespmem:s4+$0x4190] =	vst v0;
	v0 =	vadd.f32 v7, v10  }
0x2e9: {  	s9 =	sor.u32 $0x300, s11;
	s11 =	sadd.s32 $0x10, s11;
	v6 =	vld [tilespmem:s4+$0xA100];
	[tilespmem:s4+$0x4210] =	vst v1  }
0x2ea: {  	s12 =	sor.u32 $0x300, s11;
	v1 =	vadd.f32 v4, v11;
	v4 =	vld [tilespmem:s4+$0x180];
	[tilespmem:s4+$0x4290] =	vst v0  }
0x2eb: {  	v0 =	vld [tilespmem:s12+$0x0]  }
0x2ec: {  	[tilespmem:s4+$0x4000] =	vst v1;
	v1 =	vadd.f32 v2, v3;
	v2 =	vld [tilespmem:s12+$0xA000]  }
0x2ed: {  	v7 =	vld [tilespmem:s4+$0xA180]  }
0x2ee: {  	[tilespmem:s4+$0x4080] =	vst v1;
	v1 =	vadd.f32 v6, v5;
	v5 =	vld [tilespmem:s4+$0x200]  }
0x2ef: {  	v6 =	vld [tilespmem:s4+$0xA200]  }
.Ltmp4:
0x2f0: {  	[tilespmem:s4+$0x4100] =	vst v1;
	v1 =	vld [tilespmem:s4+$0x280];
	(pc) =	sbr.rel @p0 .LBB2_10-.Ltmp4, $4  }
0x2f1: {  	v3 =	vld [tilespmem:s4+$0xA280];
	v2 =	vadd.f32 v2, v0  }
0x2f2: {  	v7 =	vadd.f32 v7, v4;
	v0 =	vld [tilespmem:s10+$0x0]  }
0x2f3: {  	s11 =	sor.u32 $0x380, s11;
	[tilespmem:s12+$0x4000] =	vst v2;
	v4 =	vld [tilespmem:s10+$0xA000]  }
0x2f4: {  	[tilespmem:s4+$0x4180] =	vst v7;
	v5 =	vadd.f32 v6, v5;
	v2 =	vld [tilespmem:s11+$0x0]  }
0x2f5: {  	_ = 	snop  }
0x2f6: {  	v1 =	vadd.f32 v3, v1  }
0x2f7: {  	[tilespmem:s4+$0x4200] =	vst v5  }
0x2f8: {  	[tilespmem:s4+$0x4280] =	vst v1  }
0x2f9: {  	v1 =	vld [tilespmem:s9+$0x0]  }
0x2fa: {  	v3 =	vld [tilespmem:s9+$0xA000];
	_ =	sdelay $0x2  }
0x2fb: {  	v6 =	vld [tilespmem:s5+$0xA000];
	v0 =	vadd.f32 v4, v0  }
0x2fc: {  	v5 =	vld [tilespmem:s11+$0xA000]  }
0x2fd: {  	v4 =	vld [tilespmem:s5+$0x0];
	[tilespmem:s10+$0x4000] =	vst v0;
	v0 =	vadd.f32 v3, v1  }
0x2fe: {  	v1 =	vld [tilespmem:s6+$0x0]  }
0x2ff: {  	v3 =	vld [tilespmem:s6+$0xA000];
	[tilespmem:s9+$0x4000] =	vst v0  }
0x300: {  	v0 =	vld [tilespmem:s8+$0x0]  }
0x301: {  	v7 =	vld [tilespmem:s8+$0xA000];
	_ =	sdelay $0x1  }
0x302: {  	v2 =	vadd.f32 v5, v2  }
0x303: {  	v4 =	vadd.f32 v6, v4  }
0x304: {  	[tilespmem:s11+$0x4000] =	vst v2;
	v1 =	vadd.f32 v3, v1  }
0x305: {  	[tilespmem:s5+$0x4000] =	vst v4;
	v0 =	vadd.f32 v7, v0  }
0x306: {  	[tilespmem:s6+$0x4000] =	vst v1  }
0x307: {  	[tilespmem:s8+$0x4000] =	vst v0  }
0x308: {  	s5 =	simm.s32 $0x0;
	s3 =	rddreg [dreg:$0x10]  }
0x309: {  	[hbm4b:s3+s5] =	stream.linear.scatter [tilespmem:s28], [sflag:$0x3], $0x2000, $0x38;
	[tilespmem:$0xC000] =	vst v63  }
0x30a: {  	s6 =	rddreg [dreg:$0x11]  }
0x30b: {  	[tilespmem:s5], [sflag:$0x1] =	stream.linear.gather [hbm4b:s6+s5], $0x2000, $0x38;
	[tilespmem:$0xC000] =	vst v63  }
0x30c: {  	_ =	swait.ge [sflag:s29], $0x2000  }
0x30d: {  	[sflag:s29] =	ssyncset.done $0x0  }
0x30e: {  	[sflag:s29] =	ssyncadd.s32 $0xFFFFE000  }
0x30f: {  	s6 =	simm.s32 $0x0;
	_ =	swait.ge [sflag:s0], $0x2000  }
0x310: {  	s8 =	sand.u32 $0x1C00, s5;
	s7 =	sand.u32 $0x60, s6;
	[sflag:s0] =	ssyncset.done $0x0  }
0x311: {  	s3 =	sor.u32 s7, s8;
	[sflag:s0] =	ssyncadd.s32 $0xFFFFE000  }
0x312: {  	v0 =	vld [tilespmem:s3+$0x2010]  }
0x313: {  	v1 =	vld [tilespmem:s3+$0xA010]  }
0x314: {  	v2 =	vld [tilespmem:s3+$0x2090]  }
0x315: {  	v3 =	vld [tilespmem:s3+$0xA090]  }
0x316: {  	v4 =	vld [tilespmem:s3+$0x2110]  }
0x317: {  	v5 =	vld [tilespmem:s3+$0xA110]  }
0x318: {  	v6 =	vld [tilespmem:s3+$0x2190]  }
0x319: {  	v7 =	vld [tilespmem:s3+$0xA190]  }
0x31a: {  	v8 =	vld [tilespmem:s3+$0x2210]  }
0x31b: {  	v9 =	vld [tilespmem:s3+$0xA210]  }
0x31c: {  	v10 =	vld [tilespmem:s3+$0x2290]  }
0x31d: {  	v0 =	vadd.f32 v1, v0;
	v1 =	vld [tilespmem:s3+$0xA290]  }
0x31e: {  	v2 =	vadd.f32 v3, v2  }
0x31f: {  	[tilespmem:s3+$0x6010] =	vst v0;
	v0 =	vadd.f32 v5, v4  }
0x320: {  	s9 =	sand.u32 $0x3, s5;
	v59 =	vld [tilespmem:s3+$0x2180];
	[tilespmem:s3+$0x6090] =	vst v2;
	v2 =	vadd.f32 v7, v6  }
0x321: {  	s4 =	sshll.u32 s9, $0x5;
	v60 =	vld [tilespmem:s3+$0xA180];
	[tilespmem:s3+$0x6110] =	vst v0;
	v0 =	vadd.f32 v9, v8  }
0x322: {  	s4 =	sadd.s32 $0x0, s4;
	v61 =	vld [tilespmem:s3+$0x2200];
	[tilespmem:s3+$0x6190] =	vst v2;
	v1 =	vadd.f32 v1, v10  }
0x323: {  	s7 =	sadd.s32 $0x10, s4;
	v11 =	vld [tilespmem:s3+$0xA200];
	[tilespmem:s3+$0x6210] =	vst v0  }
0x324: {  	s10 =	sor.u32 $0x300, s7;
	v12 =	vld [tilespmem:s3+$0xA280];
	[tilespmem:s3+$0x6290] =	vst v1  }
0x325: {  	v1 =	vld [tilespmem:s10+$0x2000]  }
0x326: {  	v6 =	vld [tilespmem:s10+$0xA000]  }
0x327: {  	v3 =	vld [tilespmem:s3+$0x2000]  }
0x328: {  	v4 =	vld [tilespmem:s3+$0xA000]  }
0x329: {  	v5 =	vld [tilespmem:s3+$0x2080]  }
0x32a: {  	v7 =	vld [tilespmem:s3+$0xA100]  }
0x32b: {  	v2 =	vld [tilespmem:s3+$0xA080];
	v1 =	vadd.f32 v6, v1  }
0x32c: {  	v0 =	vld [tilespmem:s3+$0x2100]  }
0x32d: {  	s9 =	simm.s32 $0x100;
	s8 =	simm.s32 $0x20;
	s7 =	sor.u32 $0x380, s7;
	v6 =	vld [tilespmem:s3+$0x2280];
	[tilespmem:s10+$0x6000] =	vst v1  }
0x32e: {  	s12 =	sand.u32 $0x1C00, s9;
	s11 =	sand.u32 $0x60, s8;
	v1 =	vld [tilespmem:s7+$0x2000]  }
0x32f: {  	s10 =	sor.u32 s11, s12;
	v13 =	vld [tilespmem:s7+$0xA000]  }
0x330: {  	v14 =	vld [tilespmem:s10+$0x2010]  }
0x331: {  	v15 =	vld [tilespmem:s10+$0xA010]  }
0x332: {  	v16 =	vld [tilespmem:s10+$0x2090]  }
0x333: {  	v17 =	vld [tilespmem:s10+$0xA090]  }
0x334: {  	v18 =	vld [tilespmem:s10+$0x2110]  }
0x335: {  	v19 =	vld [tilespmem:s10+$0xA110]  }
0x336: {  	v20 =	vld [tilespmem:s10+$0x2190]  }
0x337: {  	v21 =	vld [tilespmem:s10+$0xA190]  }
0x338: {  	v22 =	vld [tilespmem:s10+$0x2210]  }
0x339: {  	v23 =	vld [tilespmem:s10+$0xA210]  }
0x33a: {  	v24 =	vld [tilespmem:s10+$0x2290]  }
0x33b: {  	v62 =	vld [tilespmem:s10+$0xA290];
	v14 =	vadd.f32 v15, v14  }
0x33c: {  	v25 =	vld [tilespmem:s10+$0x2000];
	v16 =	vadd.f32 v17, v16  }
0x33d: {  	s13 =	simm.s32 $0x1;
	v63 =	vld [tilespmem:s10+$0xA000];
	v28 =	vadd.f32 v19, v18;
	[tilespmem:s10+$0x6010] =	vst v14  }
0x33e: {  	s11 =	sand.u32 $0x3, s13;
	v29 =	vld [tilespmem:s10+$0x2080];
	v30 =	vadd.f32 v21, v20;
	[tilespmem:s10+$0x6090] =	vst v16  }
0x33f: {  	s11 =	sshll.u32 s11, $0x5;
	v31 =	vld [tilespmem:s10+$0xA080];
	v32 =	vadd.f32 v23, v22;
	[tilespmem:s10+$0x6110] =	vst v28  }
0x340: {  	v33 =	vld [tilespmem:s10+$0x2100];
	s11 =	sadd.s32 $0x100, s11;
	v15 =	vadd.f32 v62, v24;
	[tilespmem:s10+$0x6190] =	vst v30  }
0x341: {  	v3 =	vadd.f32 v4, v3;
	v34 =	vld [tilespmem:s10+$0xA100];
	s13 =	sadd.s32 $0x10, s11;
	[tilespmem:s10+$0x6210] =	vst v32  }
0x342: {  	v2 =	vadd.f32 v2, v5;
	v4 =	vld [tilespmem:s10+$0x2180];
	s14 =	sor.u32 $0x300, s13;
	[tilespmem:s10+$0x6290] =	vst v15  }
0x343: {  	[tilespmem:s3+$0x6000] =	vst v3;
	v0 =	vadd.f32 v7, v0;
	v5 =	vld [tilespmem:s14+$0x2000]  }
0x344: {  	[tilespmem:s3+$0x6080] =	vst v2;
	v2 =	vadd.f32 v60, v59;
	v3 =	vld [tilespmem:s14+$0xA000]  }
0x345: {  	[tilespmem:s3+$0x6100] =	vst v0;
	v0 =	vadd.f32 v11, v61;
	v7 =	vld [tilespmem:s10+$0xA180]  }
0x346: {  	[tilespmem:s3+$0x6180] =	vst v2;
	v35 =	vld [tilespmem:s10+$0x2200]  }
0x347: {  	[tilespmem:s3+$0x6200] =	vst v0;
	v0 =	vld [tilespmem:s10+$0x2280];
	v2 =	vadd.f32 v12, v6  }
0x348: {  	v6 =	vld [tilespmem:s10+$0xA200]  }
0x349: {  	s12 =	sor.u32 $0x300, s4;
	[tilespmem:s3+$0x6280] =	vst v2;
	v2 =	vld [tilespmem:s10+$0xA280];
	v3 =	vadd.f32 v3, v5  }
0x34a: {  	v5 =	vld [tilespmem:s12+$0x2000]  }
0x34b: {  	s24 =	simm.s32 $0x40;
	s13 =	sor.u32 $0x380, s13;
	s3 =	simm.s32 $0x200;
	[tilespmem:s14+$0x6000] =	vst v3;
	v3 =	vld [tilespmem:s12+$0xA000]  }
0x34c: {  	s15 =	sand.u32 $0x1C00, s3;
	s14 =	sand.u32 $0x60, s24;
	v36 =	vld [tilespmem:s13+$0x2000]  }
0x34d: {  	s4 =	sor.u32 s14, s15;
	v55 =	vld [tilespmem:s13+$0xA000]  }
0x34e: {  	v37 =	vld [tilespmem:s4+$0x2010]  }
0x34f: {  	v38 =	vld [tilespmem:s4+$0xA010]  }
0x350: {  	v39 =	vld [tilespmem:s4+$0x2090]  }
0x351: {  	v40 =	vld [tilespmem:s4+$0xA090]  }
0x352: {  	v41 =	vld [tilespmem:s4+$0x2110]  }
0x353: {  	v42 =	vld [tilespmem:s4+$0xA110]  }
0x354: {  	v43 =	vld [tilespmem:s4+$0x2190]  }
0x355: {  	v1 =	vadd.f32 v13, v1;
	v44 =	vld [tilespmem:s4+$0xA190]  }
0x356: {  	v17 =	vadd.f32 v63, v25;
	v45 =	vld [tilespmem:s4+$0x2210]  }
0x357: {  	v59 =	vadd.f32 v34, v33;
	[tilespmem:s7+$0x6000] =	vst v1;
	v46 =	vld [tilespmem:s4+$0xA210]  }
0x358: {  	v1 =	vadd.f32 v31, v29;
	[tilespmem:s10+$0x6000] =	vst v17;
	v47 =	vld [tilespmem:s4+$0x2290]  }
0x359: {  	[tilespmem:s10+$0x6100] =	vst v59;
	v48 =	vld [tilespmem:s4+$0xA290];
	v10 =	vadd.f32 v38, v37  }
0x35a: {  	[tilespmem:s10+$0x6080] =	vst v1;
	v49 =	vld [tilespmem:s4+$0x2000];
	v1 =	vadd.f32 v40, v39  }
0x35b: {  	s7 =	simm.s32 $0x2;
	v50 =	vld [tilespmem:s4+$0xA000];
	v51 =	vadd.f32 v42, v41;
	[tilespmem:s4+$0x6010] =	vst v10  }
0x35c: {  	s16 =	sand.u32 $0x3, s7;
	v52 =	vld [tilespmem:s4+$0x2080];
	[tilespmem:s4+$0x6090] =	vst v1;
	v1 =	vadd.f32 v44, v43  }
0x35d: {  	s14 =	sshll.u32 s16, $0x5;
	v53 =	vld [tilespmem:s4+$0xA080];
	v54 =	vadd.f32 v46, v45;
	[tilespmem:s4+$0x6110] =	vst v51  }
0x35e: {  	v56 =	vld [tilespmem:s4+$0x2100];
	s14 =	sadd.s32 $0x200, s14;
	[tilespmem:s4+$0x6190] =	vst v1;
	v1 =	vadd.f32 v48, v47  }
0x35f: {  	v4 =	vadd.f32 v7, v4;
	v58 =	vld [tilespmem:s4+$0xA100];
	s15 =	sadd.s32 $0x10, s14;
	[tilespmem:s4+$0x6210] =	vst v54  }
0x360: {  	v6 =	vadd.f32 v6, v35;
	v60 =	vld [tilespmem:s4+$0x2180];
	s16 =	sor.u32 $0x300, s15;
	[tilespmem:s4+$0x6290] =	vst v1  }
0x361: {  	[tilespmem:s10+$0x6180] =	vst v4;
	v0 =	vadd.f32 v2, v0;
	v61 =	vld [tilespmem:s16+$0x2000]  }
0x362: {  	[tilespmem:s10+$0x6200] =	vst v6;
	v3 =	vadd.f32 v3, v5;
	v62 =	vld [tilespmem:s16+$0xA000]  }
0x363: {  	[tilespmem:s10+$0x6280] =	vst v0;
	v7 =	vld [tilespmem:s4+$0xA180];
	v1 =	vadd.f32 v53, v52  }
0x364: {  	v63 =	vld [tilespmem:s4+$0x2200];
	v0 =	vadd.f32 v55, v36;
	[tilespmem:s12+$0x6000] =	vst v3  }
0x365: {  	v2 =	vld [tilespmem:s4+$0xA200];
	[tilespmem:s4+$0x6080] =	vst v1;
	v1 =	vadd.f32 v58, v56  }
0x366: {  	v57 =	vadd.f32 v50, v49;
	v3 =	vld [tilespmem:s4+$0xA280];
	[tilespmem:s13+$0x6000] =	vst v0  }
0x367: {  	s5 =	sor.u32 s5, s6;
	s10 =	sor.u32 $0x300, s11;
	[tilespmem:s4+$0x6100] =	vst v1;
	v1 =	vld [tilespmem:s4+$0x2280];
	v4 =	vadd.f32 v62, v61  }
0x368: {  	s5 =	sor.u32 $0x380, s5;
	v5 =	vadd.f32 v7, v60;
	v0 =	vld [tilespmem:s10+$0x2000];
	[tilespmem:s4+$0x6000] =	vst v57  }
0x369: {  	s11 =	sor.u32 $0x380, s15;
	s12 =	sor.u32 s9, s8;
	s13 =	sor.u32 s3, s24;
	[tilespmem:s16+$0x6000] =	vst v4;
	v4 =	vld [tilespmem:s10+$0xA000]  }
0x36a: {  	s9 =	sor.u32 $0x300, s14;
	s6 =	sor.u32 $0x380, s12;
	s8 =	sor.u32 $0x380, s13;
	[tilespmem:s4+$0x6180] =	vst v5;
	v5 =	vadd.f32 v2, v63;
	v2 =	vld [tilespmem:s11+$0x2000]  }
.LBB2_12:
0x36b: {  	s24 =	sadd.s32 $0x20, s24;
	v6 =	vld [tilespmem:s11+$0xA000];
	s3 =	sadd.s32 $0x100, s3  }
0x36c: {  	s12 =	sand.u32 $0x60, s24;
	s13 =	sand.u32 $0x1C00, s3;
	s14 =	sor.u32 s3, s24;
	[tilespmem:s4+$0x6200] =	vst v5;
	v1 =	vadd.f32 v3, v1;
	v3 =	vld [tilespmem:s5+$0x2000]  }
0x36d: {  	p0 =	slt.u32 s24, $0x3E0;
	s12 =	sor.u32 s12, s13;
	s13 =	sor.u32 $0x380, s14;
	v5 =	vld [tilespmem:s5+$0xA000]  }
0x36e: {  	v7 =	vld [tilespmem:s12+$0x2010];
	[tilespmem:s4+$0x6280] =	vst v1;
	v0 =	vadd.f32 v4, v0;
	s4 =	smov.u32 s12  }
0x36f: {  	v1 =	vld [tilespmem:s4+$0xA010]  }
0x370: {  	v4 =	vld [tilespmem:s4+$0x2090];
	v2 =	vadd.f32 v6, v2;
	[tilespmem:s10+$0x6000] =	vst v0;
	s10 =	smov.u32 s9  }
0x371: {  	v0 =	vld [tilespmem:s4+$0xA090]  }
0x372: {  	v6 =	vld [tilespmem:s4+$0x2110];
	[tilespmem:s11+$0x6000] =	vst v2;
	v2 =	vadd.f32 v5, v3  }
0x373: {  	v3 =	vld [tilespmem:s4+$0xA110]  }
0x374: {  	v5 =	vld [tilespmem:s4+$0x2190];
	[tilespmem:s5+$0x6000] =	vst v2;
	s5 =	smov.u32 s6;
	s6 =	smov.u32 s8;
	s8 =	smov.u32 s13  }
0x375: {  	v2 =	vld [tilespmem:s4+$0xA190]  }
0x376: {  	v8 =	vld [tilespmem:s4+$0x2210]  }
0x377: {  	v9 =	vld [tilespmem:s4+$0xA210]  }
0x378: {  	v10 =	vld [tilespmem:s4+$0x2290]  }
0x379: {  	v1 =	vadd.f32 v1, v7;
	v7 =	vld [tilespmem:s4+$0xA290]  }
0x37a: {  	v0 =	vadd.f32 v0, v4;
	v11 =	vld [tilespmem:s4+$0x2000]  }
0x37b: {  	s7 =	sadd.s32 $0x1, s7;
	v4 =	vld [tilespmem:s4+$0xA000];
	[tilespmem:s4+$0x6010] =	vst v1;
	v1 =	vadd.f32 v3, v6  }
0x37c: {  	s9 =	sand.u32 $0x3, s7;
	v3 =	vld [tilespmem:s4+$0x2080];
	[tilespmem:s4+$0x6090] =	vst v0;
	v0 =	vadd.f32 v2, v5  }
0x37d: {  	s9 =	sshll.u32 s9, $0x5;
	v2 =	vld [tilespmem:s4+$0xA080];
	[tilespmem:s4+$0x6110] =	vst v1;
	v1 =	vadd.f32 v9, v8  }
0x37e: {  	s11 =	sadd.s32 s9, s3;
	v5 =	vld [tilespmem:s4+$0x2100];
	[tilespmem:s4+$0x6190] =	vst v0;
	v0 =	vadd.f32 v7, v10  }
0x37f: {  	s9 =	sor.u32 $0x300, s11;
	s11 =	sadd.s32 $0x10, s11;
	v6 =	vld [tilespmem:s4+$0xA100];
	[tilespmem:s4+$0x6210] =	vst v1  }
0x380: {  	s12 =	sor.u32 $0x300, s11;
	v1 =	vadd.f32 v4, v11;
	v4 =	vld [tilespmem:s4+$0x2180];
	[tilespmem:s4+$0x6290] =	vst v0  }
0x381: {  	v0 =	vld [tilespmem:s12+$0x2000]  }
0x382: {  	[tilespmem:s4+$0x6000] =	vst v1;
	v1 =	vadd.f32 v2, v3;
	v2 =	vld [tilespmem:s12+$0xA000]  }
0x383: {  	v7 =	vld [tilespmem:s4+$0xA180]  }
0x384: {  	[tilespmem:s4+$0x6080] =	vst v1;
	v1 =	vadd.f32 v6, v5;
	v5 =	vld [tilespmem:s4+$0x2200]  }
0x385: {  	v6 =	vld [tilespmem:s4+$0xA200]  }
.Ltmp5:
0x386: {  	[tilespmem:s4+$0x6100] =	vst v1;
	v1 =	vld [tilespmem:s4+$0x2280];
	(pc) =	sbr.rel @p0 .LBB2_12-.Ltmp5, $4  }
0x387: {  	v3 =	vld [tilespmem:s4+$0xA280];
	v2 =	vadd.f32 v2, v0  }
0x388: {  	v7 =	vadd.f32 v7, v4;
	v0 =	vld [tilespmem:s10+$0x2000]  }
0x389: {  	s11 =	sor.u32 $0x380, s11;
	[tilespmem:s12+$0x6000] =	vst v2;
	v4 =	vld [tilespmem:s10+$0xA000]  }
0x38a: {  	[tilespmem:s4+$0x6180] =	vst v7;
	v5 =	vadd.f32 v6, v5;
	v2 =	vld [tilespmem:s11+$0x2000]  }
0x38b: {  	_ = 	snop  }
0x38c: {  	v1 =	vadd.f32 v3, v1  }
0x38d: {  	[tilespmem:s4+$0x6200] =	vst v5  }
0x38e: {  	[tilespmem:s4+$0x6280] =	vst v1  }
0x38f: {  	v1 =	vld [tilespmem:s9+$0x2000]  }
0x390: {  	v3 =	vld [tilespmem:s9+$0xA000];
	_ =	sdelay $0x2  }
0x391: {  	v6 =	vld [tilespmem:s5+$0xA000];
	v0 =	vadd.f32 v4, v0  }
0x392: {  	v5 =	vld [tilespmem:s11+$0xA000]  }
0x393: {  	v4 =	vld [tilespmem:s5+$0x2000];
	[tilespmem:s10+$0x6000] =	vst v0;
	v0 =	vadd.f32 v3, v1  }
0x394: {  	v1 =	vld [tilespmem:s6+$0x2000]  }
0x395: {  	v3 =	vld [tilespmem:s6+$0xA000];
	[tilespmem:s9+$0x6000] =	vst v0  }
0x396: {  	v0 =	vld [tilespmem:s8+$0x2000]  }
0x397: {  	v7 =	vld [tilespmem:s8+$0xA000];
	_ =	sdelay $0x1  }
0x398: {  	v2 =	vadd.f32 v5, v2  }
0x399: {  	v4 =	vadd.f32 v6, v4  }
0x39a: {  	[tilespmem:s11+$0x6000] =	vst v2;
	v1 =	vadd.f32 v3, v1  }
0x39b: {  	[tilespmem:s5+$0x6000] =	vst v4;
	v0 =	vadd.f32 v7, v0  }
0x39c: {  	[tilespmem:s6+$0x6000] =	vst v1  }
0x39d: {  	s5 =	simm.s32 $0x0;
	[tilespmem:s8+$0x6000] =	vst v0  }
0x39e: {  	[hbm4b:s17+s5] =	stream.linear.scatter [tilespmem:s30], [sflag:$0x4], $0x2000, $0x38;
	[tilespmem:$0xC000] =	vst v63  }
0x39f: {  	_ = 	snop  }
0x3a0: {  	[tilespmem:s23], [sflag:$0x2] =	stream.linear.gather [hbm4b:s18+s5], $0x2000, $0x38;
	[tilespmem:$0xC000] =	vst v63  }
0x3a1: {  	_ =	swait.ge [sflag:s25], $0x2000  }
0x3a2: {  	[sflag:s25] =	ssyncset.done $0x0  }
0x3a3: {  	[sflag:s25] =	ssyncadd.s32 $0xFFFFE000  }
0x3a4: {  	s6 =	simm.s32 $0x0;
	_ =	swait.ge [sflag:s31], $0x2000  }
0x3a5: {  	s3 =	sand.u32 $0x60, s6;
	s8 =	sand.u32 $0x1C00, s5;
	[sflag:s31] =	ssyncset.done $0x0  }
0x3a6: {  	s3 =	sor.u32 s3, s8;
	[sflag:s31] =	ssyncadd.s32 $0xFFFFE000  }
0x3a7: {  	v0 =	vld [tilespmem:s3+$0x10]  }
0x3a8: {  	v1 =	vld [tilespmem:s3+$0xA010]  }
0x3a9: {  	v2 =	vld [tilespmem:s3+$0x90]  }
0x3aa: {  	v3 =	vld [tilespmem:s3+$0xA090]  }
0x3ab: {  	v4 =	vld [tilespmem:s3+$0x110]  }
0x3ac: {  	v5 =	vld [tilespmem:s3+$0xA110]  }
0x3ad: {  	v6 =	vld [tilespmem:s3+$0x190]  }
0x3ae: {  	v7 =	vld [tilespmem:s3+$0xA190]  }
0x3af: {  	v8 =	vld [tilespmem:s3+$0x210]  }
0x3b0: {  	v9 =	vld [tilespmem:s3+$0xA210]  }
0x3b1: {  	v10 =	vld [tilespmem:s3+$0x290]  }
0x3b2: {  	v0 =	vadd.f32 v1, v0;
	v1 =	vld [tilespmem:s3+$0xA290]  }
0x3b3: {  	v2 =	vadd.f32 v3, v2  }
0x3b4: {  	[tilespmem:s3+$0x4010] =	vst v0;
	v0 =	vadd.f32 v5, v4  }
0x3b5: {  	s9 =	sand.u32 $0x3, s5;
	v59 =	vld [tilespmem:s3+$0x180];
	[tilespmem:s3+$0x4090] =	vst v2;
	v2 =	vadd.f32 v7, v6  }
0x3b6: {  	s4 =	sshll.u32 s9, $0x5;
	v60 =	vld [tilespmem:s3+$0xA180];
	[tilespmem:s3+$0x4110] =	vst v0;
	v0 =	vadd.f32 v9, v8  }
0x3b7: {  	s4 =	sadd.s32 $0x0, s4;
	v61 =	vld [tilespmem:s3+$0x200];
	[tilespmem:s3+$0x4190] =	vst v2;
	v1 =	vadd.f32 v1, v10  }
0x3b8: {  	s7 =	sadd.s32 $0x10, s4;
	v11 =	vld [tilespmem:s3+$0xA200];
	[tilespmem:s3+$0x4210] =	vst v0  }
0x3b9: {  	s10 =	sor.u32 $0x300, s7;
	v12 =	vld [tilespmem:s3+$0xA280];
	[tilespmem:s3+$0x4290] =	vst v1  }
0x3ba: {  	v1 =	vld [tilespmem:s10+$0x0]  }
0x3bb: {  	v6 =	vld [tilespmem:s10+$0xA000]  }
0x3bc: {  	v3 =	vld [tilespmem:s3+$0x0]  }
0x3bd: {  	v4 =	vld [tilespmem:s3+$0xA000]  }
0x3be: {  	v5 =	vld [tilespmem:s3+$0x80]  }
0x3bf: {  	v7 =	vld [tilespmem:s3+$0xA100]  }
0x3c0: {  	v2 =	vld [tilespmem:s3+$0xA080];
	v1 =	vadd.f32 v6, v1  }
0x3c1: {  	v0 =	vld [tilespmem:s3+$0x100]  }
0x3c2: {  	s9 =	simm.s32 $0x100;
	s7 =	sor.u32 $0x380, s7;
	s8 =	simm.s32 $0x20;
	v6 =	vld [tilespmem:s3+$0x280];
	[tilespmem:s10+$0x4000] =	vst v1  }
0x3c3: {  	s12 =	sand.u32 $0x1C00, s9;
	s11 =	sand.u32 $0x60, s8;
	v1 =	vld [tilespmem:s7+$0x0]  }
0x3c4: {  	s10 =	sor.u32 s11, s12;
	v13 =	vld [tilespmem:s7+$0xA000]  }
0x3c5: {  	v14 =	vld [tilespmem:s10+$0x10]  }
0x3c6: {  	v15 =	vld [tilespmem:s10+$0xA010]  }
0x3c7: {  	v16 =	vld [tilespmem:s10+$0x90]  }
0x3c8: {  	v17 =	vld [tilespmem:s10+$0xA090]  }
0x3c9: {  	v18 =	vld [tilespmem:s10+$0x110]  }
0x3ca: {  	v19 =	vld [tilespmem:s10+$0xA110]  }
0x3cb: {  	v20 =	vld [tilespmem:s10+$0x190]  }
0x3cc: {  	v21 =	vld [tilespmem:s10+$0xA190]  }
0x3cd: {  	v22 =	vld [tilespmem:s10+$0x210]  }
0x3ce: {  	v23 =	vld [tilespmem:s10+$0xA210]  }
0x3cf: {  	v24 =	vld [tilespmem:s10+$0x290]  }
0x3d0: {  	v62 =	vld [tilespmem:s10+$0xA290];
	v14 =	vadd.f32 v15, v14  }
0x3d1: {  	v25 =	vld [tilespmem:s10+$0x0];
	v16 =	vadd.f32 v17, v16  }
0x3d2: {  	s13 =	simm.s32 $0x1;
	v63 =	vld [tilespmem:s10+$0xA000];
	v28 =	vadd.f32 v19, v18;
	[tilespmem:s10+$0x4010] =	vst v14  }
0x3d3: {  	s11 =	sand.u32 $0x3, s13;
	v29 =	vld [tilespmem:s10+$0x80];
	v30 =	vadd.f32 v21, v20;
	[tilespmem:s10+$0x4090] =	vst v16  }
0x3d4: {  	s11 =	sshll.u32 s11, $0x5;
	v31 =	vld [tilespmem:s10+$0xA080];
	v32 =	vadd.f32 v23, v22;
	[tilespmem:s10+$0x4110] =	vst v28  }
0x3d5: {  	v33 =	vld [tilespmem:s10+$0x100];
	s11 =	sadd.s32 $0x100, s11;
	v15 =	vadd.f32 v62, v24;
	[tilespmem:s10+$0x4190] =	vst v30  }
0x3d6: {  	v3 =	vadd.f32 v4, v3;
	v34 =	vld [tilespmem:s10+$0xA100];
	s13 =	sadd.s32 $0x10, s11;
	[tilespmem:s10+$0x4210] =	vst v32  }
0x3d7: {  	v2 =	vadd.f32 v2, v5;
	v4 =	vld [tilespmem:s10+$0x180];
	s14 =	sor.u32 $0x300, s13;
	[tilespmem:s10+$0x4290] =	vst v15  }
0x3d8: {  	[tilespmem:s3+$0x4000] =	vst v3;
	v0 =	vadd.f32 v7, v0;
	v5 =	vld [tilespmem:s14+$0x0]  }
0x3d9: {  	[tilespmem:s3+$0x4080] =	vst v2;
	v2 =	vadd.f32 v60, v59;
	v3 =	vld [tilespmem:s14+$0xA000]  }
0x3da: {  	[tilespmem:s3+$0x4100] =	vst v0;
	v0 =	vadd.f32 v11, v61;
	v7 =	vld [tilespmem:s10+$0xA180]  }
0x3db: {  	[tilespmem:s3+$0x4180] =	vst v2;
	v35 =	vld [tilespmem:s10+$0x200]  }
0x3dc: {  	[tilespmem:s3+$0x4200] =	vst v0;
	v0 =	vld [tilespmem:s10+$0x280];
	v2 =	vadd.f32 v12, v6  }
0x3dd: {  	v6 =	vld [tilespmem:s10+$0xA200]  }
0x3de: {  	s12 =	sor.u32 $0x300, s4;
	[tilespmem:s3+$0x4280] =	vst v2;
	v2 =	vld [tilespmem:s10+$0xA280];
	v3 =	vadd.f32 v3, v5  }
0x3df: {  	v5 =	vld [tilespmem:s12+$0x0]  }
0x3e0: {  	s24 =	simm.s32 $0x40;
	s13 =	sor.u32 $0x380, s13;
	s3 =	simm.s32 $0x200;
	[tilespmem:s14+$0x4000] =	vst v3;
	v3 =	vld [tilespmem:s12+$0xA000]  }
0x3e1: {  	s15 =	sand.u32 $0x1C00, s3;
	s14 =	sand.u32 $0x60, s24;
	v36 =	vld [tilespmem:s13+$0x0]  }
0x3e2: {  	s4 =	sor.u32 s14, s15;
	v55 =	vld [tilespmem:s13+$0xA000]  }
0x3e3: {  	v37 =	vld [tilespmem:s4+$0x10]  }
0x3e4: {  	v38 =	vld [tilespmem:s4+$0xA010]  }
0x3e5: {  	v39 =	vld [tilespmem:s4+$0x90]  }
0x3e6: {  	v40 =	vld [tilespmem:s4+$0xA090]  }
0x3e7: {  	v41 =	vld [tilespmem:s4+$0x110]  }
0x3e8: {  	v42 =	vld [tilespmem:s4+$0xA110]  }
0x3e9: {  	v43 =	vld [tilespmem:s4+$0x190]  }
0x3ea: {  	v1 =	vadd.f32 v13, v1;
	v44 =	vld [tilespmem:s4+$0xA190]  }
0x3eb: {  	v17 =	vadd.f32 v63, v25;
	v45 =	vld [tilespmem:s4+$0x210]  }
0x3ec: {  	v59 =	vadd.f32 v34, v33;
	[tilespmem:s7+$0x4000] =	vst v1;
	v46 =	vld [tilespmem:s4+$0xA210]  }
0x3ed: {  	v1 =	vadd.f32 v31, v29;
	[tilespmem:s10+$0x4000] =	vst v17;
	v47 =	vld [tilespmem:s4+$0x290]  }
0x3ee: {  	[tilespmem:s10+$0x4100] =	vst v59;
	v48 =	vld [tilespmem:s4+$0xA290];
	v10 =	vadd.f32 v38, v37  }
0x3ef: {  	[tilespmem:s10+$0x4080] =	vst v1;
	v49 =	vld [tilespmem:s4+$0x0];
	v1 =	vadd.f32 v40, v39  }
0x3f0: {  	s7 =	simm.s32 $0x2;
	v50 =	vld [tilespmem:s4+$0xA000];
	v51 =	vadd.f32 v42, v41;
	[tilespmem:s4+$0x4010] =	vst v10  }
0x3f1: {  	s16 =	sand.u32 $0x3, s7;
	v52 =	vld [tilespmem:s4+$0x80];
	[tilespmem:s4+$0x4090] =	vst v1;
	v1 =	vadd.f32 v44, v43  }
0x3f2: {  	s14 =	sshll.u32 s16, $0x5;
	v53 =	vld [tilespmem:s4+$0xA080];
	v54 =	vadd.f32 v46, v45;
	[tilespmem:s4+$0x4110] =	vst v51  }
0x3f3: {  	v56 =	vld [tilespmem:s4+$0x100];
	s14 =	sadd.s32 $0x200, s14;
	[tilespmem:s4+$0x4190] =	vst v1;
	v1 =	vadd.f32 v48, v47  }
0x3f4: {  	v4 =	vadd.f32 v7, v4;
	v58 =	vld [tilespmem:s4+$0xA100];
	s15 =	sadd.s32 $0x10, s14;
	[tilespmem:s4+$0x4210] =	vst v54  }
0x3f5: {  	v6 =	vadd.f32 v6, v35;
	v60 =	vld [tilespmem:s4+$0x180];
	s16 =	sor.u32 $0x300, s15;
	[tilespmem:s4+$0x4290] =	vst v1  }
0x3f6: {  	[tilespmem:s10+$0x4180] =	vst v4;
	v0 =	vadd.f32 v2, v0;
	v61 =	vld [tilespmem:s16+$0x0]  }
0x3f7: {  	[tilespmem:s10+$0x4200] =	vst v6;
	v3 =	vadd.f32 v3, v5;
	v62 =	vld [tilespmem:s16+$0xA000]  }
0x3f8: {  	[tilespmem:s10+$0x4280] =	vst v0;
	v7 =	vld [tilespmem:s4+$0xA180];
	v1 =	vadd.f32 v53, v52  }
0x3f9: {  	v63 =	vld [tilespmem:s4+$0x200];
	v0 =	vadd.f32 v55, v36;
	[tilespmem:s12+$0x4000] =	vst v3  }
0x3fa: {  	v2 =	vld [tilespmem:s4+$0xA200];
	[tilespmem:s4+$0x4080] =	vst v1;
	v1 =	vadd.f32 v58, v56  }
0x3fb: {  	v57 =	vadd.f32 v50, v49;
	v3 =	vld [tilespmem:s4+$0xA280];
	[tilespmem:s13+$0x4000] =	vst v0  }
0x3fc: {  	s5 =	sor.u32 s5, s6;
	s10 =	sor.u32 $0x300, s11;
	[tilespmem:s4+$0x4100] =	vst v1;
	v1 =	vld [tilespmem:s4+$0x280];
	v4 =	vadd.f32 v62, v61  }
0x3fd: {  	s5 =	sor.u32 $0x380, s5;
	v5 =	vadd.f32 v7, v60;
	v0 =	vld [tilespmem:s10+$0x0];
	[tilespmem:s4+$0x4000] =	vst v57  }
0x3fe: {  	s11 =	sor.u32 $0x380, s15;
	s12 =	sor.u32 s9, s8;
	s13 =	sor.u32 s3, s24;
	[tilespmem:s16+$0x4000] =	vst v4;
	v4 =	vld [tilespmem:s10+$0xA000]  }
0x3ff: {  	s9 =	sor.u32 $0x300, s14;
	s6 =	sor.u32 $0x380, s12;
	s8 =	sor.u32 $0x380, s13;
	[tilespmem:s4+$0x4180] =	vst v5;
	v5 =	vadd.f32 v2, v63;
	v2 =	vld [tilespmem:s11+$0x0]  }
.LBB2_14:
0x400: {  	s24 =	sadd.s32 $0x20, s24;
	v6 =	vld [tilespmem:s11+$0xA000];
	s3 =	sadd.s32 $0x100, s3  }
0x401: {  	s12 =	sand.u32 $0x60, s24;
	s13 =	sand.u32 $0x1C00, s3;
	s14 =	sor.u32 s3, s24;
	[tilespmem:s4+$0x4200] =	vst v5;
	v1 =	vadd.f32 v3, v1;
	v3 =	vld [tilespmem:s5+$0x0]  }
0x402: {  	p0 =	slt.u32 s24, $0x3E0;
	s12 =	sor.u32 s12, s13;
	s13 =	sor.u32 $0x380, s14;
	v5 =	vld [tilespmem:s5+$0xA000]  }
0x403: {  	v7 =	vld [tilespmem:s12+$0x10];
	[tilespmem:s4+$0x4280] =	vst v1;
	v0 =	vadd.f32 v4, v0;
	s4 =	smov.u32 s12  }
0x404: {  	v1 =	vld [tilespmem:s4+$0xA010]  }
0x405: {  	v4 =	vld [tilespmem:s4+$0x90];
	v2 =	vadd.f32 v6, v2;
	[tilespmem:s10+$0x4000] =	vst v0;
	s10 =	smov.u32 s9  }
0x406: {  	v0 =	vld [tilespmem:s4+$0xA090]  }
0x407: {  	v6 =	vld [tilespmem:s4+$0x110];
	[tilespmem:s11+$0x4000] =	vst v2;
	v2 =	vadd.f32 v5, v3  }
0x408: {  	v3 =	vld [tilespmem:s4+$0xA110]  }
0x409: {  	v5 =	vld [tilespmem:s4+$0x190];
	[tilespmem:s5+$0x4000] =	vst v2;
	s5 =	smov.u32 s6;
	s6 =	smov.u32 s8;
	s8 =	smov.u32 s13  }
0x40a: {  	v2 =	vld [tilespmem:s4+$0xA190]  }
0x40b: {  	v8 =	vld [tilespmem:s4+$0x210]  }
0x40c: {  	v9 =	vld [tilespmem:s4+$0xA210]  }
0x40d: {  	v10 =	vld [tilespmem:s4+$0x290]  }
0x40e: {  	v1 =	vadd.f32 v1, v7;
	v7 =	vld [tilespmem:s4+$0xA290]  }
0x40f: {  	v0 =	vadd.f32 v0, v4;
	v11 =	vld [tilespmem:s4+$0x0]  }
0x410: {  	s7 =	sadd.s32 $0x1, s7;
	v4 =	vld [tilespmem:s4+$0xA000];
	[tilespmem:s4+$0x4010] =	vst v1;
	v1 =	vadd.f32 v3, v6  }
0x411: {  	s9 =	sand.u32 $0x3, s7;
	v3 =	vld [tilespmem:s4+$0x80];
	[tilespmem:s4+$0x4090] =	vst v0;
	v0 =	vadd.f32 v2, v5  }
0x412: {  	s9 =	sshll.u32 s9, $0x5;
	v2 =	vld [tilespmem:s4+$0xA080];
	[tilespmem:s4+$0x4110] =	vst v1;
	v1 =	vadd.f32 v9, v8  }
0x413: {  	s11 =	sadd.s32 s9, s3;
	v5 =	vld [tilespmem:s4+$0x100];
	[tilespmem:s4+$0x4190] =	vst v0;
	v0 =	vadd.f32 v7, v10  }
0x414: {  	s9 =	sor.u32 $0x300, s11;
	s11 =	sadd.s32 $0x10, s11;
	v6 =	vld [tilespmem:s4+$0xA100];
	[tilespmem:s4+$0x4210] =	vst v1  }
0x415: {  	s12 =	sor.u32 $0x300, s11;
	v1 =	vadd.f32 v4, v11;
	v4 =	vld [tilespmem:s4+$0x180];
	[tilespmem:s4+$0x4290] =	vst v0  }
0x416: {  	v0 =	vld [tilespmem:s12+$0x0]  }
0x417: {  	[tilespmem:s4+$0x4000] =	vst v1;
	v1 =	vadd.f32 v2, v3;
	v2 =	vld [tilespmem:s12+$0xA000]  }
0x418: {  	v7 =	vld [tilespmem:s4+$0xA180]  }
0x419: {  	[tilespmem:s4+$0x4080] =	vst v1;
	v1 =	vadd.f32 v6, v5;
	v5 =	vld [tilespmem:s4+$0x200]  }
0x41a: {  	v6 =	vld [tilespmem:s4+$0xA200]  }
.Ltmp6:
0x41b: {  	[tilespmem:s4+$0x4100] =	vst v1;
	v1 =	vld [tilespmem:s4+$0x280];
	(pc) =	sbr.rel @p0 .LBB2_14-.Ltmp6, $4  }
0x41c: {  	v3 =	vld [tilespmem:s4+$0xA280];
	v2 =	vadd.f32 v2, v0  }
0x41d: {  	v7 =	vadd.f32 v7, v4;
	v0 =	vld [tilespmem:s10+$0x0]  }
0x41e: {  	s11 =	sor.u32 $0x380, s11;
	[tilespmem:s12+$0x4000] =	vst v2;
	v4 =	vld [tilespmem:s10+$0xA000]  }
0x41f: {  	[tilespmem:s4+$0x4180] =	vst v7;
	v5 =	vadd.f32 v6, v5;
	v2 =	vld [tilespmem:s11+$0x0]  }
0x420: {  	_ = 	snop  }
0x421: {  	v1 =	vadd.f32 v3, v1  }
0x422: {  	[tilespmem:s4+$0x4200] =	vst v5  }
0x423: {  	[tilespmem:s4+$0x4280] =	vst v1  }
0x424: {  	v1 =	vld [tilespmem:s9+$0x0]  }
0x425: {  	v3 =	vld [tilespmem:s9+$0xA000];
	_ =	sdelay $0x2  }
0x426: {  	v6 =	vld [tilespmem:s5+$0xA000];
	v0 =	vadd.f32 v4, v0  }
0x427: {  	v5 =	vld [tilespmem:s11+$0xA000]  }
0x428: {  	v4 =	vld [tilespmem:s5+$0x0];
	[tilespmem:s10+$0x4000] =	vst v0;
	v0 =	vadd.f32 v3, v1  }
0x429: {  	v1 =	vld [tilespmem:s6+$0x0]  }
0x42a: {  	v3 =	vld [tilespmem:s6+$0xA000];
	[tilespmem:s9+$0x4000] =	vst v0  }
0x42b: {  	v0 =	vld [tilespmem:s8+$0x0]  }
0x42c: {  	v7 =	vld [tilespmem:s8+$0xA000];
	_ =	sdelay $0x1  }
0x42d: {  	v2 =	vadd.f32 v5, v2  }
0x42e: {  	v4 =	vadd.f32 v6, v4  }
0x42f: {  	[tilespmem:s11+$0x4000] =	vst v2;
	v1 =	vadd.f32 v3, v1  }
0x430: {  	[tilespmem:s5+$0x4000] =	vst v4;
	v0 =	vadd.f32 v7, v0  }
0x431: {  	[tilespmem:s6+$0x4000] =	vst v1  }
0x432: {  	s5 =	simm.s32 $0x0;
	[tilespmem:s8+$0x4000] =	vst v0  }
0x433: {  	[hbm4b:s19+s5] =	stream.linear.scatter [tilespmem:s28], [sflag:$0x3], $0x2000, $0x38;
	[tilespmem:$0xC000] =	vst v63  }
0x434: {  	_ =	swait.ge [sflag:s29], $0x2000  }
0x435: {  	[sflag:s29] =	ssyncset.done $0x0  }
0x436: {  	[sflag:s29] =	ssyncadd.s32 $0xFFFFE000  }
0x437: {  	s6 =	simm.s32 $0x0;
	_ =	swait.ge [sflag:s0], $0x2000  }
0x438: {  	s3 =	sand.u32 $0x60, s6;
	s8 =	sand.u32 $0x1C00, s5;
	[sflag:s0] =	ssyncset.done $0x0  }
0x439: {  	s3 =	sor.u32 s3, s8;
	[sflag:s0] =	ssyncadd.s32 $0xFFFFE000  }
0x43a: {  	v0 =	vld [tilespmem:s3+$0x2010]  }
0x43b: {  	v1 =	vld [tilespmem:s3+$0xA010]  }
0x43c: {  	v2 =	vld [tilespmem:s3+$0x2090]  }
0x43d: {  	v3 =	vld [tilespmem:s3+$0xA090]  }
0x43e: {  	v4 =	vld [tilespmem:s3+$0x2110]  }
0x43f: {  	v5 =	vld [tilespmem:s3+$0xA110]  }
0x440: {  	v6 =	vld [tilespmem:s3+$0x2190]  }
0x441: {  	v7 =	vld [tilespmem:s3+$0xA190]  }
0x442: {  	v8 =	vld [tilespmem:s3+$0x2210]  }
0x443: {  	v9 =	vld [tilespmem:s3+$0xA210]  }
0x444: {  	v10 =	vld [tilespmem:s3+$0x2290]  }
0x445: {  	v0 =	vadd.f32 v1, v0;
	v1 =	vld [tilespmem:s3+$0xA290]  }
0x446: {  	v2 =	vadd.f32 v3, v2  }
0x447: {  	[tilespmem:s3+$0x6010] =	vst v0;
	v0 =	vadd.f32 v5, v4  }
0x448: {  	s9 =	sand.u32 $0x3, s5;
	v59 =	vld [tilespmem:s3+$0x2180];
	[tilespmem:s3+$0x6090] =	vst v2;
	v2 =	vadd.f32 v7, v6  }
0x449: {  	s4 =	sshll.u32 s9, $0x5;
	v60 =	vld [tilespmem:s3+$0xA180];
	[tilespmem:s3+$0x6110] =	vst v0;
	v0 =	vadd.f32 v9, v8  }
0x44a: {  	s4 =	sadd.s32 $0x0, s4;
	v61 =	vld [tilespmem:s3+$0x2200];
	[tilespmem:s3+$0x6190] =	vst v2;
	v1 =	vadd.f32 v1, v10  }
0x44b: {  	s7 =	sadd.s32 $0x10, s4;
	v11 =	vld [tilespmem:s3+$0xA200];
	[tilespmem:s3+$0x6210] =	vst v0  }
0x44c: {  	s10 =	sor.u32 $0x300, s7;
	v12 =	vld [tilespmem:s3+$0xA280];
	[tilespmem:s3+$0x6290] =	vst v1  }
0x44d: {  	v1 =	vld [tilespmem:s10+$0x2000]  }
0x44e: {  	v6 =	vld [tilespmem:s10+$0xA000]  }
0x44f: {  	v3 =	vld [tilespmem:s3+$0x2000]  }
0x450: {  	v4 =	vld [tilespmem:s3+$0xA000]  }
0x451: {  	v5 =	vld [tilespmem:s3+$0x2080]  }
0x452: {  	v7 =	vld [tilespmem:s3+$0xA100]  }
0x453: {  	v2 =	vld [tilespmem:s3+$0xA080];
	v1 =	vadd.f32 v6, v1  }
0x454: {  	v0 =	vld [tilespmem:s3+$0x2100]  }
0x455: {  	s9 =	simm.s32 $0x100;
	s7 =	sor.u32 $0x380, s7;
	s8 =	simm.s32 $0x20;
	v6 =	vld [tilespmem:s3+$0x2280];
	[tilespmem:s10+$0x6000] =	vst v1  }
0x456: {  	s12 =	sand.u32 $0x1C00, s9;
	s11 =	sand.u32 $0x60, s8;
	v1 =	vld [tilespmem:s7+$0x2000]  }
0x457: {  	s10 =	sor.u32 s11, s12;
	v13 =	vld [tilespmem:s7+$0xA000]  }
0x458: {  	v14 =	vld [tilespmem:s10+$0x2010]  }
0x459: {  	v15 =	vld [tilespmem:s10+$0xA010]  }
0x45a: {  	v16 =	vld [tilespmem:s10+$0x2090]  }
0x45b: {  	v17 =	vld [tilespmem:s10+$0xA090]  }
0x45c: {  	v18 =	vld [tilespmem:s10+$0x2110]  }
0x45d: {  	v19 =	vld [tilespmem:s10+$0xA110]  }
0x45e: {  	v20 =	vld [tilespmem:s10+$0x2190]  }
0x45f: {  	v21 =	vld [tilespmem:s10+$0xA190]  }
0x460: {  	v22 =	vld [tilespmem:s10+$0x2210]  }
0x461: {  	v23 =	vld [tilespmem:s10+$0xA210]  }
0x462: {  	v24 =	vld [tilespmem:s10+$0x2290]  }
0x463: {  	v62 =	vld [tilespmem:s10+$0xA290];
	v14 =	vadd.f32 v15, v14  }
0x464: {  	v25 =	vld [tilespmem:s10+$0x2000];
	v16 =	vadd.f32 v17, v16  }
0x465: {  	s13 =	simm.s32 $0x1;
	v63 =	vld [tilespmem:s10+$0xA000];
	v28 =	vadd.f32 v19, v18;
	[tilespmem:s10+$0x6010] =	vst v14  }
0x466: {  	s11 =	sand.u32 $0x3, s13;
	v29 =	vld [tilespmem:s10+$0x2080];
	v30 =	vadd.f32 v21, v20;
	[tilespmem:s10+$0x6090] =	vst v16  }
0x467: {  	s11 =	sshll.u32 s11, $0x5;
	v31 =	vld [tilespmem:s10+$0xA080];
	v32 =	vadd.f32 v23, v22;
	[tilespmem:s10+$0x6110] =	vst v28  }
0x468: {  	v33 =	vld [tilespmem:s10+$0x2100];
	s11 =	sadd.s32 $0x100, s11;
	v15 =	vadd.f32 v62, v24;
	[tilespmem:s10+$0x6190] =	vst v30  }
0x469: {  	v3 =	vadd.f32 v4, v3;
	v34 =	vld [tilespmem:s10+$0xA100];
	s13 =	sadd.s32 $0x10, s11;
	[tilespmem:s10+$0x6210] =	vst v32  }
0x46a: {  	v2 =	vadd.f32 v2, v5;
	v4 =	vld [tilespmem:s10+$0x2180];
	s14 =	sor.u32 $0x300, s13;
	[tilespmem:s10+$0x6290] =	vst v15  }
0x46b: {  	[tilespmem:s3+$0x6000] =	vst v3;
	v0 =	vadd.f32 v7, v0;
	v5 =	vld [tilespmem:s14+$0x2000]  }
0x46c: {  	[tilespmem:s3+$0x6080] =	vst v2;
	v2 =	vadd.f32 v60, v59;
	v3 =	vld [tilespmem:s14+$0xA000]  }
0x46d: {  	[tilespmem:s3+$0x6100] =	vst v0;
	v0 =	vadd.f32 v11, v61;
	v7 =	vld [tilespmem:s10+$0xA180]  }
0x46e: {  	[tilespmem:s3+$0x6180] =	vst v2;
	v35 =	vld [tilespmem:s10+$0x2200]  }
0x46f: {  	[tilespmem:s3+$0x6200] =	vst v0;
	v0 =	vld [tilespmem:s10+$0x2280];
	v2 =	vadd.f32 v12, v6  }
0x470: {  	v6 =	vld [tilespmem:s10+$0xA200]  }
0x471: {  	s12 =	sor.u32 $0x300, s4;
	[tilespmem:s3+$0x6280] =	vst v2;
	v2 =	vld [tilespmem:s10+$0xA280];
	v3 =	vadd.f32 v3, v5  }
0x472: {  	v5 =	vld [tilespmem:s12+$0x2000]  }
0x473: {  	s24 =	simm.s32 $0x40;
	s13 =	sor.u32 $0x380, s13;
	s3 =	simm.s32 $0x200;
	[tilespmem:s14+$0x6000] =	vst v3;
	v3 =	vld [tilespmem:s12+$0xA000]  }
0x474: {  	s15 =	sand.u32 $0x1C00, s3;
	s14 =	sand.u32 $0x60, s24;
	v36 =	vld [tilespmem:s13+$0x2000]  }
0x475: {  	s4 =	sor.u32 s14, s15;
	v55 =	vld [tilespmem:s13+$0xA000]  }
0x476: {  	v37 =	vld [tilespmem:s4+$0x2010]  }
0x477: {  	v38 =	vld [tilespmem:s4+$0xA010]  }
0x478: {  	v39 =	vld [tilespmem:s4+$0x2090]  }
0x479: {  	v40 =	vld [tilespmem:s4+$0xA090]  }
0x47a: {  	v41 =	vld [tilespmem:s4+$0x2110]  }
0x47b: {  	v42 =	vld [tilespmem:s4+$0xA110]  }
0x47c: {  	v43 =	vld [tilespmem:s4+$0x2190]  }
0x47d: {  	v1 =	vadd.f32 v13, v1;
	v44 =	vld [tilespmem:s4+$0xA190]  }
0x47e: {  	v17 =	vadd.f32 v63, v25;
	v45 =	vld [tilespmem:s4+$0x2210]  }
0x47f: {  	v59 =	vadd.f32 v34, v33;
	[tilespmem:s7+$0x6000] =	vst v1;
	v46 =	vld [tilespmem:s4+$0xA210]  }
0x480: {  	v1 =	vadd.f32 v31, v29;
	[tilespmem:s10+$0x6000] =	vst v17;
	v47 =	vld [tilespmem:s4+$0x2290]  }
0x481: {  	[tilespmem:s10+$0x6100] =	vst v59;
	v48 =	vld [tilespmem:s4+$0xA290];
	v10 =	vadd.f32 v38, v37  }
0x482: {  	[tilespmem:s10+$0x6080] =	vst v1;
	v49 =	vld [tilespmem:s4+$0x2000];
	v1 =	vadd.f32 v40, v39  }
0x483: {  	s7 =	simm.s32 $0x2;
	v50 =	vld [tilespmem:s4+$0xA000];
	v51 =	vadd.f32 v42, v41;
	[tilespmem:s4+$0x6010] =	vst v10  }
0x484: {  	s16 =	sand.u32 $0x3, s7;
	v52 =	vld [tilespmem:s4+$0x2080];
	[tilespmem:s4+$0x6090] =	vst v1;
	v1 =	vadd.f32 v44, v43  }
0x485: {  	s14 =	sshll.u32 s16, $0x5;
	v53 =	vld [tilespmem:s4+$0xA080];
	v54 =	vadd.f32 v46, v45;
	[tilespmem:s4+$0x6110] =	vst v51  }
0x486: {  	v56 =	vld [tilespmem:s4+$0x2100];
	s14 =	sadd.s32 $0x200, s14;
	[tilespmem:s4+$0x6190] =	vst v1;
	v1 =	vadd.f32 v48, v47  }
0x487: {  	v4 =	vadd.f32 v7, v4;
	v58 =	vld [tilespmem:s4+$0xA100];
	s15 =	sadd.s32 $0x10, s14;
	[tilespmem:s4+$0x6210] =	vst v54  }
0x488: {  	v6 =	vadd.f32 v6, v35;
	v60 =	vld [tilespmem:s4+$0x2180];
	s16 =	sor.u32 $0x300, s15;
	[tilespmem:s4+$0x6290] =	vst v1  }
0x489: {  	[tilespmem:s10+$0x6180] =	vst v4;
	v0 =	vadd.f32 v2, v0;
	v61 =	vld [tilespmem:s16+$0x2000]  }
0x48a: {  	[tilespmem:s10+$0x6200] =	vst v6;
	v3 =	vadd.f32 v3, v5;
	v62 =	vld [tilespmem:s16+$0xA000]  }
0x48b: {  	[tilespmem:s10+$0x6280] =	vst v0;
	v7 =	vld [tilespmem:s4+$0xA180];
	v1 =	vadd.f32 v53, v52  }
0x48c: {  	v63 =	vld [tilespmem:s4+$0x2200];
	v0 =	vadd.f32 v55, v36;
	[tilespmem:s12+$0x6000] =	vst v3  }
0x48d: {  	v2 =	vld [tilespmem:s4+$0xA200];
	[tilespmem:s4+$0x6080] =	vst v1;
	v1 =	vadd.f32 v58, v56  }
0x48e: {  	v57 =	vadd.f32 v50, v49;
	v3 =	vld [tilespmem:s4+$0xA280];
	[tilespmem:s13+$0x6000] =	vst v0  }
0x48f: {  	s5 =	sor.u32 s5, s6;
	s10 =	sor.u32 $0x300, s11;
	[tilespmem:s4+$0x6100] =	vst v1;
	v1 =	vld [tilespmem:s4+$0x2280];
	v4 =	vadd.f32 v62, v61  }
0x490: {  	s5 =	sor.u32 $0x380, s5;
	v5 =	vadd.f32 v7, v60;
	v0 =	vld [tilespmem:s10+$0x2000];
	[tilespmem:s4+$0x6000] =	vst v57  }
0x491: {  	s11 =	sor.u32 $0x380, s15;
	s12 =	sor.u32 s9, s8;
	s13 =	sor.u32 s3, s24;
	[tilespmem:s16+$0x6000] =	vst v4;
	v4 =	vld [tilespmem:s10+$0xA000]  }
0x492: {  	s9 =	sor.u32 $0x300, s14;
	s6 =	sor.u32 $0x380, s12;
	s8 =	sor.u32 $0x380, s13;
	[tilespmem:s4+$0x6180] =	vst v5;
	v5 =	vadd.f32 v2, v63;
	v2 =	vld [tilespmem:s11+$0x2000]  }
.LBB2_16:
0x493: {  	s24 =	sadd.s32 $0x20, s24;
	v6 =	vld [tilespmem:s11+$0xA000];
	s3 =	sadd.s32 $0x100, s3  }
0x494: {  	s12 =	sand.u32 $0x60, s24;
	s13 =	sand.u32 $0x1C00, s3;
	s14 =	sor.u32 s3, s24;
	[tilespmem:s4+$0x6200] =	vst v5;
	v1 =	vadd.f32 v3, v1;
	v3 =	vld [tilespmem:s5+$0x2000]  }
0x495: {  	p0 =	slt.u32 s24, $0x3E0;
	s12 =	sor.u32 s12, s13;
	s13 =	sor.u32 $0x380, s14;
	v5 =	vld [tilespmem:s5+$0xA000]  }
0x496: {  	v7 =	vld [tilespmem:s12+$0x2010];
	[tilespmem:s4+$0x6280] =	vst v1;
	v0 =	vadd.f32 v4, v0;
	s4 =	smov.u32 s12  }
0x497: {  	v1 =	vld [tilespmem:s4+$0xA010]  }
0x498: {  	v4 =	vld [tilespmem:s4+$0x2090];
	v2 =	vadd.f32 v6, v2;
	[tilespmem:s10+$0x6000] =	vst v0;
	s10 =	smov.u32 s9  }
0x499: {  	v0 =	vld [tilespmem:s4+$0xA090]  }
0x49a: {  	v6 =	vld [tilespmem:s4+$0x2110];
	[tilespmem:s11+$0x6000] =	vst v2;
	v2 =	vadd.f32 v5, v3  }
0x49b: {  	v3 =	vld [tilespmem:s4+$0xA110]  }
0x49c: {  	v5 =	vld [tilespmem:s4+$0x2190];
	[tilespmem:s5+$0x6000] =	vst v2;
	s5 =	smov.u32 s6;
	s6 =	smov.u32 s8;
	s8 =	smov.u32 s13  }
0x49d: {  	v2 =	vld [tilespmem:s4+$0xA190]  }
0x49e: {  	v8 =	vld [tilespmem:s4+$0x2210]  }
0x49f: {  	v9 =	vld [tilespmem:s4+$0xA210]  }
0x4a0: {  	v10 =	vld [tilespmem:s4+$0x2290]  }
0x4a1: {  	v1 =	vadd.f32 v1, v7;
	v7 =	vld [tilespmem:s4+$0xA290]  }
0x4a2: {  	v0 =	vadd.f32 v0, v4;
	v11 =	vld [tilespmem:s4+$0x2000]  }
0x4a3: {  	s7 =	sadd.s32 $0x1, s7;
	v4 =	vld [tilespmem:s4+$0xA000];
	[tilespmem:s4+$0x6010] =	vst v1;
	v1 =	vadd.f32 v3, v6  }
0x4a4: {  	s9 =	sand.u32 $0x3, s7;
	v3 =	vld [tilespmem:s4+$0x2080];
	[tilespmem:s4+$0x6090] =	vst v0;
	v0 =	vadd.f32 v2, v5  }
0x4a5: {  	s9 =	sshll.u32 s9, $0x5;
	v2 =	vld [tilespmem:s4+$0xA080];
	[tilespmem:s4+$0x6110] =	vst v1;
	v1 =	vadd.f32 v9, v8  }
0x4a6: {  	s11 =	sadd.s32 s9, s3;
	v5 =	vld [tilespmem:s4+$0x2100];
	[tilespmem:s4+$0x6190] =	vst v0;
	v0 =	vadd.f32 v7, v10  }
0x4a7: {  	s9 =	sor.u32 $0x300, s11;
	s11 =	sadd.s32 $0x10, s11;
	v6 =	vld [tilespmem:s4+$0xA100];
	[tilespmem:s4+$0x6210] =	vst v1  }
0x4a8: {  	s12 =	sor.u32 $0x300, s11;
	v1 =	vadd.f32 v4, v11;
	v4 =	vld [tilespmem:s4+$0x2180];
	[tilespmem:s4+$0x6290] =	vst v0  }
0x4a9: {  	v0 =	vld [tilespmem:s12+$0x2000]  }
0x4aa: {  	[tilespmem:s4+$0x6000] =	vst v1;
	v1 =	vadd.f32 v2, v3;
	v2 =	vld [tilespmem:s12+$0xA000]  }
0x4ab: {  	v7 =	vld [tilespmem:s4+$0xA180]  }
0x4ac: {  	[tilespmem:s4+$0x6080] =	vst v1;
	v1 =	vadd.f32 v6, v5;
	v5 =	vld [tilespmem:s4+$0x2200]  }
0x4ad: {  	v6 =	vld [tilespmem:s4+$0xA200]  }
.Ltmp7:
0x4ae: {  	[tilespmem:s4+$0x6100] =	vst v1;
	v1 =	vld [tilespmem:s4+$0x2280];
	(pc) =	sbr.rel @p0 .LBB2_16-.Ltmp7, $4  }
0x4af: {  	v3 =	vld [tilespmem:s4+$0xA280];
	v2 =	vadd.f32 v2, v0  }
0x4b0: {  	v7 =	vadd.f32 v7, v4;
	v0 =	vld [tilespmem:s10+$0x2000]  }
0x4b1: {  	s11 =	sor.u32 $0x380, s11;
	[tilespmem:s12+$0x6000] =	vst v2;
	v4 =	vld [tilespmem:s10+$0xA000]  }
0x4b2: {  	[tilespmem:s4+$0x6180] =	vst v7;
	v5 =	vadd.f32 v6, v5;
	v2 =	vld [tilespmem:s11+$0x2000]  }
0x4b3: {  	_ = 	snop  }
0x4b4: {  	v1 =	vadd.f32 v3, v1  }
0x4b5: {  	[tilespmem:s4+$0x6200] =	vst v5  }
0x4b6: {  	[tilespmem:s4+$0x6280] =	vst v1  }
0x4b7: {  	v1 =	vld [tilespmem:s9+$0x2000]  }
0x4b8: {  	v58 =	vld [tilespmem:s9+$0xA000];
	_ =	sdelay $0x2  }
0x4b9: {  	v59 =	vld [tilespmem:s11+$0xA000];
	v0 =	vadd.f32 v4, v0  }
0x4ba: {  	v60 =	vld [tilespmem:s5+$0x2000]  }
0x4bb: {  	v6 =	vld [tilespmem:s5+$0xA000];
	[tilespmem:s10+$0x6000] =	vst v0;
	v61 =	vadd.f32 v58, v1  }
0x4bc: {  	v62 =	vld [tilespmem:s6+$0x2000]  }
0x4bd: {  	v63 =	vld [tilespmem:s6+$0xA000];
	[tilespmem:s9+$0x6000] =	vst v61  }
0x4be: {  	v0 =	vld [tilespmem:s8+$0x2000]  }
0x4bf: {  	v7 =	vld [tilespmem:s8+$0xA000];
	_ =	sdelay $0x1  }
0x4c0: {  	v2 =	vadd.f32 v59, v2  }
0x4c1: {  	v4 =	vadd.f32 v6, v60  }
0x4c2: {  	[tilespmem:s11+$0x6000] =	vst v2;
	v1 =	vadd.f32 v63, v62  }
0x4c3: {  	[tilespmem:s5+$0x6000] =	vst v4;
	v0 =	vadd.f32 v7, v0  }
0x4c4: {  	[tilespmem:s6+$0x6000] =	vst v1  }
0x4c5: {  	s22 =	sadd.s32 $0x1, s22;
	[tilespmem:s8+$0x6000] =	vst v0  }
0x4c6: {  	[hbm4b:s20+s2] =	stream.linear.scatter [tilespmem:s30], [sflag:$0x4], $0x2000, $0x38;
	[tilespmem:$0xC000] =	vst v63  }
0x4c7: {  	p0 =	sne.s32 s22, s21;
	_ =	swait.ge [sflag:s31], $0x2000  }
.Ltmp8:
0x4c8: {  	[sflag:s31] =	ssyncset.done $0x0;
	(pc) =	sbr.rel @p0 .LBB2_1-.Ltmp8, $4  }
0x4c9: {  	[sflag:s31] =	ssyncadd.s32 $0xFFFFE000  }
0x4ca: {  	_ =	swait.ge [sflag:s0], $0x2000  }
0x4cb: {  	[sflag:s0] =	ssyncset.done $0x0  }
0x4cc: {  	[sflag:s0] =	ssyncadd.s32 $0xFFFFE000  }
0x4cd: {  	_ =	sfence.sel $0x180000  }
0x4ce: {  	[bflag:$0x0] =	sbarrier.arrive $0xFFFF  }
0x4cf: {  	_ =	strace $0x90000047  }
0x4d0: {  	s0 =	stileid.u32;
	[bflag:$0x2] =	sbarrier.arrive $0xFFFF  }
0x4d1: {  	p0 =	sne.s32 s0, $0x0;
	s0 =	rddreg [dreg:$0x3]  }
0x4d2: {  	s0 =	sadd.s32 @!p0 $0x100000, s0  }
0x4d3: {  	[sflag:s0] =	ssyncadd.tile.s32 @!p0 $0x1;
	_ =	shalt  }
.Lfunc_end2:
_tile_overlayer_lowered:
.L_overlay_start_2:
0x4d4: {  	(tag) =	ssettag $0x2  }
0x4d5: {  	s0 =	rddreg [dreg:$0x0];
	s2 =	stileid.u32  }
0x4d6: {  	s1 =	rddreg [dreg:$0x1];
	p0 =	sne.s32 s2, $0x0  }
0x4d7: {  	s3 =	rddreg [dreg:$0x2];
	[bflag:$0x3] =	sbarrier.arrive $0xFFFF;
	s2 =	simm.s32 @!p0 $0x1C07  }
0x4d8: {  	[timem:s3], [sflag:s2] =	dma.local @!p0 [hbm:s0], s1  }
0x4d9: {  	s0 =	simm.s32 @!p0 $0x7  }
0x4da: {  	_ =	swait.ge @!p0 [sflag:s0], s1  }
0x4db: {  	s1 =	ssub.s32 @!p0 $0x0, s1;
	[sflag:s0] =	ssyncset.done @!p0 $0x0  }
0x4dc: {  	[sflag:s0] =	ssyncadd.s32 @!p0 s1  }
0x4dd: {  	[bflag:$0x3] =	sbarrier.arrive $0xFFFF  }
0x4de: {  	_ =	shalt  }

</sc_bundles>
